<compile_context>
chip_gen: v7x
topology: tpu7x:2x2x1
jax: 0.10.2.dev20260603
libtpu: 0.0.44.dev20260713+nightly
codegen_flags: <defaults>
</compile_context>

<pallas_src>
import functools
import jax
import jax.numpy as jnp
from jax import lax
from jax.experimental import pallas as pl
from jax.experimental.pallas import tpu as pltpu
from jax.experimental.pallas import tpu_sc as plsc


_BIG = 1e6



def _chamfer_all_kernel(gt_ref, p_ref,
                        d1a_ref, d1b_ref, d1c_ref, d2a_ref, d2b_ref, d2c_ref,
                        key_ref, *, nsteps, NT, segs, Vcat):
    b = pl.program_id(0)
    ni = pl.program_id(1)
    g = gt_ref[0]
    p = p_ref[0]
    ab = jnp.dot(g, p, preferred_element_type=jnp.float32)
    aa = jnp.sum(g * g, axis=1, keepdims=True)
    bb = jnp.sum(p * p, axis=0, keepdims=True)
    D = jnp.maximum(aa + bb - 2.0 * ab, 0.0)
    d1refs = (d1a_ref, d1b_ref, d1c_ref)
    d2refs = (d2a_ref, d2b_ref, d2c_ref)

    @pl.when((b == 0) & (ni == 0))
    def _():
        for r in d1refs + d2refs:
            r[:, :] = jnp.zeros((1, 1), jnp.float32)

    for l, (o, w, V) in enumerate(segs):
        d1t = jnp.min(D[:, o:o + w], axis=1, keepdims=True)
        d1refs[l][:, :] += jnp.sum(jnp.sqrt(d1t + 1e-12), keepdims=True)

    rowi = lax.broadcasted_iota(jnp.int32, (NT, 1), 0) + ni * NT
    key = (lax.bitcast_convert_type(D, jnp.int32) & jnp.int32(-2048)) | rowi
    tkey = jnp.min(key, axis=0, keepdims=True)

    @pl.when(ni == 0)
    def _():
        key_ref[0] = tkey

    @pl.when(ni > 0)
    def _():
        key_ref[0] = jnp.minimum(key_ref[0], tkey)

    @pl.when(ni == nsteps - 1)
    def _():
        viota = lax.broadcasted_iota(jnp.int32, (1, Vcat), 1)
        kf = lax.bitcast_convert_type(key_ref[0] & jnp.int32(-2048),
                                      jnp.float32)
        d2sq = jnp.sqrt(kf + 1e-12)
        for l, (o, w, V) in enumerate(segs):
            valid = (viota[:, o:o + w] - o) < V
            seg = jnp.where(valid, d2sq[:, o:o + w], 0.0)
            d2refs[l][:, :] += jnp.sum(seg, keepdims=True)


def _chamfer_all(gt, preds):
    B, N, _ = gt.shape
    NT = 512
    nsteps = N // NT
    segs = []
    cats = []
    off = 0
    for P in preds:
        V = P.shape[1]
        Vp = max(256, ((V + 127) // 128) * 128)
        Pp = jnp.pad(P, ((0, 0), (0, Vp - V), (0, 0)), constant_values=_BIG)
        cats.append(jnp.transpose(Pp, (0, 2, 1)))
        segs.append((off, Vp, V))
        off += Vp
    Vcat = off
    Pt = jnp.concatenate(cats, axis=2)

    kern = functools.partial(_chamfer_all_kernel, nsteps=nsteps, NT=NT,
                             segs=tuple(segs), Vcat=Vcat)
    scal = pl.BlockSpec((1, 1), lambda b, n: (0, 0))
    outs = pl.pallas_call(
        kern,
        grid=(B, nsteps),
        in_specs=[
            pl.BlockSpec((1, NT, 3), lambda b, n: (b, n, 0)),
            pl.BlockSpec((1, 3, Vcat), lambda b, n: (b, 0, 0)),
        ],
        out_specs=[scal] * 6 + [
            pl.BlockSpec((1, 1, Vcat), lambda b, n: (b, 0, 0)),
        ],
        out_shape=[jax.ShapeDtypeStruct((1, 1), jnp.float32)] * 6 + [
            jax.ShapeDtypeStruct((B, 1, Vcat), jnp.int32),
        ],
    )(gt, Pt)
    d1_sums = [outs[l][0, 0] for l in range(3)]
    d2_sums = [outs[3 + l][0, 0] for l in range(3)]
    key_cat = outs[6][:, 0, :]
    return d1_sums, d2_sums, key_cat


_LVL = [
    dict(V=156, E=462, NCH=2, WBASE=24, EC=240, VC=80, Vr=160, Er=480, O=0),
    dict(V=618, E=1848, NCH=2, WBASE=16, EC=928, VC=320, Vr=640, Er=1856,
         O=256),
    dict(V=2466, E=7392, NCH=4, WBASE=0, EC=1856, VC=624, Vr=2496, Er=7424,
         O=896),
]
_VR_MAX = 2496
_EC_MAX = 1856
_VC_MAX = 624
_NB = 4
_NPTS = 2048
_VCAT = 3456

_off = 0
_PO = []
for _c in _LVL:
    _PO.append(_off)
    _off += 3 * _NB * _c["Vr"]
_BO = []
for _c in _LVL:
    _BO.append(_off)
    _off += 3 * _NB * _c["Vr"]
_NO = _off
_F_TOT = _NO + 3 * _NB * _NPTS
_off = 0
_LNO = []
for _c in _LVL:
    _LNO.append(_off)
    _off += 8 * _c["Vr"]
_LCO = []
for _c in _LVL:
    _LCO.append(_off)
    _off += _c["Vr"]
_ETO = []
for _c in _LVL:
    _ETO.append(_off)
    _off += 2 * _c["Er"]
_I_TOT = _off


def _rsqrt16(x):
    xi = plsc.bitcast(x, jnp.int32)
    yi = jnp.int32(0x5F3759DF) - (xi >> 1)
    y = plsc.bitcast(yi, jnp.float32)
    for _ in range(4):
        y = y * (1.5 - 0.5 * x * y * y)
    return y


def _reg_branch(cfg, lvl, wid, fb, ib, kf,
                out, pvs, bvs, dvs, nvs, i2v, e0v, e1v, lnv, lcv, ov, sem):
    V, E, NCH, WBASE = cfg["V"], cfg["E"], cfg["NCH"], cfg["WBASE"]
    EC, VC, Vr, Er, O = cfg["EC"], cfg["VC"], cfg["Vr"], cfg["Er"], cfg["O"]
    PO, BO = _PO[lvl], _BO[lvl]
    LN, LC, ET = _LNO[lvl], _LCO[lvl], _ETO[lvl]
    B, N = _NB, _NPTS
    t = wid - WBASE
    b = t // NCH
    chunk = t % NCH

    cps = []
    for c in range(3):
        cps.append(pltpu.async_copy(fb.at[pl.ds(PO + (c * B + b) * Vr, Vr)],
                                    pvs[c].at[pl.ds(0, Vr)], sem))
        cps.append(pltpu.async_copy(fb.at[pl.ds(BO + (c * B + b) * Vr, Vr)],
                                    bvs[c].at[pl.ds(0, Vr)], sem))
        cps.append(pltpu.async_copy(fb.at[pl.ds(_NO + (c * B + b) * N, N)],
                                    nvs[c], sem))
    cps.append(pltpu.async_copy(kf.at[pl.ds(b * _VCAT + O, Vr)],
                                i2v.at[pl.ds(0, Vr)], sem))
    cps.append(pltpu.async_copy(ib.at[pl.ds(ET + chunk * EC, EC)],
                                e0v.at[pl.ds(0, EC)], sem))
    cps.append(pltpu.async_copy(ib.at[pl.ds(ET + Er + chunk * EC, EC)],
                                e1v.at[pl.ds(0, EC)], sem))
    for k in range(8):
        cps.append(pltpu.async_copy(
            ib.at[pl.ds(LN + k * Vr + chunk * VC, VC)],
            lnv.at[pl.ds(k * _VC_MAX, VC)], sem))
    cps.append(pltpu.async_copy(ib.at[pl.ds(LC + chunk * VC, VC)],
                                lcv.at[pl.ds(0, VC)], sem))
    for cp in cps:
        cp.wait()

    iota16 = lax.broadcasted_iota(jnp.int32, (16,), 0)
    z16 = jnp.zeros((16,), jnp.float32)

    def dv_body(i, carry):
        s = pl.ds(i * 16, 16)
        for c in range(3):
            dvs[c][s] = bvs[c][s] - pvs[c][s]
        return carry

    lax.fori_loop(0, Vr // 16, dv_body, 0)

    def e_body(i, carry):
        ae, an = carry
        s = pl.ds(i * 16, 16)
        i0 = e0v[s]
        i1 = e1v[s]
        m = (chunk * EC + i * 16 + iota16) < E
        dx = plsc.load_gather(pvs[0], [i0]) - plsc.load_gather(pvs[0], [i1])
        dy = plsc.load_gather(pvs[1], [i0]) - plsc.load_gather(pvs[1], [i1])
        dz = plsc.load_gather(pvs[2], [i0]) - plsc.load_gather(pvs[2], [i1])
        dd = dx * dx + dy * dy + dz * dz
        j = plsc.load_gather(i2v, [i0]) & 2047
        gx = plsc.load_gather(nvs[0], [j])
        gy = plsc.load_gather(nvs[1], [j])
        gz = plsc.load_gather(nvs[2], [j])
        dot = dx * gx + dy * gy + dz * gz
        nn2 = gx * gx + gy * gy + gz * gz
        cos = jnp.abs(dot) * _rsqrt16(jnp.maximum(dd * nn2, 1e-24))
        ae = ae + jnp.where(m, dd, 0.0)
        an = an + jnp.where(m, cos, 0.0)
        return ae, an

    ae, an = lax.fori_loop(0, EC // 16, e_body, (z16, z16))

    def l_body(i, carry):
        al, am = carry
        gbase = chunk * VC + i * 16
        sg = pl.ds(gbase, 16)
        m = (gbase + iota16) < V
        sx = dvs[0][sg]
        sy = dvs[1][sg]
        sz = dvs[2][sg]
        cntf = lcv[pl.ds(i * 16, 16)].astype(jnp.float32)
        accx = z16
        accy = z16
        accz = z16
        for k in range(8):
            nk = lnv[pl.ds(k * _VC_MAX + i * 16, 16)]
            mk = nk >= 0
            sk = jnp.where(mk, nk, 0)
            accx = accx + jnp.where(mk, plsc.load_gather(dvs[0], [sk]), 0.0)
            accy = accy + jnp.where(mk, plsc.load_gather(dvs[1], [sk]), 0.0)
            accz = accz + jnp.where(mk, plsc.load_gather(dvs[2], [sk]), 0.0)
        lx = sx - accx / cntf
        ly = sy - accy / cntf
        lz = sz - accz / cntf
        al = al + jnp.where(m, lx * lx + ly * ly + lz * lz, 0.0)
        am = am + jnp.where(m, sx * sx + sy * sy + sz * sz, 0.0)
        return al, am

    al, am = lax.fori_loop(0, VC // 16, l_body, (z16, z16))

    vec = (jnp.where(iota16 == lvl, jnp.sum(ae), 0.0)
           + jnp.where(iota16 == 3 + lvl, jnp.sum(an), 0.0)
           + jnp.where(iota16 == 6 + lvl, jnp.sum(al), 0.0)
           + jnp.where(iota16 == 9 + lvl, jnp.sum(am), 0.0))
    ov[...] = vec
    pltpu.sync_copy(ov, out.at[pl.ds(wid * 16, 16)])


def _reg_body(fb, ib, kf, out,
              pvx, pvy, pvz, bvx, bvy, bvz, dvx, dvy, dvz,
              nvx, nvy, nvz, i2v, e0v, e1v, lnv, lcv, ov, sem):
    wid = lax.axis_index("c") * 16 + lax.axis_index("s")
    pvs = (pvx, pvy, pvz)
    bvs = (bvx, bvy, bvz)
    dvs = (dvx, dvy, dvz)
    nvs = (nvx, nvy, nvz)
    for lvl in range(3):
        cfg = _LVL[lvl]
        lo = cfg["WBASE"]
        hi = lo + 4 * cfg["NCH"]

        @pl.when((wid >= lo) & (wid < hi))
        def _(lvl=lvl, cfg=cfg):
            _reg_branch(cfg, lvl, wid, fb, ib, kf, out,
                        pvs, bvs, dvs, nvs, i2v, e0v, e1v, lnv, lcv, ov, sem)


def _reg_sc(preds, befores, gt_normals, key_cat, laps, edges_l):
    fparts = []
    iparts = []
    for lvl in range(3):
        cfg = _LVL[lvl]
        V, Vr = cfg["V"], cfg["Vr"]
        P = preds[lvl]
        p3 = jnp.transpose(jnp.pad(P, ((0, 0), (0, Vr - V), (0, 0))), (2, 0, 1))
        fparts.append(p3.reshape(-1))
    for lvl in range(3):
        cfg = _LVL[lvl]
        V, Vr = cfg["V"], cfg["Vr"]
        bf = befores[lvl]
        b3 = jnp.transpose(jnp.pad(bf, ((0, 0), (0, Vr - V), (0, 0))), (2, 0, 1))
        fparts.append(b3.reshape(-1))
    fparts.append(jnp.transpose(gt_normals, (2, 0, 1)).reshape(-1))
    for lvl in range(3):
        cfg = _LVL[lvl]
        V, Vr = cfg["V"], cfg["Vr"]
        iparts.append(jnp.pad(laps[lvl][:, :8].T, ((0, 0), (0, Vr - V))).reshape(-1))
    for lvl in range(3):
        cfg = _LVL[lvl]
        V, Vr = cfg["V"], cfg["Vr"]
        iparts.append(jnp.pad(laps[lvl][:, -1], (0, Vr - V), constant_values=1))
    for lvl in range(3):
        cfg = _LVL[lvl]
        E, Er = cfg["E"], cfg["Er"]
        iparts.append(jnp.pad(edges_l[lvl].T, ((0, 0), (0, Er - E))).reshape(-1))
    args = [jnp.concatenate(fparts), jnp.concatenate(iparts),
            key_cat.reshape(-1)]

    mesh = plsc.VectorSubcoreMesh(core_axis_name="c", subcore_axis_name="s",
                                  num_cores=2, num_subcores=16)
    out = pl.kernel(
        _reg_body,
        out_type=jax.ShapeDtypeStruct((512,), jnp.float32),
        mesh=mesh,
        compiler_params=pltpu.CompilerParams(needs_layout_passes=False),
        scratch_types=(
            [pltpu.VMEM((_VR_MAX,), jnp.float32)] * 9
            + [pltpu.VMEM((_NPTS,), jnp.float32)] * 3
            + [pltpu.VMEM((_VR_MAX,), jnp.int32),
               pltpu.VMEM((_EC_MAX,), jnp.int32),
               pltpu.VMEM((_EC_MAX,), jnp.int32),
               pltpu.VMEM((8 * _VC_MAX,), jnp.int32),
               pltpu.VMEM((_VC_MAX,), jnp.int32),
               pltpu.VMEM((16,), jnp.float32),
               pltpu.SemaphoreType.DMA]
        ),
    )(*args)
    sums = out.reshape(32, 16).sum(axis=0)
    return sums



def kernel(pred_0, pred_1, pred_2, before_0, before_1, before_2,
           gt_points, gt_normals, gt_images,
           lap_idx_0, lap_idx_1, lap_idx_2,
           edges_0, edges_1, edges_2):
    w_chamfer_opp = 0.55
    w_laplace, w_move, w_edge, w_normal = 0.5, 0.1, 0.1, 0.00016
    lap_const = [0.2, 1.0, 1.0]
    preds = [pred_0, pred_1, pred_2]
    befores = [before_0, before_1, before_2]
    laps = [lap_idx_0, lap_idx_1, lap_idx_2]
    edges_l = [edges_0, edges_1, edges_2]
    B, N, _ = gt_points.shape

    chamfer_loss = jnp.float32(0.0)
    d1_sums, d2_sums, key_cat = _chamfer_all(gt_points, preds)
    for lvl in range(3):
        V = preds[lvl].shape[1]
        chamfer_loss = (chamfer_loss + d1_sums[lvl] / (B * N)
                        + w_chamfer_opp * d2_sums[lvl] / (B * V))

    sums = _reg_sc(preds, befores, gt_normals, key_cat, laps, edges_l)

    edge_loss = jnp.float32(0.0)
    normal_loss = jnp.float32(0.0)
    lap_loss = jnp.float32(0.0)
    move_loss = jnp.float32(0.0)
    for lvl in range(3):
        V = preds[lvl].shape[1]
        E = edges_l[lvl].shape[0]
        edge_loss = edge_loss + sums[lvl] / (B * E)
        normal_loss = normal_loss + sums[3 + lvl] / (B * E)
        lap_loss = lap_loss + lap_const[lvl] * sums[6 + lvl] / (B * V)
        if lvl > 0:
            move_loss = move_loss + lap_const[lvl] * sums[9 + lvl] / (B * V)

    loss = (chamfer_loss + lap_loss * w_laplace + move_loss * w_move
            + edge_loss * w_edge + normal_loss * w_normal)
    return (loss, chamfer_loss, edge_loss, lap_loss, move_loss, normal_loss)

# --- scband reference (transcript-rebuilt; emitter-appended) ---
"""Pipeline reference for scband-p2-mloss-90864328114864 (READ-ONLY COPY).

The authoritative reference and input builder live on the scoring server;
editing this copy changes nothing except your own understanding.
"""

import jax, jax.numpy as jnp
import numpy as np


def _normalize(x, axis):
    return x / jnp.clip(jnp.linalg.norm(x, axis=axis, keepdims=True), 1e-12)


def _laplace_coord(inputs, lap_idx):
    indices = lap_idx[:, :-2]
    invalid_mask = indices < 0
    all_valid = jnp.where(invalid_mask, 0, indices)
    neighs = inputs[:, all_valid]  # [B, V, K, 3]
    neighs = jnp.where(invalid_mask[None, :, :, None], 0.0, neighs)
    nbr_sum = neighs.sum(axis=2)
    nbr_cnt = lap_idx[:, -1].astype(jnp.float32)
    return inputs - nbr_sum / nbr_cnt[None, :, None]


def _pairwise_sqdist(a, b):
    # a: [B, Na, 3], b: [B, Nb, 3] -> [B, Na, Nb]
    aa = jnp.sum(a * a, axis=-1)[:, :, None]
    bb = jnp.sum(b * b, axis=-1)[:, None, :]
    ab = jnp.einsum('bnd,bmd->bnm', a, b)
    return jnp.maximum(aa + bb - 2.0 * ab, 0.0)


def setup_inputs(seed: int = 0) -> dict:
    key = jax.random.key(seed)
    ks = jax.random.split(key, 20)
    B, N = 4, 2048
    Vs = [156, 618, 2466]
    Es = [462, 1848, 7392]
    inp = {}
    for l, V in enumerate(Vs):
        inp[f'pred_{l}'] = jax.random.normal(ks[l], (B, V, 3), dtype=jnp.float32)
        inp[f'before_{l}'] = jax.random.normal(ks[3 + l], (B, V, 3), dtype=jnp.float32)
    inp['gt_points'] = jax.random.normal(ks[6], (B, N, 3), dtype=jnp.float32)
    normals = jax.random.normal(ks[7], (B, N, 3), dtype=jnp.float32)
    inp['gt_normals'] = _normalize(normals, axis=-1)
    inp['gt_images'] = jax.random.uniform(ks[8], (B, 3, 224, 224), dtype=jnp.float32)
    for l, (V, E) in enumerate(zip(Vs, Es)):
        nbrs = jax.random.randint(ks[9 + l], (V, 8), 0, V, dtype=jnp.int32)
        mask = jax.random.uniform(ks[12 + l], (V, 8)) < 0.15
        mask = mask.at[:, 0].set(False)
        nbrs = jnp.where(mask, -1, nbrs)
        cnt = (~mask).sum(axis=1).astype(jnp.int32)
        lap = jnp.concatenate([nbrs, jnp.zeros((V, 1), jnp.int32), cnt[:, None]], axis=1)
        inp[f'lap_idx_{l}'] = lap
        inp[f'edges_{l}'] = jax.random.randint(ks[15 + l], (E, 2), 0, V, dtype=jnp.int32)
    return inp


def reference(pred_0, pred_1, pred_2, before_0, before_1, before_2,
              gt_points, gt_normals, gt_images,
              lap_idx_0, lap_idx_1, lap_idx_2,
              edges_0, edges_1, edges_2):
    w_chamfer = [1.0, 1.0, 1.0]
    w_chamfer_opp = 0.55
    w_laplace, w_move, w_edge, w_normal, w_constant = 0.5, 0.1, 0.1, 0.00016, 1.0
    lap_const = [0.2, 1.0, 1.0]
    preds = [pred_0, pred_1, pred_2]
    befores = [before_0, before_1, before_2]
    laps = [lap_idx_0, lap_idx_1, lap_idx_2]
    edges_l = [edges_0, edges_1, edges_2]

    chamfer_loss = 0.0
    edge_loss = 0.0
    normal_loss = 0.0
    lap_loss = 0.0
    move_loss = 0.0

    for lvl in range(3):
        P = preds[lvl]
        before = befores[lvl]
        edges = edges_l[lvl]
        lap_idx = laps[lvl]
        # chamfer via brute-force nearest neighbor (K=5 in torch, only [...,0] used)
        dmat1 = _pairwise_sqdist(gt_points, P)      # [B, N, V]
        d1 = jnp.sqrt(jnp.min(dmat1, axis=-1) + 1e-12)
        dmat2 = _pairwise_sqdist(P, gt_points)      # [B, V, N]
        d2 = jnp.sqrt(jnp.min(dmat2, axis=-1) + 1e-12)
        idx2 = jnp.argmin(dmat2, axis=-1)           # [B, V]
        chamfer_loss = chamfer_loss + w_chamfer[lvl] * (d1.mean() + w_chamfer_opp * d2.mean())
        # normal loss
        e = _normalize(P[:, edges[:, 0]] - P[:, edges[:, 1]], axis=2)
        nearest = jnp.take_along_axis(gt_normals, idx2[:, :, None], axis=1)  # [B, V, 3]
        n = _normalize(nearest[:, edges[:, 0]], axis=2)
        cos = jnp.abs(jnp.sum(e * n, axis=2))
        normal_loss = normal_loss + cos.mean()
        # edge regularization
        diff = P[:, edges[:, 0]] - P[:, edges[:, 1]]
        edge_loss = edge_loss + jnp.mean(diff * diff) * P.shape[-1]
        # laplace regularization
        lap1 = _laplace_coord(before, lap_idx)
        lap2 = _laplace_coord(P, lap_idx)
        lap_l = jnp.mean((lap1 - lap2) ** 2) * lap1.shape[-1]
        move_l = jnp.mean((before - P) ** 2) * before.shape[-1] if lvl > 0 else 0.0
        lap_loss = lap_loss + lap_const[lvl] * lap_l
        move_loss = move_loss + lap_const[lvl] * move_l

    img_loss = 0.0  # reconst is None / weight 0
    loss = (chamfer_loss + img_loss * 0.0 + lap_loss * w_laplace + move_loss * w_move
            + edge_loss * w_edge + normal_loss * w_normal)
    loss = loss * w_constant
    return (loss, chamfer_loss, edge_loss, lap_loss, move_loss, normal_loss)

if __name__ == "__main__":
    import jax
    _d = setup_inputs()
    print(jax.jit(kernel)(*tuple(_d.values())))

</pallas_src>

<mosaic_0001>
#map = affine_map<(d0, d1) -> (0)>
module attributes {stable_mosaic.version = 14 : i64} {
  func.func @_reg_body(%arg0: i32, %arg1: i32, %arg2: memref<103680xf32, #tpu.memory_space<hbm>>, %arg3: memref<52044xi32, #tpu.memory_space<hbm>>, %arg4: memref<4608xi32, #tpu.memory_space<hbm>>, %arg5: memref<512xf32, #tpu.memory_space<hbm>>, %arg6: memref<2496xf32, #tpu.memory_space<vmem>>, %arg7: memref<2496xf32, #tpu.memory_space<vmem>>, %arg8: memref<2496xf32, #tpu.memory_space<vmem>>, %arg9: memref<2496xf32, #tpu.memory_space<vmem>>, %arg10: memref<2496xf32, #tpu.memory_space<vmem>>, %arg11: memref<2496xf32, #tpu.memory_space<vmem>>, %arg12: memref<2496xf32, #tpu.memory_space<vmem>>, %arg13: memref<2496xf32, #tpu.memory_space<vmem>>, %arg14: memref<2496xf32, #tpu.memory_space<vmem>>, %arg15: memref<2048xf32, #tpu.memory_space<vmem>>, %arg16: memref<2048xf32, #tpu.memory_space<vmem>>, %arg17: memref<2048xf32, #tpu.memory_space<vmem>>, %arg18: memref<2496xi32, #tpu.memory_space<vmem>>, %arg19: memref<1856xi32, #tpu.memory_space<vmem>>, %arg20: memref<1856xi32, #tpu.memory_space<vmem>>, %arg21: memref<4992xi32, #tpu.memory_space<vmem>>, %arg22: memref<624xi32, #tpu.memory_space<vmem>>, %arg23: memref<16xf32, #tpu.memory_space<vmem>>, %arg24: memref<!tpu.dma_semaphore, #tpu.memory_space<semaphore_mem>>) attributes {dimension_semantics = [#tpu.dimension_semantics<core_parallel>, #tpu.dimension_semantics<subcore_parallel>], iteration_bounds = array<i64: 2, 16>, scalar_prefetch = 0 : i64, scratch_operands = 19 : i64, tpu.core_type = #tpu.core_type<sc_vector_subcore>, window_params = [{transform_indices = #map}, {transform_indices = #map}, {transform_indices = #map}, {transform_indices = #map}]} {
    %mul3A = arith.constant 16 : i32
    %mul3A_0 = arith.muli %arg0, %mul3A : i32
    %add3A = arith.addi %mul3A_0, %arg1 : i32
    %ge3A = arith.constant 24 : i32
    %ge3A_1 = arith.cmpi sge, %add3A, %ge3A : i32
    %lt3A = arith.constant 32 : i32
    %lt3A_2 = arith.cmpi slt, %add3A, %lt3A : i32
    %and3A = arith.andi %ge3A_1, %lt3A_2 : i1
    %convert_element_type3A = arith.extui %and3A : i1 to i32
    %cond3A = arith.constant 0 : i32
    %cond3A_3 = arith.cmpi ne, %convert_element_type3A, %cond3A : i32
    scf.if %cond3A_3 {
      %sub3A = arith.constant 24 : i32
      %sub3A_20 = arith.subi %add3A, %sub3A : i32
      %jit3A = arith.constant 2 : i32
      %div3A = arith.divsi %sub3A_20, %jit3A : i32
      %sign3A = arith.constant 0 : i32
      %sign3A_21 = arith.cmpi sgt, %sub3A_20, %sign3A : i32
      %sign3A_22 = arith.extui %sign3A_21 : i1 to i32
      %sign3A_23 = arith.constant 0 : i32
      %sign3A_24 = arith.cmpi slt, %sub3A_20, %sign3A_23 : i32
      %sign3A_25 = arith.extui %sign3A_24 : i1 to i32
      %sign3A_26 = arith.subi %sign3A_22, %sign3A_25 : i32
      %sign3A_27 = arith.constant 0 : i32
      %sign3A_28 = arith.cmpi sgt, %jit3A, %sign3A_27 : i32
      %sign3A_29 = arith.extui %sign3A_28 : i1 to i32
      %sign3A_30 = arith.constant 0 : i32
      %sign3A_31 = arith.cmpi slt, %jit3A, %sign3A_30 : i32
      %sign3A_32 = arith.extui %sign3A_31 : i1 to i32
      %sign3A_33 = arith.subi %sign3A_29, %sign3A_32 : i32
      %ne3A = arith.cmpi ne, %sign3A_26, %sign3A_33 : i32
      %rem3A = arith.remsi %sub3A_20, %jit3A : i32
      %ne3A_34 = arith.constant 0 : i32
      %ne3A_35 = arith.cmpi ne, %rem3A, %ne3A_34 : i32
      %and3A_36 = arith.andi %ne3A, %ne3A_35 : i1
      %sub3A_37 = arith.constant 1 : i32
      %sub3A_38 = arith.subi %div3A, %sub3A_37 : i32
      %select_n3A = arith.select %and3A_36, %sub3A_38, %div3A : i32
      %jit3A_39 = arith.constant 2 : i32
      %eq3A = arith.constant 0 : i32
      %eq3A_40 = arith.cmpi eq, %jit3A_39, %eq3A : i32
      %jit3A_41 = arith.constant 1 : i32
      %select_n3A_42 = arith.select %eq3A_40, %jit3A_41, %jit3A_39 : i32
      %rem3A_43 = arith.remsi %sub3A_20, %select_n3A_42 : i32
      %ne3A_44 = arith.constant 0 : i32
      %ne3A_45 = arith.cmpi ne, %rem3A_43, %ne3A_44 : i32
      %lt3A_46 = arith.constant 0 : i32
      %lt3A_47 = arith.cmpi slt, %rem3A_43, %lt3A_46 : i32
      %lt3A_48 = arith.constant 0 : i32
      %lt3A_49 = arith.cmpi slt, %select_n3A_42, %lt3A_48 : i32
      %ne3A_50 = arith.xori %lt3A_47, %lt3A_49 : i1
      %and3A_51 = arith.andi %ne3A_50, %ne3A_45 : i1
      %add3A_52 = arith.addi %rem3A_43, %select_n3A_42 : i32
      %select_n3A_53 = arith.select %and3A_51, %add3A_52, %rem3A_43 : i32
      %add3A_54 = arith.constant 0 : i32
      %add3A_55 = arith.addi %add3A_54, %select_n3A : i32
      %mul3A_56 = arith.constant 160 : i32
      %mul3A_57 = arith.muli %add3A_55, %mul3A_56 : i32
      %add3A_58 = arith.constant 0 : i32
      %add3A_59 = arith.addi %add3A_58, %mul3A_57 : i32
      %dma_start3A = arith.constant 0 : i32
      %dma_start3A_60 = tpu.memref_slice %arg6[%dma_start3A] : memref<2496xf32, #tpu.memory_space<vmem>> -> memref<160xf32, #tpu.memory_space<vmem>>
      %dma_start3A_61 = tpu.memref_slice %arg2[%add3A_59] : memref<103680xf32, #tpu.memory_space<hbm>> -> memref<160xf32, #tpu.memory_space<hbm>>
      %dma_start3A_62 = arith.constant 0 : i32
      %dma_start3A_63 = tpu.memref_slice %arg6[%dma_start3A_62] : memref<2496xf32, #tpu.memory_space<vmem>> -> memref<160xf32, #tpu.memory_space<vmem>>
      %dma_start3A_64 = tpu.memref_slice %arg2[%add3A_59] : memref<103680xf32, #tpu.memory_space<hbm>> -> memref<160xf32, #tpu.memory_space<hbm>>
      tpu.enqueue_dma source(%dma_start3A_64 : memref<160xf32, #tpu.memory_space<hbm>>) target(%dma_start3A_63 : memref<160xf32, #tpu.memory_space<vmem>>) target_semaphore(%arg24 : memref<!tpu.dma_semaphore, #tpu.memory_space<semaphore_mem>>)
      %add3A_65 = arith.constant 0 : i32
      %add3A_66 = arith.addi %add3A_65, %select_n3A : i32
      %mul3A_67 = arith.constant 160 : i32
      %mul3A_68 = arith.muli %add3A_66, %mul3A_67 : i32
      %add3A_69 = arith.constant 39552 : i32
      %add3A_70 = arith.addi %add3A_69, %mul3A_68 : i32
      %dma_start3A_71 = arith.constant 0 : i32
      %dma_start3A_72 = tpu.memref_slice %arg9[%dma_start3A_71] : memref<2496xf32, #tpu.memory_space<vmem>> -> memref<160xf32, #tpu.memory_space<vmem>>
      %dma_start3A_73 = tpu.memref_slice %arg2[%add3A_70] : memref<103680xf32, #tpu.memory_space<hbm>> -> memref<160xf32, #tpu.memory_space<hbm>>
      %dma_start3A_74 = arith.constant 0 : i32
      %dma_start3A_75 = tpu.memref_slice %arg9[%dma_start3A_74] : memref<2496xf32, #tpu.memory_space<vmem>> -> memref<160xf32, #tpu.memory_space<vmem>>
      %dma_start3A_76 = tpu.memref_slice %arg2[%add3A_70] : memref<103680xf32, #tpu.memory_space<hbm>> -> memref<160xf32, #tpu.memory_space<hbm>>
      tpu.enqueue_dma source(%dma_start3A_76 : memref<160xf32, #tpu.memory_space<hbm>>) target(%dma_start3A_75 : memref<160xf32, #tpu.memory_space<vmem>>) target_semaphore(%arg24 : memref<!tpu.dma_semaphore, #tpu.memory_space<semaphore_mem>>)
      %add3A_77 = arith.constant 0 : i32
      %add3A_78 = arith.addi %add3A_77, %select_n3A : i32
      %mul3A_79 = arith.constant 2048 : i32
      %mul3A_80 = arith.muli %add3A_78, %mul3A_79 : i32
      %add3A_81 = arith.constant 79104 : i32
      %add3A_82 = arith.addi %add3A_81, %mul3A_80 : i32
      %dma_start3A_83 = tpu.memref_slice %arg2[%add3A_82] : memref<103680xf32, #tpu.memory_space<hbm>> -> memref<2048xf32, #tpu.memory_space<hbm>>
      %dma_start3A_84 = tpu.memref_slice %arg2[%add3A_82] : memref<103680xf32, #tpu.memory_space<hbm>> -> memref<2048xf32, #tpu.memory_space<hbm>>
      tpu.enqueue_dma source(%dma_start3A_84 : memref<2048xf32, #tpu.memory_space<hbm>>) target(%arg15 : memref<2048xf32, #tpu.memory_space<vmem>>) target_semaphore(%arg24 : memref<!tpu.dma_semaphore, #tpu.memory_space<semaphore_mem>>)
      %add3A_85 = arith.constant 4 : i32
      %add3A_86 = arith.addi %add3A_85, %select_n3A : i32
      %mul3A_87 = arith.constant 160 : i32
      %mul3A_88 = arith.muli %add3A_86, %mul3A_87 : i32
      %add3A_89 = arith.constant 0 : i32
      %add3A_90 = arith.addi %add3A_89, %mul3A_88 : i32
      %dma_start3A_91 = arith.constant 0 : i32
      %dma_start3A_92 = tpu.memref_slice %arg7[%dma_start3A_91] : memref<2496xf32, #tpu.memory_space<vmem>> -> memref<160xf32, #tpu.memory_space<vmem>>
      %dma_start3A_93 = tpu.memref_slice %arg2[%add3A_90] : memref<103680xf32, #tpu.memory_space<hbm>> -> memref<160xf32, #tpu.memory_space<hbm>>
      %dma_start3A_94 = arith.constant 0 : i32
      %dma_start3A_95 = tpu.memref_slice %arg7[%dma_start3A_94] : memref<2496xf32, #tpu.memory_space<vmem>> -> memref<160xf32, #tpu.memory_space<vmem>>
      %dma_start3A_96 = tpu.memref_slice %arg2[%add3A_90] : memref<103680xf32, #tpu.memory_space<hbm>> -> memref<160xf32, #tpu.memory_space<hbm>>
      tpu.enqueue_dma source(%dma_start3A_96 : memref<160xf32, #tpu.memory_space<hbm>>) target(%dma_start3A_95 : memref<160xf32, #tpu.memory_space<vmem>>) target_semaphore(%arg24 : memref<!tpu.dma_semaphore, #tpu.memory_space<semaphore_mem>>)
      %add3A_97 = arith.constant 4 : i32
      %add3A_98 = arith.addi %add3A_97, %select_n3A : i32
      %mul3A_99 = arith.constant 160 : i32
      %mul3A_100 = arith.muli %add3A_98, %mul3A_99 : i32
      %add3A_101 = arith.constant 39552 : i32
      %add3A_102 = arith.addi %add3A_101, %mul3A_100 : i32
      %dma_start3A_103 = arith.constant 0 : i32
      %dma_start3A_104 = tpu.memref_slice %arg10[%dma_start3A_103] : memref<2496xf32, #tpu.memory_space<vmem>> -> memref<160xf32, #tpu.memory_space<vmem>>
      %dma_start3A_105 = tpu.memref_slice %arg2[%add3A_102] : memref<103680xf32, #tpu.memory_space<hbm>> -> memref<160xf32, #tpu.memory_space<hbm>>
      %dma_start3A_106 = arith.constant 0 : i32
      %dma_start3A_107 = tpu.memref_slice %arg10[%dma_start3A_106] : memref<2496xf32, #tpu.memory_space<vmem>> -> memref<160xf32, #tpu.memory_space<vmem>>
      %dma_start3A_108 = tpu.memref_slice %arg2[%add3A_102] : memref<103680xf32, #tpu.memory_space<hbm>> -> memref<160xf32, #tpu.memory_space<hbm>>
      tpu.enqueue_dma source(%dma_start3A_108 : memref<160xf32, #tpu.memory_space<hbm>>) target(%dma_start3A_107 : memref<160xf32, #tpu.memory_space<vmem>>) target_semaphore(%arg24 : memref<!tpu.dma_semaphore, #tpu.memory_space<semaphore_mem>>)
      %add3A_109 = arith.constant 4 : i32
      %add3A_110 = arith.addi %add3A_109, %select_n3A : i32
      %mul3A_111 = arith.constant 2048 : i32
      %mul3A_112 = arith.muli %add3A_110, %mul3A_111 : i32
      %add3A_113 = arith.constant 79104 : i32
      %add3A_114 = arith.addi %add3A_113, %mul3A_112 : i32
      %dma_start3A_115 = tpu.memref_slice %arg2[%add3A_114] : memref<103680xf32, #tpu.memory_space<hbm>> -> memref<2048xf32, #tpu.memory_space<hbm>>
      %dma_start3A_116 = tpu.memref_slice %arg2[%add3A_114] : memref<103680xf32, #tpu.memory_space<hbm>> -> memref<2048xf32, #tpu.memory_space<hbm>>
      tpu.enqueue_dma source(%dma_start3A_116 : memref<2048xf32, #tpu.memory_space<hbm>>) target(%arg16 : memref<2048xf32, #tpu.memory_space<vmem>>) target_semaphore(%arg24 : memref<!tpu.dma_semaphore, #tpu.memory_space<semaphore_mem>>)
      %add3A_117 = arith.constant 8 : i32
      %add3A_118 = arith.addi %add3A_117, %select_n3A : i32
      %mul3A_119 = arith.constant 160 : i32
      %mul3A_120 = arith.muli %add3A_118, %mul3A_119 : i32
      %add3A_121 = arith.constant 0 : i32
      %add3A_122 = arith.addi %add3A_121, %mul3A_120 : i32
      %dma_start3A_123 = arith.constant 0 : i32
      %dma_start3A_124 = tpu.memref_slice %arg8[%dma_start3A_123] : memref<2496xf32, #tpu.memory_space<vmem>> -> memref<160xf32, #tpu.memory_space<vmem>>
      %dma_start3A_125 = tpu.memref_slice %arg2[%add3A_122] : memref<103680xf32, #tpu.memory_space<hbm>> -> memref<160xf32, #tpu.memory_space<hbm>>
      %dma_start3A_126 = arith.constant 0 : i32
      %dma_start3A_127 = tpu.memref_slice %arg8[%dma_start3A_126] : memref<2496xf32, #tpu.memory_space<vmem>> -> memref<160xf32, #tpu.memory_space<vmem>>
      %dma_start3A_128 = tpu.memref_slice %arg2[%add3A_122] : memref<103680xf32, #tpu.memory_space<hbm>> -> memref<160xf32, #tpu.memory_space<hbm>>
      tpu.enqueue_dma source(%dma_start3A_128 : memref<160xf32, #tpu.memory_space<hbm>>) target(%dma_start3A_127 : memref<160xf32, #tpu.memory_space<vmem>>) target_semaphore(%arg24 : memref<!tpu.dma_semaphore, #tpu.memory_space<semaphore_mem>>)
      %add3A_129 = arith.constant 8 : i32
      %add3A_130 = arith.addi %add3A_129, %select_n3A : i32
      %mul3A_131 = arith.constant 160 : i32
      %mul3A_132 = arith.muli %add3A_130, %mul3A_131 : i32
      %add3A_133 = arith.constant 39552 : i32
      %add3A_134 = arith.addi %add3A_133, %mul3A_132 : i32
      %dma_start3A_135 = arith.constant 0 : i32
      %dma_start3A_136 = tpu.memref_slice %arg11[%dma_start3A_135] : memref<2496xf32, #tpu.memory_space<vmem>> -> memref<160xf32, #tpu.memory_space<vmem>>
      %dma_start3A_137 = tpu.memref_slice %arg2[%add3A_134] : memref<103680xf32, #tpu.memory_space<hbm>> -> memref<160xf32, #tpu.memory_space<hbm>>
      %dma_start3A_138 = arith.constant 0 : i32
      %dma_start3A_139 = tpu.memref_slice %arg11[%dma_start3A_138] : memref<2496xf32, #tpu.memory_space<vmem>> -> memref<160xf32, #tpu.memory_space<vmem>>
      %dma_start3A_140 = tpu.memref_slice %arg2[%add3A_134] : memref<103680xf32, #tpu.memory_space<hbm>> -> memref<160xf32, #tpu.memory_space<hbm>>
      tpu.enqueue_dma source(%dma_start3A_140 : memref<160xf32, #tpu.memory_space<hbm>>) target(%dma_start3A_139 : memref<160xf32, #tpu.memory_space<vmem>>) target_semaphore(%arg24 : memref<!tpu.dma_semaphore, #tpu.memory_space<semaphore_mem>>)
      %add3A_141 = arith.constant 8 : i32
      %add3A_142 = arith.addi %add3A_141, %select_n3A : i32
      %mul3A_143 = arith.constant 2048 : i32
      %mul3A_144 = arith.muli %add3A_142, %mul3A_143 : i32
      %add3A_145 = arith.constant 79104 : i32
      %add3A_146 = arith.addi %add3A_145, %mul3A_144 : i32
      %dma_start3A_147 = tpu.memref_slice %arg2[%add3A_146] : memref<103680xf32, #tpu.memory_space<hbm>> -> memref<2048xf32, #tpu.memory_space<hbm>>
      %dma_start3A_148 = tpu.memref_slice %arg2[%add3A_146] : memref<103680xf32, #tpu.memory_space<hbm>> -> memref<2048xf32, #tpu.memory_space<hbm>>
      tpu.enqueue_dma source(%dma_start3A_148 : memref<2048xf32, #tpu.memory_space<hbm>>) target(%arg17 : memref<2048xf32, #tpu.memory_space<vmem>>) target_semaphore(%arg24 : memref<!tpu.dma_semaphore, #tpu.memory_space<semaphore_mem>>)
      %mul3A_149 = arith.constant 3456 : i32
      %mul3A_150 = arith.muli %select_n3A, %mul3A_149 : i32
      %add3A_151 = arith.constant 0 : i32
      %add3A_152 = arith.addi %mul3A_150, %add3A_151 : i32
      %dma_start3A_153 = arith.constant 0 : i32
      %dma_start3A_154 = tpu.memref_slice %arg18[%dma_start3A_153] : memref<2496xi32, #tpu.memory_space<vmem>> -> memref<160xi32, #tpu.memory_space<vmem>>
      %dma_start3A_155 = tpu.memref_slice %arg4[%add3A_152] : memref<4608xi32, #tpu.memory_space<hbm>> -> memref<160xi32, #tpu.memory_space<hbm>>
      %dma_start3A_156 = arith.constant 0 : i32
      %dma_start3A_157 = tpu.memref_slice %arg18[%dma_start3A_156] : memref<2496xi32, #tpu.memory_space<vmem>> -> memref<160xi32, #tpu.memory_space<vmem>>
      %dma_start3A_158 = tpu.memref_slice %arg4[%add3A_152] : memref<4608xi32, #tpu.memory_space<hbm>> -> memref<160xi32, #tpu.memory_space<hbm>>
      tpu.enqueue_dma source(%dma_start3A_158 : memref<160xi32, #tpu.memory_space<hbm>>) target(%dma_start3A_157 : memref<160xi32, #tpu.memory_space<vmem>>) target_semaphore(%arg24 : memref<!tpu.dma_semaphore, #tpu.memory_space<semaphore_mem>>)
      %mul3A_159 = arith.constant 240 : i32
      %mul3A_160 = arith.muli %select_n3A_53, %mul3A_159 : i32
      %add3A_161 = arith.constant 29664 : i32
      %add3A_162 = arith.addi %add3A_161, %mul3A_160 : i32
      %dma_start3A_163 = arith.constant 0 : i32
      %dma_start3A_164 = tpu.memref_slice %arg19[%dma_start3A_163] : memref<1856xi32, #tpu.memory_space<vmem>> -> memref<240xi32, #tpu.memory_space<vmem>>
      %dma_start3A_165 = tpu.memref_slice %arg3[%add3A_162] : memref<52044xi32, #tpu.memory_space<hbm>> -> memref<240xi32, #tpu.memory_space<hbm>>
      %dma_start3A_166 = arith.constant 0 : i32
      %dma_start3A_167 = tpu.memref_slice %arg19[%dma_start3A_166] : memref<1856xi32, #tpu.memory_space<vmem>> -> memref<240xi32, #tpu.memory_space<vmem>>
      %dma_start3A_168 = tpu.memref_slice %arg3[%add3A_162] : memref<52044xi32, #tpu.memory_space<hbm>> -> memref<240xi32, #tpu.memory_space<hbm>>
      tpu.enqueue_dma source(%dma_start3A_168 : memref<240xi32, #tpu.memory_space<hbm>>) target(%dma_start3A_167 : memref<240xi32, #tpu.memory_space<vmem>>) target_semaphore(%arg24 : memref<!tpu.dma_semaphore, #tpu.memory_space<semaphore_mem>>)
      %mul3A_169 = arith.constant 240 : i32
      %mul3A_170 = arith.muli %select_n3A_53, %mul3A_169 : i32
      %add3A_171 = arith.constant 30144 : i32
      %add3A_172 = arith.addi %add3A_171, %mul3A_170 : i32
      %dma_start3A_173 = arith.constant 0 : i32
      %dma_start3A_174 = tpu.memref_slice %arg20[%dma_start3A_173] : memref<1856xi32, #tpu.memory_space<vmem>> -> memref<240xi32, #tpu.memory_space<vmem>>
      %dma_start3A_175 = tpu.memref_slice %arg3[%add3A_172] : memref<52044xi32, #tpu.memory_space<hbm>> -> memref<240xi32, #tpu.memory_space<hbm>>
      %dma_start3A_176 = arith.constant 0 : i32
      %dma_start3A_177 = tpu.memref_slice %arg20[%dma_start3A_176] : memref<1856xi32, #tpu.memory_space<vmem>> -> memref<240xi32, #tpu.memory_space<vmem>>
      %dma_start3A_178 = tpu.memref_slice %arg3[%add3A_172] : memref<52044xi32, #tpu.memory_space<hbm>> -> memref<240xi32, #tpu.memory_space<hbm>>
      tpu.enqueue_dma source(%dma_start3A_178 : memref<240xi32, #tpu.memory_space<hbm>>) target(%dma_start3A_177 : memref<240xi32, #tpu.memory_space<vmem>>) target_semaphore(%arg24 : memref<!tpu.dma_semaphore, #tpu.memory_space<semaphore_mem>>)
      %mul3A_179 = arith.constant 80 : i32
      %mul3A_180 = arith.muli %select_n3A_53, %mul3A_179 : i32
      %add3A_181 = arith.constant 0 : i32
      %add3A_182 = arith.addi %add3A_181, %mul3A_180 : i32
      %dma_start3A_183 = arith.constant 0 : i32
      %dma_start3A_184 = tpu.memref_slice %arg21[%dma_start3A_183] : memref<4992xi32, #tpu.memory_space<vmem>> -> memref<80xi32, #tpu.memory_space<vmem>>
      %dma_start3A_185 = tpu.memref_slice %arg3[%add3A_182] : memref<52044xi32, #tpu.memory_space<hbm>> -> memref<80xi32, #tpu.memory_space<hbm>>
      %dma_start3A_186 = arith.constant 0 : i32
      %dma_start3A_187 = tpu.memref_slice %arg21[%dma_start3A_186] : memref<4992xi32, #tpu.memory_space<vmem>> -> memref<80xi32, #tpu.memory_space<vmem>>
      %dma_start3A_188 = tpu.memref_slice %arg3[%add3A_182] : memref<52044xi32, #tpu.memory_space<hbm>> -> memref<80xi32, #tpu.memory_space<hbm>>
      tpu.enqueue_dma source(%dma_start3A_188 : memref<80xi32, #tpu.memory_space<hbm>>) target(%dma_start3A_187 : memref<80xi32, #tpu.memory_space<vmem>>) target_semaphore(%arg24 : memref<!tpu.dma_semaphore, #tpu.memory_space<semaphore_mem>>)
      %mul3A_189 = arith.constant 80 : i32
      %mul3A_190 = arith.muli %select_n3A_53, %mul3A_189 : i32
      %add3A_191 = arith.constant 160 : i32
      %add3A_192 = arith.addi %add3A_191, %mul3A_190 : i32
      %dma_start3A_193 = arith.constant 624 : i32
      %dma_start3A_194 = tpu.memref_slice %arg21[%dma_start3A_193] : memref<4992xi32, #tpu.memory_space<vmem>> -> memref<80xi32, #tpu.memory_space<vmem>>
      %dma_start3A_195 = tpu.memref_slice %arg3[%add3A_192] : memref<52044xi32, #tpu.memory_space<hbm>> -> memref<80xi32, #tpu.memory_space<hbm>>
      %dma_start3A_196 = arith.constant 624 : i32
      %dma_start3A_197 = tpu.memref_slice %arg21[%dma_start3A_196] : memref<4992xi32, #tpu.memory_space<vmem>> -> memref<80xi32, #tpu.memory_space<vmem>>
      %dma_start3A_198 = tpu.memref_slice %arg3[%add3A_192] : memref<52044xi32, #tpu.memory_space<hbm>> -> memref<80xi32, #tpu.memory_space<hbm>>
      tpu.enqueue_dma source(%dma_start3A_198 : memref<80xi32, #tpu.memory_space<hbm>>) target(%dma_start3A_197 : memref<80xi32, #tpu.memory_space<vmem>>) target_semaphore(%arg24 : memref<!tpu.dma_semaphore, #tpu.memory_space<semaphore_mem>>)
      %mul3A_199 = arith.constant 80 : i32
      %mul3A_200 = arith.muli %select_n3A_53, %mul3A_199 : i32
      %add3A_201 = arith.constant 320 : i32
      %add3A_202 = arith.addi %add3A_201, %mul3A_200 : i32
      %dma_start3A_203 = arith.constant 1248 : i32
      %dma_start3A_204 = tpu.memref_slice %arg21[%dma_start3A_203] : memref<4992xi32, #tpu.memory_space<vmem>> -> memref<80xi32, #tpu.memory_space<vmem>>
      %dma_start3A_205 = tpu.memref_slice %arg3[%add3A_202] : memref<52044xi32, #tpu.memory_space<hbm>> -> memref<80xi32, #tpu.memory_space<hbm>>
      %dma_start3A_206 = arith.constant 1248 : i32
      %dma_start3A_207 = tpu.memref_slice %arg21[%dma_start3A_206] : memref<4992xi32, #tpu.memory_space<vmem>> -> memref<80xi32, #tpu.memory_space<vmem>>
      %dma_start3A_208 = tpu.memref_slice %arg3[%add3A_202] : memref<52044xi32, #tpu.memory_space<hbm>> -> memref<80xi32, #tpu.memory_space<hbm>>
      tpu.enqueue_dma source(%dma_start3A_208 : memref<80xi32, #tpu.memory_space<hbm>>) target(%dma_start3A_207 : memref<80xi32, #tpu.memory_space<vmem>>) target_semaphore(%arg24 : memref<!tpu.dma_semaphore, #tpu.memory_space<semaphore_mem>>)
      %mul3A_209 = arith.constant 80 : i32
      %mul3A_210 = arith.muli %select_n3A_53, %mul3A_209 : i32
      %add3A_211 = arith.constant 480 : i32
      %add3A_212 = arith.addi %add3A_211, %mul3A_210 : i32
      %dma_start3A_213 = arith.constant 1872 : i32
      %dma_start3A_214 = tpu.memref_slice %arg21[%dma_start3A_213] : memref<4992xi32, #tpu.memory_space<vmem>> -> memref<80xi32, #tpu.memory_space<vmem>>
      %dma_start3A_215 = tpu.memref_slice %arg3[%add3A_212] : memref<52044xi32, #tpu.memory_space<hbm>> -> memref<80xi32, #tpu.memory_space<hbm>>
      %dma_start3A_216 = arith.constant 1872 : i32
      %dma_start3A_217 = tpu.memref_slice %arg21[%dma_start3A_216] : memref<4992xi32, #tpu.memory_space<vmem>> -> memref<80xi32, #tpu.memory_space<vmem>>
      %dma_start3A_218 = tpu.memref_slice %arg3[%add3A_212] : memref<52044xi32, #tpu.memory_space<hbm>> -> memref<80xi32, #tpu.memory_space<hbm>>
      tpu.enqueue_dma source(%dma_start3A_218 : memref<80xi32, #tpu.memory_space<hbm>>) target(%dma_start3A_217 : memref<80xi32, #tpu.memory_space<vmem>>) target_semaphore(%arg24 : memref<!tpu.dma_semaphore, #tpu.memory_space<semaphore_mem>>)
      %mul3A_219 = arith.constant 80 : i32
      %mul3A_220 = arith.muli %select_n3A_53, %mul3A_219 : i32
      %add3A_221 = arith.constant 640 : i32
      %add3A_222 = arith.addi %add3A_221, %mul3A_220 : i32
      %dma_start3A_223 = arith.constant 2496 : i32
      %dma_start3A_224 = tpu.memref_slice %arg21[%dma_start3A_223] : memref<4992xi32, #tpu.memory_space<vmem>> -> memref<80xi32, #tpu.memory_space<vmem>>
      %dma_start3A_225 = tpu.memref_slice %arg3[%add3A_222] : memref<52044xi32, #tpu.memory_space<hbm>> -> memref<80xi32, #tpu.memory_space<hbm>>
      %dma_start3A_226 = arith.constant 2496 : i32
      %dma_start3A_227 = tpu.memref_slice %arg21[%dma_start3A_226] : memref<4992xi32, #tpu.memory_space<vmem>> -> memref<80xi32, #tpu.memory_space<vmem>>
      %dma_start3A_228 = tpu.memref_slice %arg3[%add3A_222] : memref<52044xi32, #tpu.memory_space<hbm>> -> memref<80xi32, #tpu.memory_space<hbm>>
      tpu.enqueue_dma source(%dma_start3A_228 : memref<80xi32, #tpu.memory_space<hbm>>) target(%dma_start3A_227 : memref<80xi32, #tpu.memory_space<vmem>>) target_semaphore(%arg24 : memref<!tpu.dma_semaphore, #tpu.memory_space<semaphore_mem>>)
      %mul3A_229 = arith.constant 80 : i32
      %mul3A_230 = arith.muli %select_n3A_53, %mul3A_229 : i32
      %add3A_231 = arith.constant 800 : i32
      %add3A_232 = arith.addi %add3A_231, %mul3A_230 : i32
      %dma_start3A_233 = arith.constant 3120 : i32
      %dma_start3A_234 = tpu.memref_slice %arg21[%dma_start3A_233] : memref<4992xi32, #tpu.memory_space<vmem>> -> memref<80xi32, #tpu.memory_space<vmem>>
      %dma_start3A_235 = tpu.memref_slice %arg3[%add3A_232] : memref<52044xi32, #tpu.memory_space<hbm>> -> memref<80xi32, #tpu.memory_space<hbm>>
      %dma_start3A_236 = arith.constant 3120 : i32
      %dma_start3A_237 = tpu.memref_slice %arg21[%dma_start3A_236] : memref<4992xi32, #tpu.memory_space<vmem>> -> memref<80xi32, #tpu.memory_space<vmem>>
      %dma_start3A_238 = tpu.memref_slice %arg3[%add3A_232] : memref<52044xi32, #tpu.memory_space<hbm>> -> memref<80xi32, #tpu.memory_space<hbm>>
      tpu.enqueue_dma source(%dma_start3A_238 : memref<80xi32, #tpu.memory_space<hbm>>) target(%dma_start3A_237 : memref<80xi32, #tpu.memory_space<vmem>>) target_semaphore(%arg24 : memref<!tpu.dma_semaphore, #tpu.memory_space<semaphore_mem>>)
      %mul3A_239 = arith.constant 80 : i32
      %mul3A_240 = arith.muli %select_n3A_53, %mul3A_239 : i32
      %add3A_241 = arith.constant 960 : i32
      %add3A_242 = arith.addi %add3A_241, %mul3A_240 : i32
      %dma_start3A_243 = arith.constant 3744 : i32
      %dma_start3A_244 = tpu.memref_slice %arg21[%dma_start3A_243] : memref<4992xi32, #tpu.memory_space<vmem>> -> memref<80xi32, #tpu.memory_space<vmem>>
      %dma_start3A_245 = tpu.memref_slice %arg3[%add3A_242] : memref<52044xi32, #tpu.memory_space<hbm>> -> memref<80xi32, #tpu.memory_space<hbm>>
      %dma_start3A_246 = arith.constant 3744 : i32
      %dma_start3A_247 = tpu.memref_slice %arg21[%dma_start3A_246] : memref<4992xi32, #tpu.memory_space<vmem>> -> memref<80xi32, #tpu.memory_space<vmem>>
      %dma_start3A_248 = tpu.memref_slice %arg3[%add3A_242] : memref<52044xi32, #tpu.memory_space<hbm>> -> memref<80xi32, #tpu.memory_space<hbm>>
      tpu.enqueue_dma source(%dma_start3A_248 : memref<80xi32, #tpu.memory_space<hbm>>) target(%dma_start3A_247 : memref<80xi32, #tpu.memory_space<vmem>>) target_semaphore(%arg24 : memref<!tpu.dma_semaphore, #tpu.memory_space<semaphore_mem>>)
      %mul3A_249 = arith.constant 80 : i32
      %mul3A_250 = arith.muli %select_n3A_53, %mul3A_249 : i32
      %add3A_251 = arith.constant 1120 : i32
      %add3A_252 = arith.addi %add3A_251, %mul3A_250 : i32
      %dma_start3A_253 = arith.constant 4368 : i32
      %dma_start3A_254 = tpu.memref_slice %arg21[%dma_start3A_253] : memref<4992xi32, #tpu.memory_space<vmem>> -> memref<80xi32, #tpu.memory_space<vmem>>
      %dma_start3A_255 = tpu.memref_slice %arg3[%add3A_252] : memref<52044xi32, #tpu.memory_space<hbm>> -> memref<80xi32, #tpu.memory_space<hbm>>
      %dma_start3A_256 = arith.constant 4368 : i32
      %dma_start3A_257 = tpu.memref_slice %arg21[%dma_start3A_256] : memref<4992xi32, #tpu.memory_space<vmem>> -> memref<80xi32, #tpu.memory_space<vmem>>
      %dma_start3A_258 = tpu.memref_slice %arg3[%add3A_252] : memref<52044xi32, #tpu.memory_space<hbm>> -> memref<80xi32, #tpu.memory_space<hbm>>
      tpu.enqueue_dma source(%dma_start3A_258 : memref<80xi32, #tpu.memory_space<hbm>>) target(%dma_start3A_257 : memref<80xi32, #tpu.memory_space<vmem>>) target_semaphore(%arg24 : memref<!tpu.dma_semaphore, #tpu.memory_space<semaphore_mem>>)
      %mul3A_259 = arith.constant 80 : i32
      %mul3A_260 = arith.muli %select_n3A_53, %mul3A_259 : i32
      %add3A_261 = arith.constant 26368 : i32
      %add3A_262 = arith.addi %add3A_261, %mul3A_260 : i32
      %dma_start3A_263 = arith.constant 0 : i32
      %dma_start3A_264 = tpu.memref_slice %arg22[%dma_start3A_263] : memref<624xi32, #tpu.memory_space<vmem>> -> memref<80xi32, #tpu.memory_space<vmem>>
      %dma_start3A_265 = tpu.memref_slice %arg3[%add3A_262] : memref<52044xi32, #tpu.memory_space<hbm>> -> memref<80xi32, #tpu.memory_space<hbm>>
      %dma_start3A_266 = arith.constant 0 : i32
      %dma_start3A_267 = tpu.memref_slice %arg22[%dma_start3A_266] : memref<624xi32, #tpu.memory_space<vmem>> -> memref<80xi32, #tpu.memory_space<vmem>>
      %dma_start3A_268 = tpu.memref_slice %arg3[%add3A_262] : memref<52044xi32, #tpu.memory_space<hbm>> -> memref<80xi32, #tpu.memory_space<hbm>>
      tpu.enqueue_dma source(%dma_start3A_268 : memref<80xi32, #tpu.memory_space<hbm>>) target(%dma_start3A_267 : memref<80xi32, #tpu.memory_space<vmem>>) target_semaphore(%arg24 : memref<!tpu.dma_semaphore, #tpu.memory_space<semaphore_mem>>)
      %dma_wait3A = arith.constant 0 : i32
      %dma_wait3A_269 = tpu.memref_slice %arg6[%dma_wait3A] : memref<2496xf32, #tpu.memory_space<vmem>> -> memref<160xf32, #tpu.memory_space<vmem>>
      %dma_wait3A_270 = tpu.memref_slice %arg2[%add3A_59] : memref<103680xf32, #tpu.memory_space<hbm>> -> memref<160xf32, #tpu.memory_space<hbm>>
      %dma_wait3A_271 = arith.constant 0 : i32
      %dma_wait3A_272 = tpu.memref_slice %arg6[%dma_wait3A_271] : memref<2496xf32, #tpu.memory_space<vmem>> -> memref<160xf32, #tpu.memory_space<vmem>>
      %dma_wait3A_273 = tpu.memref_slice %arg2[%add3A_59] : memref<103680xf32, #tpu.memory_space<hbm>> -> memref<160xf32, #tpu.memory_space<hbm>>
      tpu.wait_dma2 semaphore(%arg24 : memref<!tpu.dma_semaphore, #tpu.memory_space<semaphore_mem>>) src(%dma_wait3A_273 : memref<160xf32, #tpu.memory_space<hbm>>) dst(%dma_wait3A_272 : memref<160xf32, #tpu.memory_space<vmem>>)
      %dma_wait3A_274 = arith.constant 0 : i32
      %dma_wait3A_275 = tpu.memref_slice %arg9[%dma_wait3A_274] : memref<2496xf32, #tpu.memory_space<vmem>> -> memref<160xf32, #tpu.memory_space<vmem>>
      %dma_wait3A_276 = tpu.memref_slice %arg2[%add3A_70] : memref<103680xf32, #tpu.memory_space<hbm>> -> memref<160xf32, #tpu.memory_space<hbm>>
      %dma_wait3A_277 = arith.constant 0 : i32
      %dma_wait3A_278 = tpu.memref_slice %arg9[%dma_wait3A_277] : memref<2496xf32, #tpu.memory_space<vmem>> -> memref<160xf32, #tpu.memory_space<vmem>>
      %dma_wait3A_279 = tpu.memref_slice %arg2[%add3A_70] : memref<103680xf32, #tpu.memory_space<hbm>> -> memref<160xf32, #tpu.memory_space<hbm>>
      tpu.wait_dma2 semaphore(%arg24 : memref<!tpu.dma_semaphore, #tpu.memory_space<semaphore_mem>>) src(%dma_wait3A_279 : memref<160xf32, #tpu.memory_space<hbm>>) dst(%dma_wait3A_278 : memref<160xf32, #tpu.memory_space<vmem>>)
      %dma_wait3A_280 = tpu.memref_slice %arg2[%add3A_82] : memref<103680xf32, #tpu.memory_space<hbm>> -> memref<2048xf32, #tpu.memory_space<hbm>>
      %dma_wait3A_281 = tpu.memref_slice %arg2[%add3A_82] : memref<103680xf32, #tpu.memory_space<hbm>> -> memref<2048xf32, #tpu.memory_space<hbm>>
      tpu.wait_dma2 semaphore(%arg24 : memref<!tpu.dma_semaphore, #tpu.memory_space<semaphore_mem>>) src(%dma_wait3A_281 : memref<2048xf32, #tpu.memory_space<hbm>>) dst(%arg15 : memref<2048xf32, #tpu.memory_space<vmem>>)
      %dma_wait3A_282 = arith.constant 0 : i32
      %dma_wait3A_283 = tpu.memref_slice %arg7[%dma_wait3A_282] : memref<2496xf32, #tpu.memory_space<vmem>> -> memref<160xf32, #tpu.memory_space<vmem>>
      %dma_wait3A_284 = tpu.memref_slice %arg2[%add3A_90] : memref<103680xf32, #tpu.memory_space<hbm>> -> memref<160xf32, #tpu.memory_space<hbm>>
      %dma_wait3A_285 = arith.constant 0 : i32
      %dma_wait3A_286 = tpu.memref_slice %arg7[%dma_wait3A_285] : memref<2496xf32, #tpu.memory_space<vmem>> -> memref<160xf32, #tpu.memory_space<vmem>>
      %dma_wait3A_287 = tpu.memref_slice %arg2[%add3A_90] : memref<103680xf32, #tpu.memory_space<hbm>> -> memref<160xf32, #tpu.memory_space<hbm>>
      tpu.wait_dma2 semaphore(%arg24 : memref<!tpu.dma_semaphore, #tpu.memory_space<semaphore_mem>>) src(%dma_wait3A_287 : memref<160xf32, #tpu.memory_space<hbm>>) dst(%dma_wait3A_286 : memref<160xf32, #tpu.memory_space<vmem>>)
      %dma_wait3A_288 = arith.constant 0 : i32
      %dma_wait3A_289 = tpu.memref_slice %arg10[%dma_wait3A_288] : memref<2496xf32, #tpu.memory_space<vmem>> -> memref<160xf32, #tpu.memory_space<vmem>>
      %dma_wait3A_290 = tpu.memref_slice %arg2[%add3A_102] : memref<103680xf32, #tpu.memory_space<hbm>> -> memref<160xf32, #tpu.memory_space<hbm>>
      %dma_wait3A_291 = arith.constant 0 : i32
      %dma_wait3A_292 = tpu.memref_slice %arg10[%dma_wait3A_291] : memref<2496xf32, #tpu.memory_space<vmem>> -> memref<160xf32, #tpu.memory_space<vmem>>
      %dma_wait3A_293 = tpu.memref_slice %arg2[%add3A_102] : memref<103680xf32, #tpu.memory_space<hbm>> -> memref<160xf32, #tpu.memory_space<hbm>>
      tpu.wait_dma2 semaphore(%arg24 : memref<!tpu.dma_semaphore, #tpu.memory_space<semaphore_mem>>) src(%dma_wait3A_293 : memref<160xf32, #tpu.memory_space<hbm>>) dst(%dma_wait3A_292 : memref<160xf32, #tpu.memory_space<vmem>>)
      %dma_wait3A_294 = tpu.memref_slice %arg2[%add3A_114] : memref<103680xf32, #tpu.memory_space<hbm>> -> memref<2048xf32, #tpu.memory_space<hbm>>
      %dma_wait3A_295 = tpu.memref_slice %arg2[%add3A_114] : memref<103680xf32, #tpu.memory_space<hbm>> -> memref<2048xf32, #tpu.memory_space<hbm>>
      tpu.wait_dma2 semaphore(%arg24 : memref<!tpu.dma_semaphore, #tpu.memory_space<semaphore_mem>>) src(%dma_wait3A_295 : memref<2048xf32, #tpu.memory_space<hbm>>) dst(%arg16 : memref<2048xf32, #tpu.memory_space<vmem>>)
      %dma_wait3A_296 = arith.constant 0 : i32
      %dma_wait3A_297 = tpu.memref_slice %arg8[%dma_wait3A_296] : memref<2496xf32, #tpu.memory_space<vmem>> -> memref<160xf32, #tpu.memory_space<vmem>>
      %dma_wait3A_298 = tpu.memref_slice %arg2[%add3A_122] : memref<103680xf32, #tpu.memory_space<hbm>> -> memref<160xf32, #tpu.memory_space<hbm>>
      %dma_wait3A_299 = arith.constant 0 : i32
      %dma_wait3A_300 = tpu.memref_slice %arg8[%dma_wait3A_299] : memref<2496xf32, #tpu.memory_space<vmem>> -> memref<160xf32, #tpu.memory_space<vmem>>
      %dma_wait3A_301 = tpu.memref_slice %arg2[%add3A_122] : memref<103680xf32, #tpu.memory_space<hbm>> -> memref<160xf32, #tpu.memory_space<hbm>>
      tpu.wait_dma2 semaphore(%arg24 : memref<!tpu.dma_semaphore, #tpu.memory_space<semaphore_mem>>) src(%dma_wait3A_301 : memref<160xf32, #tpu.memory_space<hbm>>) dst(%dma_wait3A_300 : memref<160xf32, #tpu.memory_space<vmem>>)
      %dma_wait3A_302 = arith.constant 0 : i32
      %dma_wait3A_303 = tpu.memref_slice %arg11[%dma_wait3A_302] : memref<2496xf32, #tpu.memory_space<vmem>> -> memref<160xf32, #tpu.memory_space<vmem>>
      %dma_wait3A_304 = tpu.memref_slice %arg2[%add3A_134] : memref<103680xf32, #tpu.memory_space<hbm>> -> memref<160xf32, #tpu.memory_space<hbm>>
      %dma_wait3A_305 = arith.constant 0 : i32
      %dma_wait3A_306 = tpu.memref_slice %arg11[%dma_wait3A_305] : memref<2496xf32, #tpu.memory_space<vmem>> -> memref<160xf32, #tpu.memory_space<vmem>>
      %dma_wait3A_307 = tpu.memref_slice %arg2[%add3A_134] : memref<103680xf32, #tpu.memory_space<hbm>> -> memref<160xf32, #tpu.memory_space<hbm>>
      tpu.wait_dma2 semaphore(%arg24 : memref<!tpu.dma_semaphore, #tpu.memory_space<semaphore_mem>>) src(%dma_wait3A_307 : memref<160xf32, #tpu.memory_space<hbm>>) dst(%dma_wait3A_306 : memref<160xf32, #tpu.memory_space<vmem>>)
      %dma_wait3A_308 = tpu.memref_slice %arg2[%add3A_146] : memref<103680xf32, #tpu.memory_space<hbm>> -> memref<2048xf32, #tpu.memory_space<hbm>>
      %dma_wait3A_309 = tpu.memref_slice %arg2[%add3A_146] : memref<103680xf32, #tpu.memory_space<hbm>> -> memref<2048xf32, #tpu.memory_space<hbm>>
      tpu.wait_dma2 semaphore(%arg24 : memref<!tpu.dma_semaphore, #tpu.memory_space<semaphore_mem>>) src(%dma_wait3A_309 : memref<2048xf32, #tpu.memory_space<hbm>>) dst(%arg17 : memref<2048xf32, #tpu.memory_space<vmem>>)
      %dma_wait3A_310 = arith.constant 0 : i32
      %dma_wait3A_311 = tpu.memref_slice %arg18[%dma_wait3A_310] : memref<2496xi32, #tpu.memory_space<vmem>> -> memref<160xi32, #tpu.memory_space<vmem>>
      %dma_wait3A_312 = tpu.memref_slice %arg4[%add3A_152] : memref<4608xi32, #tpu.memory_space<hbm>> -> memref<160xi32, #tpu.memory_space<hbm>>
      %dma_wait3A_313 = arith.constant 0 : i32
      %dma_wait3A_314 = tpu.memref_slice %arg18[%dma_wait3A_313] : memref<2496xi32, #tpu.memory_space<vmem>> -> memref<160xi32, #tpu.memory_space<vmem>>
      %dma_wait3A_315 = tpu.memref_slice %arg4[%add3A_152] : memref<4608xi32, #tpu.memory_space<hbm>> -> memref<160xi32, #tpu.memory_space<hbm>>
      tpu.wait_dma2 semaphore(%arg24 : memref<!tpu.dma_semaphore, #tpu.memory_space<semaphore_mem>>) src(%dma_wait3A_315 : memref<160xi32, #tpu.memory_space<hbm>>) dst(%dma_wait3A_314 : memref<160xi32, #tpu.memory_space<vmem>>)
      %dma_wait3A_316 = arith.constant 0 : i32
      %dma_wait3A_317 = tpu.memref_slice %arg19[%dma_wait3A_316] : memref<1856xi32, #tpu.memory_space<vmem>> -> memref<240xi32, #tpu.memory_space<vmem>>
      %dma_wait3A_318 = tpu.memref_slice %arg3[%add3A_162] : memref<52044xi32, #tpu.memory_space<hbm>> -> memref<240xi32, #tpu.memory_space<hbm>>
      %dma_wait3A_319 = arith.constant 0 : i32
      %dma_wait3A_320 = tpu.memref_slice %arg19[%dma_wait3A_319] : memref<1856xi32, #tpu.memory_space<vmem>> -> memref<240xi32, #tpu.memory_space<vmem>>
      %dma_wait3A_321 = tpu.memref_slice %arg3[%add3A_162] : memref<52044xi32, #tpu.memory_space<hbm>> -> memref<240xi32, #tpu.memory_space<hbm>>
      tpu.wait_dma2 semaphore(%arg24 : memref<!tpu.dma_semaphore, #tpu.memory_space<semaphore_mem>>) src(%dma_wait3A_321 : memref<240xi32, #tpu.memory_space<hbm>>) dst(%dma_wait3A_320 : memref<240xi32, #tpu.memory_space<vmem>>)
      %dma_wait3A_322 = arith.constant 0 : i32
      %dma_wait3A_323 = tpu.memref_slice %arg20[%dma_wait3A_322] : memref<1856xi32, #tpu.memory_space<vmem>> -> memref<240xi32, #tpu.memory_space<vmem>>
      %dma_wait3A_324 = tpu.memref_slice %arg3[%add3A_172] : memref<52044xi32, #tpu.memory_space<hbm>> -> memref<240xi32, #tpu.memory_space<hbm>>
      %dma_wait3A_325 = arith.constant 0 : i32
      %dma_wait3A_326 = tpu.memref_slice %arg20[%dma_wait3A_325] : memref<1856xi32, #tpu.memory_space<vmem>> -> memref<240xi32, #tpu.memory_space<vmem>>
      %dma_wait3A_327 = tpu.memref_slice %arg3[%add3A_172] : memref<52044xi32, #tpu.memory_space<hbm>> -> memref<240xi32, #tpu.memory_space<hbm>>
      tpu.wait_dma2 semaphore(%arg24 : memref<!tpu.dma_semaphore, #tpu.memory_space<semaphore_mem>>) src(%dma_wait3A_327 : memref<240xi32, #tpu.memory_space<hbm>>) dst(%dma_wait3A_326 : memref<240xi32, #tpu.memory_space<vmem>>)
      %dma_wait3A_328 = arith.constant 0 : i32
      %dma_wait3A_329 = tpu.memref_slice %arg21[%dma_wait3A_328] : memref<4992xi32, #tpu.memory_space<vmem>> -> memref<80xi32, #tpu.memory_space<vmem>>
      %dma_wait3A_330 = tpu.memref_slice %arg3[%add3A_182] : memref<52044xi32, #tpu.memory_space<hbm>> -> memref<80xi32, #tpu.memory_space<hbm>>
      %dma_wait3A_331 = arith.constant 0 : i32
      %dma_wait3A_332 = tpu.memref_slice %arg21[%dma_wait3A_331] : memref<4992xi32, #tpu.memory_space<vmem>> -> memref<80xi32, #tpu.memory_space<vmem>>
      %dma_wait3A_333 = tpu.memref_slice %arg3[%add3A_182] : memref<52044xi32, #tpu.memory_space<hbm>> -> memref<80xi32, #tpu.memory_space<hbm>>
      tpu.wait_dma2 semaphore(%arg24 : memref<!tpu.dma_semaphore, #tpu.memory_space<semaphore_mem>>) src(%dma_wait3A_333 : memref<80xi32, #tpu.memory_space<hbm>>) dst(%dma_wait3A_332 : memref<80xi32, #tpu.memory_space<vmem>>)
      %dma_wait3A_334 = arith.constant 624 : i32
      %dma_wait3A_335 = tpu.memref_slice %arg21[%dma_wait3A_334] : memref<4992xi32, #tpu.memory_space<vmem>> -> memref<80xi32, #tpu.memory_space<vmem>>
      %dma_wait3A_336 = tpu.memref_slice %arg3[%add3A_192] : memref<52044xi32, #tpu.memory_space<hbm>> -> memref<80xi32, #tpu.memory_space<hbm>>
      %dma_wait3A_337 = arith.constant 624 : i32
      %dma_wait3A_338 = tpu.memref_slice %arg21[%dma_wait3A_337] : memref<4992xi32, #tpu.memory_space<vmem>> -> memref<80xi32, #tpu.memory_space<vmem>>
      %dma_wait3A_339 = tpu.memref_slice %arg3[%add3A_192] : memref<52044xi32, #tpu.memory_space<hbm>> -> memref<80xi32, #tpu.memory_space<hbm>>
      tpu.wait_dma2 semaphore(%arg24 : memref<!tpu.dma_semaphore, #tpu.memory_space<semaphore_mem>>) src(%dma_wait3A_339 : memref<80xi32, #tpu.memory_space<hbm>>) dst(%dma_wait3A_338 : memref<80xi32, #tpu.memory_space<vmem>>)
      %dma_wait3A_340 = arith.constant 1248 : i32
      %dma_wait3A_341 = tpu.memref_slice %arg21[%dma_wait3A_340] : memref<4992xi32, #tpu.memory_space<vmem>> -> memref<80xi32, #tpu.memory_space<vmem>>
      %dma_wait3A_342 = tpu.memref_slice %arg3[%add3A_202] : memref<52044xi32, #tpu.memory_space<hbm>> -> memref<80xi32, #tpu.memory_space<hbm>>
      %dma_wait3A_343 = arith.constant 1248 : i32
      %dma_wait3A_344 = tpu.memref_slice %arg21[%dma_wait3A_343] : memref<4992xi32, #tpu.memory_space<vmem>> -> memref<80xi32, #tpu.memory_space<vmem>>
      %dma_wait3A_345 = tpu.memref_slice %arg3[%add3A_202] : memref<52044xi32, #tpu.memory_space<hbm>> -> memref<80xi32, #tpu.memory_space<hbm>>
      tpu.wait_dma2 semaphore(%arg24 : memref<!tpu.dma_semaphore, #tpu.memory_space<semaphore_mem>>) src(%dma_wait3A_345 : memref<80xi32, #tpu.memory_space<hbm>>) dst(%dma_wait3A_344 : memref<80xi32, #tpu.memory_space<vmem>>)
      %dma_wait3A_346 = arith.constant 1872 : i32
      %dma_wait3A_347 = tpu.memref_slice %arg21[%dma_wait3A_346] : memref<4992xi32, #tpu.memory_space<vmem>> -> memref<80xi32, #tpu.memory_space<vmem>>
      %dma_wait3A_348 = tpu.memref_slice %arg3[%add3A_212] : memref<52044xi32, #tpu.memory_space<hbm>> -> memref<80xi32, #tpu.memory_space<hbm>>
      %dma_wait3A_349 = arith.constant 1872 : i32
      %dma_wait3A_350 = tpu.memref_slice %arg21[%dma_wait3A_349] : memref<4992xi32, #tpu.memory_space<vmem>> -> memref<80xi32, #tpu.memory_space<vmem>>
      %dma_wait3A_351 = tpu.memref_slice %arg3[%add3A_212] : memref<52044xi32, #tpu.memory_space<hbm>> -> memref<80xi32, #tpu.memory_space<hbm>>
      tpu.wait_dma2 semaphore(%arg24 : memref<!tpu.dma_semaphore, #tpu.memory_space<semaphore_mem>>) src(%dma_wait3A_351 : memref<80xi32, #tpu.memory_space<hbm>>) dst(%dma_wait3A_350 : memref<80xi32, #tpu.memory_space<vmem>>)
      %dma_wait3A_352 = arith.constant 2496 : i32
      %dma_wait3A_353 = tpu.memref_slice %arg21[%dma_wait3A_352] : memref<4992xi32, #tpu.memory_space<vmem>> -> memref<80xi32, #tpu.memory_space<vmem>>
      %dma_wait3A_354 = tpu.memref_slice %arg3[%add3A_222] : memref<52044xi32, #tpu.memory_space<hbm>> -> memref<80xi32, #tpu.memory_space<hbm>>
      %dma_wait3A_355 = arith.constant 2496 : i32
      %dma_wait3A_356 = tpu.memref_slice %arg21[%dma_wait3A_355] : memref<4992xi32, #tpu.memory_space<vmem>> -> memref<80xi32, #tpu.memory_space<vmem>>
      %dma_wait3A_357 = tpu.memref_slice %arg3[%add3A_222] : memref<52044xi32, #tpu.memory_space<hbm>> -> memref<80xi32, #tpu.memory_space<hbm>>
      tpu.wait_dma2 semaphore(%arg24 : memref<!tpu.dma_semaphore, #tpu.memory_space<semaphore_mem>>) src(%dma_wait3A_357 : memref<80xi32, #tpu.memory_space<hbm>>) dst(%dma_wait3A_356 : memref<80xi32, #tpu.memory_space<vmem>>)
      %dma_wait3A_358 = arith.constant 3120 : i32
      %dma_wait3A_359 = tpu.memref_slice %arg21[%dma_wait3A_358] : memref<4992xi32, #tpu.memory_space<vmem>> -> memref<80xi32, #tpu.memory_space<vmem>>
      %dma_wait3A_360 = tpu.memref_slice %arg3[%add3A_232] : memref<52044xi32, #tpu.memory_space<hbm>> -> memref<80xi32, #tpu.memory_space<hbm>>
      %dma_wait3A_361 = arith.constant 3120 : i32
      %dma_wait3A_362 = tpu.memref_slice %arg21[%dma_wait3A_361] : memref<4992xi32, #tpu.memory_space<vmem>> -> memref<80xi32, #tpu.memory_space<vmem>>
      %dma_wait3A_363 = tpu.memref_slice %arg3[%add3A_232] : memref<52044xi32, #tpu.memory_space<hbm>> -> memref<80xi32, #tpu.memory_space<hbm>>
      tpu.wait_dma2 semaphore(%arg24 : memref<!tpu.dma_semaphore, #tpu.memory_space<semaphore_mem>>) src(%dma_wait3A_363 : memref<80xi32, #tpu.memory_space<hbm>>) dst(%dma_wait3A_362 : memref<80xi32, #tpu.memory_space<vmem>>)
      %dma_wait3A_364 = arith.constant 3744 : i32
      %dma_wait3A_365 = tpu.memref_slice %arg21[%dma_wait3A_364] : memref<4992xi32, #tpu.memory_space<vmem>> -> memref<80xi32, #tpu.memory_space<vmem>>
      %dma_wait3A_366 = tpu.memref_slice %arg3[%add3A_242] : memref<52044xi32, #tpu.memory_space<hbm>> -> memref<80xi32, #tpu.memory_space<hbm>>
      %dma_wait3A_367 = arith.constant 3744 : i32
      %dma_wait3A_368 = tpu.memref_slice %arg21[%dma_wait3A_367] : memref<4992xi32, #tpu.memory_space<vmem>> -> memref<80xi32, #tpu.memory_space<vmem>>
      %dma_wait3A_369 = tpu.memref_slice %arg3[%add3A_242] : memref<52044xi32, #tpu.memory_space<hbm>> -> memref<80xi32, #tpu.memory_space<hbm>>
      tpu.wait_dma2 semaphore(%arg24 : memref<!tpu.dma_semaphore, #tpu.memory_space<semaphore_mem>>) src(%dma_wait3A_369 : memref<80xi32, #tpu.memory_space<hbm>>) dst(%dma_wait3A_368 : memref<80xi32, #tpu.memory_space<vmem>>)
      %dma_wait3A_370 = arith.constant 4368 : i32
      %dma_wait3A_371 = tpu.memref_slice %arg21[%dma_wait3A_370] : memref<4992xi32, #tpu.memory_space<vmem>> -> memref<80xi32, #tpu.memory_space<vmem>>
      %dma_wait3A_372 = tpu.memref_slice %arg3[%add3A_252] : memref<52044xi32, #tpu.memory_space<hbm>> -> memref<80xi32, #tpu.memory_space<hbm>>
      %dma_wait3A_373 = arith.constant 4368 : i32
      %dma_wait3A_374 = tpu.memref_slice %arg21[%dma_wait3A_373] : memref<4992xi32, #tpu.memory_space<vmem>> -> memref<80xi32, #tpu.memory_space<vmem>>
      %dma_wait3A_375 = tpu.memref_slice %arg3[%add3A_252] : memref<52044xi32, #tpu.memory_space<hbm>> -> memref<80xi32, #tpu.memory_space<hbm>>
      tpu.wait_dma2 semaphore(%arg24 : memref<!tpu.dma_semaphore, #tpu.memory_space<semaphore_mem>>) src(%dma_wait3A_375 : memref<80xi32, #tpu.memory_space<hbm>>) dst(%dma_wait3A_374 : memref<80xi32, #tpu.memory_space<vmem>>)
      %dma_wait3A_376 = arith.constant 0 : i32
      %dma_wait3A_377 = tpu.memref_slice %arg22[%dma_wait3A_376] : memref<624xi32, #tpu.memory_space<vmem>> -> memref<80xi32, #tpu.memory_space<vmem>>
      %dma_wait3A_378 = tpu.memref_slice %arg3[%add3A_262] : memref<52044xi32, #tpu.memory_space<hbm>> -> memref<80xi32, #tpu.memory_space<hbm>>
      %dma_wait3A_379 = arith.constant 0 : i32
      %dma_wait3A_380 = tpu.memref_slice %arg22[%dma_wait3A_379] : memref<624xi32, #tpu.memory_space<vmem>> -> memref<80xi32, #tpu.memory_space<vmem>>
      %dma_wait3A_381 = tpu.memref_slice %arg3[%add3A_262] : memref<52044xi32, #tpu.memory_space<hbm>> -> memref<80xi32, #tpu.memory_space<hbm>>
      tpu.wait_dma2 semaphore(%arg24 : memref<!tpu.dma_semaphore, #tpu.memory_space<semaphore_mem>>) src(%dma_wait3A_381 : memref<80xi32, #tpu.memory_space<hbm>>) dst(%dma_wait3A_380 : memref<80xi32, #tpu.memory_space<vmem>>)
      %iota3A = tpu.iota {dimensions = array<i32: 0>} : vector<16xi32>
      %broadcast_in_dim3A = arith.constant 0.000000e+00 : f32
      %broadcast_in_dim3A_382 = vector.broadcast %broadcast_in_dim3A : f32 to vector<16xf32>
      %scan3A = arith.constant 0 : i32
      %scan3A_383 = arith.constant 0 : i32
      %scan3A_384 = arith.constant 10 : i32
      %scan3A_385 = arith.addi %scan3A_383, %scan3A_384 : i32
      %scan3A_386 = arith.constant 1 : i32
      scf.for %scan3A_449 = %scan3A_383 to %scan3A_385 step %scan3A_386  : i32 {
        %mul3A_450 = arith.constant 16 : i32
        %mul3A_451 = arith.muli %scan3A_449, %mul3A_450 : i32
        %get3A = arith.index_cast %mul3A_451 : i32 to index
        %get3A_452 = tpu.vector_load %arg9[%get3A] {strides = array<i32>} : memref<2496xf32, #tpu.memory_space<vmem>>, vector<16xf32>,
        %get3A_453 = arith.index_cast %mul3A_451 : i32 to index
        %get3A_454 = tpu.vector_load %arg6[%get3A_453] {strides = array<i32>} : memref<2496xf32, #tpu.memory_space<vmem>>, vector<16xf32>,
        %sub3A_455 = arith.subf %get3A_452, %get3A_454 : vector<16xf32>
        %swap3A_456 = arith.index_cast %mul3A_451 : i32 to index
        %swap3A_457 = tpu.vector_load %arg12[%swap3A_456] {strides = array<i32>} : memref<2496xf32, #tpu.memory_space<vmem>>, vector<16xf32>,
        tpu.vector_store %arg12[%swap3A_456], %sub3A_455 {strides = array<i32>} : memref<2496xf32, #tpu.memory_space<vmem>>, vector<16xf32>,
        %get3A_458 = arith.index_cast %mul3A_451 : i32 to index
        %get3A_459 = tpu.vector_load %arg10[%get3A_458] {strides = array<i32>} : memref<2496xf32, #tpu.memory_space<vmem>>, vector<16xf32>,
        %get3A_460 = arith.index_cast %mul3A_451 : i32 to index
        %get3A_461 = tpu.vector_load %arg7[%get3A_460] {strides = array<i32>} : memref<2496xf32, #tpu.memory_space<vmem>>, vector<16xf32>,
        %sub3A_462 = arith.subf %get3A_459, %get3A_461 : vector<16xf32>
        %swap3A_463 = arith.index_cast %mul3A_451 : i32 to index
        %swap3A_464 = tpu.vector_load %arg13[%swap3A_463] {strides = array<i32>} : memref<2496xf32, #tpu.memory_space<vmem>>, vector<16xf32>,
        tpu.vector_store %arg13[%swap3A_463], %sub3A_462 {strides = array<i32>} : memref<2496xf32, #tpu.memory_space<vmem>>, vector<16xf32>,
        %get3A_465 = arith.index_cast %mul3A_451 : i32 to index
        %get3A_466 = tpu.vector_load %arg11[%get3A_465] {strides = array<i32>} : memref<2496xf32, #tpu.memory_space<vmem>>, vector<16xf32>,
        %get3A_467 = arith.index_cast %mul3A_451 : i32 to index
        %get3A_468 = tpu.vector_load %arg8[%get3A_467] {strides = array<i32>} : memref<2496xf32, #tpu.memory_space<vmem>>, vector<16xf32>,
        %sub3A_469 = arith.subf %get3A_466, %get3A_468 : vector<16xf32>
        %swap3A_470 = arith.index_cast %mul3A_451 : i32 to index
        %swap3A_471 = tpu.vector_load %arg14[%swap3A_470] {strides = array<i32>} : memref<2496xf32, #tpu.memory_space<vmem>>, vector<16xf32>,
        tpu.vector_store %arg14[%swap3A_470], %sub3A_469 {strides = array<i32>} : memref<2496xf32, #tpu.memory_space<vmem>>, vector<16xf32>,
      }
      %scan3A_387 = arith.constant 10 : i32
      %scan3A_388 = arith.constant 0 : i32
      %scan3A_389 = arith.constant 15 : i32
      %scan3A_390 = arith.addi %scan3A_388, %scan3A_389 : i32
      %scan3A_391 = arith.constant 1 : i32
      %scan3A_392:2 = scf.for %scan3A_449 = %scan3A_388 to %scan3A_390 step %scan3A_391 iter_args(%scan3A_450 = %broadcast_in_dim3A_382, %scan3A_451 = %broadcast_in_dim3A_382) -> (vector<16xf32>, vector<16xf32>)  : i32 {
        %mul3A_452 = arith.constant 16 : i32
        %mul3A_453 = arith.muli %scan3A_449, %mul3A_452 : i32
        %get3A = arith.index_cast %mul3A_453 : i32 to index
        %get3A_454 = tpu.vector_load %arg19[%get3A] {strides = array<i32>} : memref<1856xi32, #tpu.memory_space<vmem>>, vector<16xi32>,
        %get3A_455 = arith.index_cast %mul3A_453 : i32 to index
        %get3A_456 = tpu.vector_load %arg20[%get3A_455] {strides = array<i32>} : memref<1856xi32, #tpu.memory_space<vmem>>, vector<16xi32>,
        %mul3A_457 = arith.constant 240 : i32
        %mul3A_458 = arith.muli %select_n3A_53, %mul3A_457 : i32
        %mul3A_459 = arith.constant 16 : i32
        %mul3A_460 = arith.muli %scan3A_449, %mul3A_459 : i32
        %add3A_461 = arith.addi %mul3A_458, %mul3A_460 : i32
        %add3A_462 = vector.broadcast %add3A_461 : i32 to vector<16xi32>
        %add3A_463 = arith.addi %add3A_462, %iota3A : vector<16xi32>
        %lt3A_464 = arith.constant 462 : i32
        %lt3A_465 = vector.broadcast %lt3A_464 : i32 to vector<16xi32>
        %lt3A_466 = arith.cmpi slt, %add3A_463, %lt3A_465 : vector<16xi32>
        %gather3A = tpu.vector_load_idx %arg6[%get3A_454] : memref<2496xf32, #tpu.memory_space<vmem>>[vector<16xi32>], vector<16xf32>,
        %gather3A_467 = tpu.vector_load_idx %arg6[%get3A_456] : memref<2496xf32, #tpu.memory_space<vmem>>[vector<16xi32>], vector<16xf32>,
        %sub3A_468 = arith.subf %gather3A, %gather3A_467 : vector<16xf32>
        %gather3A_469 = tpu.vector_load_idx %arg7[%get3A_454] : memref<2496xf32, #tpu.memory_space<vmem>>[vector<16xi32>], vector<16xf32>,
        %gather3A_470 = tpu.vector_load_idx %arg7[%get3A_456] : memref<2496xf32, #tpu.memory_space<vmem>>[vector<16xi32>], vector<16xf32>,
        %sub3A_471 = arith.subf %gather3A_469, %gather3A_470 : vector<16xf32>
        %gather3A_472 = tpu.vector_load_idx %arg8[%get3A_454] : memref<2496xf32, #tpu.memory_space<vmem>>[vector<16xi32>], vector<16xf32>,
        %gather3A_473 = tpu.vector_load_idx %arg8[%get3A_456] : memref<2496xf32, #tpu.memory_space<vmem>>[vector<16xi32>], vector<16xf32>,
        %sub3A_474 = arith.subf %gather3A_472, %gather3A_473 : vector<16xf32>
        %mul3A_475 = arith.mulf %sub3A_468, %sub3A_468 : vector<16xf32>
        %mul3A_476 = arith.mulf %sub3A_471, %sub3A_471 : vector<16xf32>
        %add3A_477 = arith.addf %mul3A_475, %mul3A_476 : vector<16xf32>
        %mul3A_478 = arith.mulf %sub3A_474, %sub3A_474 : vector<16xf32>
        %add3A_479 = arith.addf %add3A_477, %mul3A_478 : vector<16xf32>
        %gather3A_480 = tpu.vector_load_idx %arg18[%get3A_454] : memref<2496xi32, #tpu.memory_space<vmem>>[vector<16xi32>], vector<16xi32>,
        %and3A_481 = arith.constant 2047 : i32
        %and3A_482 = vector.broadcast %and3A_481 : i32 to vector<16xi32>
        %and3A_483 = arith.andi %gather3A_480, %and3A_482 : vector<16xi32>
        %gather3A_484 = tpu.vector_load_idx %arg15[%and3A_483] : memref<2048xf32, #tpu.memory_space<vmem>>[vector<16xi32>], vector<16xf32>,
        %gather3A_485 = tpu.vector_load_idx %arg16[%and3A_483] : memref<2048xf32, #tpu.memory_space<vmem>>[vector<16xi32>], vector<16xf32>,
        %gather3A_486 = tpu.vector_load_idx %arg17[%and3A_483] : memref<2048xf32, #tpu.memory_space<vmem>>[vector<16xi32>], vector<16xf32>,
        %mul3A_487 = arith.mulf %sub3A_468, %gather3A_484 : vector<16xf32>
        %mul3A_488 = arith.mulf %sub3A_471, %gather3A_485 : vector<16xf32>
        %add3A_489 = arith.addf %mul3A_487, %mul3A_488 : vector<16xf32>
        %mul3A_490 = arith.mulf %sub3A_474, %gather3A_486 : vector<16xf32>
        %add3A_491 = arith.addf %add3A_489, %mul3A_490 : vector<16xf32>
        %mul3A_492 = arith.mulf %gather3A_484, %gather3A_484 : vector<16xf32>
        %mul3A_493 = arith.mulf %gather3A_485, %gather3A_485 : vector<16xf32>
        %add3A_494 = arith.addf %mul3A_492, %mul3A_493 : vector<16xf32>
        %mul3A_495 = arith.mulf %gather3A_486, %gather3A_486 : vector<16xf32>
        %add3A_496 = arith.addf %add3A_494, %mul3A_495 : vector<16xf32>
        %abs3A = math.absf %add3A_491 : vector<16xf32>
        %mul3A_497 = arith.mulf %add3A_479, %add3A_496 : vector<16xf32>
        %max3A = arith.constant 1.000000e-24 : f32
        %max3A_498 = vector.broadcast %max3A : f32 to vector<16xf32>
        %max3A_499 = arith.maximumf %mul3A_497, %max3A_498 : vector<16xf32>
        %bitcast3A = vector.bitcast %max3A_499 : vector<16xf32> to vector<16xi32>
        %shift_right_arithmetic3A = arith.constant 1 : i32
        %shift_right_arithmetic3A_500 = vector.broadcast %shift_right_arithmetic3A : i32 to vector<16xi32>
        %shift_right_arithmetic3A_501 = arith.shrsi %bitcast3A, %shift_right_arithmetic3A_500 : vector<16xi32>
        %sub3A_502 = arith.constant 1597463007 : i32
        %sub3A_503 = vector.broadcast %sub3A_502 : i32 to vector<16xi32>
        %sub3A_504 = arith.subi %sub3A_503, %shift_right_arithmetic3A_501 : vector<16xi32>
        %bitcast3A_505 = vector.bitcast %sub3A_504 : vector<16xi32> to vector<16xf32>
        %mul3A_506 = arith.constant 5.000000e-01 : f32
        %mul3A_507 = vector.broadcast %mul3A_506 : f32 to vector<16xf32>
        %mul3A_508 = arith.mulf %mul3A_507, %max3A_499 : vector<16xf32>
        %mul3A_509 = arith.mulf %mul3A_508, %bitcast3A_505 : vector<16xf32>
        %mul3A_510 = arith.mulf %mul3A_509, %bitcast3A_505 : vector<16xf32>
        %sub3A_511 = arith.constant 1.500000e+00 : f32
        %sub3A_512 = vector.broadcast %sub3A_511 : f32 to vector<16xf32>
        %sub3A_513 = arith.subf %sub3A_512, %mul3A_510 : vector<16xf32>
        %mul3A_514 = arith.mulf %bitcast3A_505, %sub3A_513 : vector<16xf32>
        %mul3A_515 = arith.constant 5.000000e-01 : f32
        %mul3A_516 = vector.broadcast %mul3A_515 : f32 to vector<16xf32>
        %mul3A_517 = arith.mulf %mul3A_516, %max3A_499 : vector<16xf32>
        %mul3A_518 = arith.mulf %mul3A_517, %mul3A_514 : vector<16xf32>
        %mul3A_519 = arith.mulf %mul3A_518, %mul3A_514 : vector<16xf32>
        %sub3A_520 = arith.constant 1.500000e+00 : f32
        %sub3A_521 = vector.broadcast %sub3A_520 : f32 to vector<16xf32>
        %sub3A_522 = arith.subf %sub3A_521, %mul3A_519 : vector<16xf32>
        %mul3A_523 = arith.mulf %mul3A_514, %sub3A_522 : vector<16xf32>
        %mul3A_524 = arith.constant 5.000000e-01 : f32
        %mul3A_525 = vector.broadcast %mul3A_524 : f32 to vector<16xf32>
        %mul3A_526 = arith.mulf %mul3A_525, %max3A_499 : vector<16xf32>
        %mul3A_527 = arith.mulf %mul3A_526, %mul3A_523 : vector<16xf32>
        %mul3A_528 = arith.mulf %mul3A_527, %mul3A_523 : vector<16xf32>
        %sub3A_529 = arith.constant 1.500000e+00 : f32
        %sub3A_530 = vector.broadcast %sub3A_529 : f32 to vector<16xf32>
        %sub3A_531 = arith.subf %sub3A_530, %mul3A_528 : vector<16xf32>
        %mul3A_532 = arith.mulf %mul3A_523, %sub3A_531 : vector<16xf32>
        %mul3A_533 = arith.constant 5.000000e-01 : f32
        %mul3A_534 = vector.broadcast %mul3A_533 : f32 to vector<16xf32>
        %mul3A_535 = arith.mulf %mul3A_534, %max3A_499 : vector<16xf32>
        %mul3A_536 = arith.mulf %mul3A_535, %mul3A_532 : vector<16xf32>
        %mul3A_537 = arith.mulf %mul3A_536, %mul3A_532 : vector<16xf32>
        %sub3A_538 = arith.constant 1.500000e+00 : f32
        %sub3A_539 = vector.broadcast %sub3A_538 : f32 to vector<16xf32>
        %sub3A_540 = arith.subf %sub3A_539, %mul3A_537 : vector<16xf32>
        %mul3A_541 = arith.mulf %mul3A_532, %sub3A_540 : vector<16xf32>
        %mul3A_542 = arith.mulf %abs3A, %mul3A_541 : vector<16xf32>
        %jit3A_543 = arith.constant 0.000000e+00 : f32
        %broadcast_in_dim3A_544 = vector.broadcast %jit3A_543 : f32 to vector<16xf32>
        %select_n3A_545 = arith.select %lt3A_466, %add3A_479, %broadcast_in_dim3A_544 : vector<16xi1>, vector<16xf32>
        %add3A_546 = arith.addf %scan3A_450, %select_n3A_545 : vector<16xf32>
        %jit3A_547 = arith.constant 0.000000e+00 : f32
        %broadcast_in_dim3A_548 = vector.broadcast %jit3A_547 : f32 to vector<16xf32>
        %select_n3A_549 = arith.select %lt3A_466, %mul3A_542, %broadcast_in_dim3A_548 : vector<16xi1>, vector<16xf32>
        %add3A_550 = arith.addf %scan3A_451, %select_n3A_549 : vector<16xf32>
        scf.yield %add3A_546, %add3A_550 : vector<16xf32>, vector<16xf32>
      }
      %scan3A_393 = arith.constant 15 : i32
      %scan3A_394 = arith.constant 0 : i32
      %scan3A_395 = arith.constant 5 : i32
      %scan3A_396 = arith.addi %scan3A_394, %scan3A_395 : i32
      %scan3A_397 = arith.constant 1 : i32
      %scan3A_398:2 = scf.for %scan3A_449 = %scan3A_394 to %scan3A_396 step %scan3A_397 iter_args(%scan3A_450 = %broadcast_in_dim3A_382, %scan3A_451 = %broadcast_in_dim3A_382) -> (vector<16xf32>, vector<16xf32>)  : i32 {
        %mul3A_452 = arith.constant 80 : i32
        %mul3A_453 = arith.muli %select_n3A_53, %mul3A_452 : i32
        %mul3A_454 = arith.constant 16 : i32
        %mul3A_455 = arith.muli %scan3A_449, %mul3A_454 : i32
        %add3A_456 = arith.addi %mul3A_453, %mul3A_455 : i32
        %add3A_457 = vector.broadcast %add3A_456 : i32 to vector<16xi32>
        %add3A_458 = arith.addi %add3A_457, %iota3A : vector<16xi32>
        %lt3A_459 = arith.constant 156 : i32
        %lt3A_460 = vector.broadcast %lt3A_459 : i32 to vector<16xi32>
        %lt3A_461 = arith.cmpi slt, %add3A_458, %lt3A_460 : vector<16xi32>
        %get3A = arith.index_cast %add3A_456 : i32 to index
        %get3A_462 = tpu.vector_load %arg12[%get3A] {strides = array<i32>} : memref<2496xf32, #tpu.memory_space<vmem>>, vector<16xf32>,
        %get3A_463 = arith.index_cast %add3A_456 : i32 to index
        %get3A_464 = tpu.vector_load %arg13[%get3A_463] {strides = array<i32>} : memref<2496xf32, #tpu.memory_space<vmem>>, vector<16xf32>,
        %get3A_465 = arith.index_cast %add3A_456 : i32 to index
        %get3A_466 = tpu.vector_load %arg14[%get3A_465] {strides = array<i32>} : memref<2496xf32, #tpu.memory_space<vmem>>, vector<16xf32>,
        %mul3A_467 = arith.constant 16 : i32
        %mul3A_468 = arith.muli %scan3A_449, %mul3A_467 : i32
        %get3A_469 = arith.index_cast %mul3A_468 : i32 to index
        %get3A_470 = tpu.vector_load %arg22[%get3A_469] {strides = array<i32>} : memref<624xi32, #tpu.memory_space<vmem>>, vector<16xi32>,
        %convert_element_type3A_471 = arith.sitofp %get3A_470 : vector<16xi32> to vector<16xf32>
        %mul3A_472 = arith.constant 16 : i32
        %mul3A_473 = arith.muli %scan3A_449, %mul3A_472 : i32
        %add3A_474 = arith.constant 0 : i32
        %add3A_475 = arith.addi %add3A_474, %mul3A_473 : i32
        %get3A_476 = arith.index_cast %add3A_475 : i32 to index
        %get3A_477 = tpu.vector_load %arg21[%get3A_476] {strides = array<i32>} : memref<4992xi32, #tpu.memory_space<vmem>>, vector<16xi32>,
        %ge3A_478 = arith.constant 0 : i32
        %ge3A_479 = vector.broadcast %ge3A_478 : i32 to vector<16xi32>
        %ge3A_480 = arith.cmpi sge, %get3A_477, %ge3A_479 : vector<16xi32>
        %jit3A_481 = arith.constant 0 : i32
        %broadcast_in_dim3A_482 = vector.broadcast %jit3A_481 : i32 to vector<16xi32>
        %select_n3A_483 = arith.select %ge3A_480, %get3A_477, %broadcast_in_dim3A_482 : vector<16xi1>, vector<16xi32>
        %gather3A = tpu.vector_load_idx %arg12[%select_n3A_483] : memref<2496xf32, #tpu.memory_space<vmem>>[vector<16xi32>], vector<16xf32>,
        %jit3A_484 = arith.constant 0.000000e+00 : f32
        %broadcast_in_dim3A_485 = vector.broadcast %jit3A_484 : f32 to vector<16xf32>
        %select_n3A_486 = arith.select %ge3A_480, %gather3A, %broadcast_in_dim3A_485 : vector<16xi1>, vector<16xf32>
        %add3A_487 = arith.addf %broadcast_in_dim3A_382, %select_n3A_486 : vector<16xf32>
        %gather3A_488 = tpu.vector_load_idx %arg13[%select_n3A_483] : memref<2496xf32, #tpu.memory_space<vmem>>[vector<16xi32>], vector<16xf32>,
        %jit3A_489 = arith.constant 0.000000e+00 : f32
        %broadcast_in_dim3A_490 = vector.broadcast %jit3A_489 : f32 to vector<16xf32>
        %select_n3A_491 = arith.select %ge3A_480, %gather3A_488, %broadcast_in_dim3A_490 : vector<16xi1>, vector<16xf32>
        %add3A_492 = arith.addf %broadcast_in_dim3A_382, %select_n3A_491 : vector<16xf32>
        %gather3A_493 = tpu.vector_load_idx %arg14[%select_n3A_483] : memref<2496xf32, #tpu.memory_space<vmem>>[vector<16xi32>], vector<16xf32>,
        %jit3A_494 = arith.constant 0.000000e+00 : f32
        %broadcast_in_dim3A_495 = vector.broadcast %jit3A_494 : f32 to vector<16xf32>
        %select_n3A_496 = arith.select %ge3A_480, %gather3A_493, %broadcast_in_dim3A_495 : vector<16xi1>, vector<16xf32>
        %add3A_497 = arith.addf %broadcast_in_dim3A_382, %select_n3A_496 : vector<16xf32>
        %mul3A_498 = arith.constant 16 : i32
        %mul3A_499 = arith.muli %scan3A_449, %mul3A_498 : i32
        %add3A_500 = arith.constant 624 : i32
        %add3A_501 = arith.addi %add3A_500, %mul3A_499 : i32
        %get3A_502 = arith.index_cast %add3A_501 : i32 to index
        %get3A_503 = tpu.vector_load %arg21[%get3A_502] {strides = array<i32>} : memref<4992xi32, #tpu.memory_space<vmem>>, vector<16xi32>,
        %ge3A_504 = arith.constant 0 : i32
        %ge3A_505 = vector.broadcast %ge3A_504 : i32 to vector<16xi32>
        %ge3A_506 = arith.cmpi sge, %get3A_503, %ge3A_505 : vector<16xi32>
        %jit3A_507 = arith.constant 0 : i32
        %broadcast_in_dim3A_508 = vector.broadcast %jit3A_507 : i32 to vector<16xi32>
        %select_n3A_509 = arith.select %ge3A_506, %get3A_503, %broadcast_in_dim3A_508 : vector<16xi1>, vector<16xi32>
        %gather3A_510 = tpu.vector_load_idx %arg12[%select_n3A_509] : memref<2496xf32, #tpu.memory_space<vmem>>[vector<16xi32>], vector<16xf32>,
        %jit3A_511 = arith.constant 0.000000e+00 : f32
        %broadcast_in_dim3A_512 = vector.broadcast %jit3A_511 : f32 to vector<16xf32>
        %select_n3A_513 = arith.select %ge3A_506, %gather3A_510, %broadcast_in_dim3A_512 : vector<16xi1>, vector<16xf32>
        %add3A_514 = arith.addf %add3A_487, %select_n3A_513 : vector<16xf32>
        %gather3A_515 = tpu.vector_load_idx %arg13[%select_n3A_509] : memref<2496xf32, #tpu.memory_space<vmem>>[vector<16xi32>], vector<16xf32>,
        %jit3A_516 = arith.constant 0.000000e+00 : f32
        %broadcast_in_dim3A_517 = vector.broadcast %jit3A_516 : f32 to vector<16xf32>
        %select_n3A_518 = arith.select %ge3A_506, %gather3A_515, %broadcast_in_dim3A_517 : vector<16xi1>, vector<16xf32>
        %add3A_519 = arith.addf %add3A_492, %select_n3A_518 : vector<16xf32>
        %gather3A_520 = tpu.vector_load_idx %arg14[%select_n3A_509] : memref<2496xf32, #tpu.memory_space<vmem>>[vector<16xi32>], vector<16xf32>,
        %jit3A_521 = arith.constant 0.000000e+00 : f32
        %broadcast_in_dim3A_522 = vector.broadcast %jit3A_521 : f32 to vector<16xf32>
        %select_n3A_523 = arith.select %ge3A_506, %gather3A_520, %broadcast_in_dim3A_522 : vector<16xi1>, vector<16xf32>
        %add3A_524 = arith.addf %add3A_497, %select_n3A_523 : vector<16xf32>
        %mul3A_525 = arith.constant 16 : i32
        %mul3A_526 = arith.muli %scan3A_449, %mul3A_525 : i32
        %add3A_527 = arith.constant 1248 : i32
        %add3A_528 = arith.addi %add3A_527, %mul3A_526 : i32
        %get3A_529 = arith.index_cast %add3A_528 : i32 to index
        %get3A_530 = tpu.vector_load %arg21[%get3A_529] {strides = array<i32>} : memref<4992xi32, #tpu.memory_space<vmem>>, vector<16xi32>,
        %ge3A_531 = arith.constant 0 : i32
        %ge3A_532 = vector.broadcast %ge3A_531 : i32 to vector<16xi32>
        %ge3A_533 = arith.cmpi sge, %get3A_530, %ge3A_532 : vector<16xi32>
        %jit3A_534 = arith.constant 0 : i32
        %broadcast_in_dim3A_535 = vector.broadcast %jit3A_534 : i32 to vector<16xi32>
        %select_n3A_536 = arith.select %ge3A_533, %get3A_530, %broadcast_in_dim3A_535 : vector<16xi1>, vector<16xi32>
        %gather3A_537 = tpu.vector_load_idx %arg12[%select_n3A_536] : memref<2496xf32, #tpu.memory_space<vmem>>[vector<16xi32>], vector<16xf32>,
        %jit3A_538 = arith.constant 0.000000e+00 : f32
        %broadcast_in_dim3A_539 = vector.broadcast %jit3A_538 : f32 to vector<16xf32>
        %select_n3A_540 = arith.select %ge3A_533, %gather3A_537, %broadcast_in_dim3A_539 : vector<16xi1>, vector<16xf32>
        %add3A_541 = arith.addf %add3A_514, %select_n3A_540 : vector<16xf32>
        %gather3A_542 = tpu.vector_load_idx %arg13[%select_n3A_536] : memref<2496xf32, #tpu.memory_space<vmem>>[vector<16xi32>], vector<16xf32>,
        %jit3A_543 = arith.constant 0.000000e+00 : f32
        %broadcast_in_dim3A_544 = vector.broadcast %jit3A_543 : f32 to vector<16xf32>
        %select_n3A_545 = arith.select %ge3A_533, %gather3A_542, %broadcast_in_dim3A_544 : vector<16xi1>, vector<16xf32>
        %add3A_546 = arith.addf %add3A_519, %select_n3A_545 : vector<16xf32>
        %gather3A_547 = tpu.vector_load_idx %arg14[%select_n3A_536] : memref<2496xf32, #tpu.memory_space<vmem>>[vector<16xi32>], vector<16xf32>,
        %jit3A_548 = arith.constant 0.000000e+00 : f32
        %broadcast_in_dim3A_549 = vector.broadcast %jit3A_548 : f32 to vector<16xf32>
        %select_n3A_550 = arith.select %ge3A_533, %gather3A_547, %broadcast_in_dim3A_549 : vector<16xi1>, vector<16xf32>
        %add3A_551 = arith.addf %add3A_524, %select_n3A_550 : vector<16xf32>
        %mul3A_552 = arith.constant 16 : i32
        %mul3A_553 = arith.muli %scan3A_449, %mul3A_552 : i32
        %add3A_554 = arith.constant 1872 : i32
        %add3A_555 = arith.addi %add3A_554, %mul3A_553 : i32
        %get3A_556 = arith.index_cast %add3A_555 : i32 to index
        %get3A_557 = tpu.vector_load %arg21[%get3A_556] {strides = array<i32>} : memref<4992xi32, #tpu.memory_space<vmem>>, vector<16xi32>,
        %ge3A_558 = arith.constant 0 : i32
        %ge3A_559 = vector.broadcast %ge3A_558 : i32 to vector<16xi32>
        %ge3A_560 = arith.cmpi sge, %get3A_557, %ge3A_559 : vector<16xi32>
        %jit3A_561 = arith.constant 0 : i32
        %broadcast_in_dim3A_562 = vector.broadcast %jit3A_561 : i32 to vector<16xi32>
        %select_n3A_563 = arith.select %ge3A_560, %get3A_557, %broadcast_in_dim3A_562 : vector<16xi1>, vector<16xi32>
        %gather3A_564 = tpu.vector_load_idx %arg12[%select_n3A_563] : memref<2496xf32, #tpu.memory_space<vmem>>[vector<16xi32>], vector<16xf32>,
        %jit3A_565 = arith.constant 0.000000e+00 : f32
        %broadcast_in_dim3A_566 = vector.broadcast %jit3A_565 : f32 to vector<16xf32>
        %select_n3A_567 = arith.select %ge3A_560, %gather3A_564, %broadcast_in_dim3A_566 : vector<16xi1>, vector<16xf32>
        %add3A_568 = arith.addf %add3A_541, %select_n3A_567 : vector<16xf32>
        %gather3A_569 = tpu.vector_load_idx %arg13[%select_n3A_563] : memref<2496xf32, #tpu.memory_space<vmem>>[vector<16xi32>], vector<16xf32>,
        %jit3A_570 = arith.constant 0.000000e+00 : f32
        %broadcast_in_dim3A_571 = vector.broadcast %jit3A_570 : f32 to vector<16xf32>
        %select_n3A_572 = arith.select %ge3A_560, %gather3A_569, %broadcast_in_dim3A_571 : vector<16xi1>, vector<16xf32>
        %add3A_573 = arith.addf %add3A_546, %select_n3A_572 : vector<16xf32>
        %gather3A_574 = tpu.vector_load_idx %arg14[%select_n3A_563] : memref<2496xf32, #tpu.memory_space<vmem>>[vector<16xi32>], vector<16xf32>,
        %jit3A_575 = arith.constant 0.000000e+00 : f32
        %broadcast_in_dim3A_576 = vector.broadcast %jit3A_575 : f32 to vector<16xf32>
        %select_n3A_577 = arith.select %ge3A_560, %gather3A_574, %broadcast_in_dim3A_576 : vector<16xi1>, vector<16xf32>
        %add3A_578 = arith.addf %add3A_551, %select_n3A_577 : vector<16xf32>
        %mul3A_579 = arith.constant 16 : i32
        %mul3A_580 = arith.muli %scan3A_449, %mul3A_579 : i32
        %add3A_581 = arith.constant 2496 : i32
        %add3A_582 = arith.addi %add3A_581, %mul3A_580 : i32
        %get3A_583 = arith.index_cast %add3A_582 : i32 to index
        %get3A_584 = tpu.vector_load %arg21[%get3A_583] {strides = array<i32>} : memref<4992xi32, #tpu.memory_space<vmem>>, vector<16xi32>,
        %ge3A_585 = arith.constant 0 : i32
        %ge3A_586 = vector.broadcast %ge3A_585 : i32 to vector<16xi32>
        %ge3A_587 = arith.cmpi sge, %get3A_584, %ge3A_586 : vector<16xi32>
        %jit3A_588 = arith.constant 0 : i32
        %broadcast_in_dim3A_589 = vector.broadcast %jit3A_588 : i32 to vector<16xi32>
        %select_n3A_590 = arith.select %ge3A_587, %get3A_584, %broadcast_in_dim3A_589 : vector<16xi1>, vector<16xi32>
        %gather3A_591 = tpu.vector_load_idx %arg12[%select_n3A_590] : memref<2496xf32, #tpu.memory_space<vmem>>[vector<16xi32>], vector<16xf32>,
        %jit3A_592 = arith.constant 0.000000e+00 : f32
        %broadcast_in_dim3A_593 = vector.broadcast %jit3A_592 : f32 to vector<16xf32>
        %select_n3A_594 = arith.select %ge3A_587, %gather3A_591, %broadcast_in_dim3A_593 : vector<16xi1>, vector<16xf32>
        %add3A_595 = arith.addf %add3A_568, %select_n3A_594 : vector<16xf32>
        %gather3A_596 = tpu.vector_load_idx %arg13[%select_n3A_590] : memref<2496xf32, #tpu.memory_space<vmem>>[vector<16xi32>], vector<16xf32>,
        %jit3A_597 = arith.constant 0.000000e+00 : f32
        %broadcast_in_dim3A_598 = vector.broadcast %jit3A_597 : f32 to vector<16xf32>
        %select_n3A_599 = arith.select %ge3A_587, %gather3A_596, %broadcast_in_dim3A_598 : vector<16xi1>, vector<16xf32>
        %add3A_600 = arith.addf %add3A_573, %select_n3A_599 : vector<16xf32>
        %gather3A_601 = tpu.vector_load_idx %arg14[%select_n3A_590] : memref<2496xf32, #tpu.memory_space<vmem>>[vector<16xi32>], vector<16xf32>,
        %jit3A_602 = arith.constant 0.000000e+00 : f32
        %broadcast_in_dim3A_603 = vector.broadcast %jit3A_602 : f32 to vector<16xf32>
        %select_n3A_604 = arith.select %ge3A_587, %gather3A_601, %broadcast_in_dim3A_603 : vector<16xi1>, vector<16xf32>
        %add3A_605 = arith.addf %add3A_578, %select_n3A_604 : vector<16xf32>
        %mul3A_606 = arith.constant 16 : i32
        %mul3A_607 = arith.muli %scan3A_449, %mul3A_606 : i32
        %add3A_608 = arith.constant 3120 : i32
        %add3A_609 = arith.addi %add3A_608, %mul3A_607 : i32
        %get3A_610 = arith.index_cast %add3A_609 : i32 to index
        %get3A_611 = tpu.vector_load %arg21[%get3A_610] {strides = array<i32>} : memref<4992xi32, #tpu.memory_space<vmem>>, vector<16xi32>,
        %ge3A_612 = arith.constant 0 : i32
        %ge3A_613 = vector.broadcast %ge3A_612 : i32 to vector<16xi32>
        %ge3A_614 = arith.cmpi sge, %get3A_611, %ge3A_613 : vector<16xi32>
        %jit3A_615 = arith.constant 0 : i32
        %broadcast_in_dim3A_616 = vector.broadcast %jit3A_615 : i32 to vector<16xi32>
        %select_n3A_617 = arith.select %ge3A_614, %get3A_611, %broadcast_in_dim3A_616 : vector<16xi1>, vector<16xi32>
        %gather3A_618 = tpu.vector_load_idx %arg12[%select_n3A_617] : memref<2496xf32, #tpu.memory_space<vmem>>[vector<16xi32>], vector<16xf32>,
        %jit3A_619 = arith.constant 0.000000e+00 : f32
        %broadcast_in_dim3A_620 = vector.broadcast %jit3A_619 : f32 to vector<16xf32>
        %select_n3A_621 = arith.select %ge3A_614, %gather3A_618, %broadcast_in_dim3A_620 : vector<16xi1>, vector<16xf32>
        %add3A_622 = arith.addf %add3A_595, %select_n3A_621 : vector<16xf32>
        %gather3A_623 = tpu.vector_load_idx %arg13[%select_n3A_617] : memref<2496xf32, #tpu.memory_space<vmem>>[vector<16xi32>], vector<16xf32>,
        %jit3A_624 = arith.constant 0.000000e+00 : f32
        %broadcast_in_dim3A_625 = vector.broadcast %jit3A_624 : f32 to vector<16xf32>
        %select_n3A_626 = arith.select %ge3A_614, %gather3A_623, %broadcast_in_dim3A_625 : vector<16xi1>, vector<16xf32>
        %add3A_627 = arith.addf %add3A_600, %select_n3A_626 : vector<16xf32>
        %gather3A_628 = tpu.vector_load_idx %arg14[%select_n3A_617] : memref<2496xf32, #tpu.memory_space<vmem>>[vector<16xi32>], vector<16xf32>,
        %jit3A_629 = arith.constant 0.000000e+00 : f32
        %broadcast_in_dim3A_630 = vector.broadcast %jit3A_629 : f32 to vector<16xf32>
        %select_n3A_631 = arith.select %ge3A_614, %gather3A_628, %broadcast_in_dim3A_630 : vector<16xi1>, vector<16xf32>
        %add3A_632 = arith.addf %add3A_605, %select_n3A_631 : vector<16xf32>
        %mul3A_633 = arith.constant 16 : i32
        %mul3A_634 = arith.muli %scan3A_449, %mul3A_633 : i32
        %add3A_635 = arith.constant 3744 : i32
        %add3A_636 = arith.addi %add3A_635, %mul3A_634 : i32
        %get3A_637 = arith.index_cast %add3A_636 : i32 to index
        %get3A_638 = tpu.vector_load %arg21[%get3A_637] {strides = array<i32>} : memref<4992xi32, #tpu.memory_space<vmem>>, vector<16xi32>,
        %ge3A_639 = arith.constant 0 : i32
        %ge3A_640 = vector.broadcast %ge3A_639 : i32 to vector<16xi32>
        %ge3A_641 = arith.cmpi sge, %get3A_638, %ge3A_640 : vector<16xi32>
        %jit3A_642 = arith.constant 0 : i32
        %broadcast_in_dim3A_643 = vector.broadcast %jit3A_642 : i32 to vector<16xi32>
        %select_n3A_644 = arith.select %ge3A_641, %get3A_638, %broadcast_in_dim3A_643 : vector<16xi1>, vector<16xi32>
        %gather3A_645 = tpu.vector_load_idx %arg12[%select_n3A_644] : memref<2496xf32, #tpu.memory_space<vmem>>[vector<16xi32>], vector<16xf32>,
        %jit3A_646 = arith.constant 0.000000e+00 : f32
        %broadcast_in_dim3A_647 = vector.broadcast %jit3A_646 : f32 to vector<16xf32>
        %select_n3A_648 = arith.select %ge3A_641, %gather3A_645, %broadcast_in_dim3A_647 : vector<16xi1>, vector<16xf32>
        %add3A_649 = arith.addf %add3A_622, %select_n3A_648 : vector<16xf32>
        %gather3A_650 = tpu.vector_load_idx %arg13[%select_n3A_644] : memref<2496xf32, #tpu.memory_space<vmem>>[vector<16xi32>], vector<16xf32>,
        %jit3A_651 = arith.constant 0.000000e+00 : f32
        %broadcast_in_dim3A_652 = vector.broadcast %jit3A_651 : f32 to vector<16xf32>
        %select_n3A_653 = arith.select %ge3A_641, %gather3A_650, %broadcast_in_dim3A_652 : vector<16xi1>, vector<16xf32>
        %add3A_654 = arith.addf %add3A_627, %select_n3A_653 : vector<16xf32>
        %gather3A_655 = tpu.vector_load_idx %arg14[%select_n3A_644] : memref<2496xf32, #tpu.memory_space<vmem>>[vector<16xi32>], vector<16xf32>,
        %jit3A_656 = arith.constant 0.000000e+00 : f32
        %broadcast_in_dim3A_657 = vector.broadcast %jit3A_656 : f32 to vector<16xf32>
        %select_n3A_658 = arith.select %ge3A_641, %gather3A_655, %broadcast_in_dim3A_657 : vector<16xi1>, vector<16xf32>
        %add3A_659 = arith.addf %add3A_632, %select_n3A_658 : vector<16xf32>
        %mul3A_660 = arith.constant 16 : i32
        %mul3A_661 = arith.muli %scan3A_449, %mul3A_660 : i32
        %add3A_662 = arith.constant 4368 : i32
        %add3A_663 = arith.addi %add3A_662, %mul3A_661 : i32
        %get3A_664 = arith.index_cast %add3A_663 : i32 to index
        %get3A_665 = tpu.vector_load %arg21[%get3A_664] {strides = array<i32>} : memref<4992xi32, #tpu.memory_space<vmem>>, vector<16xi32>,
        %ge3A_666 = arith.constant 0 : i32
        %ge3A_667 = vector.broadcast %ge3A_666 : i32 to vector<16xi32>
        %ge3A_668 = arith.cmpi sge, %get3A_665, %ge3A_667 : vector<16xi32>
        %jit3A_669 = arith.constant 0 : i32
        %broadcast_in_dim3A_670 = vector.broadcast %jit3A_669 : i32 to vector<16xi32>
        %select_n3A_671 = arith.select %ge3A_668, %get3A_665, %broadcast_in_dim3A_670 : vector<16xi1>, vector<16xi32>
        %gather3A_672 = tpu.vector_load_idx %arg12[%select_n3A_671] : memref<2496xf32, #tpu.memory_space<vmem>>[vector<16xi32>], vector<16xf32>,
        %jit3A_673 = arith.constant 0.000000e+00 : f32
        %broadcast_in_dim3A_674 = vector.broadcast %jit3A_673 : f32 to vector<16xf32>
        %select_n3A_675 = arith.select %ge3A_668, %gather3A_672, %broadcast_in_dim3A_674 : vector<16xi1>, vector<16xf32>
        %add3A_676 = arith.addf %add3A_649, %select_n3A_675 : vector<16xf32>
        %gather3A_677 = tpu.vector_load_idx %arg13[%select_n3A_671] : memref<2496xf32, #tpu.memory_space<vmem>>[vector<16xi32>], vector<16xf32>,
        %jit3A_678 = arith.constant 0.000000e+00 : f32
        %broadcast_in_dim3A_679 = vector.broadcast %jit3A_678 : f32 to vector<16xf32>
        %select_n3A_680 = arith.select %ge3A_668, %gather3A_677, %broadcast_in_dim3A_679 : vector<16xi1>, vector<16xf32>
        %add3A_681 = arith.addf %add3A_654, %select_n3A_680 : vector<16xf32>
        %gather3A_682 = tpu.vector_load_idx %arg14[%select_n3A_671] : memref<2496xf32, #tpu.memory_space<vmem>>[vector<16xi32>], vector<16xf32>,
        %jit3A_683 = arith.constant 0.000000e+00 : f32
        %broadcast_in_dim3A_684 = vector.broadcast %jit3A_683 : f32 to vector<16xf32>
        %select_n3A_685 = arith.select %ge3A_668, %gather3A_682, %broadcast_in_dim3A_684 : vector<16xi1>, vector<16xf32>
        %add3A_686 = arith.addf %add3A_659, %select_n3A_685 : vector<16xf32>
        %div3A_687 = arith.divf %add3A_676, %convert_element_type3A_471 : vector<16xf32>
        %sub3A_688 = arith.subf %get3A_462, %div3A_687 : vector<16xf32>
        %div3A_689 = arith.divf %add3A_681, %convert_element_type3A_471 : vector<16xf32>
        %sub3A_690 = arith.subf %get3A_464, %div3A_689 : vector<16xf32>
        %div3A_691 = arith.divf %add3A_686, %convert_element_type3A_471 : vector<16xf32>
        %sub3A_692 = arith.subf %get3A_466, %div3A_691 : vector<16xf32>
        %mul3A_693 = arith.mulf %sub3A_688, %sub3A_688 : vector<16xf32>
        %mul3A_694 = arith.mulf %sub3A_690, %sub3A_690 : vector<16xf32>
        %add3A_695 = arith.addf %mul3A_693, %mul3A_694 : vector<16xf32>
        %mul3A_696 = arith.mulf %sub3A_692, %sub3A_692 : vector<16xf32>
        %add3A_697 = arith.addf %add3A_695, %mul3A_696 : vector<16xf32>
        %jit3A_698 = arith.constant 0.000000e+00 : f32
        %broadcast_in_dim3A_699 = vector.broadcast %jit3A_698 : f32 to vector<16xf32>
        %select_n3A_700 = arith.select %lt3A_461, %add3A_697, %broadcast_in_dim3A_699 : vector<16xi1>, vector<16xf32>
        %add3A_701 = arith.addf %scan3A_450, %select_n3A_700 : vector<16xf32>
        %mul3A_702 = arith.mulf %get3A_462, %get3A_462 : vector<16xf32>
        %mul3A_703 = arith.mulf %get3A_464, %get3A_464 : vector<16xf32>
        %add3A_704 = arith.addf %mul3A_702, %mul3A_703 : vector<16xf32>
        %mul3A_705 = arith.mulf %get3A_466, %get3A_466 : vector<16xf32>
        %add3A_706 = arith.addf %add3A_704, %mul3A_705 : vector<16xf32>
        %jit3A_707 = arith.constant 0.000000e+00 : f32
        %broadcast_in_dim3A_708 = vector.broadcast %jit3A_707 : f32 to vector<16xf32>
        %select_n3A_709 = arith.select %lt3A_461, %add3A_706, %broadcast_in_dim3A_708 : vector<16xi1>, vector<16xf32>
        %add3A_710 = arith.addf %scan3A_451, %select_n3A_709 : vector<16xf32>
        scf.yield %add3A_701, %add3A_710 : vector<16xf32>, vector<16xf32>
      }
      %scan3A_399 = arith.constant 5 : i32
      %eq3A_400 = arith.constant 0 : i32
      %eq3A_401 = vector.broadcast %eq3A_400 : i32 to vector<16xi32>
      %eq3A_402 = arith.cmpi eq, %iota3A, %eq3A_401 : vector<16xi32>
      %reduce_sum3A = arith.constant true
      %reduce_sum3A_403 = vector.broadcast %reduce_sum3A : i1 to vector<16xi1>
      %reduce_sum3A_404 = tpu.scan <sum>, %scan3A_392#0 masked %reduce_sum3A_403 : vector<16xf32>, vector<16xi1> -> vector<16xf32>
      %reduce_sum3A_405 = vector.extract %reduce_sum3A_404[15] : f32 from vector<16xf32>
      %jit3A_406 = arith.constant 0.000000e+00 : f32
      %broadcast_in_dim3A_407 = vector.broadcast %reduce_sum3A_405 : f32 to vector<16xf32>
      %broadcast_in_dim3A_408 = vector.broadcast %jit3A_406 : f32 to vector<16xf32>
      %select_n3A_409 = arith.select %eq3A_402, %broadcast_in_dim3A_407, %broadcast_in_dim3A_408 : vector<16xi1>, vector<16xf32>
      %eq3A_410 = arith.constant 3 : i32
      %eq3A_411 = vector.broadcast %eq3A_410 : i32 to vector<16xi32>
      %eq3A_412 = arith.cmpi eq, %iota3A, %eq3A_411 : vector<16xi32>
      %reduce_sum3A_413 = arith.constant true
      %reduce_sum3A_414 = vector.broadcast %reduce_sum3A_413 : i1 to vector<16xi1>
      %reduce_sum3A_415 = tpu.scan <sum>, %scan3A_392#1 masked %reduce_sum3A_414 : vector<16xf32>, vector<16xi1> -> vector<16xf32>
      %reduce_sum3A_416 = vector.extract %reduce_sum3A_415[15] : f32 from vector<16xf32>
      %jit3A_417 = arith.constant 0.000000e+00 : f32
      %broadcast_in_dim3A_418 = vector.broadcast %reduce_sum3A_416 : f32 to vector<16xf32>
      %broadcast_in_dim3A_419 = vector.broadcast %jit3A_417 : f32 to vector<16xf32>
      %select_n3A_420 = arith.select %eq3A_412, %broadcast_in_dim3A_418, %broadcast_in_dim3A_419 : vector<16xi1>, vector<16xf32>
      %add3A_421 = arith.addf %select_n3A_409, %select_n3A_420 : vector<16xf32>
      %eq3A_422 = arith.constant 6 : i32
      %eq3A_423 = vector.broadcast %eq3A_422 : i32 to vector<16xi32>
      %eq3A_424 = arith.cmpi eq, %iota3A, %eq3A_423 : vector<16xi32>
      %reduce_sum3A_425 = arith.constant true
      %reduce_sum3A_426 = vector.broadcast %reduce_sum3A_425 : i1 to vector<16xi1>
      %reduce_sum3A_427 = tpu.scan <sum>, %scan3A_398#0 masked %reduce_sum3A_426 : vector<16xf32>, vector<16xi1> -> vector<16xf32>
      %reduce_sum3A_428 = vector.extract %reduce_sum3A_427[15] : f32 from vector<16xf32>
      %jit3A_429 = arith.constant 0.000000e+00 : f32
      %broadcast_in_dim3A_430 = vector.broadcast %reduce_sum3A_428 : f32 to vector<16xf32>
      %broadcast_in_dim3A_431 = vector.broadcast %jit3A_429 : f32 to vector<16xf32>
      %select_n3A_432 = arith.select %eq3A_424, %broadcast_in_dim3A_430, %broadcast_in_dim3A_431 : vector<16xi1>, vector<16xf32>
      %add3A_433 = arith.addf %add3A_421, %select_n3A_432 : vector<16xf32>
      %eq3A_434 = arith.constant 9 : i32
      %eq3A_435 = vector.broadcast %eq3A_434 : i32 to vector<16xi32>
      %eq3A_436 = arith.cmpi eq, %iota3A, %eq3A_435 : vector<16xi32>
      %reduce_sum3A_437 = arith.constant true
      %reduce_sum3A_438 = vector.broadcast %reduce_sum3A_437 : i1 to vector<16xi1>
      %reduce_sum3A_439 = tpu.scan <sum>, %scan3A_398#1 masked %reduce_sum3A_438 : vector<16xf32>, vector<16xi1> -> vector<16xf32>
      %reduce_sum3A_440 = vector.extract %reduce_sum3A_439[15] : f32 from vector<16xf32>
      %jit3A_441 = arith.constant 0.000000e+00 : f32
      %broadcast_in_dim3A_442 = vector.broadcast %reduce_sum3A_440 : f32 to vector<16xf32>
      %broadcast_in_dim3A_443 = vector.broadcast %jit3A_441 : f32 to vector<16xf32>
      %select_n3A_444 = arith.select %eq3A_436, %broadcast_in_dim3A_442, %broadcast_in_dim3A_443 : vector<16xi1>, vector<16xf32>
      %add3A_445 = arith.addf %add3A_433, %select_n3A_444 : vector<16xf32>
      %swap3A = arith.constant 0 : index
      %swap3A_446 = tpu.vector_load %arg23[%swap3A] {strides = array<i32>} : memref<16xf32, #tpu.memory_space<vmem>>, vector<16xf32>,
      tpu.vector_store %arg23[%swap3A], %add3A_445 {strides = array<i32>} : memref<16xf32, #tpu.memory_space<vmem>>, vector<16xf32>,
      %mul3A_447 = arith.constant 16 : i32
      %mul3A_448 = arith.muli %add3A, %mul3A_447 : i32
      "tpu.region"() ({
        %run_scoped3A = tpu.sem_alloc : memref<!tpu.dma_semaphore, #tpu.memory_space<semaphore_mem>>
        %dma_start3A_449 = tpu.memref_slice %arg5[%mul3A_448] : memref<512xf32, #tpu.memory_space<hbm>> -> memref<16xf32, #tpu.memory_space<hbm>>
        %dma_start3A_450 = tpu.memref_slice %arg5[%mul3A_448] : memref<512xf32, #tpu.memory_space<hbm>> -> memref<16xf32, #tpu.memory_space<hbm>>
        tpu.enqueue_dma source(%arg23 : memref<16xf32, #tpu.memory_space<vmem>>) target(%dma_start3A_450 : memref<16xf32, #tpu.memory_space<hbm>>) target_semaphore(%run_scoped3A : memref<!tpu.dma_semaphore, #tpu.memory_space<semaphore_mem>>)
        %dma_wait3A_451 = tpu.memref_slice %arg5[%mul3A_448] : memref<512xf32, #tpu.memory_space<hbm>> -> memref<16xf32, #tpu.memory_space<hbm>>
        %dma_wait3A_452 = tpu.memref_slice %arg5[%mul3A_448] : memref<512xf32, #tpu.memory_space<hbm>> -> memref<16xf32, #tpu.memory_space<hbm>>
        tpu.wait_dma2 semaphore(%run_scoped3A : memref<!tpu.dma_semaphore, #tpu.memory_space<semaphore_mem>>) src(%arg23 : memref<16xf32, #tpu.memory_space<vmem>>) dst(%dma_wait3A_452 : memref<16xf32, #tpu.memory_space<hbm>>)
        tpu.yield
      }) : () -> ()
    } else {
    }
    %ge3A_4 = arith.constant 16 : i32
    %ge3A_5 = arith.cmpi sge, %add3A, %ge3A_4 : i32
    %lt3A_6 = arith.constant 24 : i32
    %lt3A_7 = arith.cmpi slt, %add3A, %lt3A_6 : i32
    %and3A_8 = arith.andi %ge3A_5, %lt3A_7 : i1
    %convert_element_type3A_9 = arith.extui %and3A_8 : i1 to i32
    %cond3A_10 = arith.constant 0 : i32
    %cond3A_11 = arith.cmpi ne, %convert_element_type3A_9, %cond3A_10 : i32
    scf.if %cond3A_11 {
      %sub3A = arith.constant 16 : i32
      %sub3A_20 = arith.subi %add3A, %sub3A : i32
      %jit3A = arith.constant 2 : i32
      %div3A = arith.divsi %sub3A_20, %jit3A : i32
      %sign3A = arith.constant 0 : i32
      %sign3A_21 = arith.cmpi sgt, %sub3A_20, %sign3A : i32
      %sign3A_22 = arith.extui %sign3A_21 : i1 to i32
      %sign3A_23 = arith.constant 0 : i32
      %sign3A_24 = arith.cmpi slt, %sub3A_20, %sign3A_23 : i32
      %sign3A_25 = arith.extui %sign3A_24 : i1 to i32
      %sign3A_26 = arith.subi %sign3A_22, %sign3A_25 : i32
      %sign3A_27 = arith.constant 0 : i32
      %sign3A_28 = arith.cmpi sgt, %jit3A, %sign3A_27 : i32
      %sign3A_29 = arith.extui %sign3A_28 : i1 to i32
      %sign3A_30 = arith.constant 0 : i32
      %sign3A_31 = arith.cmpi slt, %jit3A, %sign3A_30 : i32
      %sign3A_32 = arith.extui %sign3A_31 : i1 to i32
      %sign3A_33 = arith.subi %sign3A_29, %sign3A_32 : i32
      %ne3A = arith.cmpi ne, %sign3A_26, %sign3A_33 : i32
      %rem3A = arith.remsi %sub3A_20, %jit3A : i32
      %ne3A_34 = arith.constant 0 : i32
      %ne3A_35 = arith.cmpi ne, %rem3A, %ne3A_34 : i32
      %and3A_36 = arith.andi %ne3A, %ne3A_35 : i1
      %sub3A_37 = arith.constant 1 : i32
      %sub3A_38 = arith.subi %div3A, %sub3A_37 : i32
      %select_n3A = arith.select %and3A_36, %sub3A_38, %div3A : i32
      %jit3A_39 = arith.constant 2 : i32
      %eq3A = arith.constant 0 : i32
      %eq3A_40 = arith.cmpi eq, %jit3A_39, %eq3A : i32
      %jit3A_41 = arith.constant 1 : i32
      %select_n3A_42 = arith.select %eq3A_40, %jit3A_41, %jit3A_39 : i32
      %rem3A_43 = arith.remsi %sub3A_20, %select_n3A_42 : i32
      %ne3A_44 = arith.constant 0 : i32
      %ne3A_45 = arith.cmpi ne, %rem3A_43, %ne3A_44 : i32
      %lt3A_46 = arith.constant 0 : i32
      %lt3A_47 = arith.cmpi slt, %rem3A_43, %lt3A_46 : i32
      %lt3A_48 = arith.constant 0 : i32
      %lt3A_49 = arith.cmpi slt, %select_n3A_42, %lt3A_48 : i32
      %ne3A_50 = arith.xori %lt3A_47, %lt3A_49 : i1
      %and3A_51 = arith.andi %ne3A_50, %ne3A_45 : i1
      %add3A_52 = arith.addi %rem3A_43, %select_n3A_42 : i32
      %select_n3A_53 = arith.select %and3A_51, %add3A_52, %rem3A_43 : i32
      %add3A_54 = arith.constant 0 : i32
      %add3A_55 = arith.addi %add3A_54, %select_n3A : i32
      %mul3A_56 = arith.constant 640 : i32
      %mul3A_57 = arith.muli %add3A_55, %mul3A_56 : i32
      %add3A_58 = arith.constant 1920 : i32
      %add3A_59 = arith.addi %add3A_58, %mul3A_57 : i32
      %dma_start3A = arith.constant 0 : i32
      %dma_start3A_60 = tpu.memref_slice %arg6[%dma_start3A] : memref<2496xf32, #tpu.memory_space<vmem>> -> memref<640xf32, #tpu.memory_space<vmem>>
      %dma_start3A_61 = tpu.memref_slice %arg2[%add3A_59] : memref<103680xf32, #tpu.memory_space<hbm>> -> memref<640xf32, #tpu.memory_space<hbm>>
      %dma_start3A_62 = arith.constant 0 : i32
      %dma_start3A_63 = tpu.memref_slice %arg6[%dma_start3A_62] : memref<2496xf32, #tpu.memory_space<vmem>> -> memref<640xf32, #tpu.memory_space<vmem>>
      %dma_start3A_64 = tpu.memref_slice %arg2[%add3A_59] : memref<103680xf32, #tpu.memory_space<hbm>> -> memref<640xf32, #tpu.memory_space<hbm>>
      tpu.enqueue_dma source(%dma_start3A_64 : memref<640xf32, #tpu.memory_space<hbm>>) target(%dma_start3A_63 : memref<640xf32, #tpu.memory_space<vmem>>) target_semaphore(%arg24 : memref<!tpu.dma_semaphore, #tpu.memory_space<semaphore_mem>>)
      %add3A_65 = arith.constant 0 : i32
      %add3A_66 = arith.addi %add3A_65, %select_n3A : i32
      %mul3A_67 = arith.constant 640 : i32
      %mul3A_68 = arith.muli %add3A_66, %mul3A_67 : i32
      %add3A_69 = arith.constant 41472 : i32
      %add3A_70 = arith.addi %add3A_69, %mul3A_68 : i32
      %dma_start3A_71 = arith.constant 0 : i32
      %dma_start3A_72 = tpu.memref_slice %arg9[%dma_start3A_71] : memref<2496xf32, #tpu.memory_space<vmem>> -> memref<640xf32, #tpu.memory_space<vmem>>
      %dma_start3A_73 = tpu.memref_slice %arg2[%add3A_70] : memref<103680xf32, #tpu.memory_space<hbm>> -> memref<640xf32, #tpu.memory_space<hbm>>
      %dma_start3A_74 = arith.constant 0 : i32
      %dma_start3A_75 = tpu.memref_slice %arg9[%dma_start3A_74] : memref<2496xf32, #tpu.memory_space<vmem>> -> memref<640xf32, #tpu.memory_space<vmem>>
      %dma_start3A_76 = tpu.memref_slice %arg2[%add3A_70] : memref<103680xf32, #tpu.memory_space<hbm>> -> memref<640xf32, #tpu.memory_space<hbm>>
      tpu.enqueue_dma source(%dma_start3A_76 : memref<640xf32, #tpu.memory_space<hbm>>) target(%dma_start3A_75 : memref<640xf32, #tpu.memory_space<vmem>>) target_semaphore(%arg24 : memref<!tpu.dma_semaphore, #tpu.memory_space<semaphore_mem>>)
      %add3A_77 = arith.constant 0 : i32
      %add3A_78 = arith.addi %add3A_77, %select_n3A : i32
      %mul3A_79 = arith.constant 2048 : i32
      %mul3A_80 = arith.muli %add3A_78, %mul3A_79 : i32
      %add3A_81 = arith.constant 79104 : i32
      %add3A_82 = arith.addi %add3A_81, %mul3A_80 : i32
      %dma_start3A_83 = tpu.memref_slice %arg2[%add3A_82] : memref<103680xf32, #tpu.memory_space<hbm>> -> memref<2048xf32, #tpu.memory_space<hbm>>
      %dma_start3A_84 = tpu.memref_slice %arg2[%add3A_82] : memref<103680xf32, #tpu.memory_space<hbm>> -> memref<2048xf32, #tpu.memory_space<hbm>>
      tpu.enqueue_dma source(%dma_start3A_84 : memref<2048xf32, #tpu.memory_space<hbm>>) target(%arg15 : memref<2048xf32, #tpu.memory_space<vmem>>) target_semaphore(%arg24 : memref<!tpu.dma_semaphore, #tpu.memory_space<semaphore_mem>>)
      %add3A_85 = arith.constant 4 : i32
      %add3A_86 = arith.addi %add3A_85, %select_n3A : i32
      %mul3A_87 = arith.constant 640 : i32
      %mul3A_88 = arith.muli %add3A_86, %mul3A_87 : i32
      %add3A_89 = arith.constant 1920 : i32
      %add3A_90 = arith.addi %add3A_89, %mul3A_88 : i32
      %dma_start3A_91 = arith.constant 0 : i32
      %dma_start3A_92 = tpu.memref_slice %arg7[%dma_start3A_91] : memref<2496xf32, #tpu.memory_space<vmem>> -> memref<640xf32, #tpu.memory_space<vmem>>
      %dma_start3A_93 = tpu.memref_slice %arg2[%add3A_90] : memref<103680xf32, #tpu.memory_space<hbm>> -> memref<640xf32, #tpu.memory_space<hbm>>
      %dma_start3A_94 = arith.constant 0 : i32
      %dma_start3A_95 = tpu.memref_slice %arg7[%dma_start3A_94] : memref<2496xf32, #tpu.memory_space<vmem>> -> memref<640xf32, #tpu.memory_space<vmem>>
      %dma_start3A_96 = tpu.memref_slice %arg2[%add3A_90] : memref<103680xf32, #tpu.memory_space<hbm>> -> memref<640xf32, #tpu.memory_space<hbm>>
      tpu.enqueue_dma source(%dma_start3A_96 : memref<640xf32, #tpu.memory_space<hbm>>) target(%dma_start3A_95 : memref<640xf32, #tpu.memory_space<vmem>>) target_semaphore(%arg24 : memref<!tpu.dma_semaphore, #tpu.memory_space<semaphore_mem>>)
      %add3A_97 = arith.constant 4 : i32
      %add3A_98 = arith.addi %add3A_97, %select_n3A : i32
      %mul3A_99 = arith.constant 640 : i32
      %mul3A_100 = arith.muli %add3A_98, %mul3A_99 : i32
      %add3A_101 = arith.constant 41472 : i32
      %add3A_102 = arith.addi %add3A_101, %mul3A_100 : i32
      %dma_start3A_103 = arith.constant 0 : i32
      %dma_start3A_104 = tpu.memref_slice %arg10[%dma_start3A_103] : memref<2496xf32, #tpu.memory_space<vmem>> -> memref<640xf32, #tpu.memory_space<vmem>>
      %dma_start3A_105 = tpu.memref_slice %arg2[%add3A_102] : memref<103680xf32, #tpu.memory_space<hbm>> -> memref<640xf32, #tpu.memory_space<hbm>>
      %dma_start3A_106 = arith.constant 0 : i32
      %dma_start3A_107 = tpu.memref_slice %arg10[%dma_start3A_106] : memref<2496xf32, #tpu.memory_space<vmem>> -> memref<640xf32, #tpu.memory_space<vmem>>
      %dma_start3A_108 = tpu.memref_slice %arg2[%add3A_102] : memref<103680xf32, #tpu.memory_space<hbm>> -> memref<640xf32, #tpu.memory_space<hbm>>
      tpu.enqueue_dma source(%dma_start3A_108 : memref<640xf32, #tpu.memory_space<hbm>>) target(%dma_start3A_107 : memref<640xf32, #tpu.memory_space<vmem>>) target_semaphore(%arg24 : memref<!tpu.dma_semaphore, #tpu.memory_space<semaphore_mem>>)
      %add3A_109 = arith.constant 4 : i32
      %add3A_110 = arith.addi %add3A_109, %select_n3A : i32
      %mul3A_111 = arith.constant 2048 : i32
      %mul3A_112 = arith.muli %add3A_110, %mul3A_111 : i32
      %add3A_113 = arith.constant 79104 : i32
      %add3A_114 = arith.addi %add3A_113, %mul3A_112 : i32
      %dma_start3A_115 = tpu.memref_slice %arg2[%add3A_114] : memref<103680xf32, #tpu.memory_space<hbm>> -> memref<2048xf32, #tpu.memory_space<hbm>>
      %dma_start3A_116 = tpu.memref_slice %arg2[%add3A_114] : memref<103680xf32, #tpu.memory_space<hbm>> -> memref<2048xf32, #tpu.memory_space<hbm>>
      tpu.enqueue_dma source(%dma_start3A_116 : memref<2048xf32, #tpu.memory_space<hbm>>) target(%arg16 : memref<2048xf32, #tpu.memory_space<vmem>>) target_semaphore(%arg24 : memref<!tpu.dma_semaphore, #tpu.memory_space<semaphore_mem>>)
      %add3A_117 = arith.constant 8 : i32
      %add3A_118 = arith.addi %add3A_117, %select_n3A : i32
      %mul3A_119 = arith.constant 640 : i32
      %mul3A_120 = arith.muli %add3A_118, %mul3A_119 : i32
      %add3A_121 = arith.constant 1920 : i32
      %add3A_122 = arith.addi %add3A_121, %mul3A_120 : i32
      %dma_start3A_123 = arith.constant 0 : i32
      %dma_start3A_124 = tpu.memref_slice %arg8[%dma_start3A_123] : memref<2496xf32, #tpu.memory_space<vmem>> -> memref<640xf32, #tpu.memory_space<vmem>>
      %dma_start3A_125 = tpu.memref_slice %arg2[%add3A_122] : memref<103680xf32, #tpu.memory_space<hbm>> -> memref<640xf32, #tpu.memory_space<hbm>>
      %dma_start3A_126 = arith.constant 0 : i32
      %dma_start3A_127 = tpu.memref_slice %arg8[%dma_start3A_126] : memref<2496xf32, #tpu.memory_space<vmem>> -> memref<640xf32, #tpu.memory_space<vmem>>
      %dma_start3A_128 = tpu.memref_slice %arg2[%add3A_122] : memref<103680xf32, #tpu.memory_space<hbm>> -> memref<640xf32, #tpu.memory_space<hbm>>
      tpu.enqueue_dma source(%dma_start3A_128 : memref<640xf32, #tpu.memory_space<hbm>>) target(%dma_start3A_127 : memref<640xf32, #tpu.memory_space<vmem>>) target_semaphore(%arg24 : memref<!tpu.dma_semaphore, #tpu.memory_space<semaphore_mem>>)
      %add3A_129 = arith.constant 8 : i32
      %add3A_130 = arith.addi %add3A_129, %select_n3A : i32
      %mul3A_131 = arith.constant 640 : i32
      %mul3A_132 = arith.muli %add3A_130, %mul3A_131 : i32
      %add3A_133 = arith.constant 41472 : i32
      %add3A_134 = arith.addi %add3A_133, %mul3A_132 : i32
      %dma_start3A_135 = arith.constant 0 : i32
      %dma_start3A_136 = tpu.memref_slice %arg11[%dma_start3A_135] : memref<2496xf32, #tpu.memory_space<vmem>> -> memref<640xf32, #tpu.memory_space<vmem>>
      %dma_start3A_137 = tpu.memref_slice %arg2[%add3A_134] : memref<103680xf32, #tpu.memory_space<hbm>> -> memref<640xf32, #tpu.memory_space<hbm>>
      %dma_start3A_138 = arith.constant 0 : i32
      %dma_start3A_139 = tpu.memref_slice %arg11[%dma_start3A_138] : memref<2496xf32, #tpu.memory_space<vmem>> -> memref<640xf32, #tpu.memory_space<vmem>>
      %dma_start3A_140 = tpu.memref_slice %arg2[%add3A_134] : memref<103680xf32, #tpu.memory_space<hbm>> -> memref<640xf32, #tpu.memory_space<hbm>>
      tpu.enqueue_dma source(%dma_start3A_140 : memref<640xf32, #tpu.memory_space<hbm>>) target(%dma_start3A_139 : memref<640xf32, #tpu.memory_space<vmem>>) target_semaphore(%arg24 : memref<!tpu.dma_semaphore, #tpu.memory_space<semaphore_mem>>)
      %add3A_141 = arith.constant 8 : i32
      %add3A_142 = arith.addi %add3A_141, %select_n3A : i32
      %mul3A_143 = arith.constant 2048 : i32
      %mul3A_144 = arith.muli %add3A_142, %mul3A_143 : i32
      %add3A_145 = arith.constant 79104 : i32
      %add3A_146 = arith.addi %add3A_145, %mul3A_144 : i32
      %dma_start3A_147 = tpu.memref_slice %arg2[%add3A_146] : memref<103680xf32, #tpu.memory_space<hbm>> -> memref<2048xf32, #tpu.memory_space<hbm>>
      %dma_start3A_148 = tpu.memref_slice %arg2[%add3A_146] : memref<103680xf32, #tpu.memory_space<hbm>> -> memref<2048xf32, #tpu.memory_space<hbm>>
      tpu.enqueue_dma source(%dma_start3A_148 : memref<2048xf32, #tpu.memory_space<hbm>>) target(%arg17 : memref<2048xf32, #tpu.memory_space<vmem>>) target_semaphore(%arg24 : memref<!tpu.dma_semaphore, #tpu.memory_space<semaphore_mem>>)
      %mul3A_149 = arith.constant 3456 : i32
      %mul3A_150 = arith.muli %select_n3A, %mul3A_149 : i32
      %add3A_151 = arith.constant 256 : i32
      %add3A_152 = arith.addi %mul3A_150, %add3A_151 : i32
      %dma_start3A_153 = arith.constant 0 : i32
      %dma_start3A_154 = tpu.memref_slice %arg18[%dma_start3A_153] : memref<2496xi32, #tpu.memory_space<vmem>> -> memref<640xi32, #tpu.memory_space<vmem>>
      %dma_start3A_155 = tpu.memref_slice %arg4[%add3A_152] : memref<4608xi32, #tpu.memory_space<hbm>> -> memref<640xi32, #tpu.memory_space<hbm>>
      %dma_start3A_156 = arith.constant 0 : i32
      %dma_start3A_157 = tpu.memref_slice %arg18[%dma_start3A_156] : memref<2496xi32, #tpu.memory_space<vmem>> -> memref<640xi32, #tpu.memory_space<vmem>>
      %dma_start3A_158 = tpu.memref_slice %arg4[%add3A_152] : memref<4608xi32, #tpu.memory_space<hbm>> -> memref<640xi32, #tpu.memory_space<hbm>>
      tpu.enqueue_dma source(%dma_start3A_158 : memref<640xi32, #tpu.memory_space<hbm>>) target(%dma_start3A_157 : memref<640xi32, #tpu.memory_space<vmem>>) target_semaphore(%arg24 : memref<!tpu.dma_semaphore, #tpu.memory_space<semaphore_mem>>)
      %mul3A_159 = arith.constant 928 : i32
      %mul3A_160 = arith.muli %select_n3A_53, %mul3A_159 : i32
      %add3A_161 = arith.constant 30624 : i32
      %add3A_162 = arith.addi %add3A_161, %mul3A_160 : i32
      %dma_start3A_163 = arith.constant 0 : i32
      %dma_start3A_164 = tpu.memref_slice %arg19[%dma_start3A_163] : memref<1856xi32, #tpu.memory_space<vmem>> -> memref<928xi32, #tpu.memory_space<vmem>>
      %dma_start3A_165 = tpu.memref_slice %arg3[%add3A_162] : memref<52044xi32, #tpu.memory_space<hbm>> -> memref<928xi32, #tpu.memory_space<hbm>>
      %dma_start3A_166 = arith.constant 0 : i32
      %dma_start3A_167 = tpu.memref_slice %arg19[%dma_start3A_166] : memref<1856xi32, #tpu.memory_space<vmem>> -> memref<928xi32, #tpu.memory_space<vmem>>
      %dma_start3A_168 = tpu.memref_slice %arg3[%add3A_162] : memref<52044xi32, #tpu.memory_space<hbm>> -> memref<928xi32, #tpu.memory_space<hbm>>
      tpu.enqueue_dma source(%dma_start3A_168 : memref<928xi32, #tpu.memory_space<hbm>>) target(%dma_start3A_167 : memref<928xi32, #tpu.memory_space<vmem>>) target_semaphore(%arg24 : memref<!tpu.dma_semaphore, #tpu.memory_space<semaphore_mem>>)
      %mul3A_169 = arith.constant 928 : i32
      %mul3A_170 = arith.muli %select_n3A_53, %mul3A_169 : i32
      %add3A_171 = arith.constant 32480 : i32
      %add3A_172 = arith.addi %add3A_171, %mul3A_170 : i32
      %dma_start3A_173 = arith.constant 0 : i32
      %dma_start3A_174 = tpu.memref_slice %arg20[%dma_start3A_173] : memref<1856xi32, #tpu.memory_space<vmem>> -> memref<928xi32, #tpu.memory_space<vmem>>
      %dma_start3A_175 = tpu.memref_slice %arg3[%add3A_172] : memref<52044xi32, #tpu.memory_space<hbm>> -> memref<928xi32, #tpu.memory_space<hbm>>
      %dma_start3A_176 = arith.constant 0 : i32
      %dma_start3A_177 = tpu.memref_slice %arg20[%dma_start3A_176] : memref<1856xi32, #tpu.memory_space<vmem>> -> memref<928xi32, #tpu.memory_space<vmem>>
      %dma_start3A_178 = tpu.memref_slice %arg3[%add3A_172] : memref<52044xi32, #tpu.memory_space<hbm>> -> memref<928xi32, #tpu.memory_space<hbm>>
      tpu.enqueue_dma source(%dma_start3A_178 : memref<928xi32, #tpu.memory_space<hbm>>) target(%dma_start3A_177 : memref<928xi32, #tpu.memory_space<vmem>>) target_semaphore(%arg24 : memref<!tpu.dma_semaphore, #tpu.memory_space<semaphore_mem>>)
      %mul3A_179 = arith.constant 320 : i32
      %mul3A_180 = arith.muli %select_n3A_53, %mul3A_179 : i32
      %add3A_181 = arith.constant 1280 : i32
      %add3A_182 = arith.addi %add3A_181, %mul3A_180 : i32
      %dma_start3A_183 = arith.constant 0 : i32
      %dma_start3A_184 = tpu.memref_slice %arg21[%dma_start3A_183] : memref<4992xi32, #tpu.memory_space<vmem>> -> memref<320xi32, #tpu.memory_space<vmem>>
      %dma_start3A_185 = tpu.memref_slice %arg3[%add3A_182] : memref<52044xi32, #tpu.memory_space<hbm>> -> memref<320xi32, #tpu.memory_space<hbm>>
      %dma_start3A_186 = arith.constant 0 : i32
      %dma_start3A_187 = tpu.memref_slice %arg21[%dma_start3A_186] : memref<4992xi32, #tpu.memory_space<vmem>> -> memref<320xi32, #tpu.memory_space<vmem>>
      %dma_start3A_188 = tpu.memref_slice %arg3[%add3A_182] : memref<52044xi32, #tpu.memory_space<hbm>> -> memref<320xi32, #tpu.memory_space<hbm>>
      tpu.enqueue_dma source(%dma_start3A_188 : memref<320xi32, #tpu.memory_space<hbm>>) target(%dma_start3A_187 : memref<320xi32, #tpu.memory_space<vmem>>) target_semaphore(%arg24 : memref<!tpu.dma_semaphore, #tpu.memory_space<semaphore_mem>>)
      %mul3A_189 = arith.constant 320 : i32
      %mul3A_190 = arith.muli %select_n3A_53, %mul3A_189 : i32
      %add3A_191 = arith.constant 1920 : i32
      %add3A_192 = arith.addi %add3A_191, %mul3A_190 : i32
      %dma_start3A_193 = arith.constant 624 : i32
      %dma_start3A_194 = tpu.memref_slice %arg21[%dma_start3A_193] : memref<4992xi32, #tpu.memory_space<vmem>> -> memref<320xi32, #tpu.memory_space<vmem>>
      %dma_start3A_195 = tpu.memref_slice %arg3[%add3A_192] : memref<52044xi32, #tpu.memory_space<hbm>> -> memref<320xi32, #tpu.memory_space<hbm>>
      %dma_start3A_196 = arith.constant 624 : i32
      %dma_start3A_197 = tpu.memref_slice %arg21[%dma_start3A_196] : memref<4992xi32, #tpu.memory_space<vmem>> -> memref<320xi32, #tpu.memory_space<vmem>>
      %dma_start3A_198 = tpu.memref_slice %arg3[%add3A_192] : memref<52044xi32, #tpu.memory_space<hbm>> -> memref<320xi32, #tpu.memory_space<hbm>>
      tpu.enqueue_dma source(%dma_start3A_198 : memref<320xi32, #tpu.memory_space<hbm>>) target(%dma_start3A_197 : memref<320xi32, #tpu.memory_space<vmem>>) target_semaphore(%arg24 : memref<!tpu.dma_semaphore, #tpu.memory_space<semaphore_mem>>)
      %mul3A_199 = arith.constant 320 : i32
      %mul3A_200 = arith.muli %select_n3A_53, %mul3A_199 : i32
      %add3A_201 = arith.constant 2560 : i32
      %add3A_202 = arith.addi %add3A_201, %mul3A_200 : i32
      %dma_start3A_203 = arith.constant 1248 : i32
      %dma_start3A_204 = tpu.memref_slice %arg21[%dma_start3A_203] : memref<4992xi32, #tpu.memory_space<vmem>> -> memref<320xi32, #tpu.memory_space<vmem>>
      %dma_start3A_205 = tpu.memref_slice %arg3[%add3A_202] : memref<52044xi32, #tpu.memory_space<hbm>> -> memref<320xi32, #tpu.memory_space<hbm>>
      %dma_start3A_206 = arith.constant 1248 : i32
      %dma_start3A_207 = tpu.memref_slice %arg21[%dma_start3A_206] : memref<4992xi32, #tpu.memory_space<vmem>> -> memref<320xi32, #tpu.memory_space<vmem>>
      %dma_start3A_208 = tpu.memref_slice %arg3[%add3A_202] : memref<52044xi32, #tpu.memory_space<hbm>> -> memref<320xi32, #tpu.memory_space<hbm>>
      tpu.enqueue_dma source(%dma_start3A_208 : memref<320xi32, #tpu.memory_space<hbm>>) target(%dma_start3A_207 : memref<320xi32, #tpu.memory_space<vmem>>) target_semaphore(%arg24 : memref<!tpu.dma_semaphore, #tpu.memory_space<semaphore_mem>>)
      %mul3A_209 = arith.constant 320 : i32
      %mul3A_210 = arith.muli %select_n3A_53, %mul3A_209 : i32
      %add3A_211 = arith.constant 3200 : i32
      %add3A_212 = arith.addi %add3A_211, %mul3A_210 : i32
      %dma_start3A_213 = arith.constant 1872 : i32
      %dma_start3A_214 = tpu.memref_slice %arg21[%dma_start3A_213] : memref<4992xi32, #tpu.memory_space<vmem>> -> memref<320xi32, #tpu.memory_space<vmem>>
      %dma_start3A_215 = tpu.memref_slice %arg3[%add3A_212] : memref<52044xi32, #tpu.memory_space<hbm>> -> memref<320xi32, #tpu.memory_space<hbm>>
      %dma_start3A_216 = arith.constant 1872 : i32
      %dma_start3A_217 = tpu.memref_slice %arg21[%dma_start3A_216] : memref<4992xi32, #tpu.memory_space<vmem>> -> memref<320xi32, #tpu.memory_space<vmem>>
      %dma_start3A_218 = tpu.memref_slice %arg3[%add3A_212] : memref<52044xi32, #tpu.memory_space<hbm>> -> memref<320xi32, #tpu.memory_space<hbm>>
      tpu.enqueue_dma source(%dma_start3A_218 : memref<320xi32, #tpu.memory_space<hbm>>) target(%dma_start3A_217 : memref<320xi32, #tpu.memory_space<vmem>>) target_semaphore(%arg24 : memref<!tpu.dma_semaphore, #tpu.memory_space<semaphore_mem>>)
      %mul3A_219 = arith.constant 320 : i32
      %mul3A_220 = arith.muli %select_n3A_53, %mul3A_219 : i32
      %add3A_221 = arith.constant 3840 : i32
      %add3A_222 = arith.addi %add3A_221, %mul3A_220 : i32
      %dma_start3A_223 = arith.constant 2496 : i32
      %dma_start3A_224 = tpu.memref_slice %arg21[%dma_start3A_223] : memref<4992xi32, #tpu.memory_space<vmem>> -> memref<320xi32, #tpu.memory_space<vmem>>
      %dma_start3A_225 = tpu.memref_slice %arg3[%add3A_222] : memref<52044xi32, #tpu.memory_space<hbm>> -> memref<320xi32, #tpu.memory_space<hbm>>
      %dma_start3A_226 = arith.constant 2496 : i32
      %dma_start3A_227 = tpu.memref_slice %arg21[%dma_start3A_226] : memref<4992xi32, #tpu.memory_space<vmem>> -> memref<320xi32, #tpu.memory_space<vmem>>
      %dma_start3A_228 = tpu.memref_slice %arg3[%add3A_222] : memref<52044xi32, #tpu.memory_space<hbm>> -> memref<320xi32, #tpu.memory_space<hbm>>
      tpu.enqueue_dma source(%dma_start3A_228 : memref<320xi32, #tpu.memory_space<hbm>>) target(%dma_start3A_227 : memref<320xi32, #tpu.memory_space<vmem>>) target_semaphore(%arg24 : memref<!tpu.dma_semaphore, #tpu.memory_space<semaphore_mem>>)
      %mul3A_229 = arith.constant 320 : i32
      %mul3A_230 = arith.muli %select_n3A_53, %mul3A_229 : i32
      %add3A_231 = arith.constant 4480 : i32
      %add3A_232 = arith.addi %add3A_231, %mul3A_230 : i32
      %dma_start3A_233 = arith.constant 3120 : i32
      %dma_start3A_234 = tpu.memref_slice %arg21[%dma_start3A_233] : memref<4992xi32, #tpu.memory_space<vmem>> -> memref<320xi32, #tpu.memory_space<vmem>>
      %dma_start3A_235 = tpu.memref_slice %arg3[%add3A_232] : memref<52044xi32, #tpu.memory_space<hbm>> -> memref<320xi32, #tpu.memory_space<hbm>>
      %dma_start3A_236 = arith.constant 3120 : i32
      %dma_start3A_237 = tpu.memref_slice %arg21[%dma_start3A_236] : memref<4992xi32, #tpu.memory_space<vmem>> -> memref<320xi32, #tpu.memory_space<vmem>>
      %dma_start3A_238 = tpu.memref_slice %arg3[%add3A_232] : memref<52044xi32, #tpu.memory_space<hbm>> -> memref<320xi32, #tpu.memory_space<hbm>>
      tpu.enqueue_dma source(%dma_start3A_238 : memref<320xi32, #tpu.memory_space<hbm>>) target(%dma_start3A_237 : memref<320xi32, #tpu.memory_space<vmem>>) target_semaphore(%arg24 : memref<!tpu.dma_semaphore, #tpu.memory_space<semaphore_mem>>)
      %mul3A_239 = arith.constant 320 : i32
      %mul3A_240 = arith.muli %select_n3A_53, %mul3A_239 : i32
      %add3A_241 = arith.constant 5120 : i32
      %add3A_242 = arith.addi %add3A_241, %mul3A_240 : i32
      %dma_start3A_243 = arith.constant 3744 : i32
      %dma_start3A_244 = tpu.memref_slice %arg21[%dma_start3A_243] : memref<4992xi32, #tpu.memory_space<vmem>> -> memref<320xi32, #tpu.memory_space<vmem>>
      %dma_start3A_245 = tpu.memref_slice %arg3[%add3A_242] : memref<52044xi32, #tpu.memory_space<hbm>> -> memref<320xi32, #tpu.memory_space<hbm>>
      %dma_start3A_246 = arith.constant 3744 : i32
      %dma_start3A_247 = tpu.memref_slice %arg21[%dma_start3A_246] : memref<4992xi32, #tpu.memory_space<vmem>> -> memref<320xi32, #tpu.memory_space<vmem>>
      %dma_start3A_248 = tpu.memref_slice %arg3[%add3A_242] : memref<52044xi32, #tpu.memory_space<hbm>> -> memref<320xi32, #tpu.memory_space<hbm>>
      tpu.enqueue_dma source(%dma_start3A_248 : memref<320xi32, #tpu.memory_space<hbm>>) target(%dma_start3A_247 : memref<320xi32, #tpu.memory_space<vmem>>) target_semaphore(%arg24 : memref<!tpu.dma_semaphore, #tpu.memory_space<semaphore_mem>>)
      %mul3A_249 = arith.constant 320 : i32
      %mul3A_250 = arith.muli %select_n3A_53, %mul3A_249 : i32
      %add3A_251 = arith.constant 5760 : i32
      %add3A_252 = arith.addi %add3A_251, %mul3A_250 : i32
      %dma_start3A_253 = arith.constant 4368 : i32
      %dma_start3A_254 = tpu.memref_slice %arg21[%dma_start3A_253] : memref<4992xi32, #tpu.memory_space<vmem>> -> memref<320xi32, #tpu.memory_space<vmem>>
      %dma_start3A_255 = tpu.memref_slice %arg3[%add3A_252] : memref<52044xi32, #tpu.memory_space<hbm>> -> memref<320xi32, #tpu.memory_space<hbm>>
      %dma_start3A_256 = arith.constant 4368 : i32
      %dma_start3A_257 = tpu.memref_slice %arg21[%dma_start3A_256] : memref<4992xi32, #tpu.memory_space<vmem>> -> memref<320xi32, #tpu.memory_space<vmem>>
      %dma_start3A_258 = tpu.memref_slice %arg3[%add3A_252] : memref<52044xi32, #tpu.memory_space<hbm>> -> memref<320xi32, #tpu.memory_space<hbm>>
      tpu.enqueue_dma source(%dma_start3A_258 : memref<320xi32, #tpu.memory_space<hbm>>) target(%dma_start3A_257 : memref<320xi32, #tpu.memory_space<vmem>>) target_semaphore(%arg24 : memref<!tpu.dma_semaphore, #tpu.memory_space<semaphore_mem>>)
      %mul3A_259 = arith.constant 320 : i32
      %mul3A_260 = arith.muli %select_n3A_53, %mul3A_259 : i32
      %add3A_261 = arith.constant 26528 : i32
      %add3A_262 = arith.addi %add3A_261, %mul3A_260 : i32
      %dma_start3A_263 = arith.constant 0 : i32
      %dma_start3A_264 = tpu.memref_slice %arg22[%dma_start3A_263] : memref<624xi32, #tpu.memory_space<vmem>> -> memref<320xi32, #tpu.memory_space<vmem>>
      %dma_start3A_265 = tpu.memref_slice %arg3[%add3A_262] : memref<52044xi32, #tpu.memory_space<hbm>> -> memref<320xi32, #tpu.memory_space<hbm>>
      %dma_start3A_266 = arith.constant 0 : i32
      %dma_start3A_267 = tpu.memref_slice %arg22[%dma_start3A_266] : memref<624xi32, #tpu.memory_space<vmem>> -> memref<320xi32, #tpu.memory_space<vmem>>
      %dma_start3A_268 = tpu.memref_slice %arg3[%add3A_262] : memref<52044xi32, #tpu.memory_space<hbm>> -> memref<320xi32, #tpu.memory_space<hbm>>
      tpu.enqueue_dma source(%dma_start3A_268 : memref<320xi32, #tpu.memory_space<hbm>>) target(%dma_start3A_267 : memref<320xi32, #tpu.memory_space<vmem>>) target_semaphore(%arg24 : memref<!tpu.dma_semaphore, #tpu.memory_space<semaphore_mem>>)
      %dma_wait3A = arith.constant 0 : i32
      %dma_wait3A_269 = tpu.memref_slice %arg6[%dma_wait3A] : memref<2496xf32, #tpu.memory_space<vmem>> -> memref<640xf32, #tpu.memory_space<vmem>>
      %dma_wait3A_270 = tpu.memref_slice %arg2[%add3A_59] : memref<103680xf32, #tpu.memory_space<hbm>> -> memref<640xf32, #tpu.memory_space<hbm>>
      %dma_wait3A_271 = arith.constant 0 : i32
      %dma_wait3A_272 = tpu.memref_slice %arg6[%dma_wait3A_271] : memref<2496xf32, #tpu.memory_space<vmem>> -> memref<640xf32, #tpu.memory_space<vmem>>
      %dma_wait3A_273 = tpu.memref_slice %arg2[%add3A_59] : memref<103680xf32, #tpu.memory_space<hbm>> -> memref<640xf32, #tpu.memory_space<hbm>>
      tpu.wait_dma2 semaphore(%arg24 : memref<!tpu.dma_semaphore, #tpu.memory_space<semaphore_mem>>) src(%dma_wait3A_273 : memref<640xf32, #tpu.memory_space<hbm>>) dst(%dma_wait3A_272 : memref<640xf32, #tpu.memory_space<vmem>>)
      %dma_wait3A_274 = arith.constant 0 : i32
      %dma_wait3A_275 = tpu.memref_slice %arg9[%dma_wait3A_274] : memref<2496xf32, #tpu.memory_space<vmem>> -> memref<640xf32, #tpu.memory_space<vmem>>
      %dma_wait3A_276 = tpu.memref_slice %arg2[%add3A_70] : memref<103680xf32, #tpu.memory_space<hbm>> -> memref<640xf32, #tpu.memory_space<hbm>>
      %dma_wait3A_277 = arith.constant 0 : i32
      %dma_wait3A_278 = tpu.memref_slice %arg9[%dma_wait3A_277] : memref<2496xf32, #tpu.memory_space<vmem>> -> memref<640xf32, #tpu.memory_space<vmem>>
      %dma_wait3A_279 = tpu.memref_slice %arg2[%add3A_70] : memref<103680xf32, #tpu.memory_space<hbm>> -> memref<640xf32, #tpu.memory_space<hbm>>
      tpu.wait_dma2 semaphore(%arg24 : memref<!tpu.dma_semaphore, #tpu.memory_space<semaphore_mem>>) src(%dma_wait3A_279 : memref<640xf32, #tpu.memory_space<hbm>>) dst(%dma_wait3A_278 : memref<640xf32, #tpu.memory_space<vmem>>)
      %dma_wait3A_280 = tpu.memref_slice %arg2[%add3A_82] : memref<103680xf32, #tpu.memory_space<hbm>> -> memref<2048xf32, #tpu.memory_space<hbm>>
      %dma_wait3A_281 = tpu.memref_slice %arg2[%add3A_82] : memref<103680xf32, #tpu.memory_space<hbm>> -> memref<2048xf32, #tpu.memory_space<hbm>>
      tpu.wait_dma2 semaphore(%arg24 : memref<!tpu.dma_semaphore, #tpu.memory_space<semaphore_mem>>) src(%dma_wait3A_281 : memref<2048xf32, #tpu.memory_space<hbm>>) dst(%arg15 : memref<2048xf32, #tpu.memory_space<vmem>>)
      %dma_wait3A_282 = arith.constant 0 : i32
      %dma_wait3A_283 = tpu.memref_slice %arg7[%dma_wait3A_282] : memref<2496xf32, #tpu.memory_space<vmem>> -> memref<640xf32, #tpu.memory_space<vmem>>
      %dma_wait3A_284 = tpu.memref_slice %arg2[%add3A_90] : memref<103680xf32, #tpu.memory_space<hbm>> -> memref<640xf32, #tpu.memory_space<hbm>>
      %dma_wait3A_285 = arith.constant 0 : i32
      %dma_wait3A_286 = tpu.memref_slice %arg7[%dma_wait3A_285] : memref<2496xf32, #tpu.memory_space<vmem>> -> memref<640xf32, #tpu.memory_space<vmem>>
      %dma_wait3A_287 = tpu.memref_slice %arg2[%add3A_90] : memref<103680xf32, #tpu.memory_space<hbm>> -> memref<640xf32, #tpu.memory_space<hbm>>
      tpu.wait_dma2 semaphore(%arg24 : memref<!tpu.dma_semaphore, #tpu.memory_space<semaphore_mem>>) src(%dma_wait3A_287 : memref<640xf32, #tpu.memory_space<hbm>>) dst(%dma_wait3A_286 : memref<640xf32, #tpu.memory_space<vmem>>)
      %dma_wait3A_288 = arith.constant 0 : i32
      %dma_wait3A_289 = tpu.memref_slice %arg10[%dma_wait3A_288] : memref<2496xf32, #tpu.memory_space<vmem>> -> memref<640xf32, #tpu.memory_space<vmem>>
      %dma_wait3A_290 = tpu.memref_slice %arg2[%add3A_102] : memref<103680xf32, #tpu.memory_space<hbm>> -> memref<640xf32, #tpu.memory_space<hbm>>
      %dma_wait3A_291 = arith.constant 0 : i32
      %dma_wait3A_292 = tpu.memref_slice %arg10[%dma_wait3A_291] : memref<2496xf32, #tpu.memory_space<vmem>> -> memref<640xf32, #tpu.memory_space<vmem>>
      %dma_wait3A_293 = tpu.memref_slice %arg2[%add3A_102] : memref<103680xf32, #tpu.memory_space<hbm>> -> memref<640xf32, #tpu.memory_space<hbm>>
      tpu.wait_dma2 semaphore(%arg24 : memref<!tpu.dma_semaphore, #tpu.memory_space<semaphore_mem>>) src(%dma_wait3A_293 : memref<640xf32, #tpu.memory_space<hbm>>) dst(%dma_wait3A_292 : memref<640xf32, #tpu.memory_space<vmem>>)
      %dma_wait3A_294 = tpu.memref_slice %arg2[%add3A_114] : memref<103680xf32, #tpu.memory_space<hbm>> -> memref<2048xf32, #tpu.memory_space<hbm>>
      %dma_wait3A_295 = tpu.memref_slice %arg2[%add3A_114] : memref<103680xf32, #tpu.memory_space<hbm>> -> memref<2048xf32, #tpu.memory_space<hbm>>
      tpu.wait_dma2 semaphore(%arg24 : memref<!tpu.dma_semaphore, #tpu.memory_space<semaphore_mem>>) src(%dma_wait3A_295 : memref<2048xf32, #tpu.memory_space<hbm>>) dst(%arg16 : memref<2048xf32, #tpu.memory_space<vmem>>)
      %dma_wait3A_296 = arith.constant 0 : i32
      %dma_wait3A_297 = tpu.memref_slice %arg8[%dma_wait3A_296] : memref<2496xf32, #tpu.memory_space<vmem>> -> memref<640xf32, #tpu.memory_space<vmem>>
      %dma_wait3A_298 = tpu.memref_slice %arg2[%add3A_122] : memref<103680xf32, #tpu.memory_space<hbm>> -> memref<640xf32, #tpu.memory_space<hbm>>
      %dma_wait3A_299 = arith.constant 0 : i32
      %dma_wait3A_300 = tpu.memref_slice %arg8[%dma_wait3A_299] : memref<2496xf32, #tpu.memory_space<vmem>> -> memref<640xf32, #tpu.memory_space<vmem>>
      %dma_wait3A_301 = tpu.memref_slice %arg2[%add3A_122] : memref<103680xf32, #tpu.memory_space<hbm>> -> memref<640xf32, #tpu.memory_space<hbm>>
      tpu.wait_dma2 semaphore(%arg24 : memref<!tpu.dma_semaphore, #tpu.memory_space<semaphore_mem>>) src(%dma_wait3A_301 : memref<640xf32, #tpu.memory_space<hbm>>) dst(%dma_wait3A_300 : memref<640xf32, #tpu.memory_space<vmem>>)
      %dma_wait3A_302 = arith.constant 0 : i32
      %dma_wait3A_303 = tpu.memref_slice %arg11[%dma_wait3A_302] : memref<2496xf32, #tpu.memory_space<vmem>> -> memref<640xf32, #tpu.memory_space<vmem>>
      %dma_wait3A_304 = tpu.memref_slice %arg2[%add3A_134] : memref<103680xf32, #tpu.memory_space<hbm>> -> memref<640xf32, #tpu.memory_space<hbm>>
      %dma_wait3A_305 = arith.constant 0 : i32
      %dma_wait3A_306 = tpu.memref_slice %arg11[%dma_wait3A_305] : memref<2496xf32, #tpu.memory_space<vmem>> -> memref<640xf32, #tpu.memory_space<vmem>>
      %dma_wait3A_307 = tpu.memref_slice %arg2[%add3A_134] : memref<103680xf32, #tpu.memory_space<hbm>> -> memref<640xf32, #tpu.memory_space<hbm>>
      tpu.wait_dma2 semaphore(%arg24 : memref<!tpu.dma_semaphore, #tpu.memory_space<semaphore_mem>>) src(%dma_wait3A_307 : memref<640xf32, #tpu.memory_space<hbm>>) dst(%dma_wait3A_306 : memref<640xf32, #tpu.memory_space<vmem>>)
      %dma_wait3A_308 = tpu.memref_slice %arg2[%add3A_146] : memref<103680xf32, #tpu.memory_space<hbm>> -> memref<2048xf32, #tpu.memory_space<hbm>>
      %dma_wait3A_309 = tpu.memref_slice %arg2[%add3A_146] : memref<103680xf32, #tpu.memory_space<hbm>> -> memref<2048xf32, #tpu.memory_space<hbm>>
      tpu.wait_dma2 semaphore(%arg24 : memref<!tpu.dma_semaphore, #tpu.memory_space<semaphore_mem>>) src(%dma_wait3A_309 : memref<2048xf32, #tpu.memory_space<hbm>>) dst(%arg17 : memref<2048xf32, #tpu.memory_space<vmem>>)
      %dma_wait3A_310 = arith.constant 0 : i32
      %dma_wait3A_311 = tpu.memref_slice %arg18[%dma_wait3A_310] : memref<2496xi32, #tpu.memory_space<vmem>> -> memref<640xi32, #tpu.memory_space<vmem>>
      %dma_wait3A_312 = tpu.memref_slice %arg4[%add3A_152] : memref<4608xi32, #tpu.memory_space<hbm>> -> memref<640xi32, #tpu.memory_space<hbm>>
      %dma_wait3A_313 = arith.constant 0 : i32
      %dma_wait3A_314 = tpu.memref_slice %arg18[%dma_wait3A_313] : memref<2496xi32, #tpu.memory_space<vmem>> -> memref<640xi32, #tpu.memory_space<vmem>>
      %dma_wait3A_315 = tpu.memref_slice %arg4[%add3A_152] : memref<4608xi32, #tpu.memory_space<hbm>> -> memref<640xi32, #tpu.memory_space<hbm>>
      tpu.wait_dma2 semaphore(%arg24 : memref<!tpu.dma_semaphore, #tpu.memory_space<semaphore_mem>>) src(%dma_wait3A_315 : memref<640xi32, #tpu.memory_space<hbm>>) dst(%dma_wait3A_314 : memref<640xi32, #tpu.memory_space<vmem>>)
      %dma_wait3A_316 = arith.constant 0 : i32
      %dma_wait3A_317 = tpu.memref_slice %arg19[%dma_wait3A_316] : memref<1856xi32, #tpu.memory_space<vmem>> -> memref<928xi32, #tpu.memory_space<vmem>>
      %dma_wait3A_318 = tpu.memref_slice %arg3[%add3A_162] : memref<52044xi32, #tpu.memory_space<hbm>> -> memref<928xi32, #tpu.memory_space<hbm>>
      %dma_wait3A_319 = arith.constant 0 : i32
      %dma_wait3A_320 = tpu.memref_slice %arg19[%dma_wait3A_319] : memref<1856xi32, #tpu.memory_space<vmem>> -> memref<928xi32, #tpu.memory_space<vmem>>
      %dma_wait3A_321 = tpu.memref_slice %arg3[%add3A_162] : memref<52044xi32, #tpu.memory_space<hbm>> -> memref<928xi32, #tpu.memory_space<hbm>>
      tpu.wait_dma2 semaphore(%arg24 : memref<!tpu.dma_semaphore, #tpu.memory_space<semaphore_mem>>) src(%dma_wait3A_321 : memref<928xi32, #tpu.memory_space<hbm>>) dst(%dma_wait3A_320 : memref<928xi32, #tpu.memory_space<vmem>>)
      %dma_wait3A_322 = arith.constant 0 : i32
      %dma_wait3A_323 = tpu.memref_slice %arg20[%dma_wait3A_322] : memref<1856xi32, #tpu.memory_space<vmem>> -> memref<928xi32, #tpu.memory_space<vmem>>
      %dma_wait3A_324 = tpu.memref_slice %arg3[%add3A_172] : memref<52044xi32, #tpu.memory_space<hbm>> -> memref<928xi32, #tpu.memory_space<hbm>>
      %dma_wait3A_325 = arith.constant 0 : i32
      %dma_wait3A_326 = tpu.memref_slice %arg20[%dma_wait3A_325] : memref<1856xi32, #tpu.memory_space<vmem>> -> memref<928xi32, #tpu.memory_space<vmem>>
      %dma_wait3A_327 = tpu.memref_slice %arg3[%add3A_172] : memref<52044xi32, #tpu.memory_space<hbm>> -> memref<928xi32, #tpu.memory_space<hbm>>
      tpu.wait_dma2 semaphore(%arg24 : memref<!tpu.dma_semaphore, #tpu.memory_space<semaphore_mem>>) src(%dma_wait3A_327 : memref<928xi32, #tpu.memory_space<hbm>>) dst(%dma_wait3A_326 : memref<928xi32, #tpu.memory_space<vmem>>)
      %dma_wait3A_328 = arith.constant 0 : i32
      %dma_wait3A_329 = tpu.memref_slice %arg21[%dma_wait3A_328] : memref<4992xi32, #tpu.memory_space<vmem>> -> memref<320xi32, #tpu.memory_space<vmem>>
      %dma_wait3A_330 = tpu.memref_slice %arg3[%add3A_182] : memref<52044xi32, #tpu.memory_space<hbm>> -> memref<320xi32, #tpu.memory_space<hbm>>
      %dma_wait3A_331 = arith.constant 0 : i32
      %dma_wait3A_332 = tpu.memref_slice %arg21[%dma_wait3A_331] : memref<4992xi32, #tpu.memory_space<vmem>> -> memref<320xi32, #tpu.memory_space<vmem>>
      %dma_wait3A_333 = tpu.memref_slice %arg3[%add3A_182] : memref<52044xi32, #tpu.memory_space<hbm>> -> memref<320xi32, #tpu.memory_space<hbm>>
      tpu.wait_dma2 semaphore(%arg24 : memref<!tpu.dma_semaphore, #tpu.memory_space<semaphore_mem>>) src(%dma_wait3A_333 : memref<320xi32, #tpu.memory_space<hbm>>) dst(%dma_wait3A_332 : memref<320xi32, #tpu.memory_space<vmem>>)
      %dma_wait3A_334 = arith.constant 624 : i32
      %dma_wait3A_335 = tpu.memref_slice %arg21[%dma_wait3A_334] : memref<4992xi32, #tpu.memory_space<vmem>> -> memref<320xi32, #tpu.memory_space<vmem>>
      %dma_wait3A_336 = tpu.memref_slice %arg3[%add3A_192] : memref<52044xi32, #tpu.memory_space<hbm>> -> memref<320xi32, #tpu.memory_space<hbm>>
      %dma_wait3A_337 = arith.constant 624 : i32
      %dma_wait3A_338 = tpu.memref_slice %arg21[%dma_wait3A_337] : memref<4992xi32, #tpu.memory_space<vmem>> -> memref<320xi32, #tpu.memory_space<vmem>>
      %dma_wait3A_339 = tpu.memref_slice %arg3[%add3A_192] : memref<52044xi32, #tpu.memory_space<hbm>> -> memref<320xi32, #tpu.memory_space<hbm>>
      tpu.wait_dma2 semaphore(%arg24 : memref<!tpu.dma_semaphore, #tpu.memory_space<semaphore_mem>>) src(%dma_wait3A_339 : memref<320xi32, #tpu.memory_space<hbm>>) dst(%dma_wait3A_338 : memref<320xi32, #tpu.memory_space<vmem>>)
      %dma_wait3A_340 = arith.constant 1248 : i32
      %dma_wait3A_341 = tpu.memref_slice %arg21[%dma_wait3A_340] : memref<4992xi32, #tpu.memory_space<vmem>> -> memref<320xi32, #tpu.memory_space<vmem>>
      %dma_wait3A_342 = tpu.memref_slice %arg3[%add3A_202] : memref<52044xi32, #tpu.memory_space<hbm>> -> memref<320xi32, #tpu.memory_space<hbm>>
      %dma_wait3A_343 = arith.constant 1248 : i32
      %dma_wait3A_344 = tpu.memref_slice %arg21[%dma_wait3A_343] : memref<4992xi32, #tpu.memory_space<vmem>> -> memref<320xi32, #tpu.memory_space<vmem>>
      %dma_wait3A_345 = tpu.memref_slice %arg3[%add3A_202] : memref<52044xi32, #tpu.memory_space<hbm>> -> memref<320xi32, #tpu.memory_space<hbm>>
      tpu.wait_dma2 semaphore(%arg24 : memref<!tpu.dma_semaphore, #tpu.memory_space<semaphore_mem>>) src(%dma_wait3A_345 : memref<320xi32, #tpu.memory_space<hbm>>) dst(%dma_wait3A_344 : memref<320xi32, #tpu.memory_space<vmem>>)
      %dma_wait3A_346 = arith.constant 1872 : i32
      %dma_wait3A_347 = tpu.memref_slice %arg21[%dma_wait3A_346] : memref<4992xi32, #tpu.memory_space<vmem>> -> memref<320xi32, #tpu.memory_space<vmem>>
      %dma_wait3A_348 = tpu.memref_slice %arg3[%add3A_212] : memref<52044xi32, #tpu.memory_space<hbm>> -> memref<320xi32, #tpu.memory_space<hbm>>
      %dma_wait3A_349 = arith.constant 1872 : i32
      %dma_wait3A_350 = tpu.memref_slice %arg21[%dma_wait3A_349] : memref<4992xi32, #tpu.memory_space<vmem>> -> memref<320xi32, #tpu.memory_space<vmem>>
      %dma_wait3A_351 = tpu.memref_slice %arg3[%add3A_212] : memref<52044xi32, #tpu.memory_space<hbm>> -> memref<320xi32, #tpu.memory_space<hbm>>
      tpu.wait_dma2 semaphore(%arg24 : memref<!tpu.dma_semaphore, #tpu.memory_space<semaphore_mem>>) src(%dma_wait3A_351 : memref<320xi32, #tpu.memory_space<hbm>>) dst(%dma_wait3A_350 : memref<320xi32, #tpu.memory_space<vmem>>)
      %dma_wait3A_352 = arith.constant 2496 : i32
      %dma_wait3A_353 = tpu.memref_slice %arg21[%dma_wait3A_352] : memref<4992xi32, #tpu.memory_space<vmem>> -> memref<320xi32, #tpu.memory_space<vmem>>
      %dma_wait3A_354 = tpu.memref_slice %arg3[%add3A_222] : memref<52044xi32, #tpu.memory_space<hbm>> -> memref<320xi32, #tpu.memory_space<hbm>>
      %dma_wait3A_355 = arith.constant 2496 : i32
      %dma_wait3A_356 = tpu.memref_slice %arg21[%dma_wait3A_355] : memref<4992xi32, #tpu.memory_space<vmem>> -> memref<320xi32, #tpu.memory_space<vmem>>
      %dma_wait3A_357 = tpu.memref_slice %arg3[%add3A_222] : memref<52044xi32, #tpu.memory_space<hbm>> -> memref<320xi32, #tpu.memory_space<hbm>>
      tpu.wait_dma2 semaphore(%arg24 : memref<!tpu.dma_semaphore, #tpu.memory_space<semaphore_mem>>) src(%dma_wait3A_357 : memref<320xi32, #tpu.memory_space<hbm>>) dst(%dma_wait3A_356 : memref<320xi32, #tpu.memory_space<vmem>>)
      %dma_wait3A_358 = arith.constant 3120 : i32
      %dma_wait3A_359 = tpu.memref_slice %arg21[%dma_wait3A_358] : memref<4992xi32, #tpu.memory_space<vmem>> -> memref<320xi32, #tpu.memory_space<vmem>>
      %dma_wait3A_360 = tpu.memref_slice %arg3[%add3A_232] : memref<52044xi32, #tpu.memory_space<hbm>> -> memref<320xi32, #tpu.memory_space<hbm>>
      %dma_wait3A_361 = arith.constant 3120 : i32
      %dma_wait3A_362 = tpu.memref_slice %arg21[%dma_wait3A_361] : memref<4992xi32, #tpu.memory_space<vmem>> -> memref<320xi32, #tpu.memory_space<vmem>>
      %dma_wait3A_363 = tpu.memref_slice %arg3[%add3A_232] : memref<52044xi32, #tpu.memory_space<hbm>> -> memref<320xi32, #tpu.memory_space<hbm>>
      tpu.wait_dma2 semaphore(%arg24 : memref<!tpu.dma_semaphore, #tpu.memory_space<semaphore_mem>>) src(%dma_wait3A_363 : memref<320xi32, #tpu.memory_space<hbm>>) dst(%dma_wait3A_362 : memref<320xi32, #tpu.memory_space<vmem>>)
      %dma_wait3A_364 = arith.constant 3744 : i32
      %dma_wait3A_365 = tpu.memref_slice %arg21[%dma_wait3A_364] : memref<4992xi32, #tpu.memory_space<vmem>> -> memref<320xi32, #tpu.memory_space<vmem>>
      %dma_wait3A_366 = tpu.memref_slice %arg3[%add3A_242] : memref<52044xi32, #tpu.memory_space<hbm>> -> memref<320xi32, #tpu.memory_space<hbm>>
      %dma_wait3A_367 = arith.constant 3744 : i32
      %dma_wait3A_368 = tpu.memref_slice %arg21[%dma_wait3A_367] : memref<4992xi32, #tpu.memory_space<vmem>> -> memref<320xi32, #tpu.memory_space<vmem>>
      %dma_wait3A_369 = tpu.memref_slice %arg3[%add3A_242] : memref<52044xi32, #tpu.memory_space<hbm>> -> memref<320xi32, #tpu.memory_space<hbm>>
      tpu.wait_dma2 semaphore(%arg24 : memref<!tpu.dma_semaphore, #tpu.memory_space<semaphore_mem>>) src(%dma_wait3A_369 : memref<320xi32, #tpu.memory_space<hbm>>) dst(%dma_wait3A_368 : memref<320xi32, #tpu.memory_space<vmem>>)
      %dma_wait3A_370 = arith.constant 4368 : i32
      %dma_wait3A_371 = tpu.memref_slice %arg21[%dma_wait3A_370] : memref<4992xi32, #tpu.memory_space<vmem>> -> memref<320xi32, #tpu.memory_space<vmem>>
      %dma_wait3A_372 = tpu.memref_slice %arg3[%add3A_252] : memref<52044xi32, #tpu.memory_space<hbm>> -> memref<320xi32, #tpu.memory_space<hbm>>
      %dma_wait3A_373 = arith.constant 4368 : i32
      %dma_wait3A_374 = tpu.memref_slice %arg21[%dma_wait3A_373] : memref<4992xi32, #tpu.memory_space<vmem>> -> memref<320xi32, #tpu.memory_space<vmem>>
      %dma_wait3A_375 = tpu.memref_slice %arg3[%add3A_252] : memref<52044xi32, #tpu.memory_space<hbm>> -> memref<320xi32, #tpu.memory_space<hbm>>
      tpu.wait_dma2 semaphore(%arg24 : memref<!tpu.dma_semaphore, #tpu.memory_space<semaphore_mem>>) src(%dma_wait3A_375 : memref<320xi32, #tpu.memory_space<hbm>>) dst(%dma_wait3A_374 : memref<320xi32, #tpu.memory_space<vmem>>)
      %dma_wait3A_376 = arith.constant 0 : i32
      %dma_wait3A_377 = tpu.memref_slice %arg22[%dma_wait3A_376] : memref<624xi32, #tpu.memory_space<vmem>> -> memref<320xi32, #tpu.memory_space<vmem>>
      %dma_wait3A_378 = tpu.memref_slice %arg3[%add3A_262] : memref<52044xi32, #tpu.memory_space<hbm>> -> memref<320xi32, #tpu.memory_space<hbm>>
      %dma_wait3A_379 = arith.constant 0 : i32
      %dma_wait3A_380 = tpu.memref_slice %arg22[%dma_wait3A_379] : memref<624xi32, #tpu.memory_space<vmem>> -> memref<320xi32, #tpu.memory_space<vmem>>
      %dma_wait3A_381 = tpu.memref_slice %arg3[%add3A_262] : memref<52044xi32, #tpu.memory_space<hbm>> -> memref<320xi32, #tpu.memory_space<hbm>>
      tpu.wait_dma2 semaphore(%arg24 : memref<!tpu.dma_semaphore, #tpu.memory_space<semaphore_mem>>) src(%dma_wait3A_381 : memref<320xi32, #tpu.memory_space<hbm>>) dst(%dma_wait3A_380 : memref<320xi32, #tpu.memory_space<vmem>>)
      %iota3A = tpu.iota {dimensions = array<i32: 0>} : vector<16xi32>
      %broadcast_in_dim3A = arith.constant 0.000000e+00 : f32
      %broadcast_in_dim3A_382 = vector.broadcast %broadcast_in_dim3A : f32 to vector<16xf32>
      %scan3A = arith.constant 0 : i32
      %scan3A_383 = arith.constant 0 : i32
      %scan3A_384 = arith.constant 40 : i32
      %scan3A_385 = arith.addi %scan3A_383, %scan3A_384 : i32
      %scan3A_386 = arith.constant 1 : i32
      scf.for %scan3A_449 = %scan3A_383 to %scan3A_385 step %scan3A_386  : i32 {
        %mul3A_450 = arith.constant 16 : i32
        %mul3A_451 = arith.muli %scan3A_449, %mul3A_450 : i32
        %get3A = arith.index_cast %mul3A_451 : i32 to index
        %get3A_452 = tpu.vector_load %arg9[%get3A] {strides = array<i32>} : memref<2496xf32, #tpu.memory_space<vmem>>, vector<16xf32>,
        %get3A_453 = arith.index_cast %mul3A_451 : i32 to index
        %get3A_454 = tpu.vector_load %arg6[%get3A_453] {strides = array<i32>} : memref<2496xf32, #tpu.memory_space<vmem>>, vector<16xf32>,
        %sub3A_455 = arith.subf %get3A_452, %get3A_454 : vector<16xf32>
        %swap3A_456 = arith.index_cast %mul3A_451 : i32 to index
        %swap3A_457 = tpu.vector_load %arg12[%swap3A_456] {strides = array<i32>} : memref<2496xf32, #tpu.memory_space<vmem>>, vector<16xf32>,
        tpu.vector_store %arg12[%swap3A_456], %sub3A_455 {strides = array<i32>} : memref<2496xf32, #tpu.memory_space<vmem>>, vector<16xf32>,
        %get3A_458 = arith.index_cast %mul3A_451 : i32 to index
        %get3A_459 = tpu.vector_load %arg10[%get3A_458] {strides = array<i32>} : memref<2496xf32, #tpu.memory_space<vmem>>, vector<16xf32>,
        %get3A_460 = arith.index_cast %mul3A_451 : i32 to index
        %get3A_461 = tpu.vector_load %arg7[%get3A_460] {strides = array<i32>} : memref<2496xf32, #tpu.memory_space<vmem>>, vector<16xf32>,
        %sub3A_462 = arith.subf %get3A_459, %get3A_461 : vector<16xf32>
        %swap3A_463 = arith.index_cast %mul3A_451 : i32 to index
        %swap3A_464 = tpu.vector_load %arg13[%swap3A_463] {strides = array<i32>} : memref<2496xf32, #tpu.memory_space<vmem>>, vector<16xf32>,
        tpu.vector_store %arg13[%swap3A_463], %sub3A_462 {strides = array<i32>} : memref<2496xf32, #tpu.memory_space<vmem>>, vector<16xf32>,
        %get3A_465 = arith.index_cast %mul3A_451 : i32 to index
        %get3A_466 = tpu.vector_load %arg11[%get3A_465] {strides = array<i32>} : memref<2496xf32, #tpu.memory_space<vmem>>, vector<16xf32>,
        %get3A_467 = arith.index_cast %mul3A_451 : i32 to index
        %get3A_468 = tpu.vector_load %arg8[%get3A_467] {strides = array<i32>} : memref<2496xf32, #tpu.memory_space<vmem>>, vector<16xf32>,
        %sub3A_469 = arith.subf %get3A_466, %get3A_468 : vector<16xf32>
        %swap3A_470 = arith.index_cast %mul3A_451 : i32 to index
        %swap3A_471 = tpu.vector_load %arg14[%swap3A_470] {strides = array<i32>} : memref<2496xf32, #tpu.memory_space<vmem>>, vector<16xf32>,
        tpu.vector_store %arg14[%swap3A_470], %sub3A_469 {strides = array<i32>} : memref<2496xf32, #tpu.memory_space<vmem>>, vector<16xf32>,
      }
      %scan3A_387 = arith.constant 40 : i32
      %scan3A_388 = arith.constant 0 : i32
      %scan3A_389 = arith.constant 58 : i32
      %scan3A_390 = arith.addi %scan3A_388, %scan3A_389 : i32
      %scan3A_391 = arith.constant 1 : i32
      %scan3A_392:2 = scf.for %scan3A_449 = %scan3A_388 to %scan3A_390 step %scan3A_391 iter_args(%scan3A_450 = %broadcast_in_dim3A_382, %scan3A_451 = %broadcast_in_dim3A_382) -> (vector<16xf32>, vector<16xf32>)  : i32 {
        %mul3A_452 = arith.constant 16 : i32
        %mul3A_453 = arith.muli %scan3A_449, %mul3A_452 : i32
        %get3A = arith.index_cast %mul3A_453 : i32 to index
        %get3A_454 = tpu.vector_load %arg19[%get3A] {strides = array<i32>} : memref<1856xi32, #tpu.memory_space<vmem>>, vector<16xi32>,
        %get3A_455 = arith.index_cast %mul3A_453 : i32 to index
        %get3A_456 = tpu.vector_load %arg20[%get3A_455] {strides = array<i32>} : memref<1856xi32, #tpu.memory_space<vmem>>, vector<16xi32>,
        %mul3A_457 = arith.constant 928 : i32
        %mul3A_458 = arith.muli %select_n3A_53, %mul3A_457 : i32
        %mul3A_459 = arith.constant 16 : i32
        %mul3A_460 = arith.muli %scan3A_449, %mul3A_459 : i32
        %add3A_461 = arith.addi %mul3A_458, %mul3A_460 : i32
        %add3A_462 = vector.broadcast %add3A_461 : i32 to vector<16xi32>
        %add3A_463 = arith.addi %add3A_462, %iota3A : vector<16xi32>
        %lt3A_464 = arith.constant 1848 : i32
        %lt3A_465 = vector.broadcast %lt3A_464 : i32 to vector<16xi32>
        %lt3A_466 = arith.cmpi slt, %add3A_463, %lt3A_465 : vector<16xi32>
        %gather3A = tpu.vector_load_idx %arg6[%get3A_454] : memref<2496xf32, #tpu.memory_space<vmem>>[vector<16xi32>], vector<16xf32>,
        %gather3A_467 = tpu.vector_load_idx %arg6[%get3A_456] : memref<2496xf32, #tpu.memory_space<vmem>>[vector<16xi32>], vector<16xf32>,
        %sub3A_468 = arith.subf %gather3A, %gather3A_467 : vector<16xf32>
        %gather3A_469 = tpu.vector_load_idx %arg7[%get3A_454] : memref<2496xf32, #tpu.memory_space<vmem>>[vector<16xi32>], vector<16xf32>,
        %gather3A_470 = tpu.vector_load_idx %arg7[%get3A_456] : memref<2496xf32, #tpu.memory_space<vmem>>[vector<16xi32>], vector<16xf32>,
        %sub3A_471 = arith.subf %gather3A_469, %gather3A_470 : vector<16xf32>
        %gather3A_472 = tpu.vector_load_idx %arg8[%get3A_454] : memref<2496xf32, #tpu.memory_space<vmem>>[vector<16xi32>], vector<16xf32>,
        %gather3A_473 = tpu.vector_load_idx %arg8[%get3A_456] : memref<2496xf32, #tpu.memory_space<vmem>>[vector<16xi32>], vector<16xf32>,
        %sub3A_474 = arith.subf %gather3A_472, %gather3A_473 : vector<16xf32>
        %mul3A_475 = arith.mulf %sub3A_468, %sub3A_468 : vector<16xf32>
        %mul3A_476 = arith.mulf %sub3A_471, %sub3A_471 : vector<16xf32>
        %add3A_477 = arith.addf %mul3A_475, %mul3A_476 : vector<16xf32>
        %mul3A_478 = arith.mulf %sub3A_474, %sub3A_474 : vector<16xf32>
        %add3A_479 = arith.addf %add3A_477, %mul3A_478 : vector<16xf32>
        %gather3A_480 = tpu.vector_load_idx %arg18[%get3A_454] : memref<2496xi32, #tpu.memory_space<vmem>>[vector<16xi32>], vector<16xi32>,
        %and3A_481 = arith.constant 2047 : i32
        %and3A_482 = vector.broadcast %and3A_481 : i32 to vector<16xi32>
        %and3A_483 = arith.andi %gather3A_480, %and3A_482 : vector<16xi32>
        %gather3A_484 = tpu.vector_load_idx %arg15[%and3A_483] : memref<2048xf32, #tpu.memory_space<vmem>>[vector<16xi32>], vector<16xf32>,
        %gather3A_485 = tpu.vector_load_idx %arg16[%and3A_483] : memref<2048xf32, #tpu.memory_space<vmem>>[vector<16xi32>], vector<16xf32>,
        %gather3A_486 = tpu.vector_load_idx %arg17[%and3A_483] : memref<2048xf32, #tpu.memory_space<vmem>>[vector<16xi32>], vector<16xf32>,
        %mul3A_487 = arith.mulf %sub3A_468, %gather3A_484 : vector<16xf32>
        %mul3A_488 = arith.mulf %sub3A_471, %gather3A_485 : vector<16xf32>
        %add3A_489 = arith.addf %mul3A_487, %mul3A_488 : vector<16xf32>
        %mul3A_490 = arith.mulf %sub3A_474, %gather3A_486 : vector<16xf32>
        %add3A_491 = arith.addf %add3A_489, %mul3A_490 : vector<16xf32>
        %mul3A_492 = arith.mulf %gather3A_484, %gather3A_484 : vector<16xf32>
        %mul3A_493 = arith.mulf %gather3A_485, %gather3A_485 : vector<16xf32>
        %add3A_494 = arith.addf %mul3A_492, %mul3A_493 : vector<16xf32>
        %mul3A_495 = arith.mulf %gather3A_486, %gather3A_486 : vector<16xf32>
        %add3A_496 = arith.addf %add3A_494, %mul3A_495 : vector<16xf32>
        %abs3A = math.absf %add3A_491 : vector<16xf32>
        %mul3A_497 = arith.mulf %add3A_479, %add3A_496 : vector<16xf32>
        %max3A = arith.constant 1.000000e-24 : f32
        %max3A_498 = vector.broadcast %max3A : f32 to vector<16xf32>
        %max3A_499 = arith.maximumf %mul3A_497, %max3A_498 : vector<16xf32>
        %bitcast3A = vector.bitcast %max3A_499 : vector<16xf32> to vector<16xi32>
        %shift_right_arithmetic3A = arith.constant 1 : i32
        %shift_right_arithmetic3A_500 = vector.broadcast %shift_right_arithmetic3A : i32 to vector<16xi32>
        %shift_right_arithmetic3A_501 = arith.shrsi %bitcast3A, %shift_right_arithmetic3A_500 : vector<16xi32>
        %sub3A_502 = arith.constant 1597463007 : i32
        %sub3A_503 = vector.broadcast %sub3A_502 : i32 to vector<16xi32>
        %sub3A_504 = arith.subi %sub3A_503, %shift_right_arithmetic3A_501 : vector<16xi32>
        %bitcast3A_505 = vector.bitcast %sub3A_504 : vector<16xi32> to vector<16xf32>
        %mul3A_506 = arith.constant 5.000000e-01 : f32
        %mul3A_507 = vector.broadcast %mul3A_506 : f32 to vector<16xf32>
        %mul3A_508 = arith.mulf %mul3A_507, %max3A_499 : vector<16xf32>
        %mul3A_509 = arith.mulf %mul3A_508, %bitcast3A_505 : vector<16xf32>
        %mul3A_510 = arith.mulf %mul3A_509, %bitcast3A_505 : vector<16xf32>
        %sub3A_511 = arith.constant 1.500000e+00 : f32
        %sub3A_512 = vector.broadcast %sub3A_511 : f32 to vector<16xf32>
        %sub3A_513 = arith.subf %sub3A_512, %mul3A_510 : vector<16xf32>
        %mul3A_514 = arith.mulf %bitcast3A_505, %sub3A_513 : vector<16xf32>
        %mul3A_515 = arith.constant 5.000000e-01 : f32
        %mul3A_516 = vector.broadcast %mul3A_515 : f32 to vector<16xf32>
        %mul3A_517 = arith.mulf %mul3A_516, %max3A_499 : vector<16xf32>
        %mul3A_518 = arith.mulf %mul3A_517, %mul3A_514 : vector<16xf32>
        %mul3A_519 = arith.mulf %mul3A_518, %mul3A_514 : vector<16xf32>
        %sub3A_520 = arith.constant 1.500000e+00 : f32
        %sub3A_521 = vector.broadcast %sub3A_520 : f32 to vector<16xf32>
        %sub3A_522 = arith.subf %sub3A_521, %mul3A_519 : vector<16xf32>
        %mul3A_523 = arith.mulf %mul3A_514, %sub3A_522 : vector<16xf32>
        %mul3A_524 = arith.constant 5.000000e-01 : f32
        %mul3A_525 = vector.broadcast %mul3A_524 : f32 to vector<16xf32>
        %mul3A_526 = arith.mulf %mul3A_525, %max3A_499 : vector<16xf32>
        %mul3A_527 = arith.mulf %mul3A_526, %mul3A_523 : vector<16xf32>
        %mul3A_528 = arith.mulf %mul3A_527, %mul3A_523 : vector<16xf32>
        %sub3A_529 = arith.constant 1.500000e+00 : f32
        %sub3A_530 = vector.broadcast %sub3A_529 : f32 to vector<16xf32>
        %sub3A_531 = arith.subf %sub3A_530, %mul3A_528 : vector<16xf32>
        %mul3A_532 = arith.mulf %mul3A_523, %sub3A_531 : vector<16xf32>
        %mul3A_533 = arith.constant 5.000000e-01 : f32
        %mul3A_534 = vector.broadcast %mul3A_533 : f32 to vector<16xf32>
        %mul3A_535 = arith.mulf %mul3A_534, %max3A_499 : vector<16xf32>
        %mul3A_536 = arith.mulf %mul3A_535, %mul3A_532 : vector<16xf32>
        %mul3A_537 = arith.mulf %mul3A_536, %mul3A_532 : vector<16xf32>
        %sub3A_538 = arith.constant 1.500000e+00 : f32
        %sub3A_539 = vector.broadcast %sub3A_538 : f32 to vector<16xf32>
        %sub3A_540 = arith.subf %sub3A_539, %mul3A_537 : vector<16xf32>
        %mul3A_541 = arith.mulf %mul3A_532, %sub3A_540 : vector<16xf32>
        %mul3A_542 = arith.mulf %abs3A, %mul3A_541 : vector<16xf32>
        %jit3A_543 = arith.constant 0.000000e+00 : f32
        %broadcast_in_dim3A_544 = vector.broadcast %jit3A_543 : f32 to vector<16xf32>
        %select_n3A_545 = arith.select %lt3A_466, %add3A_479, %broadcast_in_dim3A_544 : vector<16xi1>, vector<16xf32>
        %add3A_546 = arith.addf %scan3A_450, %select_n3A_545 : vector<16xf32>
        %jit3A_547 = arith.constant 0.000000e+00 : f32
        %broadcast_in_dim3A_548 = vector.broadcast %jit3A_547 : f32 to vector<16xf32>
        %select_n3A_549 = arith.select %lt3A_466, %mul3A_542, %broadcast_in_dim3A_548 : vector<16xi1>, vector<16xf32>
        %add3A_550 = arith.addf %scan3A_451, %select_n3A_549 : vector<16xf32>
        scf.yield %add3A_546, %add3A_550 : vector<16xf32>, vector<16xf32>
      }
      %scan3A_393 = arith.constant 58 : i32
      %scan3A_394 = arith.constant 0 : i32
      %scan3A_395 = arith.constant 20 : i32
      %scan3A_396 = arith.addi %scan3A_394, %scan3A_395 : i32
      %scan3A_397 = arith.constant 1 : i32
      %scan3A_398:2 = scf.for %scan3A_449 = %scan3A_394 to %scan3A_396 step %scan3A_397 iter_args(%scan3A_450 = %broadcast_in_dim3A_382, %scan3A_451 = %broadcast_in_dim3A_382) -> (vector<16xf32>, vector<16xf32>)  : i32 {
        %mul3A_452 = arith.constant 320 : i32
        %mul3A_453 = arith.muli %select_n3A_53, %mul3A_452 : i32
        %mul3A_454 = arith.constant 16 : i32
        %mul3A_455 = arith.muli %scan3A_449, %mul3A_454 : i32
        %add3A_456 = arith.addi %mul3A_453, %mul3A_455 : i32
        %add3A_457 = vector.broadcast %add3A_456 : i32 to vector<16xi32>
        %add3A_458 = arith.addi %add3A_457, %iota3A : vector<16xi32>
        %lt3A_459 = arith.constant 618 : i32
        %lt3A_460 = vector.broadcast %lt3A_459 : i32 to vector<16xi32>
        %lt3A_461 = arith.cmpi slt, %add3A_458, %lt3A_460 : vector<16xi32>
        %get3A = arith.index_cast %add3A_456 : i32 to index
        %get3A_462 = tpu.vector_load %arg12[%get3A] {strides = array<i32>} : memref<2496xf32, #tpu.memory_space<vmem>>, vector<16xf32>,
        %get3A_463 = arith.index_cast %add3A_456 : i32 to index
        %get3A_464 = tpu.vector_load %arg13[%get3A_463] {strides = array<i32>} : memref<2496xf32, #tpu.memory_space<vmem>>, vector<16xf32>,
        %get3A_465 = arith.index_cast %add3A_456 : i32 to index
        %get3A_466 = tpu.vector_load %arg14[%get3A_465] {strides = array<i32>} : memref<2496xf32, #tpu.memory_space<vmem>>, vector<16xf32>,
        %mul3A_467 = arith.constant 16 : i32
        %mul3A_468 = arith.muli %scan3A_449, %mul3A_467 : i32
        %get3A_469 = arith.index_cast %mul3A_468 : i32 to index
        %get3A_470 = tpu.vector_load %arg22[%get3A_469] {strides = array<i32>} : memref<624xi32, #tpu.memory_space<vmem>>, vector<16xi32>,
        %convert_element_type3A_471 = arith.sitofp %get3A_470 : vector<16xi32> to vector<16xf32>
        %mul3A_472 = arith.constant 16 : i32
        %mul3A_473 = arith.muli %scan3A_449, %mul3A_472 : i32
        %add3A_474 = arith.constant 0 : i32
        %add3A_475 = arith.addi %add3A_474, %mul3A_473 : i32
        %get3A_476 = arith.index_cast %add3A_475 : i32 to index
        %get3A_477 = tpu.vector_load %arg21[%get3A_476] {strides = array<i32>} : memref<4992xi32, #tpu.memory_space<vmem>>, vector<16xi32>,
        %ge3A_478 = arith.constant 0 : i32
        %ge3A_479 = vector.broadcast %ge3A_478 : i32 to vector<16xi32>
        %ge3A_480 = arith.cmpi sge, %get3A_477, %ge3A_479 : vector<16xi32>
        %jit3A_481 = arith.constant 0 : i32
        %broadcast_in_dim3A_482 = vector.broadcast %jit3A_481 : i32 to vector<16xi32>
        %select_n3A_483 = arith.select %ge3A_480, %get3A_477, %broadcast_in_dim3A_482 : vector<16xi1>, vector<16xi32>
        %gather3A = tpu.vector_load_idx %arg12[%select_n3A_483] : memref<2496xf32, #tpu.memory_space<vmem>>[vector<16xi32>], vector<16xf32>,
        %jit3A_484 = arith.constant 0.000000e+00 : f32
        %broadcast_in_dim3A_485 = vector.broadcast %jit3A_484 : f32 to vector<16xf32>
        %select_n3A_486 = arith.select %ge3A_480, %gather3A, %broadcast_in_dim3A_485 : vector<16xi1>, vector<16xf32>
        %add3A_487 = arith.addf %broadcast_in_dim3A_382, %select_n3A_486 : vector<16xf32>
        %gather3A_488 = tpu.vector_load_idx %arg13[%select_n3A_483] : memref<2496xf32, #tpu.memory_space<vmem>>[vector<16xi32>], vector<16xf32>,
        %jit3A_489 = arith.constant 0.000000e+00 : f32
        %broadcast_in_dim3A_490 = vector.broadcast %jit3A_489 : f32 to vector<16xf32>
        %select_n3A_491 = arith.select %ge3A_480, %gather3A_488, %broadcast_in_dim3A_490 : vector<16xi1>, vector<16xf32>
        %add3A_492 = arith.addf %broadcast_in_dim3A_382, %select_n3A_491 : vector<16xf32>
        %gather3A_493 = tpu.vector_load_idx %arg14[%select_n3A_483] : memref<2496xf32, #tpu.memory_space<vmem>>[vector<16xi32>], vector<16xf32>,
        %jit3A_494 = arith.constant 0.000000e+00 : f32
        %broadcast_in_dim3A_495 = vector.broadcast %jit3A_494 : f32 to vector<16xf32>
        %select_n3A_496 = arith.select %ge3A_480, %gather3A_493, %broadcast_in_dim3A_495 : vector<16xi1>, vector<16xf32>
        %add3A_497 = arith.addf %broadcast_in_dim3A_382, %select_n3A_496 : vector<16xf32>
        %mul3A_498 = arith.constant 16 : i32
        %mul3A_499 = arith.muli %scan3A_449, %mul3A_498 : i32
        %add3A_500 = arith.constant 624 : i32
        %add3A_501 = arith.addi %add3A_500, %mul3A_499 : i32
        %get3A_502 = arith.index_cast %add3A_501 : i32 to index
        %get3A_503 = tpu.vector_load %arg21[%get3A_502] {strides = array<i32>} : memref<4992xi32, #tpu.memory_space<vmem>>, vector<16xi32>,
        %ge3A_504 = arith.constant 0 : i32
        %ge3A_505 = vector.broadcast %ge3A_504 : i32 to vector<16xi32>
        %ge3A_506 = arith.cmpi sge, %get3A_503, %ge3A_505 : vector<16xi32>
        %jit3A_507 = arith.constant 0 : i32
        %broadcast_in_dim3A_508 = vector.broadcast %jit3A_507 : i32 to vector<16xi32>
        %select_n3A_509 = arith.select %ge3A_506, %get3A_503, %broadcast_in_dim3A_508 : vector<16xi1>, vector<16xi32>
        %gather3A_510 = tpu.vector_load_idx %arg12[%select_n3A_509] : memref<2496xf32, #tpu.memory_space<vmem>>[vector<16xi32>], vector<16xf32>,
        %jit3A_511 = arith.constant 0.000000e+00 : f32
        %broadcast_in_dim3A_512 = vector.broadcast %jit3A_511 : f32 to vector<16xf32>
        %select_n3A_513 = arith.select %ge3A_506, %gather3A_510, %broadcast_in_dim3A_512 : vector<16xi1>, vector<16xf32>
        %add3A_514 = arith.addf %add3A_487, %select_n3A_513 : vector<16xf32>
        %gather3A_515 = tpu.vector_load_idx %arg13[%select_n3A_509] : memref<2496xf32, #tpu.memory_space<vmem>>[vector<16xi32>], vector<16xf32>,
        %jit3A_516 = arith.constant 0.000000e+00 : f32
        %broadcast_in_dim3A_517 = vector.broadcast %jit3A_516 : f32 to vector<16xf32>
        %select_n3A_518 = arith.select %ge3A_506, %gather3A_515, %broadcast_in_dim3A_517 : vector<16xi1>, vector<16xf32>
        %add3A_519 = arith.addf %add3A_492, %select_n3A_518 : vector<16xf32>
        %gather3A_520 = tpu.vector_load_idx %arg14[%select_n3A_509] : memref<2496xf32, #tpu.memory_space<vmem>>[vector<16xi32>], vector<16xf32>,
        %jit3A_521 = arith.constant 0.000000e+00 : f32
        %broadcast_in_dim3A_522 = vector.broadcast %jit3A_521 : f32 to vector<16xf32>
        %select_n3A_523 = arith.select %ge3A_506, %gather3A_520, %broadcast_in_dim3A_522 : vector<16xi1>, vector<16xf32>
        %add3A_524 = arith.addf %add3A_497, %select_n3A_523 : vector<16xf32>
        %mul3A_525 = arith.constant 16 : i32
        %mul3A_526 = arith.muli %scan3A_449, %mul3A_525 : i32
        %add3A_527 = arith.constant 1248 : i32
        %add3A_528 = arith.addi %add3A_527, %mul3A_526 : i32
        %get3A_529 = arith.index_cast %add3A_528 : i32 to index
        %get3A_530 = tpu.vector_load %arg21[%get3A_529] {strides = array<i32>} : memref<4992xi32, #tpu.memory_space<vmem>>, vector<16xi32>,
        %ge3A_531 = arith.constant 0 : i32
        %ge3A_532 = vector.broadcast %ge3A_531 : i32 to vector<16xi32>
        %ge3A_533 = arith.cmpi sge, %get3A_530, %ge3A_532 : vector<16xi32>
        %jit3A_534 = arith.constant 0 : i32
        %broadcast_in_dim3A_535 = vector.broadcast %jit3A_534 : i32 to vector<16xi32>
        %select_n3A_536 = arith.select %ge3A_533, %get3A_530, %broadcast_in_dim3A_535 : vector<16xi1>, vector<16xi32>
        %gather3A_537 = tpu.vector_load_idx %arg12[%select_n3A_536] : memref<2496xf32, #tpu.memory_space<vmem>>[vector<16xi32>], vector<16xf32>,
        %jit3A_538 = arith.constant 0.000000e+00 : f32
        %broadcast_in_dim3A_539 = vector.broadcast %jit3A_538 : f32 to vector<16xf32>
        %select_n3A_540 = arith.select %ge3A_533, %gather3A_537, %broadcast_in_dim3A_539 : vector<16xi1>, vector<16xf32>
        %add3A_541 = arith.addf %add3A_514, %select_n3A_540 : vector<16xf32>
        %gather3A_542 = tpu.vector_load_idx %arg13[%select_n3A_536] : memref<2496xf32, #tpu.memory_space<vmem>>[vector<16xi32>], vector<16xf32>,
        %jit3A_543 = arith.constant 0.000000e+00 : f32
        %broadcast_in_dim3A_544 = vector.broadcast %jit3A_543 : f32 to vector<16xf32>
        %select_n3A_545 = arith.select %ge3A_533, %gather3A_542, %broadcast_in_dim3A_544 : vector<16xi1>, vector<16xf32>
        %add3A_546 = arith.addf %add3A_519, %select_n3A_545 : vector<16xf32>
        %gather3A_547 = tpu.vector_load_idx %arg14[%select_n3A_536] : memref<2496xf32, #tpu.memory_space<vmem>>[vector<16xi32>], vector<16xf32>,
        %jit3A_548 = arith.constant 0.000000e+00 : f32
        %broadcast_in_dim3A_549 = vector.broadcast %jit3A_548 : f32 to vector<16xf32>
        %select_n3A_550 = arith.select %ge3A_533, %gather3A_547, %broadcast_in_dim3A_549 : vector<16xi1>, vector<16xf32>
        %add3A_551 = arith.addf %add3A_524, %select_n3A_550 : vector<16xf32>
        %mul3A_552 = arith.constant 16 : i32
        %mul3A_553 = arith.muli %scan3A_449, %mul3A_552 : i32
        %add3A_554 = arith.constant 1872 : i32
        %add3A_555 = arith.addi %add3A_554, %mul3A_553 : i32
        %get3A_556 = arith.index_cast %add3A_555 : i32 to index
        %get3A_557 = tpu.vector_load %arg21[%get3A_556] {strides = array<i32>} : memref<4992xi32, #tpu.memory_space<vmem>>, vector<16xi32>,
        %ge3A_558 = arith.constant 0 : i32
        %ge3A_559 = vector.broadcast %ge3A_558 : i32 to vector<16xi32>
        %ge3A_560 = arith.cmpi sge, %get3A_557, %ge3A_559 : vector<16xi32>
        %jit3A_561 = arith.constant 0 : i32
        %broadcast_in_dim3A_562 = vector.broadcast %jit3A_561 : i32 to vector<16xi32>
        %select_n3A_563 = arith.select %ge3A_560, %get3A_557, %broadcast_in_dim3A_562 : vector<16xi1>, vector<16xi32>
        %gather3A_564 = tpu.vector_load_idx %arg12[%select_n3A_563] : memref<2496xf32, #tpu.memory_space<vmem>>[vector<16xi32>], vector<16xf32>,
        %jit3A_565 = arith.constant 0.000000e+00 : f32
        %broadcast_in_dim3A_566 = vector.broadcast %jit3A_565 : f32 to vector<16xf32>
        %select_n3A_567 = arith.select %ge3A_560, %gather3A_564, %broadcast_in_dim3A_566 : vector<16xi1>, vector<16xf32>
        %add3A_568 = arith.addf %add3A_541, %select_n3A_567 : vector<16xf32>
        %gather3A_569 = tpu.vector_load_idx %arg13[%select_n3A_563] : memref<2496xf32, #tpu.memory_space<vmem>>[vector<16xi32>], vector<16xf32>,
        %jit3A_570 = arith.constant 0.000000e+00 : f32
        %broadcast_in_dim3A_571 = vector.broadcast %jit3A_570 : f32 to vector<16xf32>
        %select_n3A_572 = arith.select %ge3A_560, %gather3A_569, %broadcast_in_dim3A_571 : vector<16xi1>, vector<16xf32>
        %add3A_573 = arith.addf %add3A_546, %select_n3A_572 : vector<16xf32>
        %gather3A_574 = tpu.vector_load_idx %arg14[%select_n3A_563] : memref<2496xf32, #tpu.memory_space<vmem>>[vector<16xi32>], vector<16xf32>,
        %jit3A_575 = arith.constant 0.000000e+00 : f32
        %broadcast_in_dim3A_576 = vector.broadcast %jit3A_575 : f32 to vector<16xf32>
        %select_n3A_577 = arith.select %ge3A_560, %gather3A_574, %broadcast_in_dim3A_576 : vector<16xi1>, vector<16xf32>
        %add3A_578 = arith.addf %add3A_551, %select_n3A_577 : vector<16xf32>
        %mul3A_579 = arith.constant 16 : i32
        %mul3A_580 = arith.muli %scan3A_449, %mul3A_579 : i32
        %add3A_581 = arith.constant 2496 : i32
        %add3A_582 = arith.addi %add3A_581, %mul3A_580 : i32
        %get3A_583 = arith.index_cast %add3A_582 : i32 to index
        %get3A_584 = tpu.vector_load %arg21[%get3A_583] {strides = array<i32>} : memref<4992xi32, #tpu.memory_space<vmem>>, vector<16xi32>,
        %ge3A_585 = arith.constant 0 : i32
        %ge3A_586 = vector.broadcast %ge3A_585 : i32 to vector<16xi32>
        %ge3A_587 = arith.cmpi sge, %get3A_584, %ge3A_586 : vector<16xi32>
        %jit3A_588 = arith.constant 0 : i32
        %broadcast_in_dim3A_589 = vector.broadcast %jit3A_588 : i32 to vector<16xi32>
        %select_n3A_590 = arith.select %ge3A_587, %get3A_584, %broadcast_in_dim3A_589 : vector<16xi1>, vector<16xi32>
        %gather3A_591 = tpu.vector_load_idx %arg12[%select_n3A_590] : memref<2496xf32, #tpu.memory_space<vmem>>[vector<16xi32>], vector<16xf32>,
        %jit3A_592 = arith.constant 0.000000e+00 : f32
        %broadcast_in_dim3A_593 = vector.broadcast %jit3A_592 : f32 to vector<16xf32>
        %select_n3A_594 = arith.select %ge3A_587, %gather3A_591, %broadcast_in_dim3A_593 : vector<16xi1>, vector<16xf32>
        %add3A_595 = arith.addf %add3A_568, %select_n3A_594 : vector<16xf32>
        %gather3A_596 = tpu.vector_load_idx %arg13[%select_n3A_590] : memref<2496xf32, #tpu.memory_space<vmem>>[vector<16xi32>], vector<16xf32>,
        %jit3A_597 = arith.constant 0.000000e+00 : f32
        %broadcast_in_dim3A_598 = vector.broadcast %jit3A_597 : f32 to vector<16xf32>
        %select_n3A_599 = arith.select %ge3A_587, %gather3A_596, %broadcast_in_dim3A_598 : vector<16xi1>, vector<16xf32>
        %add3A_600 = arith.addf %add3A_573, %select_n3A_599 : vector<16xf32>
        %gather3A_601 = tpu.vector_load_idx %arg14[%select_n3A_590] : memref<2496xf32, #tpu.memory_space<vmem>>[vector<16xi32>], vector<16xf32>,
        %jit3A_602 = arith.constant 0.000000e+00 : f32
        %broadcast_in_dim3A_603 = vector.broadcast %jit3A_602 : f32 to vector<16xf32>
        %select_n3A_604 = arith.select %ge3A_587, %gather3A_601, %broadcast_in_dim3A_603 : vector<16xi1>, vector<16xf32>
        %add3A_605 = arith.addf %add3A_578, %select_n3A_604 : vector<16xf32>
        %mul3A_606 = arith.constant 16 : i32
        %mul3A_607 = arith.muli %scan3A_449, %mul3A_606 : i32
        %add3A_608 = arith.constant 3120 : i32
        %add3A_609 = arith.addi %add3A_608, %mul3A_607 : i32
        %get3A_610 = arith.index_cast %add3A_609 : i32 to index
        %get3A_611 = tpu.vector_load %arg21[%get3A_610] {strides = array<i32>} : memref<4992xi32, #tpu.memory_space<vmem>>, vector<16xi32>,
        %ge3A_612 = arith.constant 0 : i32
        %ge3A_613 = vector.broadcast %ge3A_612 : i32 to vector<16xi32>
        %ge3A_614 = arith.cmpi sge, %get3A_611, %ge3A_613 : vector<16xi32>
        %jit3A_615 = arith.constant 0 : i32
        %broadcast_in_dim3A_616 = vector.broadcast %jit3A_615 : i32 to vector<16xi32>
        %select_n3A_617 = arith.select %ge3A_614, %get3A_611, %broadcast_in_dim3A_616 : vector<16xi1>, vector<16xi32>
        %gather3A_618 = tpu.vector_load_idx %arg12[%select_n3A_617] : memref<2496xf32, #tpu.memory_space<vmem>>[vector<16xi32>], vector<16xf32>,
        %jit3A_619 = arith.constant 0.000000e+00 : f32
        %broadcast_in_dim3A_620 = vector.broadcast %jit3A_619 : f32 to vector<16xf32>
        %select_n3A_621 = arith.select %ge3A_614, %gather3A_618, %broadcast_in_dim3A_620 : vector<16xi1>, vector<16xf32>
        %add3A_622 = arith.addf %add3A_595, %select_n3A_621 : vector<16xf32>
        %gather3A_623 = tpu.vector_load_idx %arg13[%select_n3A_617] : memref<2496xf32, #tpu.memory_space<vmem>>[vector<16xi32>], vector<16xf32>,
        %jit3A_624 = arith.constant 0.000000e+00 : f32
        %broadcast_in_dim3A_625 = vector.broadcast %jit3A_624 : f32 to vector<16xf32>
        %select_n3A_626 = arith.select %ge3A_614, %gather3A_623, %broadcast_in_dim3A_625 : vector<16xi1>, vector<16xf32>
        %add3A_627 = arith.addf %add3A_600, %select_n3A_626 : vector<16xf32>
        %gather3A_628 = tpu.vector_load_idx %arg14[%select_n3A_617] : memref<2496xf32, #tpu.memory_space<vmem>>[vector<16xi32>], vector<16xf32>,
        %jit3A_629 = arith.constant 0.000000e+00 : f32
        %broadcast_in_dim3A_630 = vector.broadcast %jit3A_629 : f32 to vector<16xf32>
        %select_n3A_631 = arith.select %ge3A_614, %gather3A_628, %broadcast_in_dim3A_630 : vector<16xi1>, vector<16xf32>
        %add3A_632 = arith.addf %add3A_605, %select_n3A_631 : vector<16xf32>
        %mul3A_633 = arith.constant 16 : i32
        %mul3A_634 = arith.muli %scan3A_449, %mul3A_633 : i32
        %add3A_635 = arith.constant 3744 : i32
        %add3A_636 = arith.addi %add3A_635, %mul3A_634 : i32
        %get3A_637 = arith.index_cast %add3A_636 : i32 to index
        %get3A_638 = tpu.vector_load %arg21[%get3A_637] {strides = array<i32>} : memref<4992xi32, #tpu.memory_space<vmem>>, vector<16xi32>,
        %ge3A_639 = arith.constant 0 : i32
        %ge3A_640 = vector.broadcast %ge3A_639 : i32 to vector<16xi32>
        %ge3A_641 = arith.cmpi sge, %get3A_638, %ge3A_640 : vector<16xi32>
        %jit3A_642 = arith.constant 0 : i32
        %broadcast_in_dim3A_643 = vector.broadcast %jit3A_642 : i32 to vector<16xi32>
        %select_n3A_644 = arith.select %ge3A_641, %get3A_638, %broadcast_in_dim3A_643 : vector<16xi1>, vector<16xi32>
        %gather3A_645 = tpu.vector_load_idx %arg12[%select_n3A_644] : memref<2496xf32, #tpu.memory_space<vmem>>[vector<16xi32>], vector<16xf32>,
        %jit3A_646 = arith.constant 0.000000e+00 : f32
        %broadcast_in_dim3A_647 = vector.broadcast %jit3A_646 : f32 to vector<16xf32>
        %select_n3A_648 = arith.select %ge3A_641, %gather3A_645, %broadcast_in_dim3A_647 : vector<16xi1>, vector<16xf32>
        %add3A_649 = arith.addf %add3A_622, %select_n3A_648 : vector<16xf32>
        %gather3A_650 = tpu.vector_load_idx %arg13[%select_n3A_644] : memref<2496xf32, #tpu.memory_space<vmem>>[vector<16xi32>], vector<16xf32>,
        %jit3A_651 = arith.constant 0.000000e+00 : f32
        %broadcast_in_dim3A_652 = vector.broadcast %jit3A_651 : f32 to vector<16xf32>
        %select_n3A_653 = arith.select %ge3A_641, %gather3A_650, %broadcast_in_dim3A_652 : vector<16xi1>, vector<16xf32>
        %add3A_654 = arith.addf %add3A_627, %select_n3A_653 : vector<16xf32>
        %gather3A_655 = tpu.vector_load_idx %arg14[%select_n3A_644] : memref<2496xf32, #tpu.memory_space<vmem>>[vector<16xi32>], vector<16xf32>,
        %jit3A_656 = arith.constant 0.000000e+00 : f32
        %broadcast_in_dim3A_657 = vector.broadcast %jit3A_656 : f32 to vector<16xf32>
        %select_n3A_658 = arith.select %ge3A_641, %gather3A_655, %broadcast_in_dim3A_657 : vector<16xi1>, vector<16xf32>
        %add3A_659 = arith.addf %add3A_632, %select_n3A_658 : vector<16xf32>
        %mul3A_660 = arith.constant 16 : i32
        %mul3A_661 = arith.muli %scan3A_449, %mul3A_660 : i32
        %add3A_662 = arith.constant 4368 : i32
        %add3A_663 = arith.addi %add3A_662, %mul3A_661 : i32
        %get3A_664 = arith.index_cast %add3A_663 : i32 to index
        %get3A_665 = tpu.vector_load %arg21[%get3A_664] {strides = array<i32>} : memref<4992xi32, #tpu.memory_space<vmem>>, vector<16xi32>,
        %ge3A_666 = arith.constant 0 : i32
        %ge3A_667 = vector.broadcast %ge3A_666 : i32 to vector<16xi32>
        %ge3A_668 = arith.cmpi sge, %get3A_665, %ge3A_667 : vector<16xi32>
        %jit3A_669 = arith.constant 0 : i32
        %broadcast_in_dim3A_670 = vector.broadcast %jit3A_669 : i32 to vector<16xi32>
        %select_n3A_671 = arith.select %ge3A_668, %get3A_665, %broadcast_in_dim3A_670 : vector<16xi1>, vector<16xi32>
        %gather3A_672 = tpu.vector_load_idx %arg12[%select_n3A_671] : memref<2496xf32, #tpu.memory_space<vmem>>[vector<16xi32>], vector<16xf32>,
        %jit3A_673 = arith.constant 0.000000e+00 : f32
        %broadcast_in_dim3A_674 = vector.broadcast %jit3A_673 : f32 to vector<16xf32>
        %select_n3A_675 = arith.select %ge3A_668, %gather3A_672, %broadcast_in_dim3A_674 : vector<16xi1>, vector<16xf32>
        %add3A_676 = arith.addf %add3A_649, %select_n3A_675 : vector<16xf32>
        %gather3A_677 = tpu.vector_load_idx %arg13[%select_n3A_671] : memref<2496xf32, #tpu.memory_space<vmem>>[vector<16xi32>], vector<16xf32>,
        %jit3A_678 = arith.constant 0.000000e+00 : f32
        %broadcast_in_dim3A_679 = vector.broadcast %jit3A_678 : f32 to vector<16xf32>
        %select_n3A_680 = arith.select %ge3A_668, %gather3A_677, %broadcast_in_dim3A_679 : vector<16xi1>, vector<16xf32>
        %add3A_681 = arith.addf %add3A_654, %select_n3A_680 : vector<16xf32>
        %gather3A_682 = tpu.vector_load_idx %arg14[%select_n3A_671] : memref<2496xf32, #tpu.memory_space<vmem>>[vector<16xi32>], vector<16xf32>,
        %jit3A_683 = arith.constant 0.000000e+00 : f32
        %broadcast_in_dim3A_684 = vector.broadcast %jit3A_683 : f32 to vector<16xf32>
        %select_n3A_685 = arith.select %ge3A_668, %gather3A_682, %broadcast_in_dim3A_684 : vector<16xi1>, vector<16xf32>
        %add3A_686 = arith.addf %add3A_659, %select_n3A_685 : vector<16xf32>
        %div3A_687 = arith.divf %add3A_676, %convert_element_type3A_471 : vector<16xf32>
        %sub3A_688 = arith.subf %get3A_462, %div3A_687 : vector<16xf32>
        %div3A_689 = arith.divf %add3A_681, %convert_element_type3A_471 : vector<16xf32>
        %sub3A_690 = arith.subf %get3A_464, %div3A_689 : vector<16xf32>
        %div3A_691 = arith.divf %add3A_686, %convert_element_type3A_471 : vector<16xf32>
        %sub3A_692 = arith.subf %get3A_466, %div3A_691 : vector<16xf32>
        %mul3A_693 = arith.mulf %sub3A_688, %sub3A_688 : vector<16xf32>
        %mul3A_694 = arith.mulf %sub3A_690, %sub3A_690 : vector<16xf32>
        %add3A_695 = arith.addf %mul3A_693, %mul3A_694 : vector<16xf32>
        %mul3A_696 = arith.mulf %sub3A_692, %sub3A_692 : vector<16xf32>
        %add3A_697 = arith.addf %add3A_695, %mul3A_696 : vector<16xf32>
        %jit3A_698 = arith.constant 0.000000e+00 : f32
        %broadcast_in_dim3A_699 = vector.broadcast %jit3A_698 : f32 to vector<16xf32>
        %select_n3A_700 = arith.select %lt3A_461, %add3A_697, %broadcast_in_dim3A_699 : vector<16xi1>, vector<16xf32>
        %add3A_701 = arith.addf %scan3A_450, %select_n3A_700 : vector<16xf32>
        %mul3A_702 = arith.mulf %get3A_462, %get3A_462 : vector<16xf32>
        %mul3A_703 = arith.mulf %get3A_464, %get3A_464 : vector<16xf32>
        %add3A_704 = arith.addf %mul3A_702, %mul3A_703 : vector<16xf32>
        %mul3A_705 = arith.mulf %get3A_466, %get3A_466 : vector<16xf32>
        %add3A_706 = arith.addf %add3A_704, %mul3A_705 : vector<16xf32>
        %jit3A_707 = arith.constant 0.000000e+00 : f32
        %broadcast_in_dim3A_708 = vector.broadcast %jit3A_707 : f32 to vector<16xf32>
        %select_n3A_709 = arith.select %lt3A_461, %add3A_706, %broadcast_in_dim3A_708 : vector<16xi1>, vector<16xf32>
        %add3A_710 = arith.addf %scan3A_451, %select_n3A_709 : vector<16xf32>
        scf.yield %add3A_701, %add3A_710 : vector<16xf32>, vector<16xf32>
      }
      %scan3A_399 = arith.constant 20 : i32
      %eq3A_400 = arith.constant 1 : i32
      %eq3A_401 = vector.broadcast %eq3A_400 : i32 to vector<16xi32>
      %eq3A_402 = arith.cmpi eq, %iota3A, %eq3A_401 : vector<16xi32>
      %reduce_sum3A = arith.constant true
      %reduce_sum3A_403 = vector.broadcast %reduce_sum3A : i1 to vector<16xi1>
      %reduce_sum3A_404 = tpu.scan <sum>, %scan3A_392#0 masked %reduce_sum3A_403 : vector<16xf32>, vector<16xi1> -> vector<16xf32>
      %reduce_sum3A_405 = vector.extract %reduce_sum3A_404[15] : f32 from vector<16xf32>
      %jit3A_406 = arith.constant 0.000000e+00 : f32
      %broadcast_in_dim3A_407 = vector.broadcast %reduce_sum3A_405 : f32 to vector<16xf32>
      %broadcast_in_dim3A_408 = vector.broadcast %jit3A_406 : f32 to vector<16xf32>
      %select_n3A_409 = arith.select %eq3A_402, %broadcast_in_dim3A_407, %broadcast_in_dim3A_408 : vector<16xi1>, vector<16xf32>
      %eq3A_410 = arith.constant 4 : i32
      %eq3A_411 = vector.broadcast %eq3A_410 : i32 to vector<16xi32>
      %eq3A_412 = arith.cmpi eq, %iota3A, %eq3A_411 : vector<16xi32>
      %reduce_sum3A_413 = arith.constant true
      %reduce_sum3A_414 = vector.broadcast %reduce_sum3A_413 : i1 to vector<16xi1>
      %reduce_sum3A_415 = tpu.scan <sum>, %scan3A_392#1 masked %reduce_sum3A_414 : vector<16xf32>, vector<16xi1> -> vector<16xf32>
      %reduce_sum3A_416 = vector.extract %reduce_sum3A_415[15] : f32 from vector<16xf32>
      %jit3A_417 = arith.constant 0.000000e+00 : f32
      %broadcast_in_dim3A_418 = vector.broadcast %reduce_sum3A_416 : f32 to vector<16xf32>
      %broadcast_in_dim3A_419 = vector.broadcast %jit3A_417 : f32 to vector<16xf32>
      %select_n3A_420 = arith.select %eq3A_412, %broadcast_in_dim3A_418, %broadcast_in_dim3A_419 : vector<16xi1>, vector<16xf32>
      %add3A_421 = arith.addf %select_n3A_409, %select_n3A_420 : vector<16xf32>
      %eq3A_422 = arith.constant 7 : i32
      %eq3A_423 = vector.broadcast %eq3A_422 : i32 to vector<16xi32>
      %eq3A_424 = arith.cmpi eq, %iota3A, %eq3A_423 : vector<16xi32>
      %reduce_sum3A_425 = arith.constant true
      %reduce_sum3A_426 = vector.broadcast %reduce_sum3A_425 : i1 to vector<16xi1>
      %reduce_sum3A_427 = tpu.scan <sum>, %scan3A_398#0 masked %reduce_sum3A_426 : vector<16xf32>, vector<16xi1> -> vector<16xf32>
      %reduce_sum3A_428 = vector.extract %reduce_sum3A_427[15] : f32 from vector<16xf32>
      %jit3A_429 = arith.constant 0.000000e+00 : f32
      %broadcast_in_dim3A_430 = vector.broadcast %reduce_sum3A_428 : f32 to vector<16xf32>
      %broadcast_in_dim3A_431 = vector.broadcast %jit3A_429 : f32 to vector<16xf32>
      %select_n3A_432 = arith.select %eq3A_424, %broadcast_in_dim3A_430, %broadcast_in_dim3A_431 : vector<16xi1>, vector<16xf32>
      %add3A_433 = arith.addf %add3A_421, %select_n3A_432 : vector<16xf32>
      %eq3A_434 = arith.constant 10 : i32
      %eq3A_435 = vector.broadcast %eq3A_434 : i32 to vector<16xi32>
      %eq3A_436 = arith.cmpi eq, %iota3A, %eq3A_435 : vector<16xi32>
      %reduce_sum3A_437 = arith.constant true
      %reduce_sum3A_438 = vector.broadcast %reduce_sum3A_437 : i1 to vector<16xi1>
      %reduce_sum3A_439 = tpu.scan <sum>, %scan3A_398#1 masked %reduce_sum3A_438 : vector<16xf32>, vector<16xi1> -> vector<16xf32>
      %reduce_sum3A_440 = vector.extract %reduce_sum3A_439[15] : f32 from vector<16xf32>
      %jit3A_441 = arith.constant 0.000000e+00 : f32
      %broadcast_in_dim3A_442 = vector.broadcast %reduce_sum3A_440 : f32 to vector<16xf32>
      %broadcast_in_dim3A_443 = vector.broadcast %jit3A_441 : f32 to vector<16xf32>
      %select_n3A_444 = arith.select %eq3A_436, %broadcast_in_dim3A_442, %broadcast_in_dim3A_443 : vector<16xi1>, vector<16xf32>
      %add3A_445 = arith.addf %add3A_433, %select_n3A_444 : vector<16xf32>
      %swap3A = arith.constant 0 : index
      %swap3A_446 = tpu.vector_load %arg23[%swap3A] {strides = array<i32>} : memref<16xf32, #tpu.memory_space<vmem>>, vector<16xf32>,
      tpu.vector_store %arg23[%swap3A], %add3A_445 {strides = array<i32>} : memref<16xf32, #tpu.memory_space<vmem>>, vector<16xf32>,
      %mul3A_447 = arith.constant 16 : i32
      %mul3A_448 = arith.muli %add3A, %mul3A_447 : i32
      "tpu.region"() ({
        %run_scoped3A = tpu.sem_alloc : memref<!tpu.dma_semaphore, #tpu.memory_space<semaphore_mem>>
        %dma_start3A_449 = tpu.memref_slice %arg5[%mul3A_448] : memref<512xf32, #tpu.memory_space<hbm>> -> memref<16xf32, #tpu.memory_space<hbm>>
        %dma_start3A_450 = tpu.memref_slice %arg5[%mul3A_448] : memref<512xf32, #tpu.memory_space<hbm>> -> memref<16xf32, #tpu.memory_space<hbm>>
        tpu.enqueue_dma source(%arg23 : memref<16xf32, #tpu.memory_space<vmem>>) target(%dma_start3A_450 : memref<16xf32, #tpu.memory_space<hbm>>) target_semaphore(%run_scoped3A : memref<!tpu.dma_semaphore, #tpu.memory_space<semaphore_mem>>)
        %dma_wait3A_451 = tpu.memref_slice %arg5[%mul3A_448] : memref<512xf32, #tpu.memory_space<hbm>> -> memref<16xf32, #tpu.memory_space<hbm>>
        %dma_wait3A_452 = tpu.memref_slice %arg5[%mul3A_448] : memref<512xf32, #tpu.memory_space<hbm>> -> memref<16xf32, #tpu.memory_space<hbm>>
        tpu.wait_dma2 semaphore(%run_scoped3A : memref<!tpu.dma_semaphore, #tpu.memory_space<semaphore_mem>>) src(%arg23 : memref<16xf32, #tpu.memory_space<vmem>>) dst(%dma_wait3A_452 : memref<16xf32, #tpu.memory_space<hbm>>)
        tpu.yield
      }) : () -> ()
    } else {
    }
    %ge3A_12 = arith.constant 0 : i32
    %ge3A_13 = arith.cmpi sge, %add3A, %ge3A_12 : i32
    %lt3A_14 = arith.constant 16 : i32
    %lt3A_15 = arith.cmpi slt, %add3A, %lt3A_14 : i32
    %and3A_16 = arith.andi %ge3A_13, %lt3A_15 : i1
    %convert_element_type3A_17 = arith.extui %and3A_16 : i1 to i32
    %cond3A_18 = arith.constant 0 : i32
    %cond3A_19 = arith.cmpi ne, %convert_element_type3A_17, %cond3A_18 : i32
    scf.if %cond3A_19 {
      %sub3A = arith.constant 0 : i32
      %sub3A_20 = arith.subi %add3A, %sub3A : i32
      %jit3A = arith.constant 4 : i32
      %div3A = arith.divsi %sub3A_20, %jit3A : i32
      %sign3A = arith.constant 0 : i32
      %sign3A_21 = arith.cmpi sgt, %sub3A_20, %sign3A : i32
      %sign3A_22 = arith.extui %sign3A_21 : i1 to i32
      %sign3A_23 = arith.constant 0 : i32
      %sign3A_24 = arith.cmpi slt, %sub3A_20, %sign3A_23 : i32
      %sign3A_25 = arith.extui %sign3A_24 : i1 to i32
      %sign3A_26 = arith.subi %sign3A_22, %sign3A_25 : i32
      %sign3A_27 = arith.constant 0 : i32
      %sign3A_28 = arith.cmpi sgt, %jit3A, %sign3A_27 : i32
      %sign3A_29 = arith.extui %sign3A_28 : i1 to i32
      %sign3A_30 = arith.constant 0 : i32
      %sign3A_31 = arith.cmpi slt, %jit3A, %sign3A_30 : i32
      %sign3A_32 = arith.extui %sign3A_31 : i1 to i32
      %sign3A_33 = arith.subi %sign3A_29, %sign3A_32 : i32
      %ne3A = arith.cmpi ne, %sign3A_26, %sign3A_33 : i32
      %rem3A = arith.remsi %sub3A_20, %jit3A : i32
      %ne3A_34 = arith.constant 0 : i32
      %ne3A_35 = arith.cmpi ne, %rem3A, %ne3A_34 : i32
      %and3A_36 = arith.andi %ne3A, %ne3A_35 : i1
      %sub3A_37 = arith.constant 1 : i32
      %sub3A_38 = arith.subi %div3A, %sub3A_37 : i32
      %select_n3A = arith.select %and3A_36, %sub3A_38, %div3A : i32
      %jit3A_39 = arith.constant 4 : i32
      %eq3A = arith.constant 0 : i32
      %eq3A_40 = arith.cmpi eq, %jit3A_39, %eq3A : i32
      %jit3A_41 = arith.constant 1 : i32
      %select_n3A_42 = arith.select %eq3A_40, %jit3A_41, %jit3A_39 : i32
      %rem3A_43 = arith.remsi %sub3A_20, %select_n3A_42 : i32
      %ne3A_44 = arith.constant 0 : i32
      %ne3A_45 = arith.cmpi ne, %rem3A_43, %ne3A_44 : i32
      %lt3A_46 = arith.constant 0 : i32
      %lt3A_47 = arith.cmpi slt, %rem3A_43, %lt3A_46 : i32
      %lt3A_48 = arith.constant 0 : i32
      %lt3A_49 = arith.cmpi slt, %select_n3A_42, %lt3A_48 : i32
      %ne3A_50 = arith.xori %lt3A_47, %lt3A_49 : i1
      %and3A_51 = arith.andi %ne3A_50, %ne3A_45 : i1
      %add3A_52 = arith.addi %rem3A_43, %select_n3A_42 : i32
      %select_n3A_53 = arith.select %and3A_51, %add3A_52, %rem3A_43 : i32
      %add3A_54 = arith.constant 0 : i32
      %add3A_55 = arith.addi %add3A_54, %select_n3A : i32
      %mul3A_56 = arith.constant 2496 : i32
      %mul3A_57 = arith.muli %add3A_55, %mul3A_56 : i32
      %add3A_58 = arith.constant 9600 : i32
      %add3A_59 = arith.addi %add3A_58, %mul3A_57 : i32
      %dma_start3A = arith.constant 0 : i32
      %dma_start3A_60 = tpu.memref_slice %arg6[%dma_start3A] : memref<2496xf32, #tpu.memory_space<vmem>> -> memref<2496xf32, #tpu.memory_space<vmem>>
      %dma_start3A_61 = tpu.memref_slice %arg2[%add3A_59] : memref<103680xf32, #tpu.memory_space<hbm>> -> memref<2496xf32, #tpu.memory_space<hbm>>
      %dma_start3A_62 = arith.constant 0 : i32
      %dma_start3A_63 = tpu.memref_slice %arg6[%dma_start3A_62] : memref<2496xf32, #tpu.memory_space<vmem>> -> memref<2496xf32, #tpu.memory_space<vmem>>
      %dma_start3A_64 = tpu.memref_slice %arg2[%add3A_59] : memref<103680xf32, #tpu.memory_space<hbm>> -> memref<2496xf32, #tpu.memory_space<hbm>>
      tpu.enqueue_dma source(%dma_start3A_64 : memref<2496xf32, #tpu.memory_space<hbm>>) target(%dma_start3A_63 : memref<2496xf32, #tpu.memory_space<vmem>>) target_semaphore(%arg24 : memref<!tpu.dma_semaphore, #tpu.memory_space<semaphore_mem>>)
      %add3A_65 = arith.constant 0 : i32
      %add3A_66 = arith.addi %add3A_65, %select_n3A : i32
      %mul3A_67 = arith.constant 2496 : i32
      %mul3A_68 = arith.muli %add3A_66, %mul3A_67 : i32
      %add3A_69 = arith.constant 49152 : i32
      %add3A_70 = arith.addi %add3A_69, %mul3A_68 : i32
      %dma_start3A_71 = arith.constant 0 : i32
      %dma_start3A_72 = tpu.memref_slice %arg9[%dma_start3A_71] : memref<2496xf32, #tpu.memory_space<vmem>> -> memref<2496xf32, #tpu.memory_space<vmem>>
      %dma_start3A_73 = tpu.memref_slice %arg2[%add3A_70] : memref<103680xf32, #tpu.memory_space<hbm>> -> memref<2496xf32, #tpu.memory_space<hbm>>
      %dma_start3A_74 = arith.constant 0 : i32
      %dma_start3A_75 = tpu.memref_slice %arg9[%dma_start3A_74] : memref<2496xf32, #tpu.memory_space<vmem>> -> memref<2496xf32, #tpu.memory_space<vmem>>
      %dma_start3A_76 = tpu.memref_slice %arg2[%add3A_70] : memref<103680xf32, #tpu.memory_space<hbm>> -> memref<2496xf32, #tpu.memory_space<hbm>>
      tpu.enqueue_dma source(%dma_start3A_76 : memref<2496xf32, #tpu.memory_space<hbm>>) target(%dma_start3A_75 : memref<2496xf32, #tpu.memory_space<vmem>>) target_semaphore(%arg24 : memref<!tpu.dma_semaphore, #tpu.memory_space<semaphore_mem>>)
      %add3A_77 = arith.constant 0 : i32
      %add3A_78 = arith.addi %add3A_77, %select_n3A : i32
      %mul3A_79 = arith.constant 2048 : i32
      %mul3A_80 = arith.muli %add3A_78, %mul3A_79 : i32
      %add3A_81 = arith.constant 79104 : i32
      %add3A_82 = arith.addi %add3A_81, %mul3A_80 : i32
      %dma_start3A_83 = tpu.memref_slice %arg2[%add3A_82] : memref<103680xf32, #tpu.memory_space<hbm>> -> memref<2048xf32, #tpu.memory_space<hbm>>
      %dma_start3A_84 = tpu.memref_slice %arg2[%add3A_82] : memref<103680xf32, #tpu.memory_space<hbm>> -> memref<2048xf32, #tpu.memory_space<hbm>>
      tpu.enqueue_dma source(%dma_start3A_84 : memref<2048xf32, #tpu.memory_space<hbm>>) target(%arg15 : memref<2048xf32, #tpu.memory_space<vmem>>) target_semaphore(%arg24 : memref<!tpu.dma_semaphore, #tpu.memory_space<semaphore_mem>>)
      %add3A_85 = arith.constant 4 : i32
      %add3A_86 = arith.addi %add3A_85, %select_n3A : i32
      %mul3A_87 = arith.constant 2496 : i32
      %mul3A_88 = arith.muli %add3A_86, %mul3A_87 : i32
      %add3A_89 = arith.constant 9600 : i32
      %add3A_90 = arith.addi %add3A_89, %mul3A_88 : i32
      %dma_start3A_91 = arith.constant 0 : i32
      %dma_start3A_92 = tpu.memref_slice %arg7[%dma_start3A_91] : memref<2496xf32, #tpu.memory_space<vmem>> -> memref<2496xf32, #tpu.memory_space<vmem>>
      %dma_start3A_93 = tpu.memref_slice %arg2[%add3A_90] : memref<103680xf32, #tpu.memory_space<hbm>> -> memref<2496xf32, #tpu.memory_space<hbm>>
      %dma_start3A_94 = arith.constant 0 : i32
      %dma_start3A_95 = tpu.memref_slice %arg7[%dma_start3A_94] : memref<2496xf32, #tpu.memory_space<vmem>> -> memref<2496xf32, #tpu.memory_space<vmem>>
      %dma_start3A_96 = tpu.memref_slice %arg2[%add3A_90] : memref<103680xf32, #tpu.memory_space<hbm>> -> memref<2496xf32, #tpu.memory_space<hbm>>
      tpu.enqueue_dma source(%dma_start3A_96 : memref<2496xf32, #tpu.memory_space<hbm>>) target(%dma_start3A_95 : memref<2496xf32, #tpu.memory_space<vmem>>) target_semaphore(%arg24 : memref<!tpu.dma_semaphore, #tpu.memory_space<semaphore_mem>>)
      %add3A_97 = arith.constant 4 : i32
      %add3A_98 = arith.addi %add3A_97, %select_n3A : i32
      %mul3A_99 = arith.constant 2496 : i32
      %mul3A_100 = arith.muli %add3A_98, %mul3A_99 : i32
      %add3A_101 = arith.constant 49152 : i32
      %add3A_102 = arith.addi %add3A_101, %mul3A_100 : i32
      %dma_start3A_103 = arith.constant 0 : i32
      %dma_start3A_104 = tpu.memref_slice %arg10[%dma_start3A_103] : memref<2496xf32, #tpu.memory_space<vmem>> -> memref<2496xf32, #tpu.memory_space<vmem>>
      %dma_start3A_105 = tpu.memref_slice %arg2[%add3A_102] : memref<103680xf32, #tpu.memory_space<hbm>> -> memref<2496xf32, #tpu.memory_space<hbm>>
      %dma_start3A_106 = arith.constant 0 : i32
      %dma_start3A_107 = tpu.memref_slice %arg10[%dma_start3A_106] : memref<2496xf32, #tpu.memory_space<vmem>> -> memref<2496xf32, #tpu.memory_space<vmem>>
      %dma_start3A_108 = tpu.memref_slice %arg2[%add3A_102] : memref<103680xf32, #tpu.memory_space<hbm>> -> memref<2496xf32, #tpu.memory_space<hbm>>
      tpu.enqueue_dma source(%dma_start3A_108 : memref<2496xf32, #tpu.memory_space<hbm>>) target(%dma_start3A_107 : memref<2496xf32, #tpu.memory_space<vmem>>) target_semaphore(%arg24 : memref<!tpu.dma_semaphore, #tpu.memory_space<semaphore_mem>>)
      %add3A_109 = arith.constant 4 : i32
      %add3A_110 = arith.addi %add3A_109, %select_n3A : i32
      %mul3A_111 = arith.constant 2048 : i32
      %mul3A_112 = arith.muli %add3A_110, %mul3A_111 : i32
      %add3A_113 = arith.constant 79104 : i32
      %add3A_114 = arith.addi %add3A_113, %mul3A_112 : i32
      %dma_start3A_115 = tpu.memref_slice %arg2[%add3A_114] : memref<103680xf32, #tpu.memory_space<hbm>> -> memref<2048xf32, #tpu.memory_space<hbm>>
      %dma_start3A_116 = tpu.memref_slice %arg2[%add3A_114] : memref<103680xf32, #tpu.memory_space<hbm>> -> memref<2048xf32, #tpu.memory_space<hbm>>
      tpu.enqueue_dma source(%dma_start3A_116 : memref<2048xf32, #tpu.memory_space<hbm>>) target(%arg16 : memref<2048xf32, #tpu.memory_space<vmem>>) target_semaphore(%arg24 : memref<!tpu.dma_semaphore, #tpu.memory_space<semaphore_mem>>)
      %add3A_117 = arith.constant 8 : i32
      %add3A_118 = arith.addi %add3A_117, %select_n3A : i32
      %mul3A_119 = arith.constant 2496 : i32
      %mul3A_120 = arith.muli %add3A_118, %mul3A_119 : i32
      %add3A_121 = arith.constant 9600 : i32
      %add3A_122 = arith.addi %add3A_121, %mul3A_120 : i32
      %dma_start3A_123 = arith.constant 0 : i32
      %dma_start3A_124 = tpu.memref_slice %arg8[%dma_start3A_123] : memref<2496xf32, #tpu.memory_space<vmem>> -> memref<2496xf32, #tpu.memory_space<vmem>>
      %dma_start3A_125 = tpu.memref_slice %arg2[%add3A_122] : memref<103680xf32, #tpu.memory_space<hbm>> -> memref<2496xf32, #tpu.memory_space<hbm>>
      %dma_start3A_126 = arith.constant 0 : i32
      %dma_start3A_127 = tpu.memref_slice %arg8[%dma_start3A_126] : memref<2496xf32, #tpu.memory_space<vmem>> -> memref<2496xf32, #tpu.memory_space<vmem>>
      %dma_start3A_128 = tpu.memref_slice %arg2[%add3A_122] : memref<103680xf32, #tpu.memory_space<hbm>> -> memref<2496xf32, #tpu.memory_space<hbm>>
      tpu.enqueue_dma source(%dma_start3A_128 : memref<2496xf32, #tpu.memory_space<hbm>>) target(%dma_start3A_127 : memref<2496xf32, #tpu.memory_space<vmem>>) target_semaphore(%arg24 : memref<!tpu.dma_semaphore, #tpu.memory_space<semaphore_mem>>)
      %add3A_129 = arith.constant 8 : i32
      %add3A_130 = arith.addi %add3A_129, %select_n3A : i32
      %mul3A_131 = arith.constant 2496 : i32
      %mul3A_132 = arith.muli %add3A_130, %mul3A_131 : i32
      %add3A_133 = arith.constant 49152 : i32
      %add3A_134 = arith.addi %add3A_133, %mul3A_132 : i32
      %dma_start3A_135 = arith.constant 0 : i32
      %dma_start3A_136 = tpu.memref_slice %arg11[%dma_start3A_135] : memref<2496xf32, #tpu.memory_space<vmem>> -> memref<2496xf32, #tpu.memory_space<vmem>>
      %dma_start3A_137 = tpu.memref_slice %arg2[%add3A_134] : memref<103680xf32, #tpu.memory_space<hbm>> -> memref<2496xf32, #tpu.memory_space<hbm>>
      %dma_start3A_138 = arith.constant 0 : i32
      %dma_start3A_139 = tpu.memref_slice %arg11[%dma_start3A_138] : memref<2496xf32, #tpu.memory_space<vmem>> -> memref<2496xf32, #tpu.memory_space<vmem>>
      %dma_start3A_140 = tpu.memref_slice %arg2[%add3A_134] : memref<103680xf32, #tpu.memory_space<hbm>> -> memref<2496xf32, #tpu.memory_space<hbm>>
      tpu.enqueue_dma source(%dma_start3A_140 : memref<2496xf32, #tpu.memory_space<hbm>>) target(%dma_start3A_139 : memref<2496xf32, #tpu.memory_space<vmem>>) target_semaphore(%arg24 : memref<!tpu.dma_semaphore, #tpu.memory_space<semaphore_mem>>)
      %add3A_141 = arith.constant 8 : i32
      %add3A_142 = arith.addi %add3A_141, %select_n3A : i32
      %mul3A_143 = arith.constant 2048 : i32
      %mul3A_144 = arith.muli %add3A_142, %mul3A_143 : i32
      %add3A_145 = arith.constant 79104 : i32
      %add3A_146 = arith.addi %add3A_145, %mul3A_144 : i32
      %dma_start3A_147 = tpu.memref_slice %arg2[%add3A_146] : memref<103680xf32, #tpu.memory_space<hbm>> -> memref<2048xf32, #tpu.memory_space<hbm>>
      %dma_start3A_148 = tpu.memref_slice %arg2[%add3A_146] : memref<103680xf32, #tpu.memory_space<hbm>> -> memref<2048xf32, #tpu.memory_space<hbm>>
      tpu.enqueue_dma source(%dma_start3A_148 : memref<2048xf32, #tpu.memory_space<hbm>>) target(%arg17 : memref<2048xf32, #tpu.memory_space<vmem>>) target_semaphore(%arg24 : memref<!tpu.dma_semaphore, #tpu.memory_space<semaphore_mem>>)
      %mul3A_149 = arith.constant 3456 : i32
      %mul3A_150 = arith.muli %select_n3A, %mul3A_149 : i32
      %add3A_151 = arith.constant 896 : i32
      %add3A_152 = arith.addi %mul3A_150, %add3A_151 : i32
      %dma_start3A_153 = arith.constant 0 : i32
      %dma_start3A_154 = tpu.memref_slice %arg18[%dma_start3A_153] : memref<2496xi32, #tpu.memory_space<vmem>> -> memref<2496xi32, #tpu.memory_space<vmem>>
      %dma_start3A_155 = tpu.memref_slice %arg4[%add3A_152] : memref<4608xi32, #tpu.memory_space<hbm>> -> memref<2496xi32, #tpu.memory_space<hbm>>
      %dma_start3A_156 = arith.constant 0 : i32
      %dma_start3A_157 = tpu.memref_slice %arg18[%dma_start3A_156] : memref<2496xi32, #tpu.memory_space<vmem>> -> memref<2496xi32, #tpu.memory_space<vmem>>
      %dma_start3A_158 = tpu.memref_slice %arg4[%add3A_152] : memref<4608xi32, #tpu.memory_space<hbm>> -> memref<2496xi32, #tpu.memory_space<hbm>>
      tpu.enqueue_dma source(%dma_start3A_158 : memref<2496xi32, #tpu.memory_space<hbm>>) target(%dma_start3A_157 : memref<2496xi32, #tpu.memory_space<vmem>>) target_semaphore(%arg24 : memref<!tpu.dma_semaphore, #tpu.memory_space<semaphore_mem>>)
      %mul3A_159 = arith.constant 1856 : i32
      %mul3A_160 = arith.muli %select_n3A_53, %mul3A_159 : i32
      %add3A_161 = arith.constant 34336 : i32
      %add3A_162 = arith.addi %add3A_161, %mul3A_160 : i32
      %dma_start3A_163 = arith.constant 0 : i32
      %dma_start3A_164 = tpu.memref_slice %arg19[%dma_start3A_163] : memref<1856xi32, #tpu.memory_space<vmem>> -> memref<1856xi32, #tpu.memory_space<vmem>>
      %dma_start3A_165 = tpu.memref_slice %arg3[%add3A_162] : memref<52044xi32, #tpu.memory_space<hbm>> -> memref<1856xi32, #tpu.memory_space<hbm>>
      %dma_start3A_166 = arith.constant 0 : i32
      %dma_start3A_167 = tpu.memref_slice %arg19[%dma_start3A_166] : memref<1856xi32, #tpu.memory_space<vmem>> -> memref<1856xi32, #tpu.memory_space<vmem>>
      %dma_start3A_168 = tpu.memref_slice %arg3[%add3A_162] : memref<52044xi32, #tpu.memory_space<hbm>> -> memref<1856xi32, #tpu.memory_space<hbm>>
      tpu.enqueue_dma source(%dma_start3A_168 : memref<1856xi32, #tpu.memory_space<hbm>>) target(%dma_start3A_167 : memref<1856xi32, #tpu.memory_space<vmem>>) target_semaphore(%arg24 : memref<!tpu.dma_semaphore, #tpu.memory_space<semaphore_mem>>)
      %mul3A_169 = arith.constant 1856 : i32
      %mul3A_170 = arith.muli %select_n3A_53, %mul3A_169 : i32
      %add3A_171 = arith.constant 41760 : i32
      %add3A_172 = arith.addi %add3A_171, %mul3A_170 : i32
      %dma_start3A_173 = arith.constant 0 : i32
      %dma_start3A_174 = tpu.memref_slice %arg20[%dma_start3A_173] : memref<1856xi32, #tpu.memory_space<vmem>> -> memref<1856xi32, #tpu.memory_space<vmem>>
      %dma_start3A_175 = tpu.memref_slice %arg3[%add3A_172] : memref<52044xi32, #tpu.memory_space<hbm>> -> memref<1856xi32, #tpu.memory_space<hbm>>
      %dma_start3A_176 = arith.constant 0 : i32
      %dma_start3A_177 = tpu.memref_slice %arg20[%dma_start3A_176] : memref<1856xi32, #tpu.memory_space<vmem>> -> memref<1856xi32, #tpu.memory_space<vmem>>
      %dma_start3A_178 = tpu.memref_slice %arg3[%add3A_172] : memref<52044xi32, #tpu.memory_space<hbm>> -> memref<1856xi32, #tpu.memory_space<hbm>>
      tpu.enqueue_dma source(%dma_start3A_178 : memref<1856xi32, #tpu.memory_space<hbm>>) target(%dma_start3A_177 : memref<1856xi32, #tpu.memory_space<vmem>>) target_semaphore(%arg24 : memref<!tpu.dma_semaphore, #tpu.memory_space<semaphore_mem>>)
      %mul3A_179 = arith.constant 624 : i32
      %mul3A_180 = arith.muli %select_n3A_53, %mul3A_179 : i32
      %add3A_181 = arith.constant 6400 : i32
      %add3A_182 = arith.addi %add3A_181, %mul3A_180 : i32
      %dma_start3A_183 = arith.constant 0 : i32
      %dma_start3A_184 = tpu.memref_slice %arg21[%dma_start3A_183] : memref<4992xi32, #tpu.memory_space<vmem>> -> memref<624xi32, #tpu.memory_space<vmem>>
      %dma_start3A_185 = tpu.memref_slice %arg3[%add3A_182] : memref<52044xi32, #tpu.memory_space<hbm>> -> memref<624xi32, #tpu.memory_space<hbm>>
      %dma_start3A_186 = arith.constant 0 : i32
      %dma_start3A_187 = tpu.memref_slice %arg21[%dma_start3A_186] : memref<4992xi32, #tpu.memory_space<vmem>> -> memref<624xi32, #tpu.memory_space<vmem>>
      %dma_start3A_188 = tpu.memref_slice %arg3[%add3A_182] : memref<52044xi32, #tpu.memory_space<hbm>> -> memref<624xi32, #tpu.memory_space<hbm>>
      tpu.enqueue_dma source(%dma_start3A_188 : memref<624xi32, #tpu.memory_space<hbm>>) target(%dma_start3A_187 : memref<624xi32, #tpu.memory_space<vmem>>) target_semaphore(%arg24 : memref<!tpu.dma_semaphore, #tpu.memory_space<semaphore_mem>>)
      %mul3A_189 = arith.constant 624 : i32
      %mul3A_190 = arith.muli %select_n3A_53, %mul3A_189 : i32
      %add3A_191 = arith.constant 8896 : i32
      %add3A_192 = arith.addi %add3A_191, %mul3A_190 : i32
      %dma_start3A_193 = arith.constant 624 : i32
      %dma_start3A_194 = tpu.memref_slice %arg21[%dma_start3A_193] : memref<4992xi32, #tpu.memory_space<vmem>> -> memref<624xi32, #tpu.memory_space<vmem>>
      %dma_start3A_195 = tpu.memref_slice %arg3[%add3A_192] : memref<52044xi32, #tpu.memory_space<hbm>> -> memref<624xi32, #tpu.memory_space<hbm>>
      %dma_start3A_196 = arith.constant 624 : i32
      %dma_start3A_197 = tpu.memref_slice %arg21[%dma_start3A_196] : memref<4992xi32, #tpu.memory_space<vmem>> -> memref<624xi32, #tpu.memory_space<vmem>>
      %dma_start3A_198 = tpu.memref_slice %arg3[%add3A_192] : memref<52044xi32, #tpu.memory_space<hbm>> -> memref<624xi32, #tpu.memory_space<hbm>>
      tpu.enqueue_dma source(%dma_start3A_198 : memref<624xi32, #tpu.memory_space<hbm>>) target(%dma_start3A_197 : memref<624xi32, #tpu.memory_space<vmem>>) target_semaphore(%arg24 : memref<!tpu.dma_semaphore, #tpu.memory_space<semaphore_mem>>)
      %mul3A_199 = arith.constant 624 : i32
      %mul3A_200 = arith.muli %select_n3A_53, %mul3A_199 : i32
      %add3A_201 = arith.constant 11392 : i32
      %add3A_202 = arith.addi %add3A_201, %mul3A_200 : i32
      %dma_start3A_203 = arith.constant 1248 : i32
      %dma_start3A_204 = tpu.memref_slice %arg21[%dma_start3A_203] : memref<4992xi32, #tpu.memory_space<vmem>> -> memref<624xi32, #tpu.memory_space<vmem>>
      %dma_start3A_205 = tpu.memref_slice %arg3[%add3A_202] : memref<52044xi32, #tpu.memory_space<hbm>> -> memref<624xi32, #tpu.memory_space<hbm>>
      %dma_start3A_206 = arith.constant 1248 : i32
      %dma_start3A_207 = tpu.memref_slice %arg21[%dma_start3A_206] : memref<4992xi32, #tpu.memory_space<vmem>> -> memref<624xi32, #tpu.memory_space<vmem>>
      %dma_start3A_208 = tpu.memref_slice %arg3[%add3A_202] : memref<52044xi32, #tpu.memory_space<hbm>> -> memref<624xi32, #tpu.memory_space<hbm>>
      tpu.enqueue_dma source(%dma_start3A_208 : memref<624xi32, #tpu.memory_space<hbm>>) target(%dma_start3A_207 : memref<624xi32, #tpu.memory_space<vmem>>) target_semaphore(%arg24 : memref<!tpu.dma_semaphore, #tpu.memory_space<semaphore_mem>>)
      %mul3A_209 = arith.constant 624 : i32
      %mul3A_210 = arith.muli %select_n3A_53, %mul3A_209 : i32
      %add3A_211 = arith.constant 13888 : i32
      %add3A_212 = arith.addi %add3A_211, %mul3A_210 : i32
      %dma_start3A_213 = arith.constant 1872 : i32
      %dma_start3A_214 = tpu.memref_slice %arg21[%dma_start3A_213] : memref<4992xi32, #tpu.memory_space<vmem>> -> memref<624xi32, #tpu.memory_space<vmem>>
      %dma_start3A_215 = tpu.memref_slice %arg3[%add3A_212] : memref<52044xi32, #tpu.memory_space<hbm>> -> memref<624xi32, #tpu.memory_space<hbm>>
      %dma_start3A_216 = arith.constant 1872 : i32
      %dma_start3A_217 = tpu.memref_slice %arg21[%dma_start3A_216] : memref<4992xi32, #tpu.memory_space<vmem>> -> memref<624xi32, #tpu.memory_space<vmem>>
      %dma_start3A_218 = tpu.memref_slice %arg3[%add3A_212] : memref<52044xi32, #tpu.memory_space<hbm>> -> memref<624xi32, #tpu.memory_space<hbm>>
      tpu.enqueue_dma source(%dma_start3A_218 : memref<624xi32, #tpu.memory_space<hbm>>) target(%dma_start3A_217 : memref<624xi32, #tpu.memory_space<vmem>>) target_semaphore(%arg24 : memref<!tpu.dma_semaphore, #tpu.memory_space<semaphore_mem>>)
      %mul3A_219 = arith.constant 624 : i32
      %mul3A_220 = arith.muli %select_n3A_53, %mul3A_219 : i32
      %add3A_221 = arith.constant 16384 : i32
      %add3A_222 = arith.addi %add3A_221, %mul3A_220 : i32
      %dma_start3A_223 = arith.constant 2496 : i32
      %dma_start3A_224 = tpu.memref_slice %arg21[%dma_start3A_223] : memref<4992xi32, #tpu.memory_space<vmem>> -> memref<624xi32, #tpu.memory_space<vmem>>
      %dma_start3A_225 = tpu.memref_slice %arg3[%add3A_222] : memref<52044xi32, #tpu.memory_space<hbm>> -> memref<624xi32, #tpu.memory_space<hbm>>
      %dma_start3A_226 = arith.constant 2496 : i32
      %dma_start3A_227 = tpu.memref_slice %arg21[%dma_start3A_226] : memref<4992xi32, #tpu.memory_space<vmem>> -> memref<624xi32, #tpu.memory_space<vmem>>
      %dma_start3A_228 = tpu.memref_slice %arg3[%add3A_222] : memref<52044xi32, #tpu.memory_space<hbm>> -> memref<624xi32, #tpu.memory_space<hbm>>
      tpu.enqueue_dma source(%dma_start3A_228 : memref<624xi32, #tpu.memory_space<hbm>>) target(%dma_start3A_227 : memref<624xi32, #tpu.memory_space<vmem>>) target_semaphore(%arg24 : memref<!tpu.dma_semaphore, #tpu.memory_space<semaphore_mem>>)
      %mul3A_229 = arith.constant 624 : i32
      %mul3A_230 = arith.muli %select_n3A_53, %mul3A_229 : i32
      %add3A_231 = arith.constant 18880 : i32
      %add3A_232 = arith.addi %add3A_231, %mul3A_230 : i32
      %dma_start3A_233 = arith.constant 3120 : i32
      %dma_start3A_234 = tpu.memref_slice %arg21[%dma_start3A_233] : memref<4992xi32, #tpu.memory_space<vmem>> -> memref<624xi32, #tpu.memory_space<vmem>>
      %dma_start3A_235 = tpu.memref_slice %arg3[%add3A_232] : memref<52044xi32, #tpu.memory_space<hbm>> -> memref<624xi32, #tpu.memory_space<hbm>>
      %dma_start3A_236 = arith.constant 3120 : i32
      %dma_start3A_237 = tpu.memref_slice %arg21[%dma_start3A_236] : memref<4992xi32, #tpu.memory_space<vmem>> -> memref<624xi32, #tpu.memory_space<vmem>>
      %dma_start3A_238 = tpu.memref_slice %arg3[%add3A_232] : memref<52044xi32, #tpu.memory_space<hbm>> -> memref<624xi32, #tpu.memory_space<hbm>>
      tpu.enqueue_dma source(%dma_start3A_238 : memref<624xi32, #tpu.memory_space<hbm>>) target(%dma_start3A_237 : memref<624xi32, #tpu.memory_space<vmem>>) target_semaphore(%arg24 : memref<!tpu.dma_semaphore, #tpu.memory_space<semaphore_mem>>)
      %mul3A_239 = arith.constant 624 : i32
      %mul3A_240 = arith.muli %select_n3A_53, %mul3A_239 : i32
      %add3A_241 = arith.constant 21376 : i32
      %add3A_242 = arith.addi %add3A_241, %mul3A_240 : i32
      %dma_start3A_243 = arith.constant 3744 : i32
      %dma_start3A_244 = tpu.memref_slice %arg21[%dma_start3A_243] : memref<4992xi32, #tpu.memory_space<vmem>> -> memref<624xi32, #tpu.memory_space<vmem>>
      %dma_start3A_245 = tpu.memref_slice %arg3[%add3A_242] : memref<52044xi32, #tpu.memory_space<hbm>> -> memref<624xi32, #tpu.memory_space<hbm>>
      %dma_start3A_246 = arith.constant 3744 : i32
      %dma_start3A_247 = tpu.memref_slice %arg21[%dma_start3A_246] : memref<4992xi32, #tpu.memory_space<vmem>> -> memref<624xi32, #tpu.memory_space<vmem>>
      %dma_start3A_248 = tpu.memref_slice %arg3[%add3A_242] : memref<52044xi32, #tpu.memory_space<hbm>> -> memref<624xi32, #tpu.memory_space<hbm>>
      tpu.enqueue_dma source(%dma_start3A_248 : memref<624xi32, #tpu.memory_space<hbm>>) target(%dma_start3A_247 : memref<624xi32, #tpu.memory_space<vmem>>) target_semaphore(%arg24 : memref<!tpu.dma_semaphore, #tpu.memory_space<semaphore_mem>>)
      %mul3A_249 = arith.constant 624 : i32
      %mul3A_250 = arith.muli %select_n3A_53, %mul3A_249 : i32
      %add3A_251 = arith.constant 23872 : i32
      %add3A_252 = arith.addi %add3A_251, %mul3A_250 : i32
      %dma_start3A_253 = arith.constant 4368 : i32
      %dma_start3A_254 = tpu.memref_slice %arg21[%dma_start3A_253] : memref<4992xi32, #tpu.memory_space<vmem>> -> memref<624xi32, #tpu.memory_space<vmem>>
      %dma_start3A_255 = tpu.memref_slice %arg3[%add3A_252] : memref<52044xi32, #tpu.memory_space<hbm>> -> memref<624xi32, #tpu.memory_space<hbm>>
      %dma_start3A_256 = arith.constant 4368 : i32
      %dma_start3A_257 = tpu.memref_slice %arg21[%dma_start3A_256] : memref<4992xi32, #tpu.memory_space<vmem>> -> memref<624xi32, #tpu.memory_space<vmem>>
      %dma_start3A_258 = tpu.memref_slice %arg3[%add3A_252] : memref<52044xi32, #tpu.memory_space<hbm>> -> memref<624xi32, #tpu.memory_space<hbm>>
      tpu.enqueue_dma source(%dma_start3A_258 : memref<624xi32, #tpu.memory_space<hbm>>) target(%dma_start3A_257 : memref<624xi32, #tpu.memory_space<vmem>>) target_semaphore(%arg24 : memref<!tpu.dma_semaphore, #tpu.memory_space<semaphore_mem>>)
      %mul3A_259 = arith.constant 624 : i32
      %mul3A_260 = arith.muli %select_n3A_53, %mul3A_259 : i32
      %add3A_261 = arith.constant 27168 : i32
      %add3A_262 = arith.addi %add3A_261, %mul3A_260 : i32
      %dma_start3A_263 = arith.constant 0 : i32
      %dma_start3A_264 = tpu.memref_slice %arg22[%dma_start3A_263] : memref<624xi32, #tpu.memory_space<vmem>> -> memref<624xi32, #tpu.memory_space<vmem>>
      %dma_start3A_265 = tpu.memref_slice %arg3[%add3A_262] : memref<52044xi32, #tpu.memory_space<hbm>> -> memref<624xi32, #tpu.memory_space<hbm>>
      %dma_start3A_266 = arith.constant 0 : i32
      %dma_start3A_267 = tpu.memref_slice %arg22[%dma_start3A_266] : memref<624xi32, #tpu.memory_space<vmem>> -> memref<624xi32, #tpu.memory_space<vmem>>
      %dma_start3A_268 = tpu.memref_slice %arg3[%add3A_262] : memref<52044xi32, #tpu.memory_space<hbm>> -> memref<624xi32, #tpu.memory_space<hbm>>
      tpu.enqueue_dma source(%dma_start3A_268 : memref<624xi32, #tpu.memory_space<hbm>>) target(%dma_start3A_267 : memref<624xi32, #tpu.memory_space<vmem>>) target_semaphore(%arg24 : memref<!tpu.dma_semaphore, #tpu.memory_space<semaphore_mem>>)
      %dma_wait3A = arith.constant 0 : i32
      %dma_wait3A_269 = tpu.memref_slice %arg6[%dma_wait3A] : memref<2496xf32, #tpu.memory_space<vmem>> -> memref<2496xf32, #tpu.memory_space<vmem>>
      %dma_wait3A_270 = tpu.memref_slice %arg2[%add3A_59] : memref<103680xf32, #tpu.memory_space<hbm>> -> memref<2496xf32, #tpu.memory_space<hbm>>
      %dma_wait3A_271 = arith.constant 0 : i32
      %dma_wait3A_272 = tpu.memref_slice %arg6[%dma_wait3A_271] : memref<2496xf32, #tpu.memory_space<vmem>> -> memref<2496xf32, #tpu.memory_space<vmem>>
      %dma_wait3A_273 = tpu.memref_slice %arg2[%add3A_59] : memref<103680xf32, #tpu.memory_space<hbm>> -> memref<2496xf32, #tpu.memory_space<hbm>>
      tpu.wait_dma2 semaphore(%arg24 : memref<!tpu.dma_semaphore, #tpu.memory_space<semaphore_mem>>) src(%dma_wait3A_273 : memref<2496xf32, #tpu.memory_space<hbm>>) dst(%dma_wait3A_272 : memref<2496xf32, #tpu.memory_space<vmem>>)
      %dma_wait3A_274 = arith.constant 0 : i32
      %dma_wait3A_275 = tpu.memref_slice %arg9[%dma_wait3A_274] : memref<2496xf32, #tpu.memory_space<vmem>> -> memref<2496xf32, #tpu.memory_space<vmem>>
      %dma_wait3A_276 = tpu.memref_slice %arg2[%add3A_70] : memref<103680xf32, #tpu.memory_space<hbm>> -> memref<2496xf32, #tpu.memory_space<hbm>>
      %dma_wait3A_277 = arith.constant 0 : i32
      %dma_wait3A_278 = tpu.memref_slice %arg9[%dma_wait3A_277] : memref<2496xf32, #tpu.memory_space<vmem>> -> memref<2496xf32, #tpu.memory_space<vmem>>
      %dma_wait3A_279 = tpu.memref_slice %arg2[%add3A_70] : memref<103680xf32, #tpu.memory_space<hbm>> -> memref<2496xf32, #tpu.memory_space<hbm>>
      tpu.wait_dma2 semaphore(%arg24 : memref<!tpu.dma_semaphore, #tpu.memory_space<semaphore_mem>>) src(%dma_wait3A_279 : memref<2496xf32, #tpu.memory_space<hbm>>) dst(%dma_wait3A_278 : memref<2496xf32, #tpu.memory_space<vmem>>)
      %dma_wait3A_280 = tpu.memref_slice %arg2[%add3A_82] : memref<103680xf32, #tpu.memory_space<hbm>> -> memref<2048xf32, #tpu.memory_space<hbm>>
      %dma_wait3A_281 = tpu.memref_slice %arg2[%add3A_82] : memref<103680xf32, #tpu.memory_space<hbm>> -> memref<2048xf32, #tpu.memory_space<hbm>>
      tpu.wait_dma2 semaphore(%arg24 : memref<!tpu.dma_semaphore, #tpu.memory_space<semaphore_mem>>) src(%dma_wait3A_281 : memref<2048xf32, #tpu.memory_space<hbm>>) dst(%arg15 : memref<2048xf32, #tpu.memory_space<vmem>>)
      %dma_wait3A_282 = arith.constant 0 : i32
      %dma_wait3A_283 = tpu.memref_slice %arg7[%dma_wait3A_282] : memref<2496xf32, #tpu.memory_space<vmem>> -> memref<2496xf32, #tpu.memory_space<vmem>>
      %dma_wait3A_284 = tpu.memref_slice %arg2[%add3A_90] : memref<103680xf32, #tpu.memory_space<hbm>> -> memref<2496xf32, #tpu.memory_space<hbm>>
      %dma_wait3A_285 = arith.constant 0 : i32
      %dma_wait3A_286 = tpu.memref_slice %arg7[%dma_wait3A_285] : memref<2496xf32, #tpu.memory_space<vmem>> -> memref<2496xf32, #tpu.memory_space<vmem>>
      %dma_wait3A_287 = tpu.memref_slice %arg2[%add3A_90] : memref<103680xf32, #tpu.memory_space<hbm>> -> memref<2496xf32, #tpu.memory_space<hbm>>
      tpu.wait_dma2 semaphore(%arg24 : memref<!tpu.dma_semaphore, #tpu.memory_space<semaphore_mem>>) src(%dma_wait3A_287 : memref<2496xf32, #tpu.memory_space<hbm>>) dst(%dma_wait3A_286 : memref<2496xf32, #tpu.memory_space<vmem>>)
      %dma_wait3A_288 = arith.constant 0 : i32
      %dma_wait3A_289 = tpu.memref_slice %arg10[%dma_wait3A_288] : memref<2496xf32, #tpu.memory_space<vmem>> -> memref<2496xf32, #tpu.memory_space<vmem>>
      %dma_wait3A_290 = tpu.memref_slice %arg2[%add3A_102] : memref<103680xf32, #tpu.memory_space<hbm>> -> memref<2496xf32, #tpu.memory_space<hbm>>
      %dma_wait3A_291 = arith.constant 0 : i32
      %dma_wait3A_292 = tpu.memref_slice %arg10[%dma_wait3A_291] : memref<2496xf32, #tpu.memory_space<vmem>> -> memref<2496xf32, #tpu.memory_space<vmem>>
      %dma_wait3A_293 = tpu.memref_slice %arg2[%add3A_102] : memref<103680xf32, #tpu.memory_space<hbm>> -> memref<2496xf32, #tpu.memory_space<hbm>>
      tpu.wait_dma2 semaphore(%arg24 : memref<!tpu.dma_semaphore, #tpu.memory_space<semaphore_mem>>) src(%dma_wait3A_293 : memref<2496xf32, #tpu.memory_space<hbm>>) dst(%dma_wait3A_292 : memref<2496xf32, #tpu.memory_space<vmem>>)
      %dma_wait3A_294 = tpu.memref_slice %arg2[%add3A_114] : memref<103680xf32, #tpu.memory_space<hbm>> -> memref<2048xf32, #tpu.memory_space<hbm>>
      %dma_wait3A_295 = tpu.memref_slice %arg2[%add3A_114] : memref<103680xf32, #tpu.memory_space<hbm>> -> memref<2048xf32, #tpu.memory_space<hbm>>
      tpu.wait_dma2 semaphore(%arg24 : memref<!tpu.dma_semaphore, #tpu.memory_space<semaphore_mem>>) src(%dma_wait3A_295 : memref<2048xf32, #tpu.memory_space<hbm>>) dst(%arg16 : memref<2048xf32, #tpu.memory_space<vmem>>)
      %dma_wait3A_296 = arith.constant 0 : i32
      %dma_wait3A_297 = tpu.memref_slice %arg8[%dma_wait3A_296] : memref<2496xf32, #tpu.memory_space<vmem>> -> memref<2496xf32, #tpu.memory_space<vmem>>
      %dma_wait3A_298 = tpu.memref_slice %arg2[%add3A_122] : memref<103680xf32, #tpu.memory_space<hbm>> -> memref<2496xf32, #tpu.memory_space<hbm>>
      %dma_wait3A_299 = arith.constant 0 : i32
      %dma_wait3A_300 = tpu.memref_slice %arg8[%dma_wait3A_299] : memref<2496xf32, #tpu.memory_space<vmem>> -> memref<2496xf32, #tpu.memory_space<vmem>>
      %dma_wait3A_301 = tpu.memref_slice %arg2[%add3A_122] : memref<103680xf32, #tpu.memory_space<hbm>> -> memref<2496xf32, #tpu.memory_space<hbm>>
      tpu.wait_dma2 semaphore(%arg24 : memref<!tpu.dma_semaphore, #tpu.memory_space<semaphore_mem>>) src(%dma_wait3A_301 : memref<2496xf32, #tpu.memory_space<hbm>>) dst(%dma_wait3A_300 : memref<2496xf32, #tpu.memory_space<vmem>>)
      %dma_wait3A_302 = arith.constant 0 : i32
      %dma_wait3A_303 = tpu.memref_slice %arg11[%dma_wait3A_302] : memref<2496xf32, #tpu.memory_space<vmem>> -> memref<2496xf32, #tpu.memory_space<vmem>>
      %dma_wait3A_304 = tpu.memref_slice %arg2[%add3A_134] : memref<103680xf32, #tpu.memory_space<hbm>> -> memref<2496xf32, #tpu.memory_space<hbm>>
      %dma_wait3A_305 = arith.constant 0 : i32
      %dma_wait3A_306 = tpu.memref_slice %arg11[%dma_wait3A_305] : memref<2496xf32, #tpu.memory_space<vmem>> -> memref<2496xf32, #tpu.memory_space<vmem>>
      %dma_wait3A_307 = tpu.memref_slice %arg2[%add3A_134] : memref<103680xf32, #tpu.memory_space<hbm>> -> memref<2496xf32, #tpu.memory_space<hbm>>
      tpu.wait_dma2 semaphore(%arg24 : memref<!tpu.dma_semaphore, #tpu.memory_space<semaphore_mem>>) src(%dma_wait3A_307 : memref<2496xf32, #tpu.memory_space<hbm>>) dst(%dma_wait3A_306 : memref<2496xf32, #tpu.memory_space<vmem>>)
      %dma_wait3A_308 = tpu.memref_slice %arg2[%add3A_146] : memref<103680xf32, #tpu.memory_space<hbm>> -> memref<2048xf32, #tpu.memory_space<hbm>>
      %dma_wait3A_309 = tpu.memref_slice %arg2[%add3A_146] : memref<103680xf32, #tpu.memory_space<hbm>> -> memref<2048xf32, #tpu.memory_space<hbm>>
      tpu.wait_dma2 semaphore(%arg24 : memref<!tpu.dma_semaphore, #tpu.memory_space<semaphore_mem>>) src(%dma_wait3A_309 : memref<2048xf32, #tpu.memory_space<hbm>>) dst(%arg17 : memref<2048xf32, #tpu.memory_space<vmem>>)
      %dma_wait3A_310 = arith.constant 0 : i32
      %dma_wait3A_311 = tpu.memref_slice %arg18[%dma_wait3A_310] : memref<2496xi32, #tpu.memory_space<vmem>> -> memref<2496xi32, #tpu.memory_space<vmem>>
      %dma_wait3A_312 = tpu.memref_slice %arg4[%add3A_152] : memref<4608xi32, #tpu.memory_space<hbm>> -> memref<2496xi32, #tpu.memory_space<hbm>>
      %dma_wait3A_313 = arith.constant 0 : i32
      %dma_wait3A_314 = tpu.memref_slice %arg18[%dma_wait3A_313] : memref<2496xi32, #tpu.memory_space<vmem>> -> memref<2496xi32, #tpu.memory_space<vmem>>
      %dma_wait3A_315 = tpu.memref_slice %arg4[%add3A_152] : memref<4608xi32, #tpu.memory_space<hbm>> -> memref<2496xi32, #tpu.memory_space<hbm>>
      tpu.wait_dma2 semaphore(%arg24 : memref<!tpu.dma_semaphore, #tpu.memory_space<semaphore_mem>>) src(%dma_wait3A_315 : memref<2496xi32, #tpu.memory_space<hbm>>) dst(%dma_wait3A_314 : memref<2496xi32, #tpu.memory_space<vmem>>)
      %dma_wait3A_316 = arith.constant 0 : i32
      %dma_wait3A_317 = tpu.memref_slice %arg19[%dma_wait3A_316] : memref<1856xi32, #tpu.memory_space<vmem>> -> memref<1856xi32, #tpu.memory_space<vmem>>
      %dma_wait3A_318 = tpu.memref_slice %arg3[%add3A_162] : memref<52044xi32, #tpu.memory_space<hbm>> -> memref<1856xi32, #tpu.memory_space<hbm>>
      %dma_wait3A_319 = arith.constant 0 : i32
      %dma_wait3A_320 = tpu.memref_slice %arg19[%dma_wait3A_319] : memref<1856xi32, #tpu.memory_space<vmem>> -> memref<1856xi32, #tpu.memory_space<vmem>>
      %dma_wait3A_321 = tpu.memref_slice %arg3[%add3A_162] : memref<52044xi32, #tpu.memory_space<hbm>> -> memref<1856xi32, #tpu.memory_space<hbm>>
      tpu.wait_dma2 semaphore(%arg24 : memref<!tpu.dma_semaphore, #tpu.memory_space<semaphore_mem>>) src(%dma_wait3A_321 : memref<1856xi32, #tpu.memory_space<hbm>>) dst(%dma_wait3A_320 : memref<1856xi32, #tpu.memory_space<vmem>>)
      %dma_wait3A_322 = arith.constant 0 : i32
      %dma_wait3A_323 = tpu.memref_slice %arg20[%dma_wait3A_322] : memref<1856xi32, #tpu.memory_space<vmem>> -> memref<1856xi32, #tpu.memory_space<vmem>>
      %dma_wait3A_324 = tpu.memref_slice %arg3[%add3A_172] : memref<52044xi32, #tpu.memory_space<hbm>> -> memref<1856xi32, #tpu.memory_space<hbm>>
      %dma_wait3A_325 = arith.constant 0 : i32
      %dma_wait3A_326 = tpu.memref_slice %arg20[%dma_wait3A_325] : memref<1856xi32, #tpu.memory_space<vmem>> -> memref<1856xi32, #tpu.memory_space<vmem>>
      %dma_wait3A_327 = tpu.memref_slice %arg3[%add3A_172] : memref<52044xi32, #tpu.memory_space<hbm>> -> memref<1856xi32, #tpu.memory_space<hbm>>
      tpu.wait_dma2 semaphore(%arg24 : memref<!tpu.dma_semaphore, #tpu.memory_space<semaphore_mem>>) src(%dma_wait3A_327 : memref<1856xi32, #tpu.memory_space<hbm>>) dst(%dma_wait3A_326 : memref<1856xi32, #tpu.memory_space<vmem>>)
      %dma_wait3A_328 = arith.constant 0 : i32
      %dma_wait3A_329 = tpu.memref_slice %arg21[%dma_wait3A_328] : memref<4992xi32, #tpu.memory_space<vmem>> -> memref<624xi32, #tpu.memory_space<vmem>>
      %dma_wait3A_330 = tpu.memref_slice %arg3[%add3A_182] : memref<52044xi32, #tpu.memory_space<hbm>> -> memref<624xi32, #tpu.memory_space<hbm>>
      %dma_wait3A_331 = arith.constant 0 : i32
      %dma_wait3A_332 = tpu.memref_slice %arg21[%dma_wait3A_331] : memref<4992xi32, #tpu.memory_space<vmem>> -> memref<624xi32, #tpu.memory_space<vmem>>
      %dma_wait3A_333 = tpu.memref_slice %arg3[%add3A_182] : memref<52044xi32, #tpu.memory_space<hbm>> -> memref<624xi32, #tpu.memory_space<hbm>>
      tpu.wait_dma2 semaphore(%arg24 : memref<!tpu.dma_semaphore, #tpu.memory_space<semaphore_mem>>) src(%dma_wait3A_333 : memref<624xi32, #tpu.memory_space<hbm>>) dst(%dma_wait3A_332 : memref<624xi32, #tpu.memory_space<vmem>>)
      %dma_wait3A_334 = arith.constant 624 : i32
      %dma_wait3A_335 = tpu.memref_slice %arg21[%dma_wait3A_334] : memref<4992xi32, #tpu.memory_space<vmem>> -> memref<624xi32, #tpu.memory_space<vmem>>
      %dma_wait3A_336 = tpu.memref_slice %arg3[%add3A_192] : memref<52044xi32, #tpu.memory_space<hbm>> -> memref<624xi32, #tpu.memory_space<hbm>>
      %dma_wait3A_337 = arith.constant 624 : i32
      %dma_wait3A_338 = tpu.memref_slice %arg21[%dma_wait3A_337] : memref<4992xi32, #tpu.memory_space<vmem>> -> memref<624xi32, #tpu.memory_space<vmem>>
      %dma_wait3A_339 = tpu.memref_slice %arg3[%add3A_192] : memref<52044xi32, #tpu.memory_space<hbm>> -> memref<624xi32, #tpu.memory_space<hbm>>
      tpu.wait_dma2 semaphore(%arg24 : memref<!tpu.dma_semaphore, #tpu.memory_space<semaphore_mem>>) src(%dma_wait3A_339 : memref<624xi32, #tpu.memory_space<hbm>>) dst(%dma_wait3A_338 : memref<624xi32, #tpu.memory_space<vmem>>)
      %dma_wait3A_340 = arith.constant 1248 : i32
      %dma_wait3A_341 = tpu.memref_slice %arg21[%dma_wait3A_340] : memref<4992xi32, #tpu.memory_space<vmem>> -> memref<624xi32, #tpu.memory_space<vmem>>
      %dma_wait3A_342 = tpu.memref_slice %arg3[%add3A_202] : memref<52044xi32, #tpu.memory_space<hbm>> -> memref<624xi32, #tpu.memory_space<hbm>>
      %dma_wait3A_343 = arith.constant 1248 : i32
      %dma_wait3A_344 = tpu.memref_slice %arg21[%dma_wait3A_343] : memref<4992xi32, #tpu.memory_space<vmem>> -> memref<624xi32, #tpu.memory_space<vmem>>
      %dma_wait3A_345 = tpu.memref_slice %arg3[%add3A_202] : memref<52044xi32, #tpu.memory_space<hbm>> -> memref<624xi32, #tpu.memory_space<hbm>>
      tpu.wait_dma2 semaphore(%arg24 : memref<!tpu.dma_semaphore, #tpu.memory_space<semaphore_mem>>) src(%dma_wait3A_345 : memref<624xi32, #tpu.memory_space<hbm>>) dst(%dma_wait3A_344 : memref<624xi32, #tpu.memory_space<vmem>>)
      %dma_wait3A_346 = arith.constant 1872 : i32
      %dma_wait3A_347 = tpu.memref_slice %arg21[%dma_wait3A_346] : memref<4992xi32, #tpu.memory_space<vmem>> -> memref<624xi32, #tpu.memory_space<vmem>>
      %dma_wait3A_348 = tpu.memref_slice %arg3[%add3A_212] : memref<52044xi32, #tpu.memory_space<hbm>> -> memref<624xi32, #tpu.memory_space<hbm>>
      %dma_wait3A_349 = arith.constant 1872 : i32
      %dma_wait3A_350 = tpu.memref_slice %arg21[%dma_wait3A_349] : memref<4992xi32, #tpu.memory_space<vmem>> -> memref<624xi32, #tpu.memory_space<vmem>>
      %dma_wait3A_351 = tpu.memref_slice %arg3[%add3A_212] : memref<52044xi32, #tpu.memory_space<hbm>> -> memref<624xi32, #tpu.memory_space<hbm>>
      tpu.wait_dma2 semaphore(%arg24 : memref<!tpu.dma_semaphore, #tpu.memory_space<semaphore_mem>>) src(%dma_wait3A_351 : memref<624xi32, #tpu.memory_space<hbm>>) dst(%dma_wait3A_350 : memref<624xi32, #tpu.memory_space<vmem>>)
      %dma_wait3A_352 = arith.constant 2496 : i32
      %dma_wait3A_353 = tpu.memref_slice %arg21[%dma_wait3A_352] : memref<4992xi32, #tpu.memory_space<vmem>> -> memref<624xi32, #tpu.memory_space<vmem>>
      %dma_wait3A_354 = tpu.memref_slice %arg3[%add3A_222] : memref<52044xi32, #tpu.memory_space<hbm>> -> memref<624xi32, #tpu.memory_space<hbm>>
      %dma_wait3A_355 = arith.constant 2496 : i32
      %dma_wait3A_356 = tpu.memref_slice %arg21[%dma_wait3A_355] : memref<4992xi32, #tpu.memory_space<vmem>> -> memref<624xi32, #tpu.memory_space<vmem>>
      %dma_wait3A_357 = tpu.memref_slice %arg3[%add3A_222] : memref<52044xi32, #tpu.memory_space<hbm>> -> memref<624xi32, #tpu.memory_space<hbm>>
      tpu.wait_dma2 semaphore(%arg24 : memref<!tpu.dma_semaphore, #tpu.memory_space<semaphore_mem>>) src(%dma_wait3A_357 : memref<624xi32, #tpu.memory_space<hbm>>) dst(%dma_wait3A_356 : memref<624xi32, #tpu.memory_space<vmem>>)
      %dma_wait3A_358 = arith.constant 3120 : i32
      %dma_wait3A_359 = tpu.memref_slice %arg21[%dma_wait3A_358] : memref<4992xi32, #tpu.memory_space<vmem>> -> memref<624xi32, #tpu.memory_space<vmem>>
      %dma_wait3A_360 = tpu.memref_slice %arg3[%add3A_232] : memref<52044xi32, #tpu.memory_space<hbm>> -> memref<624xi32, #tpu.memory_space<hbm>>
      %dma_wait3A_361 = arith.constant 3120 : i32
      %dma_wait3A_362 = tpu.memref_slice %arg21[%dma_wait3A_361] : memref<4992xi32, #tpu.memory_space<vmem>> -> memref<624xi32, #tpu.memory_space<vmem>>
      %dma_wait3A_363 = tpu.memref_slice %arg3[%add3A_232] : memref<52044xi32, #tpu.memory_space<hbm>> -> memref<624xi32, #tpu.memory_space<hbm>>
      tpu.wait_dma2 semaphore(%arg24 : memref<!tpu.dma_semaphore, #tpu.memory_space<semaphore_mem>>) src(%dma_wait3A_363 : memref<624xi32, #tpu.memory_space<hbm>>) dst(%dma_wait3A_362 : memref<624xi32, #tpu.memory_space<vmem>>)
      %dma_wait3A_364 = arith.constant 3744 : i32
      %dma_wait3A_365 = tpu.memref_slice %arg21[%dma_wait3A_364] : memref<4992xi32, #tpu.memory_space<vmem>> -> memref<624xi32, #tpu.memory_space<vmem>>
      %dma_wait3A_366 = tpu.memref_slice %arg3[%add3A_242] : memref<52044xi32, #tpu.memory_space<hbm>> -> memref<624xi32, #tpu.memory_space<hbm>>
      %dma_wait3A_367 = arith.constant 3744 : i32
      %dma_wait3A_368 = tpu.memref_slice %arg21[%dma_wait3A_367] : memref<4992xi32, #tpu.memory_space<vmem>> -> memref<624xi32, #tpu.memory_space<vmem>>
      %dma_wait3A_369 = tpu.memref_slice %arg3[%add3A_242] : memref<52044xi32, #tpu.memory_space<hbm>> -> memref<624xi32, #tpu.memory_space<hbm>>
      tpu.wait_dma2 semaphore(%arg24 : memref<!tpu.dma_semaphore, #tpu.memory_space<semaphore_mem>>) src(%dma_wait3A_369 : memref<624xi32, #tpu.memory_space<hbm>>) dst(%dma_wait3A_368 : memref<624xi32, #tpu.memory_space<vmem>>)
      %dma_wait3A_370 = arith.constant 4368 : i32
      %dma_wait3A_371 = tpu.memref_slice %arg21[%dma_wait3A_370] : memref<4992xi32, #tpu.memory_space<vmem>> -> memref<624xi32, #tpu.memory_space<vmem>>
      %dma_wait3A_372 = tpu.memref_slice %arg3[%add3A_252] : memref<52044xi32, #tpu.memory_space<hbm>> -> memref<624xi32, #tpu.memory_space<hbm>>
      %dma_wait3A_373 = arith.constant 4368 : i32
      %dma_wait3A_374 = tpu.memref_slice %arg21[%dma_wait3A_373] : memref<4992xi32, #tpu.memory_space<vmem>> -> memref<624xi32, #tpu.memory_space<vmem>>
      %dma_wait3A_375 = tpu.memref_slice %arg3[%add3A_252] : memref<52044xi32, #tpu.memory_space<hbm>> -> memref<624xi32, #tpu.memory_space<hbm>>
      tpu.wait_dma2 semaphore(%arg24 : memref<!tpu.dma_semaphore, #tpu.memory_space<semaphore_mem>>) src(%dma_wait3A_375 : memref<624xi32, #tpu.memory_space<hbm>>) dst(%dma_wait3A_374 : memref<624xi32, #tpu.memory_space<vmem>>)
      %dma_wait3A_376 = arith.constant 0 : i32
      %dma_wait3A_377 = tpu.memref_slice %arg22[%dma_wait3A_376] : memref<624xi32, #tpu.memory_space<vmem>> -> memref<624xi32, #tpu.memory_space<vmem>>
      %dma_wait3A_378 = tpu.memref_slice %arg3[%add3A_262] : memref<52044xi32, #tpu.memory_space<hbm>> -> memref<624xi32, #tpu.memory_space<hbm>>
      %dma_wait3A_379 = arith.constant 0 : i32
      %dma_wait3A_380 = tpu.memref_slice %arg22[%dma_wait3A_379] : memref<624xi32, #tpu.memory_space<vmem>> -> memref<624xi32, #tpu.memory_space<vmem>>
      %dma_wait3A_381 = tpu.memref_slice %arg3[%add3A_262] : memref<52044xi32, #tpu.memory_space<hbm>> -> memref<624xi32, #tpu.memory_space<hbm>>
      tpu.wait_dma2 semaphore(%arg24 : memref<!tpu.dma_semaphore, #tpu.memory_space<semaphore_mem>>) src(%dma_wait3A_381 : memref<624xi32, #tpu.memory_space<hbm>>) dst(%dma_wait3A_380 : memref<624xi32, #tpu.memory_space<vmem>>)
      %iota3A = tpu.iota {dimensions = array<i32: 0>} : vector<16xi32>
      %broadcast_in_dim3A = arith.constant 0.000000e+00 : f32
      %broadcast_in_dim3A_382 = vector.broadcast %broadcast_in_dim3A : f32 to vector<16xf32>
      %scan3A = arith.constant 0 : i32
      %scan3A_383 = arith.constant 0 : i32
      %scan3A_384 = arith.constant 156 : i32
      %scan3A_385 = arith.addi %scan3A_383, %scan3A_384 : i32
      %scan3A_386 = arith.constant 1 : i32
      scf.for %scan3A_449 = %scan3A_383 to %scan3A_385 step %scan3A_386  : i32 {
        %mul3A_450 = arith.constant 16 : i32
        %mul3A_451 = arith.muli %scan3A_449, %mul3A_450 : i32
        %get3A = arith.index_cast %mul3A_451 : i32 to index
        %get3A_452 = tpu.vector_load %arg9[%get3A] {strides = array<i32>} : memref<2496xf32, #tpu.memory_space<vmem>>, vector<16xf32>,
        %get3A_453 = arith.index_cast %mul3A_451 : i32 to index
        %get3A_454 = tpu.vector_load %arg6[%get3A_453] {strides = array<i32>} : memref<2496xf32, #tpu.memory_space<vmem>>, vector<16xf32>,
        %sub3A_455 = arith.subf %get3A_452, %get3A_454 : vector<16xf32>
        %swap3A_456 = arith.index_cast %mul3A_451 : i32 to index
        %swap3A_457 = tpu.vector_load %arg12[%swap3A_456] {strides = array<i32>} : memref<2496xf32, #tpu.memory_space<vmem>>, vector<16xf32>,
        tpu.vector_store %arg12[%swap3A_456], %sub3A_455 {strides = array<i32>} : memref<2496xf32, #tpu.memory_space<vmem>>, vector<16xf32>,
        %get3A_458 = arith.index_cast %mul3A_451 : i32 to index
        %get3A_459 = tpu.vector_load %arg10[%get3A_458] {strides = array<i32>} : memref<2496xf32, #tpu.memory_space<vmem>>, vector<16xf32>,
        %get3A_460 = arith.index_cast %mul3A_451 : i32 to index
        %get3A_461 = tpu.vector_load %arg7[%get3A_460] {strides = array<i32>} : memref<2496xf32, #tpu.memory_space<vmem>>, vector<16xf32>,
        %sub3A_462 = arith.subf %get3A_459, %get3A_461 : vector<16xf32>
        %swap3A_463 = arith.index_cast %mul3A_451 : i32 to index
        %swap3A_464 = tpu.vector_load %arg13[%swap3A_463] {strides = array<i32>} : memref<2496xf32, #tpu.memory_space<vmem>>, vector<16xf32>,
        tpu.vector_store %arg13[%swap3A_463], %sub3A_462 {strides = array<i32>} : memref<2496xf32, #tpu.memory_space<vmem>>, vector<16xf32>,
        %get3A_465 = arith.index_cast %mul3A_451 : i32 to index
        %get3A_466 = tpu.vector_load %arg11[%get3A_465] {strides = array<i32>} : memref<2496xf32, #tpu.memory_space<vmem>>, vector<16xf32>,
        %get3A_467 = arith.index_cast %mul3A_451 : i32 to index
        %get3A_468 = tpu.vector_load %arg8[%get3A_467] {strides = array<i32>} : memref<2496xf32, #tpu.memory_space<vmem>>, vector<16xf32>,
        %sub3A_469 = arith.subf %get3A_466, %get3A_468 : vector<16xf32>
        %swap3A_470 = arith.index_cast %mul3A_451 : i32 to index
        %swap3A_471 = tpu.vector_load %arg14[%swap3A_470] {strides = array<i32>} : memref<2496xf32, #tpu.memory_space<vmem>>, vector<16xf32>,
        tpu.vector_store %arg14[%swap3A_470], %sub3A_469 {strides = array<i32>} : memref<2496xf32, #tpu.memory_space<vmem>>, vector<16xf32>,
      }
      %scan3A_387 = arith.constant 156 : i32
      %scan3A_388 = arith.constant 0 : i32
      %scan3A_389 = arith.constant 116 : i32
      %scan3A_390 = arith.addi %scan3A_388, %scan3A_389 : i32
      %scan3A_391 = arith.constant 1 : i32
      %scan3A_392:2 = scf.for %scan3A_449 = %scan3A_388 to %scan3A_390 step %scan3A_391 iter_args(%scan3A_450 = %broadcast_in_dim3A_382, %scan3A_451 = %broadcast_in_dim3A_382) -> (vector<16xf32>, vector<16xf32>)  : i32 {
        %mul3A_452 = arith.constant 16 : i32
        %mul3A_453 = arith.muli %scan3A_449, %mul3A_452 : i32
        %get3A = arith.index_cast %mul3A_453 : i32 to index
        %get3A_454 = tpu.vector_load %arg19[%get3A] {strides = array<i32>} : memref<1856xi32, #tpu.memory_space<vmem>>, vector<16xi32>,
        %get3A_455 = arith.index_cast %mul3A_453 : i32 to index
        %get3A_456 = tpu.vector_load %arg20[%get3A_455] {strides = array<i32>} : memref<1856xi32, #tpu.memory_space<vmem>>, vector<16xi32>,
        %mul3A_457 = arith.constant 1856 : i32
        %mul3A_458 = arith.muli %select_n3A_53, %mul3A_457 : i32
        %mul3A_459 = arith.constant 16 : i32
        %mul3A_460 = arith.muli %scan3A_449, %mul3A_459 : i32
        %add3A_461 = arith.addi %mul3A_458, %mul3A_460 : i32
        %add3A_462 = vector.broadcast %add3A_461 : i32 to vector<16xi32>
        %add3A_463 = arith.addi %add3A_462, %iota3A : vector<16xi32>
        %lt3A_464 = arith.constant 7392 : i32
        %lt3A_465 = vector.broadcast %lt3A_464 : i32 to vector<16xi32>
        %lt3A_466 = arith.cmpi slt, %add3A_463, %lt3A_465 : vector<16xi32>
        %gather3A = tpu.vector_load_idx %arg6[%get3A_454] : memref<2496xf32, #tpu.memory_space<vmem>>[vector<16xi32>], vector<16xf32>,
        %gather3A_467 = tpu.vector_load_idx %arg6[%get3A_456] : memref<2496xf32, #tpu.memory_space<vmem>>[vector<16xi32>], vector<16xf32>,
        %sub3A_468 = arith.subf %gather3A, %gather3A_467 : vector<16xf32>
        %gather3A_469 = tpu.vector_load_idx %arg7[%get3A_454] : memref<2496xf32, #tpu.memory_space<vmem>>[vector<16xi32>], vector<16xf32>,
        %gather3A_470 = tpu.vector_load_idx %arg7[%get3A_456] : memref<2496xf32, #tpu.memory_space<vmem>>[vector<16xi32>], vector<16xf32>,
        %sub3A_471 = arith.subf %gather3A_469, %gather3A_470 : vector<16xf32>
        %gather3A_472 = tpu.vector_load_idx %arg8[%get3A_454] : memref<2496xf32, #tpu.memory_space<vmem>>[vector<16xi32>], vector<16xf32>,
        %gather3A_473 = tpu.vector_load_idx %arg8[%get3A_456] : memref<2496xf32, #tpu.memory_space<vmem>>[vector<16xi32>], vector<16xf32>,
        %sub3A_474 = arith.subf %gather3A_472, %gather3A_473 : vector<16xf32>
        %mul3A_475 = arith.mulf %sub3A_468, %sub3A_468 : vector<16xf32>
        %mul3A_476 = arith.mulf %sub3A_471, %sub3A_471 : vector<16xf32>
        %add3A_477 = arith.addf %mul3A_475, %mul3A_476 : vector<16xf32>
        %mul3A_478 = arith.mulf %sub3A_474, %sub3A_474 : vector<16xf32>
        %add3A_479 = arith.addf %add3A_477, %mul3A_478 : vector<16xf32>
        %gather3A_480 = tpu.vector_load_idx %arg18[%get3A_454] : memref<2496xi32, #tpu.memory_space<vmem>>[vector<16xi32>], vector<16xi32>,
        %and3A_481 = arith.constant 2047 : i32
        %and3A_482 = vector.broadcast %and3A_481 : i32 to vector<16xi32>
        %and3A_483 = arith.andi %gather3A_480, %and3A_482 : vector<16xi32>
        %gather3A_484 = tpu.vector_load_idx %arg15[%and3A_483] : memref<2048xf32, #tpu.memory_space<vmem>>[vector<16xi32>], vector<16xf32>,
        %gather3A_485 = tpu.vector_load_idx %arg16[%and3A_483] : memref<2048xf32, #tpu.memory_space<vmem>>[vector<16xi32>], vector<16xf32>,
        %gather3A_486 = tpu.vector_load_idx %arg17[%and3A_483] : memref<2048xf32, #tpu.memory_space<vmem>>[vector<16xi32>], vector<16xf32>,
        %mul3A_487 = arith.mulf %sub3A_468, %gather3A_484 : vector<16xf32>
        %mul3A_488 = arith.mulf %sub3A_471, %gather3A_485 : vector<16xf32>
        %add3A_489 = arith.addf %mul3A_487, %mul3A_488 : vector<16xf32>
        %mul3A_490 = arith.mulf %sub3A_474, %gather3A_486 : vector<16xf32>
        %add3A_491 = arith.addf %add3A_489, %mul3A_490 : vector<16xf32>
        %mul3A_492 = arith.mulf %gather3A_484, %gather3A_484 : vector<16xf32>
        %mul3A_493 = arith.mulf %gather3A_485, %gather3A_485 : vector<16xf32>
        %add3A_494 = arith.addf %mul3A_492, %mul3A_493 : vector<16xf32>
        %mul3A_495 = arith.mulf %gather3A_486, %gather3A_486 : vector<16xf32>
        %add3A_496 = arith.addf %add3A_494, %mul3A_495 : vector<16xf32>
        %abs3A = math.absf %add3A_491 : vector<16xf32>
        %mul3A_497 = arith.mulf %add3A_479, %add3A_496 : vector<16xf32>
        %max3A = arith.constant 1.000000e-24 : f32
        %max3A_498 = vector.broadcast %max3A : f32 to vector<16xf32>
        %max3A_499 = arith.maximumf %mul3A_497, %max3A_498 : vector<16xf32>
        %bitcast3A = vector.bitcast %max3A_499 : vector<16xf32> to vector<16xi32>
        %shift_right_arithmetic3A = arith.constant 1 : i32
        %shift_right_arithmetic3A_500 = vector.broadcast %shift_right_arithmetic3A : i32 to vector<16xi32>
        %shift_right_arithmetic3A_501 = arith.shrsi %bitcast3A, %shift_right_arithmetic3A_500 : vector<16xi32>
        %sub3A_502 = arith.constant 1597463007 : i32
        %sub3A_503 = vector.broadcast %sub3A_502 : i32 to vector<16xi32>
        %sub3A_504 = arith.subi %sub3A_503, %shift_right_arithmetic3A_501 : vector<16xi32>
        %bitcast3A_505 = vector.bitcast %sub3A_504 : vector<16xi32> to vector<16xf32>
        %mul3A_506 = arith.constant 5.000000e-01 : f32
        %mul3A_507 = vector.broadcast %mul3A_506 : f32 to vector<16xf32>
        %mul3A_508 = arith.mulf %mul3A_507, %max3A_499 : vector<16xf32>
        %mul3A_509 = arith.mulf %mul3A_508, %bitcast3A_505 : vector<16xf32>
        %mul3A_510 = arith.mulf %mul3A_509, %bitcast3A_505 : vector<16xf32>
        %sub3A_511 = arith.constant 1.500000e+00 : f32
        %sub3A_512 = vector.broadcast %sub3A_511 : f32 to vector<16xf32>
        %sub3A_513 = arith.subf %sub3A_512, %mul3A_510 : vector<16xf32>
        %mul3A_514 = arith.mulf %bitcast3A_505, %sub3A_513 : vector<16xf32>
        %mul3A_515 = arith.constant 5.000000e-01 : f32
        %mul3A_516 = vector.broadcast %mul3A_515 : f32 to vector<16xf32>
        %mul3A_517 = arith.mulf %mul3A_516, %max3A_499 : vector<16xf32>
        %mul3A_518 = arith.mulf %mul3A_517, %mul3A_514 : vector<16xf32>
        %mul3A_519 = arith.mulf %mul3A_518, %mul3A_514 : vector<16xf32>
        %sub3A_520 = arith.constant 1.500000e+00 : f32
        %sub3A_521 = vector.broadcast %sub3A_520 : f32 to vector<16xf32>
        %sub3A_522 = arith.subf %sub3A_521, %mul3A_519 : vector<16xf32>
        %mul3A_523 = arith.mulf %mul3A_514, %sub3A_522 : vector<16xf32>
        %mul3A_524 = arith.constant 5.000000e-01 : f32
        %mul3A_525 = vector.broadcast %mul3A_524 : f32 to vector<16xf32>
        %mul3A_526 = arith.mulf %mul3A_525, %max3A_499 : vector<16xf32>
        %mul3A_527 = arith.mulf %mul3A_526, %mul3A_523 : vector<16xf32>
        %mul3A_528 = arith.mulf %mul3A_527, %mul3A_523 : vector<16xf32>
        %sub3A_529 = arith.constant 1.500000e+00 : f32
        %sub3A_530 = vector.broadcast %sub3A_529 : f32 to vector<16xf32>
        %sub3A_531 = arith.subf %sub3A_530, %mul3A_528 : vector<16xf32>
        %mul3A_532 = arith.mulf %mul3A_523, %sub3A_531 : vector<16xf32>
        %mul3A_533 = arith.constant 5.000000e-01 : f32
        %mul3A_534 = vector.broadcast %mul3A_533 : f32 to vector<16xf32>
        %mul3A_535 = arith.mulf %mul3A_534, %max3A_499 : vector<16xf32>
        %mul3A_536 = arith.mulf %mul3A_535, %mul3A_532 : vector<16xf32>
        %mul3A_537 = arith.mulf %mul3A_536, %mul3A_532 : vector<16xf32>
        %sub3A_538 = arith.constant 1.500000e+00 : f32
        %sub3A_539 = vector.broadcast %sub3A_538 : f32 to vector<16xf32>
        %sub3A_540 = arith.subf %sub3A_539, %mul3A_537 : vector<16xf32>
        %mul3A_541 = arith.mulf %mul3A_532, %sub3A_540 : vector<16xf32>
        %mul3A_542 = arith.mulf %abs3A, %mul3A_541 : vector<16xf32>
        %jit3A_543 = arith.constant 0.000000e+00 : f32
        %broadcast_in_dim3A_544 = vector.broadcast %jit3A_543 : f32 to vector<16xf32>
        %select_n3A_545 = arith.select %lt3A_466, %add3A_479, %broadcast_in_dim3A_544 : vector<16xi1>, vector<16xf32>
        %add3A_546 = arith.addf %scan3A_450, %select_n3A_545 : vector<16xf32>
        %jit3A_547 = arith.constant 0.000000e+00 : f32
        %broadcast_in_dim3A_548 = vector.broadcast %jit3A_547 : f32 to vector<16xf32>
        %select_n3A_549 = arith.select %lt3A_466, %mul3A_542, %broadcast_in_dim3A_548 : vector<16xi1>, vector<16xf32>
        %add3A_550 = arith.addf %scan3A_451, %select_n3A_549 : vector<16xf32>
        scf.yield %add3A_546, %add3A_550 : vector<16xf32>, vector<16xf32>
      }
      %scan3A_393 = arith.constant 116 : i32
      %scan3A_394 = arith.constant 0 : i32
      %scan3A_395 = arith.constant 39 : i32
      %scan3A_396 = arith.addi %scan3A_394, %scan3A_395 : i32
      %scan3A_397 = arith.constant 1 : i32
      %scan3A_398:2 = scf.for %scan3A_449 = %scan3A_394 to %scan3A_396 step %scan3A_397 iter_args(%scan3A_450 = %broadcast_in_dim3A_382, %scan3A_451 = %broadcast_in_dim3A_382) -> (vector<16xf32>, vector<16xf32>)  : i32 {
        %mul3A_452 = arith.constant 624 : i32
        %mul3A_453 = arith.muli %select_n3A_53, %mul3A_452 : i32
        %mul3A_454 = arith.constant 16 : i32
        %mul3A_455 = arith.muli %scan3A_449, %mul3A_454 : i32
        %add3A_456 = arith.addi %mul3A_453, %mul3A_455 : i32
        %add3A_457 = vector.broadcast %add3A_456 : i32 to vector<16xi32>
        %add3A_458 = arith.addi %add3A_457, %iota3A : vector<16xi32>
        %lt3A_459 = arith.constant 2466 : i32
        %lt3A_460 = vector.broadcast %lt3A_459 : i32 to vector<16xi32>
        %lt3A_461 = arith.cmpi slt, %add3A_458, %lt3A_460 : vector<16xi32>
        %get3A = arith.index_cast %add3A_456 : i32 to index
        %get3A_462 = tpu.vector_load %arg12[%get3A] {strides = array<i32>} : memref<2496xf32, #tpu.memory_space<vmem>>, vector<16xf32>,
        %get3A_463 = arith.index_cast %add3A_456 : i32 to index
        %get3A_464 = tpu.vector_load %arg13[%get3A_463] {strides = array<i32>} : memref<2496xf32, #tpu.memory_space<vmem>>, vector<16xf32>,
        %get3A_465 = arith.index_cast %add3A_456 : i32 to index
        %get3A_466 = tpu.vector_load %arg14[%get3A_465] {strides = array<i32>} : memref<2496xf32, #tpu.memory_space<vmem>>, vector<16xf32>,
        %mul3A_467 = arith.constant 16 : i32
        %mul3A_468 = arith.muli %scan3A_449, %mul3A_467 : i32
        %get3A_469 = arith.index_cast %mul3A_468 : i32 to index
        %get3A_470 = tpu.vector_load %arg22[%get3A_469] {strides = array<i32>} : memref<624xi32, #tpu.memory_space<vmem>>, vector<16xi32>,
        %convert_element_type3A_471 = arith.sitofp %get3A_470 : vector<16xi32> to vector<16xf32>
        %mul3A_472 = arith.constant 16 : i32
        %mul3A_473 = arith.muli %scan3A_449, %mul3A_472 : i32
        %add3A_474 = arith.constant 0 : i32
        %add3A_475 = arith.addi %add3A_474, %mul3A_473 : i32
        %get3A_476 = arith.index_cast %add3A_475 : i32 to index
        %get3A_477 = tpu.vector_load %arg21[%get3A_476] {strides = array<i32>} : memref<4992xi32, #tpu.memory_space<vmem>>, vector<16xi32>,
        %ge3A_478 = arith.constant 0 : i32
        %ge3A_479 = vector.broadcast %ge3A_478 : i32 to vector<16xi32>
        %ge3A_480 = arith.cmpi sge, %get3A_477, %ge3A_479 : vector<16xi32>
        %jit3A_481 = arith.constant 0 : i32
        %broadcast_in_dim3A_482 = vector.broadcast %jit3A_481 : i32 to vector<16xi32>
        %select_n3A_483 = arith.select %ge3A_480, %get3A_477, %broadcast_in_dim3A_482 : vector<16xi1>, vector<16xi32>
        %gather3A = tpu.vector_load_idx %arg12[%select_n3A_483] : memref<2496xf32, #tpu.memory_space<vmem>>[vector<16xi32>], vector<16xf32>,
        %jit3A_484 = arith.constant 0.000000e+00 : f32
        %broadcast_in_dim3A_485 = vector.broadcast %jit3A_484 : f32 to vector<16xf32>
        %select_n3A_486 = arith.select %ge3A_480, %gather3A, %broadcast_in_dim3A_485 : vector<16xi1>, vector<16xf32>
        %add3A_487 = arith.addf %broadcast_in_dim3A_382, %select_n3A_486 : vector<16xf32>
        %gather3A_488 = tpu.vector_load_idx %arg13[%select_n3A_483] : memref<2496xf32, #tpu.memory_space<vmem>>[vector<16xi32>], vector<16xf32>,
        %jit3A_489 = arith.constant 0.000000e+00 : f32
        %broadcast_in_dim3A_490 = vector.broadcast %jit3A_489 : f32 to vector<16xf32>
        %select_n3A_491 = arith.select %ge3A_480, %gather3A_488, %broadcast_in_dim3A_490 : vector<16xi1>, vector<16xf32>
        %add3A_492 = arith.addf %broadcast_in_dim3A_382, %select_n3A_491 : vector<16xf32>
        %gather3A_493 = tpu.vector_load_idx %arg14[%select_n3A_483] : memref<2496xf32, #tpu.memory_space<vmem>>[vector<16xi32>], vector<16xf32>,
        %jit3A_494 = arith.constant 0.000000e+00 : f32
        %broadcast_in_dim3A_495 = vector.broadcast %jit3A_494 : f32 to vector<16xf32>
        %select_n3A_496 = arith.select %ge3A_480, %gather3A_493, %broadcast_in_dim3A_495 : vector<16xi1>, vector<16xf32>
        %add3A_497 = arith.addf %broadcast_in_dim3A_382, %select_n3A_496 : vector<16xf32>
        %mul3A_498 = arith.constant 16 : i32
        %mul3A_499 = arith.muli %scan3A_449, %mul3A_498 : i32
        %add3A_500 = arith.constant 624 : i32
        %add3A_501 = arith.addi %add3A_500, %mul3A_499 : i32
        %get3A_502 = arith.index_cast %add3A_501 : i32 to index
        %get3A_503 = tpu.vector_load %arg21[%get3A_502] {strides = array<i32>} : memref<4992xi32, #tpu.memory_space<vmem>>, vector<16xi32>,
        %ge3A_504 = arith.constant 0 : i32
        %ge3A_505 = vector.broadcast %ge3A_504 : i32 to vector<16xi32>
        %ge3A_506 = arith.cmpi sge, %get3A_503, %ge3A_505 : vector<16xi32>
        %jit3A_507 = arith.constant 0 : i32
        %broadcast_in_dim3A_508 = vector.broadcast %jit3A_507 : i32 to vector<16xi32>
        %select_n3A_509 = arith.select %ge3A_506, %get3A_503, %broadcast_in_dim3A_508 : vector<16xi1>, vector<16xi32>
        %gather3A_510 = tpu.vector_load_idx %arg12[%select_n3A_509] : memref<2496xf32, #tpu.memory_space<vmem>>[vector<16xi32>], vector<16xf32>,
        %jit3A_511 = arith.constant 0.000000e+00 : f32
        %broadcast_in_dim3A_512 = vector.broadcast %jit3A_511 : f32 to vector<16xf32>
        %select_n3A_513 = arith.select %ge3A_506, %gather3A_510, %broadcast_in_dim3A_512 : vector<16xi1>, vector<16xf32>
        %add3A_514 = arith.addf %add3A_487, %select_n3A_513 : vector<16xf32>
        %gather3A_515 = tpu.vector_load_idx %arg13[%select_n3A_509] : memref<2496xf32, #tpu.memory_space<vmem>>[vector<16xi32>], vector<16xf32>,
        %jit3A_516 = arith.constant 0.000000e+00 : f32
        %broadcast_in_dim3A_517 = vector.broadcast %jit3A_516 : f32 to vector<16xf32>
        %select_n3A_518 = arith.select %ge3A_506, %gather3A_515, %broadcast_in_dim3A_517 : vector<16xi1>, vector<16xf32>
        %add3A_519 = arith.addf %add3A_492, %select_n3A_518 : vector<16xf32>
        %gather3A_520 = tpu.vector_load_idx %arg14[%select_n3A_509] : memref<2496xf32, #tpu.memory_space<vmem>>[vector<16xi32>], vector<16xf32>,
        %jit3A_521 = arith.constant 0.000000e+00 : f32
        %broadcast_in_dim3A_522 = vector.broadcast %jit3A_521 : f32 to vector<16xf32>
        %select_n3A_523 = arith.select %ge3A_506, %gather3A_520, %broadcast_in_dim3A_522 : vector<16xi1>, vector<16xf32>
        %add3A_524 = arith.addf %add3A_497, %select_n3A_523 : vector<16xf32>
        %mul3A_525 = arith.constant 16 : i32
        %mul3A_526 = arith.muli %scan3A_449, %mul3A_525 : i32
        %add3A_527 = arith.constant 1248 : i32
        %add3A_528 = arith.addi %add3A_527, %mul3A_526 : i32
        %get3A_529 = arith.index_cast %add3A_528 : i32 to index
        %get3A_530 = tpu.vector_load %arg21[%get3A_529] {strides = array<i32>} : memref<4992xi32, #tpu.memory_space<vmem>>, vector<16xi32>,
        %ge3A_531 = arith.constant 0 : i32
        %ge3A_532 = vector.broadcast %ge3A_531 : i32 to vector<16xi32>
        %ge3A_533 = arith.cmpi sge, %get3A_530, %ge3A_532 : vector<16xi32>
        %jit3A_534 = arith.constant 0 : i32
        %broadcast_in_dim3A_535 = vector.broadcast %jit3A_534 : i32 to vector<16xi32>
        %select_n3A_536 = arith.select %ge3A_533, %get3A_530, %broadcast_in_dim3A_535 : vector<16xi1>, vector<16xi32>
        %gather3A_537 = tpu.vector_load_idx %arg12[%select_n3A_536] : memref<2496xf32, #tpu.memory_space<vmem>>[vector<16xi32>], vector<16xf32>,
        %jit3A_538 = arith.constant 0.000000e+00 : f32
        %broadcast_in_dim3A_539 = vector.broadcast %jit3A_538 : f32 to vector<16xf32>
        %select_n3A_540 = arith.select %ge3A_533, %gather3A_537, %broadcast_in_dim3A_539 : vector<16xi1>, vector<16xf32>
        %add3A_541 = arith.addf %add3A_514, %select_n3A_540 : vector<16xf32>
        %gather3A_542 = tpu.vector_load_idx %arg13[%select_n3A_536] : memref<2496xf32, #tpu.memory_space<vmem>>[vector<16xi32>], vector<16xf32>,
        %jit3A_543 = arith.constant 0.000000e+00 : f32
        %broadcast_in_dim3A_544 = vector.broadcast %jit3A_543 : f32 to vector<16xf32>
        %select_n3A_545 = arith.select %ge3A_533, %gather3A_542, %broadcast_in_dim3A_544 : vector<16xi1>, vector<16xf32>
        %add3A_546 = arith.addf %add3A_519, %select_n3A_545 : vector<16xf32>
        %gather3A_547 = tpu.vector_load_idx %arg14[%select_n3A_536] : memref<2496xf32, #tpu.memory_space<vmem>>[vector<16xi32>], vector<16xf32>,
        %jit3A_548 = arith.constant 0.000000e+00 : f32
        %broadcast_in_dim3A_549 = vector.broadcast %jit3A_548 : f32 to vector<16xf32>
        %select_n3A_550 = arith.select %ge3A_533, %gather3A_547, %broadcast_in_dim3A_549 : vector<16xi1>, vector<16xf32>
        %add3A_551 = arith.addf %add3A_524, %select_n3A_550 : vector<16xf32>
        %mul3A_552 = arith.constant 16 : i32
        %mul3A_553 = arith.muli %scan3A_449, %mul3A_552 : i32
        %add3A_554 = arith.constant 1872 : i32
        %add3A_555 = arith.addi %add3A_554, %mul3A_553 : i32
        %get3A_556 = arith.index_cast %add3A_555 : i32 to index
        %get3A_557 = tpu.vector_load %arg21[%get3A_556] {strides = array<i32>} : memref<4992xi32, #tpu.memory_space<vmem>>, vector<16xi32>,
        %ge3A_558 = arith.constant 0 : i32
        %ge3A_559 = vector.broadcast %ge3A_558 : i32 to vector<16xi32>
        %ge3A_560 = arith.cmpi sge, %get3A_557, %ge3A_559 : vector<16xi32>
        %jit3A_561 = arith.constant 0 : i32
        %broadcast_in_dim3A_562 = vector.broadcast %jit3A_561 : i32 to vector<16xi32>
        %select_n3A_563 = arith.select %ge3A_560, %get3A_557, %broadcast_in_dim3A_562 : vector<16xi1>, vector<16xi32>
        %gather3A_564 = tpu.vector_load_idx %arg12[%select_n3A_563] : memref<2496xf32, #tpu.memory_space<vmem>>[vector<16xi32>], vector<16xf32>,
        %jit3A_565 = arith.constant 0.000000e+00 : f32
        %broadcast_in_dim3A_566 = vector.broadcast %jit3A_565 : f32 to vector<16xf32>
        %select_n3A_567 = arith.select %ge3A_560, %gather3A_564, %broadcast_in_dim3A_566 : vector<16xi1>, vector<16xf32>
        %add3A_568 = arith.addf %add3A_541, %select_n3A_567 : vector<16xf32>
        %gather3A_569 = tpu.vector_load_idx %arg13[%select_n3A_563] : memref<2496xf32, #tpu.memory_space<vmem>>[vector<16xi32>], vector<16xf32>,
        %jit3A_570 = arith.constant 0.000000e+00 : f32
        %broadcast_in_dim3A_571 = vector.broadcast %jit3A_570 : f32 to vector<16xf32>
        %select_n3A_572 = arith.select %ge3A_560, %gather3A_569, %broadcast_in_dim3A_571 : vector<16xi1>, vector<16xf32>
        %add3A_573 = arith.addf %add3A_546, %select_n3A_572 : vector<16xf32>
        %gather3A_574 = tpu.vector_load_idx %arg14[%select_n3A_563] : memref<2496xf32, #tpu.memory_space<vmem>>[vector<16xi32>], vector<16xf32>,
        %jit3A_575 = arith.constant 0.000000e+00 : f32
        %broadcast_in_dim3A_576 = vector.broadcast %jit3A_575 : f32 to vector<16xf32>
        %select_n3A_577 = arith.select %ge3A_560, %gather3A_574, %broadcast_in_dim3A_576 : vector<16xi1>, vector<16xf32>
        %add3A_578 = arith.addf %add3A_551, %select_n3A_577 : vector<16xf32>
        %mul3A_579 = arith.constant 16 : i32
        %mul3A_580 = arith.muli %scan3A_449, %mul3A_579 : i32
        %add3A_581 = arith.constant 2496 : i32
        %add3A_582 = arith.addi %add3A_581, %mul3A_580 : i32
        %get3A_583 = arith.index_cast %add3A_582 : i32 to index
        %get3A_584 = tpu.vector_load %arg21[%get3A_583] {strides = array<i32>} : memref<4992xi32, #tpu.memory_space<vmem>>, vector<16xi32>,
        %ge3A_585 = arith.constant 0 : i32
        %ge3A_586 = vector.broadcast %ge3A_585 : i32 to vector<16xi32>
        %ge3A_587 = arith.cmpi sge, %get3A_584, %ge3A_586 : vector<16xi32>
        %jit3A_588 = arith.constant 0 : i32
        %broadcast_in_dim3A_589 = vector.broadcast %jit3A_588 : i32 to vector<16xi32>
        %select_n3A_590 = arith.select %ge3A_587, %get3A_584, %broadcast_in_dim3A_589 : vector<16xi1>, vector<16xi32>
        %gather3A_591 = tpu.vector_load_idx %arg12[%select_n3A_590] : memref<2496xf32, #tpu.memory_space<vmem>>[vector<16xi32>], vector<16xf32>,
        %jit3A_592 = arith.constant 0.000000e+00 : f32
        %broadcast_in_dim3A_593 = vector.broadcast %jit3A_592 : f32 to vector<16xf32>
        %select_n3A_594 = arith.select %ge3A_587, %gather3A_591, %broadcast_in_dim3A_593 : vector<16xi1>, vector<16xf32>
        %add3A_595 = arith.addf %add3A_568, %select_n3A_594 : vector<16xf32>
        %gather3A_596 = tpu.vector_load_idx %arg13[%select_n3A_590] : memref<2496xf32, #tpu.memory_space<vmem>>[vector<16xi32>], vector<16xf32>,
        %jit3A_597 = arith.constant 0.000000e+00 : f32
        %broadcast_in_dim3A_598 = vector.broadcast %jit3A_597 : f32 to vector<16xf32>
        %select_n3A_599 = arith.select %ge3A_587, %gather3A_596, %broadcast_in_dim3A_598 : vector<16xi1>, vector<16xf32>
        %add3A_600 = arith.addf %add3A_573, %select_n3A_599 : vector<16xf32>
        %gather3A_601 = tpu.vector_load_idx %arg14[%select_n3A_590] : memref<2496xf32, #tpu.memory_space<vmem>>[vector<16xi32>], vector<16xf32>,
        %jit3A_602 = arith.constant 0.000000e+00 : f32
        %broadcast_in_dim3A_603 = vector.broadcast %jit3A_602 : f32 to vector<16xf32>
        %select_n3A_604 = arith.select %ge3A_587, %gather3A_601, %broadcast_in_dim3A_603 : vector<16xi1>, vector<16xf32>
        %add3A_605 = arith.addf %add3A_578, %select_n3A_604 : vector<16xf32>
        %mul3A_606 = arith.constant 16 : i32
        %mul3A_607 = arith.muli %scan3A_449, %mul3A_606 : i32
        %add3A_608 = arith.constant 3120 : i32
        %add3A_609 = arith.addi %add3A_608, %mul3A_607 : i32
        %get3A_610 = arith.index_cast %add3A_609 : i32 to index
        %get3A_611 = tpu.vector_load %arg21[%get3A_610] {strides = array<i32>} : memref<4992xi32, #tpu.memory_space<vmem>>, vector<16xi32>,
        %ge3A_612 = arith.constant 0 : i32
        %ge3A_613 = vector.broadcast %ge3A_612 : i32 to vector<16xi32>
        %ge3A_614 = arith.cmpi sge, %get3A_611, %ge3A_613 : vector<16xi32>
        %jit3A_615 = arith.constant 0 : i32
        %broadcast_in_dim3A_616 = vector.broadcast %jit3A_615 : i32 to vector<16xi32>
        %select_n3A_617 = arith.select %ge3A_614, %get3A_611, %broadcast_in_dim3A_616 : vector<16xi1>, vector<16xi32>
        %gather3A_618 = tpu.vector_load_idx %arg12[%select_n3A_617] : memref<2496xf32, #tpu.memory_space<vmem>>[vector<16xi32>], vector<16xf32>,
        %jit3A_619 = arith.constant 0.000000e+00 : f32
        %broadcast_in_dim3A_620 = vector.broadcast %jit3A_619 : f32 to vector<16xf32>
        %select_n3A_621 = arith.select %ge3A_614, %gather3A_618, %broadcast_in_dim3A_620 : vector<16xi1>, vector<16xf32>
        %add3A_622 = arith.addf %add3A_595, %select_n3A_621 : vector<16xf32>
        %gather3A_623 = tpu.vector_load_idx %arg13[%select_n3A_617] : memref<2496xf32, #tpu.memory_space<vmem>>[vector<16xi32>], vector<16xf32>,
        %jit3A_624 = arith.constant 0.000000e+00 : f32
        %broadcast_in_dim3A_625 = vector.broadcast %jit3A_624 : f32 to vector<16xf32>
        %select_n3A_626 = arith.select %ge3A_614, %gather3A_623, %broadcast_in_dim3A_625 : vector<16xi1>, vector<16xf32>
        %add3A_627 = arith.addf %add3A_600, %select_n3A_626 : vector<16xf32>
        %gather3A_628 = tpu.vector_load_idx %arg14[%select_n3A_617] : memref<2496xf32, #tpu.memory_space<vmem>>[vector<16xi32>], vector<16xf32>,
        %jit3A_629 = arith.constant 0.000000e+00 : f32
        %broadcast_in_dim3A_630 = vector.broadcast %jit3A_629 : f32 to vector<16xf32>
        %select_n3A_631 = arith.select %ge3A_614, %gather3A_628, %broadcast_in_dim3A_630 : vector<16xi1>, vector<16xf32>
        %add3A_632 = arith.addf %add3A_605, %select_n3A_631 : vector<16xf32>
        %mul3A_633 = arith.constant 16 : i32
        %mul3A_634 = arith.muli %scan3A_449, %mul3A_633 : i32
        %add3A_635 = arith.constant 3744 : i32
        %add3A_636 = arith.addi %add3A_635, %mul3A_634 : i32
        %get3A_637 = arith.index_cast %add3A_636 : i32 to index
        %get3A_638 = tpu.vector_load %arg21[%get3A_637] {strides = array<i32>} : memref<4992xi32, #tpu.memory_space<vmem>>, vector<16xi32>,
        %ge3A_639 = arith.constant 0 : i32
        %ge3A_640 = vector.broadcast %ge3A_639 : i32 to vector<16xi32>
        %ge3A_641 = arith.cmpi sge, %get3A_638, %ge3A_640 : vector<16xi32>
        %jit3A_642 = arith.constant 0 : i32
        %broadcast_in_dim3A_643 = vector.broadcast %jit3A_642 : i32 to vector<16xi32>
        %select_n3A_644 = arith.select %ge3A_641, %get3A_638, %broadcast_in_dim3A_643 : vector<16xi1>, vector<16xi32>
        %gather3A_645 = tpu.vector_load_idx %arg12[%select_n3A_644] : memref<2496xf32, #tpu.memory_space<vmem>>[vector<16xi32>], vector<16xf32>,
        %jit3A_646 = arith.constant 0.000000e+00 : f32
        %broadcast_in_dim3A_647 = vector.broadcast %jit3A_646 : f32 to vector<16xf32>
        %select_n3A_648 = arith.select %ge3A_641, %gather3A_645, %broadcast_in_dim3A_647 : vector<16xi1>, vector<16xf32>
        %add3A_649 = arith.addf %add3A_622, %select_n3A_648 : vector<16xf32>
        %gather3A_650 = tpu.vector_load_idx %arg13[%select_n3A_644] : memref<2496xf32, #tpu.memory_space<vmem>>[vector<16xi32>], vector<16xf32>,
        %jit3A_651 = arith.constant 0.000000e+00 : f32
        %broadcast_in_dim3A_652 = vector.broadcast %jit3A_651 : f32 to vector<16xf32>
        %select_n3A_653 = arith.select %ge3A_641, %gather3A_650, %broadcast_in_dim3A_652 : vector<16xi1>, vector<16xf32>
        %add3A_654 = arith.addf %add3A_627, %select_n3A_653 : vector<16xf32>
        %gather3A_655 = tpu.vector_load_idx %arg14[%select_n3A_644] : memref<2496xf32, #tpu.memory_space<vmem>>[vector<16xi32>], vector<16xf32>,
        %jit3A_656 = arith.constant 0.000000e+00 : f32
        %broadcast_in_dim3A_657 = vector.broadcast %jit3A_656 : f32 to vector<16xf32>
        %select_n3A_658 = arith.select %ge3A_641, %gather3A_655, %broadcast_in_dim3A_657 : vector<16xi1>, vector<16xf32>
        %add3A_659 = arith.addf %add3A_632, %select_n3A_658 : vector<16xf32>
        %mul3A_660 = arith.constant 16 : i32
        %mul3A_661 = arith.muli %scan3A_449, %mul3A_660 : i32
        %add3A_662 = arith.constant 4368 : i32
        %add3A_663 = arith.addi %add3A_662, %mul3A_661 : i32
        %get3A_664 = arith.index_cast %add3A_663 : i32 to index
        %get3A_665 = tpu.vector_load %arg21[%get3A_664] {strides = array<i32>} : memref<4992xi32, #tpu.memory_space<vmem>>, vector<16xi32>,
        %ge3A_666 = arith.constant 0 : i32
        %ge3A_667 = vector.broadcast %ge3A_666 : i32 to vector<16xi32>
        %ge3A_668 = arith.cmpi sge, %get3A_665, %ge3A_667 : vector<16xi32>
        %jit3A_669 = arith.constant 0 : i32
        %broadcast_in_dim3A_670 = vector.broadcast %jit3A_669 : i32 to vector<16xi32>
        %select_n3A_671 = arith.select %ge3A_668, %get3A_665, %broadcast_in_dim3A_670 : vector<16xi1>, vector<16xi32>
        %gather3A_672 = tpu.vector_load_idx %arg12[%select_n3A_671] : memref<2496xf32, #tpu.memory_space<vmem>>[vector<16xi32>], vector<16xf32>,
        %jit3A_673 = arith.constant 0.000000e+00 : f32
        %broadcast_in_dim3A_674 = vector.broadcast %jit3A_673 : f32 to vector<16xf32>
        %select_n3A_675 = arith.select %ge3A_668, %gather3A_672, %broadcast_in_dim3A_674 : vector<16xi1>, vector<16xf32>
        %add3A_676 = arith.addf %add3A_649, %select_n3A_675 : vector<16xf32>
        %gather3A_677 = tpu.vector_load_idx %arg13[%select_n3A_671] : memref<2496xf32, #tpu.memory_space<vmem>>[vector<16xi32>], vector<16xf32>,
        %jit3A_678 = arith.constant 0.000000e+00 : f32
        %broadcast_in_dim3A_679 = vector.broadcast %jit3A_678 : f32 to vector<16xf32>
        %select_n3A_680 = arith.select %ge3A_668, %gather3A_677, %broadcast_in_dim3A_679 : vector<16xi1>, vector<16xf32>
        %add3A_681 = arith.addf %add3A_654, %select_n3A_680 : vector<16xf32>
        %gather3A_682 = tpu.vector_load_idx %arg14[%select_n3A_671] : memref<2496xf32, #tpu.memory_space<vmem>>[vector<16xi32>], vector<16xf32>,
        %jit3A_683 = arith.constant 0.000000e+00 : f32
        %broadcast_in_dim3A_684 = vector.broadcast %jit3A_683 : f32 to vector<16xf32>
        %select_n3A_685 = arith.select %ge3A_668, %gather3A_682, %broadcast_in_dim3A_684 : vector<16xi1>, vector<16xf32>
        %add3A_686 = arith.addf %add3A_659, %select_n3A_685 : vector<16xf32>
        %div3A_687 = arith.divf %add3A_676, %convert_element_type3A_471 : vector<16xf32>
        %sub3A_688 = arith.subf %get3A_462, %div3A_687 : vector<16xf32>
        %div3A_689 = arith.divf %add3A_681, %convert_element_type3A_471 : vector<16xf32>
        %sub3A_690 = arith.subf %get3A_464, %div3A_689 : vector<16xf32>
        %div3A_691 = arith.divf %add3A_686, %convert_element_type3A_471 : vector<16xf32>
        %sub3A_692 = arith.subf %get3A_466, %div3A_691 : vector<16xf32>
        %mul3A_693 = arith.mulf %sub3A_688, %sub3A_688 : vector<16xf32>
        %mul3A_694 = arith.mulf %sub3A_690, %sub3A_690 : vector<16xf32>
        %add3A_695 = arith.addf %mul3A_693, %mul3A_694 : vector<16xf32>
        %mul3A_696 = arith.mulf %sub3A_692, %sub3A_692 : vector<16xf32>
        %add3A_697 = arith.addf %add3A_695, %mul3A_696 : vector<16xf32>
        %jit3A_698 = arith.constant 0.000000e+00 : f32
        %broadcast_in_dim3A_699 = vector.broadcast %jit3A_698 : f32 to vector<16xf32>
        %select_n3A_700 = arith.select %lt3A_461, %add3A_697, %broadcast_in_dim3A_699 : vector<16xi1>, vector<16xf32>
        %add3A_701 = arith.addf %scan3A_450, %select_n3A_700 : vector<16xf32>
        %mul3A_702 = arith.mulf %get3A_462, %get3A_462 : vector<16xf32>
        %mul3A_703 = arith.mulf %get3A_464, %get3A_464 : vector<16xf32>
        %add3A_704 = arith.addf %mul3A_702, %mul3A_703 : vector<16xf32>
        %mul3A_705 = arith.mulf %get3A_466, %get3A_466 : vector<16xf32>
        %add3A_706 = arith.addf %add3A_704, %mul3A_705 : vector<16xf32>
        %jit3A_707 = arith.constant 0.000000e+00 : f32
        %broadcast_in_dim3A_708 = vector.broadcast %jit3A_707 : f32 to vector<16xf32>
        %select_n3A_709 = arith.select %lt3A_461, %add3A_706, %broadcast_in_dim3A_708 : vector<16xi1>, vector<16xf32>
        %add3A_710 = arith.addf %scan3A_451, %select_n3A_709 : vector<16xf32>
        scf.yield %add3A_701, %add3A_710 : vector<16xf32>, vector<16xf32>
      }
      %scan3A_399 = arith.constant 39 : i32
      %eq3A_400 = arith.constant 2 : i32
      %eq3A_401 = vector.broadcast %eq3A_400 : i32 to vector<16xi32>
      %eq3A_402 = arith.cmpi eq, %iota3A, %eq3A_401 : vector<16xi32>
      %reduce_sum3A = arith.constant true
      %reduce_sum3A_403 = vector.broadcast %reduce_sum3A : i1 to vector<16xi1>
      %reduce_sum3A_404 = tpu.scan <sum>, %scan3A_392#0 masked %reduce_sum3A_403 : vector<16xf32>, vector<16xi1> -> vector<16xf32>
      %reduce_sum3A_405 = vector.extract %reduce_sum3A_404[15] : f32 from vector<16xf32>
      %jit3A_406 = arith.constant 0.000000e+00 : f32
      %broadcast_in_dim3A_407 = vector.broadcast %reduce_sum3A_405 : f32 to vector<16xf32>
      %broadcast_in_dim3A_408 = vector.broadcast %jit3A_406 : f32 to vector<16xf32>
      %select_n3A_409 = arith.select %eq3A_402, %broadcast_in_dim3A_407, %broadcast_in_dim3A_408 : vector<16xi1>, vector<16xf32>
      %eq3A_410 = arith.constant 5 : i32
      %eq3A_411 = vector.broadcast %eq3A_410 : i32 to vector<16xi32>
      %eq3A_412 = arith.cmpi eq, %iota3A, %eq3A_411 : vector<16xi32>
      %reduce_sum3A_413 = arith.constant true
      %reduce_sum3A_414 = vector.broadcast %reduce_sum3A_413 : i1 to vector<16xi1>
      %reduce_sum3A_415 = tpu.scan <sum>, %scan3A_392#1 masked %reduce_sum3A_414 : vector<16xf32>, vector<16xi1> -> vector<16xf32>
      %reduce_sum3A_416 = vector.extract %reduce_sum3A_415[15] : f32 from vector<16xf32>
      %jit3A_417 = arith.constant 0.000000e+00 : f32
      %broadcast_in_dim3A_418 = vector.broadcast %reduce_sum3A_416 : f32 to vector<16xf32>
      %broadcast_in_dim3A_419 = vector.broadcast %jit3A_417 : f32 to vector<16xf32>
      %select_n3A_420 = arith.select %eq3A_412, %broadcast_in_dim3A_418, %broadcast_in_dim3A_419 : vector<16xi1>, vector<16xf32>
      %add3A_421 = arith.addf %select_n3A_409, %select_n3A_420 : vector<16xf32>
      %eq3A_422 = arith.constant 8 : i32
      %eq3A_423 = vector.broadcast %eq3A_422 : i32 to vector<16xi32>
      %eq3A_424 = arith.cmpi eq, %iota3A, %eq3A_423 : vector<16xi32>
      %reduce_sum3A_425 = arith.constant true
      %reduce_sum3A_426 = vector.broadcast %reduce_sum3A_425 : i1 to vector<16xi1>
      %reduce_sum3A_427 = tpu.scan <sum>, %scan3A_398#0 masked %reduce_sum3A_426 : vector<16xf32>, vector<16xi1> -> vector<16xf32>
      %reduce_sum3A_428 = vector.extract %reduce_sum3A_427[15] : f32 from vector<16xf32>
      %jit3A_429 = arith.constant 0.000000e+00 : f32
      %broadcast_in_dim3A_430 = vector.broadcast %reduce_sum3A_428 : f32 to vector<16xf32>
      %broadcast_in_dim3A_431 = vector.broadcast %jit3A_429 : f32 to vector<16xf32>
      %select_n3A_432 = arith.select %eq3A_424, %broadcast_in_dim3A_430, %broadcast_in_dim3A_431 : vector<16xi1>, vector<16xf32>
      %add3A_433 = arith.addf %add3A_421, %select_n3A_432 : vector<16xf32>
      %eq3A_434 = arith.constant 11 : i32
      %eq3A_435 = vector.broadcast %eq3A_434 : i32 to vector<16xi32>
      %eq3A_436 = arith.cmpi eq, %iota3A, %eq3A_435 : vector<16xi32>
      %reduce_sum3A_437 = arith.constant true
      %reduce_sum3A_438 = vector.broadcast %reduce_sum3A_437 : i1 to vector<16xi1>
      %reduce_sum3A_439 = tpu.scan <sum>, %scan3A_398#1 masked %reduce_sum3A_438 : vector<16xf32>, vector<16xi1> -> vector<16xf32>
      %reduce_sum3A_440 = vector.extract %reduce_sum3A_439[15] : f32 from vector<16xf32>
      %jit3A_441 = arith.constant 0.000000e+00 : f32
      %broadcast_in_dim3A_442 = vector.broadcast %reduce_sum3A_440 : f32 to vector<16xf32>
      %broadcast_in_dim3A_443 = vector.broadcast %jit3A_441 : f32 to vector<16xf32>
      %select_n3A_444 = arith.select %eq3A_436, %broadcast_in_dim3A_442, %broadcast_in_dim3A_443 : vector<16xi1>, vector<16xf32>
      %add3A_445 = arith.addf %add3A_433, %select_n3A_444 : vector<16xf32>
      %swap3A = arith.constant 0 : index
      %swap3A_446 = tpu.vector_load %arg23[%swap3A] {strides = array<i32>} : memref<16xf32, #tpu.memory_space<vmem>>, vector<16xf32>,
      tpu.vector_store %arg23[%swap3A], %add3A_445 {strides = array<i32>} : memref<16xf32, #tpu.memory_space<vmem>>, vector<16xf32>,
      %mul3A_447 = arith.constant 16 : i32
      %mul3A_448 = arith.muli %add3A, %mul3A_447 : i32
      "tpu.region"() ({
        %run_scoped3A = tpu.sem_alloc : memref<!tpu.dma_semaphore, #tpu.memory_space<semaphore_mem>>
        %dma_start3A_449 = tpu.memref_slice %arg5[%mul3A_448] : memref<512xf32, #tpu.memory_space<hbm>> -> memref<16xf32, #tpu.memory_space<hbm>>
        %dma_start3A_450 = tpu.memref_slice %arg5[%mul3A_448] : memref<512xf32, #tpu.memory_space<hbm>> -> memref<16xf32, #tpu.memory_space<hbm>>
        tpu.enqueue_dma source(%arg23 : memref<16xf32, #tpu.memory_space<vmem>>) target(%dma_start3A_450 : memref<16xf32, #tpu.memory_space<hbm>>) target_semaphore(%run_scoped3A : memref<!tpu.dma_semaphore, #tpu.memory_space<semaphore_mem>>)
        %dma_wait3A_451 = tpu.memref_slice %arg5[%mul3A_448] : memref<512xf32, #tpu.memory_space<hbm>> -> memref<16xf32, #tpu.memory_space<hbm>>
        %dma_wait3A_452 = tpu.memref_slice %arg5[%mul3A_448] : memref<512xf32, #tpu.memory_space<hbm>> -> memref<16xf32, #tpu.memory_space<hbm>>
        tpu.wait_dma2 semaphore(%run_scoped3A : memref<!tpu.dma_semaphore, #tpu.memory_space<semaphore_mem>>) src(%arg23 : memref<16xf32, #tpu.memory_space<vmem>>) dst(%dma_wait3A_452 : memref<16xf32, #tpu.memory_space<hbm>>)
        tpu.yield
      }) : () -> ()
    } else {
    }
    return
  }
}

module attributes {stable_mosaic.version = 14 : i64} {
  func.func @_chamfer_all_kernel(%arg0: i32, %arg1: i32, %arg2: memref<1x512x3xf32, #tpu.memory_space<vmem>>, %arg3: memref<1x3x1152xf32, #tpu.memory_space<vmem>>, %arg4: memref<1x1xf32, #tpu.memory_space<vmem>>, %arg5: memref<1x1xf32, #tpu.memory_space<vmem>>, %arg6: memref<1x1xf32, #tpu.memory_space<vmem>>, %arg7: memref<1x1xf32, #tpu.memory_space<vmem>>, %arg8: memref<1x1xf32, #tpu.memory_space<vmem>>, %arg9: memref<1x1xf32, #tpu.memory_space<vmem>>, %arg10: memref<1x1x1152xi32, #tpu.memory_space<vmem>>) attributes {dimension_semantics = [#tpu.dimension_semantics<arbitrary>, #tpu.dimension_semantics<arbitrary>], iteration_bounds = array<i64: 4, 4>, scalar_prefetch = 0 : i64, scratch_operands = 0 : i64, tpu.core_type = #tpu.core_type<tc>, window_params = [{transform_indices = @transform_0, window_bounds = array<i64: 1, 512, 3>}, {transform_indices = @transform_1, window_bounds = array<i64: 1, 3, 1152>}, {pipeline_mode = #tpu.pipeline_mode<synchronous>, transform_indices = @transform_2, window_bounds = array<i64: 1, 1>}, {pipeline_mode = #tpu.pipeline_mode<synchronous>, transform_indices = @transform_3, window_bounds = array<i64: 1, 1>}, {pipeline_mode = #tpu.pipeline_mode<synchronous>, transform_indices = @transform_4, window_bounds = array<i64: 1, 1>}, {pipeline_mode = #tpu.pipeline_mode<synchronous>, transform_indices = @transform_5, window_bounds = array<i64: 1, 1>}, {pipeline_mode = #tpu.pipeline_mode<synchronous>, transform_indices = @transform_6, window_bounds = array<i64: 1, 1>}, {pipeline_mode = #tpu.pipeline_mode<synchronous>, transform_indices = @transform_7, window_bounds = array<i64: 1, 1>}, {transform_indices = @transform_8, window_bounds = array<i64: 1, 1, 1152>}]} {
    %get3A = arith.constant 0 : index
    %get3A_0 = arith.constant 0 : index
    %get3A_1 = arith.constant 0 : index
    %get3A_2 = vector.load %arg2[%get3A, %get3A_0, %get3A_1] : memref<1x512x3xf32, #tpu.memory_space<vmem>>, vector<1x512x3xf32>
    %get3A_3 = vector.shape_cast %get3A_2 : vector<1x512x3xf32> to vector<512x3xf32>
    %get3A_4 = arith.constant 0 : index
    %get3A_5 = arith.constant 0 : index
    %get3A_6 = arith.constant 0 : index
    %get3A_7 = vector.load %arg3[%get3A_4, %get3A_5, %get3A_6] : memref<1x3x1152xf32, #tpu.memory_space<vmem>>, vector<1x3x1152xf32>
    %get3A_8 = vector.shape_cast %get3A_7 : vector<1x3x1152xf32> to vector<3x1152xf32>
    %dot_general3A = arith.constant dense<0.000000e+00> : vector<512x1152xf32>
    %dot_general3A_9 = tpu.matmul %get3A_3, %get3A_8, %dot_general3A {dimension_numbers = #tpu.dot_dimension_numbers<[1], [0], [0], [1], [0, 0, 1, 1], [], []>, transpose_lhs_hint = false} : vector<512x3xf32>, vector<3x1152xf32>, vector<512x1152xf32> -> vector<512x1152xf32>
    %mul3A = arith.mulf %get3A_3, %get3A_3 : vector<512x3xf32>
    %reduce_sum3A = arith.constant dense<0.000000e+00> : vector<512xf32>
    %reduce_sum3A_10 = vector.multi_reduction <add>, %mul3A, %reduce_sum3A [1] : vector<512x3xf32> to vector<512xf32>
    %broadcast_in_dim3A = vector.shape_cast %reduce_sum3A_10 : vector<512xf32> to vector<512x1xf32>
    %mul3A_11 = arith.mulf %get3A_8, %get3A_8 : vector<3x1152xf32>
    %reduce_sum3A_12 = arith.constant dense<0.000000e+00> : vector<1152xf32>
    %reduce_sum3A_13 = vector.multi_reduction <add>, %mul3A_11, %reduce_sum3A_12 [0] : vector<3x1152xf32> to vector<1152xf32>
    %broadcast_in_dim3A_14 = vector.shape_cast %reduce_sum3A_13 : vector<1152xf32> to vector<1x1152xf32>
    %add3A = vector.broadcast %broadcast_in_dim3A : vector<512x1xf32> to vector<512x1152xf32>
    %add3A_15 = vector.broadcast %broadcast_in_dim3A_14 : vector<1x1152xf32> to vector<512x1152xf32>
    %add3A_16 = arith.addf %add3A, %add3A_15 : vector<512x1152xf32>
    %mul3A_17 = arith.constant 2.000000e+00 : f32
    %mul3A_18 = vector.broadcast %mul3A_17 : f32 to vector<512x1152xf32>
    %mul3A_19 = arith.mulf %mul3A_18, %dot_general3A_9 : vector<512x1152xf32>
    %sub3A = arith.subf %add3A_16, %mul3A_19 : vector<512x1152xf32>
    %max3A = arith.constant 0.000000e+00 : f32
    %max3A_20 = vector.broadcast %max3A : f32 to vector<512x1152xf32>
    %max3A_21 = arith.maximumf %sub3A, %max3A_20 : vector<512x1152xf32>
    %eq3A = arith.constant 0 : i32
    %eq3A_22 = arith.cmpi eq, %arg0, %eq3A : i32
    %eq3A_23 = arith.constant 0 : i32
    %eq3A_24 = arith.cmpi eq, %arg1, %eq3A_23 : i32
    %and3A = arith.andi %eq3A_22, %eq3A_24 : i1
    %convert_element_type3A = arith.extui %and3A : i1 to i32
    %cond3A = arith.constant 0 : i32
    %cond3A_25 = arith.cmpi ne, %convert_element_type3A, %cond3A : i32
    scf.if %cond3A_25 {
      %broadcast_in_dim3A_110 = arith.constant 0.000000e+00 : f32
      %broadcast_in_dim3A_111 = vector.broadcast %broadcast_in_dim3A_110 : f32 to vector<1x1xf32>
      %swap3A_112 = arith.constant 0 : index
      %swap3A_113 = arith.constant 0 : index
      %swap3A_114 = vector.load %arg4[%swap3A_112, %swap3A_113] : memref<1x1xf32, #tpu.memory_space<vmem>>, vector<1x1xf32>
      tpu.vector_store %arg4[%swap3A_112, %swap3A_113], %broadcast_in_dim3A_111 {strides = array<i32>} : memref<1x1xf32, #tpu.memory_space<vmem>>, vector<1x1xf32>,
      %broadcast_in_dim3A_115 = arith.constant 0.000000e+00 : f32
      %broadcast_in_dim3A_116 = vector.broadcast %broadcast_in_dim3A_115 : f32 to vector<1x1xf32>
      %swap3A_117 = arith.constant 0 : index
      %swap3A_118 = arith.constant 0 : index
      %swap3A_119 = vector.load %arg5[%swap3A_117, %swap3A_118] : memref<1x1xf32, #tpu.memory_space<vmem>>, vector<1x1xf32>
      tpu.vector_store %arg5[%swap3A_117, %swap3A_118], %broadcast_in_dim3A_116 {strides = array<i32>} : memref<1x1xf32, #tpu.memory_space<vmem>>, vector<1x1xf32>,
      %broadcast_in_dim3A_120 = arith.constant 0.000000e+00 : f32
      %broadcast_in_dim3A_121 = vector.broadcast %broadcast_in_dim3A_120 : f32 to vector<1x1xf32>
      %swap3A_122 = arith.constant 0 : index
      %swap3A_123 = arith.constant 0 : index
      %swap3A_124 = vector.load %arg6[%swap3A_122, %swap3A_123] : memref<1x1xf32, #tpu.memory_space<vmem>>, vector<1x1xf32>
      tpu.vector_store %arg6[%swap3A_122, %swap3A_123], %broadcast_in_dim3A_121 {strides = array<i32>} : memref<1x1xf32, #tpu.memory_space<vmem>>, vector<1x1xf32>,
      %broadcast_in_dim3A_125 = arith.constant 0.000000e+00 : f32
      %broadcast_in_dim3A_126 = vector.broadcast %broadcast_in_dim3A_125 : f32 to vector<1x1xf32>
      %swap3A_127 = arith.constant 0 : index
      %swap3A_128 = arith.constant 0 : index
      %swap3A_129 = vector.load %arg7[%swap3A_127, %swap3A_128] : memref<1x1xf32, #tpu.memory_space<vmem>>, vector<1x1xf32>
      tpu.vector_store %arg7[%swap3A_127, %swap3A_128], %broadcast_in_dim3A_126 {strides = array<i32>} : memref<1x1xf32, #tpu.memory_space<vmem>>, vector<1x1xf32>,
      %broadcast_in_dim3A_130 = arith.constant 0.000000e+00 : f32
      %broadcast_in_dim3A_131 = vector.broadcast %broadcast_in_dim3A_130 : f32 to vector<1x1xf32>
      %swap3A_132 = arith.constant 0 : index
      %swap3A_133 = arith.constant 0 : index
      %swap3A_134 = vector.load %arg8[%swap3A_132, %swap3A_133] : memref<1x1xf32, #tpu.memory_space<vmem>>, vector<1x1xf32>
      tpu.vector_store %arg8[%swap3A_132, %swap3A_133], %broadcast_in_dim3A_131 {strides = array<i32>} : memref<1x1xf32, #tpu.memory_space<vmem>>, vector<1x1xf32>,
      %broadcast_in_dim3A_135 = arith.constant 0.000000e+00 : f32
      %broadcast_in_dim3A_136 = vector.broadcast %broadcast_in_dim3A_135 : f32 to vector<1x1xf32>
      %swap3A_137 = arith.constant 0 : index
      %swap3A_138 = arith.constant 0 : index
      %swap3A_139 = vector.load %arg9[%swap3A_137, %swap3A_138] : memref<1x1xf32, #tpu.memory_space<vmem>>, vector<1x1xf32>
      tpu.vector_store %arg9[%swap3A_137, %swap3A_138], %broadcast_in_dim3A_136 {strides = array<i32>} : memref<1x1xf32, #tpu.memory_space<vmem>>, vector<1x1xf32>,
    } else {
    }
    %slice3A = vector.extract_strided_slice %max3A_21 {offsets = [0, 0], sizes = [512, 256], strides = [1, 1]} : vector<512x1152xf32> to vector<512x256xf32>
    %reduce_min3A = arith.constant dense<0x7F800000> : vector<512xf32>
    %reduce_min3A_26 = vector.multi_reduction <minimumf>, %slice3A, %reduce_min3A [1] : vector<512x256xf32> to vector<512xf32>
    %broadcast_in_dim3A_27 = vector.shape_cast %reduce_min3A_26 : vector<512xf32> to vector<512x1xf32>
    %get3A_28 = arith.constant 0 : index
    %get3A_29 = arith.constant 0 : index
    %get3A_30 = vector.load %arg4[%get3A_28, %get3A_29] : memref<1x1xf32, #tpu.memory_space<vmem>>, vector<1x1xf32>
    %add3A_31 = arith.constant 9.99999996E-13 : f32
    %add3A_32 = vector.broadcast %add3A_31 : f32 to vector<512x1xf32>
    %add3A_33 = arith.addf %broadcast_in_dim3A_27, %add3A_32 : vector<512x1xf32>
    %sqrt3A = math.sqrt %add3A_33 : vector<512x1xf32>
    %reduce_sum3A_34 = vector.shape_cast %sqrt3A : vector<512x1xf32> to vector<1x512x1xf32>
    %reduce_sum3A_35 = arith.constant dense<0.000000e+00> : vector<1xf32>
    %reduce_sum3A_36 = vector.multi_reduction <add>, %reduce_sum3A_34, %reduce_sum3A_35 [1, 2] : vector<1x512x1xf32> to vector<1xf32>
    %reduce_sum3A_37 = vector.shape_cast %reduce_sum3A_36 : vector<1xf32> to vector<1x1x1xf32>
    %reduce_sum3A_38 = vector.extract %reduce_sum3A_37[0, 0, 0] : f32 from vector<1x1x1xf32>
    %broadcast_in_dim3A_39 = vector.broadcast %reduce_sum3A_38 : f32 to vector<1x1xf32>
    %add3A_40 = arith.addf %get3A_30, %broadcast_in_dim3A_39 : vector<1x1xf32>
    %swap3A = arith.constant 0 : index
    %swap3A_41 = arith.constant 0 : index
    %swap3A_42 = vector.load %arg4[%swap3A, %swap3A_41] : memref<1x1xf32, #tpu.memory_space<vmem>>, vector<1x1xf32>
    tpu.vector_store %arg4[%swap3A, %swap3A_41], %add3A_40 {strides = array<i32>} : memref<1x1xf32, #tpu.memory_space<vmem>>, vector<1x1xf32>,
    %slice3A_43 = vector.extract_strided_slice %max3A_21 {offsets = [0, 256], sizes = [512, 256], strides = [1, 1]} : vector<512x1152xf32> to vector<512x256xf32>
    %reduce_min3A_44 = arith.constant dense<0x7F800000> : vector<512xf32>
    %reduce_min3A_45 = vector.multi_reduction <minimumf>, %slice3A_43, %reduce_min3A_44 [1] : vector<512x256xf32> to vector<512xf32>
    %broadcast_in_dim3A_46 = vector.shape_cast %reduce_min3A_45 : vector<512xf32> to vector<512x1xf32>
    %get3A_47 = arith.constant 0 : index
    %get3A_48 = arith.constant 0 : index
    %get3A_49 = vector.load %arg5[%get3A_47, %get3A_48] : memref<1x1xf32, #tpu.memory_space<vmem>>, vector<1x1xf32>
    %add3A_50 = arith.constant 9.99999996E-13 : f32
    %add3A_51 = vector.broadcast %add3A_50 : f32 to vector<512x1xf32>
    %add3A_52 = arith.addf %broadcast_in_dim3A_46, %add3A_51 : vector<512x1xf32>
    %sqrt3A_53 = math.sqrt %add3A_52 : vector<512x1xf32>
    %reduce_sum3A_54 = vector.shape_cast %sqrt3A_53 : vector<512x1xf32> to vector<1x512x1xf32>
    %reduce_sum3A_55 = arith.constant dense<0.000000e+00> : vector<1xf32>
    %reduce_sum3A_56 = vector.multi_reduction <add>, %reduce_sum3A_54, %reduce_sum3A_55 [1, 2] : vector<1x512x1xf32> to vector<1xf32>
    %reduce_sum3A_57 = vector.shape_cast %reduce_sum3A_56 : vector<1xf32> to vector<1x1x1xf32>
    %reduce_sum3A_58 = vector.extract %reduce_sum3A_57[0, 0, 0] : f32 from vector<1x1x1xf32>
    %broadcast_in_dim3A_59 = vector.broadcast %reduce_sum3A_58 : f32 to vector<1x1xf32>
    %add3A_60 = arith.addf %get3A_49, %broadcast_in_dim3A_59 : vector<1x1xf32>
    %swap3A_61 = arith.constant 0 : index
    %swap3A_62 = arith.constant 0 : index
    %swap3A_63 = vector.load %arg5[%swap3A_61, %swap3A_62] : memref<1x1xf32, #tpu.memory_space<vmem>>, vector<1x1xf32>
    tpu.vector_store %arg5[%swap3A_61, %swap3A_62], %add3A_60 {strides = array<i32>} : memref<1x1xf32, #tpu.memory_space<vmem>>, vector<1x1xf32>,
    %slice3A_64 = vector.extract_strided_slice %max3A_21 {offsets = [0, 512], sizes = [512, 640], strides = [1, 1]} : vector<512x1152xf32> to vector<512x640xf32>
    %reduce_min3A_65 = arith.constant dense<0x7F800000> : vector<512xf32>
    %reduce_min3A_66 = vector.multi_reduction <minimumf>, %slice3A_64, %reduce_min3A_65 [1] : vector<512x640xf32> to vector<512xf32>
    %broadcast_in_dim3A_67 = vector.shape_cast %reduce_min3A_66 : vector<512xf32> to vector<512x1xf32>
    %get3A_68 = arith.constant 0 : index
    %get3A_69 = arith.constant 0 : index
    %get3A_70 = vector.load %arg6[%get3A_68, %get3A_69] : memref<1x1xf32, #tpu.memory_space<vmem>>, vector<1x1xf32>
    %add3A_71 = arith.constant 9.99999996E-13 : f32
    %add3A_72 = vector.broadcast %add3A_71 : f32 to vector<512x1xf32>
    %add3A_73 = arith.addf %broadcast_in_dim3A_67, %add3A_72 : vector<512x1xf32>
    %sqrt3A_74 = math.sqrt %add3A_73 : vector<512x1xf32>
    %reduce_sum3A_75 = vector.shape_cast %sqrt3A_74 : vector<512x1xf32> to vector<1x512x1xf32>
    %reduce_sum3A_76 = arith.constant dense<0.000000e+00> : vector<1xf32>
    %reduce_sum3A_77 = vector.multi_reduction <add>, %reduce_sum3A_75, %reduce_sum3A_76 [1, 2] : vector<1x512x1xf32> to vector<1xf32>
    %reduce_sum3A_78 = vector.shape_cast %reduce_sum3A_77 : vector<1xf32> to vector<1x1x1xf32>
    %reduce_sum3A_79 = vector.extract %reduce_sum3A_78[0, 0, 0] : f32 from vector<1x1x1xf32>
    %broadcast_in_dim3A_80 = vector.broadcast %reduce_sum3A_79 : f32 to vector<1x1xf32>
    %add3A_81 = arith.addf %get3A_70, %broadcast_in_dim3A_80 : vector<1x1xf32>
    %swap3A_82 = arith.constant 0 : index
    %swap3A_83 = arith.constant 0 : index
    %swap3A_84 = vector.load %arg6[%swap3A_82, %swap3A_83] : memref<1x1xf32, #tpu.memory_space<vmem>>, vector<1x1xf32>
    tpu.vector_store %arg6[%swap3A_82, %swap3A_83], %add3A_81 {strides = array<i32>} : memref<1x1xf32, #tpu.memory_space<vmem>>, vector<1x1xf32>,
    %iota3A = tpu.iota {dimensions = array<i32: 0>} : vector<512x1xi32>
    %mul3A_85 = arith.constant 512 : i32
    %mul3A_86 = arith.muli %arg1, %mul3A_85 : i32
    %add3A_87 = vector.broadcast %mul3A_86 : i32 to vector<512x1xi32>
    %add3A_88 = arith.addi %iota3A, %add3A_87 : vector<512x1xi32>
    %bitcast_convert_type3A = tpu.bitcast %max3A_21 : vector<512x1152xf32> -> vector<512x1152xi32>
    %and3A_89 = arith.constant -2048 : i32
    %and3A_90 = vector.broadcast %and3A_89 : i32 to vector<512x1152xi32>
    %and3A_91 = arith.andi %bitcast_convert_type3A, %and3A_90 : vector<512x1152xi32>
    %or3A = vector.broadcast %add3A_88 : vector<512x1xi32> to vector<512x1152xi32>
    %or3A_92 = arith.ori %and3A_91, %or3A : vector<512x1152xi32>
    %reduce_min3A_93 = arith.constant dense<2147483647> : vector<1152xi32>
    %reduce_min3A_94 = vector.multi_reduction <minsi>, %or3A_92, %reduce_min3A_93 [0] : vector<512x1152xi32> to vector<1152xi32>
    %broadcast_in_dim3A_95 = vector.shape_cast %reduce_min3A_94 : vector<1152xi32> to vector<1x1152xi32>
    %eq3A_96 = arith.constant 0 : i32
    %eq3A_97 = arith.cmpi eq, %arg1, %eq3A_96 : i32
    %convert_element_type3A_98 = arith.extui %eq3A_97 : i1 to i32
    %cond3A_99 = arith.constant 0 : i32
    %cond3A_100 = arith.cmpi ne, %convert_element_type3A_98, %cond3A_99 : i32
    scf.if %cond3A_100 {
      %swap3A_110 = arith.constant 0 : index
      %swap3A_111 = arith.constant 0 : index
      %swap3A_112 = arith.constant 0 : index
      %swap3A_113 = vector.load %arg10[%swap3A_110, %swap3A_111, %swap3A_112] : memref<1x1x1152xi32, #tpu.memory_space<vmem>>, vector<1x1x1152xi32>
      %swap3A_114 = vector.shape_cast %swap3A_113 : vector<1x1x1152xi32> to vector<1x1152xi32>
      %swap3A_115 = vector.shape_cast %broadcast_in_dim3A_95 : vector<1x1152xi32> to vector<1x1x1152xi32>
      tpu.vector_store %arg10[%swap3A_110, %swap3A_111, %swap3A_112], %swap3A_115 {strides = array<i32>} : memref<1x1x1152xi32, #tpu.memory_space<vmem>>, vector<1x1x1152xi32>,
    } else {
    }
    %gt3A = arith.constant 0 : i32
    %gt3A_101 = arith.cmpi sgt, %arg1, %gt3A : i32
    %convert_element_type3A_102 = arith.extui %gt3A_101 : i1 to i32
    %cond3A_103 = arith.constant 0 : i32
    %cond3A_104 = arith.cmpi ne, %convert_element_type3A_102, %cond3A_103 : i32
    scf.if %cond3A_104 {
      %get3A_110 = arith.constant 0 : index
      %get3A_111 = arith.constant 0 : index
      %get3A_112 = arith.constant 0 : index
      %get3A_113 = vector.load %arg10[%get3A_110, %get3A_111, %get3A_112] : memref<1x1x1152xi32, #tpu.memory_space<vmem>>, vector<1x1x1152xi32>
      %get3A_114 = vector.shape_cast %get3A_113 : vector<1x1x1152xi32> to vector<1x1152xi32>
      %min3A = arith.minsi %get3A_114, %broadcast_in_dim3A_95 : vector<1x1152xi32>
      %swap3A_115 = arith.constant 0 : index
      %swap3A_116 = arith.constant 0 : index
      %swap3A_117 = arith.constant 0 : index
      %swap3A_118 = vector.load %arg10[%swap3A_115, %swap3A_116, %swap3A_117] : memref<1x1x1152xi32, #tpu.memory_space<vmem>>, vector<1x1x1152xi32>
      %swap3A_119 = vector.shape_cast %swap3A_118 : vector<1x1x1152xi32> to vector<1x1152xi32>
      %swap3A_120 = vector.shape_cast %min3A : vector<1x1152xi32> to vector<1x1x1152xi32>
      tpu.vector_store %arg10[%swap3A_115, %swap3A_116, %swap3A_117], %swap3A_120 {strides = array<i32>} : memref<1x1x1152xi32, #tpu.memory_space<vmem>>, vector<1x1x1152xi32>,
    } else {
    }
    %eq3A_105 = arith.constant 3 : i32
    %eq3A_106 = arith.cmpi eq, %arg1, %eq3A_105 : i32
    %convert_element_type3A_107 = arith.extui %eq3A_106 : i1 to i32
    %cond3A_108 = arith.constant 0 : i32
    %cond3A_109 = arith.cmpi ne, %convert_element_type3A_107, %cond3A_108 : i32
    scf.if %cond3A_109 {
      %iota3A_110 = tpu.iota {dimensions = array<i32: 1>} : vector<1x1152xi32>
      %get3A_111 = arith.constant 0 : index
      %get3A_112 = arith.constant 0 : index
      %get3A_113 = arith.constant 0 : index
      %get3A_114 = vector.load %arg10[%get3A_111, %get3A_112, %get3A_113] : memref<1x1x1152xi32, #tpu.memory_space<vmem>>, vector<1x1x1152xi32>
      %get3A_115 = vector.shape_cast %get3A_114 : vector<1x1x1152xi32> to vector<1x1152xi32>
      %and3A_116 = arith.constant -2048 : i32
      %and3A_117 = vector.broadcast %and3A_116 : i32 to vector<1x1152xi32>
      %and3A_118 = arith.andi %get3A_115, %and3A_117 : vector<1x1152xi32>
      %bitcast_convert_type3A_119 = tpu.bitcast %and3A_118 : vector<1x1152xi32> -> vector<1x1152xf32>
      %add3A_120 = arith.constant 9.99999996E-13 : f32
      %add3A_121 = vector.broadcast %add3A_120 : f32 to vector<1x1152xf32>
      %add3A_122 = arith.addf %bitcast_convert_type3A_119, %add3A_121 : vector<1x1152xf32>
      %sqrt3A_123 = math.sqrt %add3A_122 : vector<1x1152xf32>
      %slice3A_124 = vector.extract_strided_slice %iota3A_110 {offsets = [0, 0], sizes = [1, 256], strides = [1, 1]} : vector<1x1152xi32> to vector<1x256xi32>
      %sub3A_125 = arith.constant 0 : i32
      %sub3A_126 = vector.broadcast %sub3A_125 : i32 to vector<1x256xi32>
      %sub3A_127 = arith.subi %slice3A_124, %sub3A_126 : vector<1x256xi32>
      %lt3A = arith.constant 156 : i32
      %lt3A_128 = vector.broadcast %lt3A : i32 to vector<1x256xi32>
      %lt3A_129 = arith.cmpi slt, %sub3A_127, %lt3A_128 : vector<1x256xi32>
      %slice3A_130 = vector.extract_strided_slice %sqrt3A_123 {offsets = [0, 0], sizes = [1, 256], strides = [1, 1]} : vector<1x1152xf32> to vector<1x256xf32>
      %jit3A = arith.constant 0.000000e+00 : f32
      %broadcast_in_dim3A_131 = vector.broadcast %jit3A : f32 to vector<1x256xf32>
      %select_n3A = arith.select %lt3A_129, %slice3A_130, %broadcast_in_dim3A_131 : vector<1x256xi1>, vector<1x256xf32>
      %get3A_132 = arith.constant 0 : index
      %get3A_133 = arith.constant 0 : index
      %get3A_134 = vector.load %arg7[%get3A_132, %get3A_133] : memref<1x1xf32, #tpu.memory_space<vmem>>, vector<1x1xf32>
      %reduce_sum3A_135 = vector.shape_cast %select_n3A : vector<1x256xf32> to vector<1x1x256xf32>
      %reduce_sum3A_136 = arith.constant dense<0.000000e+00> : vector<1xf32>
      %reduce_sum3A_137 = vector.multi_reduction <add>, %reduce_sum3A_135, %reduce_sum3A_136 [1, 2] : vector<1x1x256xf32> to vector<1xf32>
      %reduce_sum3A_138 = vector.shape_cast %reduce_sum3A_137 : vector<1xf32> to vector<1x1x1xf32>
      %reduce_sum3A_139 = vector.extract %reduce_sum3A_138[0, 0, 0] : f32 from vector<1x1x1xf32>
      %broadcast_in_dim3A_140 = vector.broadcast %reduce_sum3A_139 : f32 to vector<1x1xf32>
      %add3A_141 = arith.addf %get3A_134, %broadcast_in_dim3A_140 : vector<1x1xf32>
      %swap3A_142 = arith.constant 0 : index
      %swap3A_143 = arith.constant 0 : index
      %swap3A_144 = vector.load %arg7[%swap3A_142, %swap3A_143] : memref<1x1xf32, #tpu.memory_space<vmem>>, vector<1x1xf32>
      tpu.vector_store %arg7[%swap3A_142, %swap3A_143], %add3A_141 {strides = array<i32>} : memref<1x1xf32, #tpu.memory_space<vmem>>, vector<1x1xf32>,
      %slice3A_145 = vector.extract_strided_slice %iota3A_110 {offsets = [0, 256], sizes = [1, 256], strides = [1, 1]} : vector<1x1152xi32> to vector<1x256xi32>
      %sub3A_146 = arith.constant 256 : i32
      %sub3A_147 = vector.broadcast %sub3A_146 : i32 to vector<1x256xi32>
      %sub3A_148 = arith.subi %slice3A_145, %sub3A_147 : vector<1x256xi32>
      %lt3A_149 = arith.constant 156 : i32
      %lt3A_150 = vector.broadcast %lt3A_149 : i32 to vector<1x256xi32>
      %lt3A_151 = arith.cmpi slt, %sub3A_148, %lt3A_150 : vector<1x256xi32>
      %slice3A_152 = vector.extract_strided_slice %sqrt3A_123 {offsets = [0, 256], sizes = [1, 256], strides = [1, 1]} : vector<1x1152xf32> to vector<1x256xf32>
      %jit3A_153 = arith.constant 0.000000e+00 : f32
      %broadcast_in_dim3A_154 = vector.broadcast %jit3A_153 : f32 to vector<1x256xf32>
      %select_n3A_155 = arith.select %lt3A_151, %slice3A_152, %broadcast_in_dim3A_154 : vector<1x256xi1>, vector<1x256xf32>
      %get3A_156 = arith.constant 0 : index
      %get3A_157 = arith.constant 0 : index
      %get3A_158 = vector.load %arg8[%get3A_156, %get3A_157] : memref<1x1xf32, #tpu.memory_space<vmem>>, vector<1x1xf32>
      %reduce_sum3A_159 = vector.shape_cast %select_n3A_155 : vector<1x256xf32> to vector<1x1x256xf32>
      %reduce_sum3A_160 = arith.constant dense<0.000000e+00> : vector<1xf32>
      %reduce_sum3A_161 = vector.multi_reduction <add>, %reduce_sum3A_159, %reduce_sum3A_160 [1, 2] : vector<1x1x256xf32> to vector<1xf32>
      %reduce_sum3A_162 = vector.shape_cast %reduce_sum3A_161 : vector<1xf32> to vector<1x1x1xf32>
      %reduce_sum3A_163 = vector.extract %reduce_sum3A_162[0, 0, 0] : f32 from vector<1x1x1xf32>
      %broadcast_in_dim3A_164 = vector.broadcast %reduce_sum3A_163 : f32 to vector<1x1xf32>
      %add3A_165 = arith.addf %get3A_158, %broadcast_in_dim3A_164 : vector<1x1xf32>
      %swap3A_166 = arith.constant 0 : index
      %swap3A_167 = arith.constant 0 : index
      %swap3A_168 = vector.load %arg8[%swap3A_166, %swap3A_167] : memref<1x1xf32, #tpu.memory_space<vmem>>, vector<1x1xf32>
      tpu.vector_store %arg8[%swap3A_166, %swap3A_167], %add3A_165 {strides = array<i32>} : memref<1x1xf32, #tpu.memory_space<vmem>>, vector<1x1xf32>,
      %slice3A_169 = vector.extract_strided_slice %iota3A_110 {offsets = [0, 512], sizes = [1, 640], strides = [1, 1]} : vector<1x1152xi32> to vector<1x640xi32>
      %sub3A_170 = arith.constant 512 : i32
      %sub3A_171 = vector.broadcast %sub3A_170 : i32 to vector<1x640xi32>
      %sub3A_172 = arith.subi %slice3A_169, %sub3A_171 : vector<1x640xi32>
      %lt3A_173 = arith.constant 618 : i32
      %lt3A_174 = vector.broadcast %lt3A_173 : i32 to vector<1x640xi32>
      %lt3A_175 = arith.cmpi slt, %sub3A_172, %lt3A_174 : vector<1x640xi32>
      %slice3A_176 = vector.extract_strided_slice %sqrt3A_123 {offsets = [0, 512], sizes = [1, 640], strides = [1, 1]} : vector<1x1152xf32> to vector<1x640xf32>
      %jit3A_177 = arith.constant 0.000000e+00 : f32
      %broadcast_in_dim3A_178 = vector.broadcast %jit3A_177 : f32 to vector<1x640xf32>
      %select_n3A_179 = arith.select %lt3A_175, %slice3A_176, %broadcast_in_dim3A_178 : vector<1x640xi1>, vector<1x640xf32>
      %get3A_180 = arith.constant 0 : index
      %get3A_181 = arith.constant 0 : index
      %get3A_182 = vector.load %arg9[%get3A_180, %get3A_181] : memref<1x1xf32, #tpu.memory_space<vmem>>, vector<1x1xf32>
      %reduce_sum3A_183 = vector.shape_cast %select_n3A_179 : vector<1x640xf32> to vector<1x1x640xf32>
      %reduce_sum3A_184 = arith.constant dense<0.000000e+00> : vector<1xf32>
      %reduce_sum3A_185 = vector.multi_reduction <add>, %reduce_sum3A_183, %reduce_sum3A_184 [1, 2] : vector<1x1x640xf32> to vector<1xf32>
      %reduce_sum3A_186 = vector.shape_cast %reduce_sum3A_185 : vector<1xf32> to vector<1x1x1xf32>
      %reduce_sum3A_187 = vector.extract %reduce_sum3A_186[0, 0, 0] : f32 from vector<1x1x1xf32>
      %broadcast_in_dim3A_188 = vector.broadcast %reduce_sum3A_187 : f32 to vector<1x1xf32>
      %add3A_189 = arith.addf %get3A_182, %broadcast_in_dim3A_188 : vector<1x1xf32>
      %swap3A_190 = arith.constant 0 : index
      %swap3A_191 = arith.constant 0 : index
      %swap3A_192 = vector.load %arg9[%swap3A_190, %swap3A_191] : memref<1x1xf32, #tpu.memory_space<vmem>>, vector<1x1xf32>
      tpu.vector_store %arg9[%swap3A_190, %swap3A_191], %add3A_189 {strides = array<i32>} : memref<1x1xf32, #tpu.memory_space<vmem>>, vector<1x1xf32>,
    } else {
    }
    return
  }
  func.func @transform_0(%arg0: i32, %arg1: i32) -> (i32, i32, i32) {
    %c0_i32 = arith.constant 0 : i32
    %c0_i32_0 = arith.constant 0 : i32
    return %arg0, %arg1, %c0_i32 : i32, i32, i32
  }
  func.func @transform_1(%arg0: i32, %arg1: i32) -> (i32, i32, i32) {
    %c0_i32 = arith.constant 0 : i32
    %c0_i32_0 = arith.constant 0 : i32
    %c0_i32_1 = arith.constant 0 : i32
    return %arg0, %c0_i32, %c0_i32_0 : i32, i32, i32
  }
  func.func @transform_2(%arg0: i32, %arg1: i32) -> (i32, i32) {
    %c0_i32 = arith.constant 0 : i32
    %c0_i32_0 = arith.constant 0 : i32
    %c0_i32_1 = arith.constant 0 : i32
    return %c0_i32, %c0_i32_0 : i32, i32
  }
  func.func @transform_3(%arg0: i32, %arg1: i32) -> (i32, i32) {
    %c0_i32 = arith.constant 0 : i32
    %c0_i32_0 = arith.constant 0 : i32
    %c0_i32_1 = arith.constant 0 : i32
    return %c0_i32, %c0_i32_0 : i32, i32
  }
  func.func @transform_4(%arg0: i32, %arg1: i32) -> (i32, i32) {
    %c0_i32 = arith.constant 0 : i32
    %c0_i32_0 = arith.constant 0 : i32
    %c0_i32_1 = arith.constant 0 : i32
    return %c0_i32, %c0_i32_0 : i32, i32
  }
  func.func @transform_5(%arg0: i32, %arg1: i32) -> (i32, i32) {
    %c0_i32 = arith.constant 0 : i32
    %c0_i32_0 = arith.constant 0 : i32
    %c0_i32_1 = arith.constant 0 : i32
    return %c0_i32, %c0_i32_0 : i32, i32
  }
  func.func @transform_6(%arg0: i32, %arg1: i32) -> (i32, i32) {
    %c0_i32 = arith.constant 0 : i32
    %c0_i32_0 = arith.constant 0 : i32
    %c0_i32_1 = arith.constant 0 : i32
    return %c0_i32, %c0_i32_0 : i32, i32
  }
  func.func @transform_7(%arg0: i32, %arg1: i32) -> (i32, i32) {
    %c0_i32 = arith.constant 0 : i32
    %c0_i32_0 = arith.constant 0 : i32
    %c0_i32_1 = arith.constant 0 : i32
    return %c0_i32, %c0_i32_0 : i32, i32
  }
  func.func @transform_8(%arg0: i32, %arg1: i32) -> (i32, i32, i32) {
    %c0_i32 = arith.constant 0 : i32
    %c0_i32_0 = arith.constant 0 : i32
    %c0_i32_1 = arith.constant 0 : i32
    return %arg0, %c0_i32, %c0_i32_0 : i32, i32, i32
  }
}

</mosaic_0001>

<sc_bundles>
// kernel: kernel.4.cloned.1.call-start
scs
__scs_entry_jumppad:
0x0: {  	(pc) =	sbr.rel $0x88, $3  }
0x1: {  	(tag) =	ssettag $0x0;
	lr =	simm.s32 $0x1  }
0x2: {  	[smem:$0x3F93] =	sst lr;
	_ =	strace $0xD0000000  }
0x3: {  	_ = 	snop  }
0x4: {  	_ = 	snop  }
0x5: {  	_ = 	snop  }
0x6: {  	_ = 	snop  }
0x7: {  	_ = 	snop  }
__scs_overlays_trampoline_lowered:
0x8: {  	[smem:$0x3FA2] =	sst s0  }
0x9: {  	[smem:$0x3FA3] =	sst s1  }
0xa: {  	[smem:$0x3FA4] =	sst s2  }
0xb: {  	[smem:$0x3FA5] =	sst s3  }
0xc: {  	[smem:$0x3FA6] =	sst s4  }
0xd: {  	[smem:$0x3FA7] =	sst s5  }
0xe: {  	[smem:$0x3FA8] =	sst s6  }
0xf: {  	[smem:$0x3FA9] =	sst s7  }
0x10: {  	[smem:$0x3FAA] =	sst s8  }
0x11: {  	[smem:$0x3FAB] =	sst s9;
	s0 =	simm.s32 @!p0 $0x0  }
0x12: {  	s1 =	sld [smem:$0x3F91];
	s0 =	simm.s32 @p0 $0x1  }
0x13: {  	[smem:$0x3FAC] =	sst s0;
	s0 =	simm.s32 @!p1 $0x0  }
0x14: {  	s2 =	sld [smem:$0x3F90];
	s0 =	simm.s32 @p1 $0x1  }
0x15: {  	[smem:$0x3FAD] =	sst s0;
	s0 =	simm.s32 @!p2 $0x0  }
0x16: {  	s3 =	sld [smem:$0x3FDB];
	s0 =	simm.s32 @p2 $0x1  }
0x17: {  	s4 =	simm.s32 $0x1BF5;
	[smem:$0x3FAF] =	sst s0  }
0x18: {  	s0 =	sld [smem:$0x3F92];
	_ =	swait.ge [sflag:s4], $0x0  }
0x19: {  	s7 =	sld [smem:$0x3F93]  }
0x1a: {  	s8 =	sadd.s32 $0xFFFFE003, lr  }
0x1b: {  	s9 =	sadd.s32 $0xFFFFFEF7, lr;
	s5 =	simm.s32 $0xFFFFFFFF;
	p2 =	slt.u32 s8, $0xFFFFF086  }
0x1c: {  	p1 =	slt.u32 s9, $0xF7A;
	s5 =	simm.s32 @!p2 $0x0  }
0x1d: {  	s5 =	simm.s32 @p1 $0x1;
	p0 =	seq.s32 s7, s2  }
0x1e: {  	s7 =	smul.u32 @!p0 $0xF7A, s2;
	p2 =	seq.s32 @!p0 s5, $0x0  }
0x1f: {  	s9 =	smul.u32 $0xF7A, s1;
	s8 =	simm.s32 @!p0 $0x1BF5;
	p2 =	por !p2, p0  }
0x20: {  	[sflag:s8] =	ssyncset.s32 @!p0 $0xFFFFF086;
	s6 =	sadd.s32 @!p0 s3, s7;
	s7 =	simm.s32 @!p0 $0x108  }
0x21: {  	s3 =	sadd.s32 s3, s9;
	s6 =	sadd.s32 @!p0 $0x88, s6;
	s7 =	simm.s32 @p2 $0x1082  }
0x22: {  	[simem:s7], [sflag:s8] =	dma.local @!p0 [hbm:s6], $0xF7A  }
0x23: {  	s9 =	sor.u32 $0xD0000000, s2;
	s6 =	simm.s32 $0x108;
	_ =	swait.ge @!p0 [sflag:s8], $0x0  }
0x24: {  	s3 =	sadd.s32 $0x88, s3;
	s6 =	simm.s32 @!p1 $0x1082;
	[sflag:s4] =	ssyncset.s32 $0xFFFFF086  }
0x25: {  	[simem:s6], [sflag:s4] =	dma.local [hbm:s3], $0xF7A  }
0x26: {  	[smem:$0x3F93] =	sst s1;
	(tag) =	ssettag s2;
	_ =	strace s9  }
0x27: {  	s1 =	sld [smem:$0x3FA3]  }
0x28: {  	s2 =	sld [smem:$0x3FA4]  }
0x29: {  	s4 =	sld [smem:$0x3FA6]  }
0x2a: {  	p0 =	seq.s32 s5, $0x0;
	s5 =	sld [smem:$0x3FA7]  }
0x2b: {  	s6 =	sld [smem:$0x3FA8]  }
0x2c: {  	s7 =	sld [smem:$0x3FA9]  }
0x2d: {  	s3 =	simm.s32 $0x108;
	s8 =	sld [smem:$0x3FAA]  }
0x2e: {  	s3 =	simm.s32 @!p0 $0x1082;
	s9 =	sld [smem:$0x3FAB]  }
0x2f: {  	lr =	sadd.s32 s0, s3;
	s0 =	sld [smem:$0x3FA2]  }
0x30: {  	s3 =	sld [smem:$0x3FA5]  }
0x31: {  	[smem:$0x3FAE] =	sst s10  }
0x32: {  	s10 =	sld [smem:$0x3FAC];
	_ =	sdelay $0x3  }
0x33: {  	p0 =	seq.s32 s10, $0x1;
	s10 =	sld [smem:$0x3FAE];
	_ =	sdelay $0x3  }
0x34: {  	[smem:$0x3FAE] =	sst s10  }
0x35: {  	s10 =	sld [smem:$0x3FAD];
	_ =	sdelay $0x3  }
0x36: {  	p1 =	seq.s32 s10, $0x1;
	s10 =	sld [smem:$0x3FAE];
	_ =	sdelay $0x3  }
0x37: {  	[smem:$0x3FAE] =	sst s10  }
0x38: {  	s10 =	sld [smem:$0x3FAF]  }
0x39: {  	_ = 	snop;
	(pc) =	sbr.ind lr, $3  }
0x3a: {  	_ = 	snop  }
0x3b: {  	_ = 	snop  }
0x3c: {  	p2 =	seq.s32 s10, $0x1;
	s10 =	sld [smem:$0x3FAE]  }
0x3d: {  	_ =	shalt  }
0x3e: {  	_ =	shalt  }
0x3f: {  	_ =	shalt  }
0x40: {  	_ =	shalt  }
0x41: {  	_ =	shalt  }
0x42: {  	_ =	shalt  }
0x43: {  	_ =	shalt  }
0x44: {  	_ =	shalt  }
0x45: {  	_ =	shalt  }
0x46: {  	_ =	shalt  }
0x47: {  	_ =	shalt  }
0x48: {  	_ =	shalt  }
0x49: {  	_ =	shalt  }
0x4a: {  	_ =	shalt  }
0x4b: {  	_ =	shalt  }
0x4c: {  	_ =	shalt  }
0x4d: {  	_ =	shalt  }
0x4e: {  	_ =	shalt  }
0x4f: {  	_ =	shalt  }
0x50: {  	_ =	shalt  }
0x51: {  	_ =	shalt  }
0x52: {  	_ =	shalt  }
0x53: {  	_ =	shalt  }
0x54: {  	_ =	shalt  }
0x55: {  	_ =	shalt  }
0x56: {  	_ =	shalt  }
0x57: {  	_ =	shalt  }
0x58: {  	_ =	shalt  }
0x59: {  	_ =	shalt  }
0x5a: {  	_ =	shalt  }
0x5b: {  	_ =	shalt  }
0x5c: {  	_ =	shalt  }
0x5d: {  	_ =	shalt  }
0x5e: {  	_ =	shalt  }
0x5f: {  	_ =	shalt  }
0x60: {  	_ =	shalt  }
0x61: {  	_ =	shalt  }
0x62: {  	_ =	shalt  }
0x63: {  	_ =	shalt  }
0x64: {  	_ =	shalt  }
0x65: {  	_ =	shalt  }
0x66: {  	_ =	shalt  }
0x67: {  	_ =	shalt  }
0x68: {  	_ =	shalt  }
0x69: {  	_ =	shalt  }
0x6a: {  	_ =	shalt  }
0x6b: {  	_ =	shalt  }
0x6c: {  	_ =	shalt  }
0x6d: {  	_ =	shalt  }
0x6e: {  	_ =	shalt  }
0x6f: {  	_ =	shalt  }
0x70: {  	_ =	shalt  }
0x71: {  	_ =	shalt  }
0x72: {  	_ =	shalt  }
0x73: {  	_ =	shalt  }
0x74: {  	_ =	shalt  }
0x75: {  	_ =	shalt  }
0x76: {  	_ =	shalt  }
0x77: {  	_ =	shalt  }
0x78: {  	_ =	shalt  }
0x79: {  	_ =	shalt  }
0x7a: {  	_ =	shalt  }
0x7b: {  	_ =	shalt  }
0x7c: {  	_ =	shalt  }
0x7d: {  	_ =	shalt  }
0x7e: {  	_ =	shalt  }
0x7f: {  	_ =	shalt  }
0x80: {  	_ =	shalt  }
0x81: {  	_ =	shalt  }
0x82: {  	_ =	shalt  }
0x83: {  	_ =	shalt  }
0x84: {  	_ =	shalt  }
0x85: {  	_ =	shalt  }
0x86: {  	_ =	shalt  }
0x87: {  	_ =	shalt  }
.Lfunc_end0:
.L_simem_size_0:
called_computation_lowered:
.L_overlay_start_0:
0x88: {  	s2 =	sld [smem:$0x3FD9]  }
0x89: {  	s3 =	sld [smem:$0x3FFE];
	_ =	sdelay $0x1  }
0x8a: {  	s1 =	srdreg.scid  }
0x8b: {  	s0 =	sand.u32 $0x1, s1  }
0x8c: {  	s16 =	sshll.u32 s0, $0xA;
	s2 =	sadd.s32 s3, s2  }
0x8d: {  	s2 =	sadd.s32 s2, s16  }
0x8e: {  	[smem:$0x3FBA] =	sst s2  }
0x8f: {  	_ = 	snop  }
0x90: {  	(tm) =	ssettm $0x1  }
0x91: {  	s17 =	sld [smem:$0x3FFB];
	_ =	sdelay $0x3  }
0x92: {  	_ =	strace s17  }
0x93: {  	s2 =	sld [smem:$0x3FFC];
	_ =	sdelay $0x3  }
0x94: {  	_ =	strace s2  }
0x95: {  	s2 =	sld [smem:$0x3FFD];
	_ =	sdelay $0x3  }
0x96: {  	_ =	strace s2  }
0x97: {  	_ =	strace $0x8FFFFFFF  }
0x98: {  	s18 =	sld [smem:$0x3FDB];
	_ =	sdelay $0x1  }
0x99: {  	s19 =	simm.s32 $_scs_section_size  }
0x9a: {  	s4 =	simm.s32 $_size__tile_overlayer_lowered;
	s5 =	simm.s32 $_tile_overlayer_lowered  }
0x9b: {  	s22 =	simm.s32 $0x1BFF;
	s21 =	sshll.u32 s5, $0x1;
	s2 =	sadd.s32 s19, s18  }
0x9c: {  	s6 =	simm.s32 $0x0;
	s20 =	sshll.u32 s4, $0x1;
	s4 =	sadd.s32 s21, s2  }
0x9d: {  	[timem:s6], [sflag:s22] =	dma.local [hbm:s4], s20  }
0x9e: {  	_ =	swait.ge [sflag:s22], s20  }
0x9f: {  	s3 =	ssub.s32 $0x0, s20;
	[sflag:s22] =	ssyncset.done $0x0  }
0xa0: {  	[sflag:s22] =	ssyncadd.s32 s3;
	_ =	sdelay $0x1  }
0xa1: {  	s23 =	simm.s32 $0x1B8B  }
0xa2: {  	_ =	swait.ge [sflag:s23], $0x1  }
0xa3: {  	[sflag:s23] =	ssyncset.done $0x0  }
0xa4: {  	s25 =	simm.s32 $0x1B8E;
	s24 =	sld [smem:$0x3FFE];
	[sflag:s23] =	ssyncadd.s32 $0xFFFFFFFF  }
0xa5: {  	s26 =	simm.s32 $execute0_lowered;
	[smem:$0x3FD2] =	sst s25  }
0xa6: {  	s4 =	sshll.u32 s26, $0x1;
	_ =	strace $0x80000046;
	[dreg:$0x1] =	wrdreg $0xFFFFFFFF  }
0xa7: {  	s28 =	simm.s32 $_size_execute0_lowered;
	s2 =	sadd.s32 s2, s4;
	[dreg:$0x0] =	wrdreg $0x0  }
0xa8: {  	s4 =	sshll.u32 s28, $0x1;
	[dreg:$0x2] =	wrdreg s2  }
0xa9: {  	[dreg:$0x3] =	wrdreg s4  }
0xaa: {  	[dreg:$0x4] =	wrdreg $0xC0  }
0xab: {  	_ =	task [dreg:s6], $0x5FFFF  }
0xac: {  	[dreg:$0x1] =	wrdreg $0xFFFFFFFF  }
0xad: {  	[dreg:$0x0] =	wrdreg $0x60  }
0xae: {  	[dreg:$0x2] =	wrdreg s24  }
0xaf: {  	[dreg:$0x3] =	wrdreg $0x9  }
0xb0: {  	_ =	task.clear_ibuf [dreg:s6], $0x4FFFF;
	_ =	strace $0x90000046  }
0xb1: {  	s29 =	simm.s32 $0x9;
	_ =	strace $0x80000048  }
0xb2: {  	_ =	swait.ge [sflag:s29], $0x1  }
0xb3: {  	[sflag:s29] =	ssyncadd.s32 $0xFFFFFFFF  }
0xb4: {  	_ =	strace $0x90000048  }
0xb5: {  	_ =	sfence  }
0xb6: {  	s30 =	sld [smem:$0x0];
	_ =	sdelay $0x2  }
0xb7: {  	s31 =	sshll.u32 s1, $0xD;
	s1 =	sshrl.u32 s1, $0x2  }
0xb8: {  	s3 =	sand.u32 $0x4000, s31;
	s1 =	sadd.s32 s1, s30  }
0xb9: {  	s0 =	sor.u32 s3, s0;
	s1 =	sshll.u32 s1, $0x11  }
0xba: {  	s0 =	sor.u32 s1, s0  }
0xbb: {  	s0 =	sadd.s32 $0x8F2B, s0  }
0xbc: {  	[sflag:s0] =	ssyncadd.remote.s32 $0x1  }
0xbd: {  	_ =	sfence.sel $0xFFFF  }
0xbe: {  	[dreg:$0x0] =	wrdreg $0xFFFFFFFF;
	(pc) =	sbr.abs _section_cstart, $3  }
0xbf: {  	[dreg:$0x1] =	wrdreg $0xFFFFFFFF  }
0xc0: {  	_ =	task.clear_ibuf [dreg:s6], $0x2FFFF;
	_ =	strace $0x9FFFFFFF  }
0xc1: {  	(tm) =	ssettm $0x7FFFFFFF  }
tec
execute0_lowered:
.L_overlay_start_1:
0x0: {  	(tag) =	ssettag $0x1  }
0x1: {  	s0 =	srdreg.scid  }
0x2: {  	s21 =	stileid.u32;
	s2 =	simm.s32 $0x1;
	s3 =	sand.u32 $0x1, s0  }
0x3: {  	s5 =	rddreg [dreg:$0x0];
	s31 =	simm.s32 $0x0;
	s0 =	sshll.u32 s3, $0x4  }
0x4: {  	[smem:$0x7FF] =	sst s31;
	s4 =	sor.u32 s21, s0;
	s0 =	sand.u32 $0x1, s21  }
0x5: {  	s12 =	ssub.s32 $0x2, s3;
	p1 =	seq.s32 s4, $0x18;
	p0 =	seq.s32 s0, $0x1  }
0x6: {  	s8 =	sshrl.u32 s12, $0x1;
	s1 =	sadd.s32 $0xFFFFFFE8, s4;
	p1 =	por !p1, !p0  }
0x7: {  	p4 =	slt.u32 s4, $0x11;
	s18 =	sadd.s32 $0xFFFFFFF0, s4;
	p1 =	por !p1, !p1  }
0x8: {  	s1 =	sshrl.u32 s1, $0x1;
	p0 =	por !p4, !p0;
	s2 =	simm.s32 @!p1 $0x0  }
0x9: {  	p5 =	seq.s32 s4, $0x0;
	p0 =	por !p0, !p0;
	s6 =	ssub.s32 s1, s2  }
0xa: {  	s1 =	sadd.s32 $0xE00, s5;
	s7 =	smul.u32 $0xA0, s6;
	s9 =	sshll.u32 s6, $0xB  }
0xb: {  	s2 =	ssub.s32 s12, s8;
	s6 =	smul.u32 $0xD80, s6;
	s11 =	sadd.s32 $0x13500, s9  }
0xc: {  	s16 =	sadd.s32 $0x15500, s9;
	s9 =	sadd.s32 $0x17500, s9;
	s13 =	sadd.s32 $0x9A80, s7  }
0xd: {  	s10 =	sshrl.u32 s7, $0x3;
	s14 =	sshrl.u32 s11, $0x3;
	s15 =	sadd.s32 $0x280, s7  }
0xe: {  	s7 =	sadd.s32 $0x500, s7;
	s19 =	sshrl.u32 s9, $0x3;
	s12 =	sshrl.u32 s6, $0x3  }
0xf: {  	s8 =	sshrl.u32 s13, $0x3;
	s10 =	sadd.s32 s1, s10;
	s7 =	sshrl.u32 s7, $0x3  }
0x10: {  	s22 =	sadd.s32 s1, s19;
	s13 =	simm.s32 $0x1;
	s19 =	sshrl.u32 s21, $0x2  }
0x11: {  	[dreg:$0x2] =	wrdreg s10;
	s8 =	sadd.s32 s1, s8;
	s10 =	sshrl.u32 s16, $0x3  }
0x12: {  	[dreg:$0x3] =	wrdreg s8;
	s8 =	sadd.s32 s1, s14;
	s17 =	sadd.s32 s1, s10  }
0x13: {  	s10 =	simm.s32 $0x1;
	[dreg:$0x4] =	wrdreg s8;
	s8 =	sshrl.u32 s15, $0x3  }
0x14: {  	s10 =	simm.s32 @!p0 $0x0;
	s25 =	sadd.s32 s1, s8;
	s8 =	sshrl.u32 s18, $0x1  }
0x15: {  	s28 =	sadd.s32 s1, s7;
	[dreg:$0x8] =	wrdreg s22;
	s10 =	ssub.s32 s8, s10  }
0x16: {  	[dreg:$0x6] =	wrdreg s17;
	s20 =	smul.u32 $0x280, s10;
	s26 =	sshll.u32 s10, $0xB  }
0x17: {  	s14 =	sadd.s32 $0x13500, s26;
	s18 =	sadd.s32 $0x15500, s26;
	s8 =	sadd.s32 $0x17500, s26  }
0x18: {  	s23 =	sadd.s32 $0x780, s20;
	s24 =	sadd.s32 $0xA200, s20;
	s16 =	sshrl.u32 s14, $0x3  }
0x19: {  	s17 =	sadd.s32 $0xA00, s20;
	s11 =	sshrl.u32 s18, $0x3;
	s6 =	sshrl.u32 s23, $0x3  }
0x1a: {  	s9 =	sadd.s32 $0x1400, s20;
	s20 =	sshrl.u32 s8, $0x3;
	s6 =	sadd.s32 s1, s6  }
0x1b: {  	s7 =	sshrl.u32 s24, $0x3;
	[dreg:$0x9] =	wrdreg s6;
	s6 =	sadd.s32 s1, s16  }
0x1c: {  	s11 =	sadd.s32 s1, s11;
	[dreg:$0xb] =	wrdreg s6;
	s6 =	sand.u32 $0x3, s21  }
0x1d: {  	s9 =	sshrl.u32 s9, $0x3;
	s22 =	sadd.s32 s1, s20;
	p6 =	sne.s32 s6, $0x0  }
0x1e: {  	s15 =	sadd.s32 s1, s7;
	[dreg:$0xc] =	wrdreg s11;
	p0 =	por !p6, !p5  }
0x1f: {  	s7 =	sshrl.u32 s17, $0x3;
	[dreg:$0xd] =	wrdreg s22;
	p0 =	por !p0, !p0  }
0x20: {  	s8 =	sadd.s32 s1, s9;
	[dreg:$0xa] =	wrdreg s15;
	s13 =	simm.s32 @!p0 $0x0  }
0x21: {  	s7 =	sadd.s32 s1, s7;
	s15 =	smul.u32 $0xD80, s10;
	s13 =	ssub.s32 s19, s13  }
0x22: {  	s21 =	sshll.u32 s21, $0x1;
	s14 =	smul.u32 $0x9C0, s13;
	s26 =	sshll.u32 s13, $0xB  }
0x23: {  	p0 =	slt.u32 s4, $0x18;
	s11 =	sadd.s32 $0x13500, s26;
	s26 =	sadd.s32 $0x100, s15  }
0x24: {  	s23 =	sadd.s32 $0x2580, s14;
	s24 =	sadd.s32 $0xC000, s14;
	s17 =	sshrl.u32 s11, $0x3  }
0x25: {  	s18 =	sadd.s32 $0x2700, s14;
	s19 =	sadd.s32 $0x4E00, s14;
	s9 =	sshrl.u32 s23, $0x3  }
0x26: {  	s10 =	sshrl.u32 s24, $0x3;
	s23 =	sadd.s32 $0xA00, s5;
	s9 =	sadd.s32 s1, s9  }
0x27: {  	s16 =	sadd.s32 s1, s10;
	s10 =	sshrl.u32 s19, $0x3;
	s24 =	sadd.s32 s23, s12  }
0x28: {  	s12 =	sshrl.u32 s26, $0x3;
	s19 =	smul.u32 $0x3A0, s0;
	[dreg:$0xe] =	wrdreg s9  }
0x29: {  	[dreg:$0xf] =	wrdreg s16;
	s9 =	sadd.s32 s1, s17;
	s16 =	sshll.u32 s13, $0x8  }
0x2a: {  	s10 =	sadd.s32 s1, s10;
	s13 =	smul.u32 $0xD80, s13;
	[dreg:$0x11] =	wrdreg s24  }
0x2b: {  	s12 =	sadd.s32 s23, s12;
	s24 =	smul.u32 $0x270, s6;
	[dreg:$0x10] =	wrdreg s9  }
0x2c: {  	s9 =	sshrl.u32 s18, $0x3;
	s20 =	sadd.s32 $0x400, s16;
	s22 =	sadd.s32 $0x800, s16  }
0x2d: {  	s18 =	smul.u32 $0x50, s0;
	[dreg:$0x12] =	wrdreg s12;
	s12 =	sadd.s32 $0x4200, s5  }
0x2e: {  	s5 =	sadd.s32 $0x5C00, s5;
	s9 =	sadd.s32 s1, s9;
	s11 =	sand.u32 $0x1FFFFF00, s20  }
0x2f: {  	s14 =	sand.u32 $0x1FFFFF00, s22;
	s13 =	sadd.s32 $0x380, s13;
	s22 =	smul.u32 $0x140, s0  }
0x30: {  	s20 =	sshrl.u32 s19, $0x3;
	s11 =	sadd.s32 s1, s11;
	s14 =	sadd.s32 s1, s14  }
0x31: {  	s1 =	smul.u32 $0xF0, s0;
	s13 =	sshrl.u32 s13, $0x3;
	s17 =	sshrl.u32 s18, $0x3  }
0x32: {  	s15 =	sadd.s32 s23, s13;
	s23 =	smul.u32 $0x740, s6;
	s29 =	sadd.s32 s12, s17  }
0x33: {  	s26 =	sshrl.u32 s22, $0x3;
	[dreg:$0x13] =	wrdreg s15;
	s16 =	sshrl.u32 s1, $0x3  }
0x34: {  	s15 =	sadd.s32 s12, s20;
	s20 =	sshrl.u32 s24, $0x3;
	s13 =	sadd.s32 s12, s16  }
0x35: {  	s17 =	sshrl.u32 s23, $0x3;
	s16 =	sadd.s32 s12, s26;
	s26 =	sshll.u32 s4, $0x1  }
0x36: {  	s4 =	sand.u32 $0x18, s4;
	s26 =	sadd.s32 s5, s26;
	s5 =	sadd.s32 s5, s21  }
0x37: {  	p1 =	sne.s32 s4, $0x10;
	s4 =	sadd.s32 $0xE7C, s13;
	[dreg:$0x15] =	wrdreg s5  }
0x38: {  	s5 =	sadd.s32 $0xEB8, s13;
	_ =	strace $0x80000047;
	[dreg:$0x16] =	wrdreg s4  }
0x39: {  	s17 =	sadd.s32 s12, s17;
	s13 =	sadd.s32 $0xF0, s7;
	[dreg:$0x17] =	wrdreg s5  }
0x3a: {  	s12 =	sadd.s32 s12, s20;
	s20 =	sadd.s32 $0x1440, s7;
	[dreg:$0x18] =	wrdreg s13  }
0x3b: {  	s21 =	sadd.s32 $0xF0, s8;
	[dreg:$0x19] =	wrdreg s20  }
0x3c: {  	s7 =	sadd.s32 $0xFDC, s15;
	[dreg:$0x1a] =	wrdreg s21  }
0x3d: {  	[dreg:$0x1d] =	wrdreg s7  }
0x3e: {  	[dreg:$0x5] =	wrdreg s25  }
0x3f: {  	[dreg:$0x7] =	wrdreg s28  }
0x40: {  	s4 =	sadd.s32 $0x1440, s8;
	[dreg:$0x14] =	wrdreg s29  }
0x41: {  	s5 =	sadd.s32 $0xEF4, s15;
	[dreg:$0x1b] =	wrdreg s4  }
0x42: {  	s8 =	sadd.s32 $0xA0, s16;
	[dreg:$0x1c] =	wrdreg s5  }
0x43: {  	s13 =	sadd.s32 $0xF0, s16;
	[dreg:$0x1e] =	wrdreg s8  }
0x44: {  	s15 =	sadd.s32 $0x140, s16;
	[dreg:$0x1f] =	wrdreg s13  }
0x45: {  	s20 =	sadd.s32 $0x190, s16;
	[smem:$0x7DC] =	sst s15  }
0x46: {  	s21 =	sadd.s32 $0x1E0, s16;
	[smem:$0x7DD] =	sst s20  }
0x47: {  	s7 =	sadd.s32 $0x2D0, s16;
	[smem:$0x7DE] =	sst s21  }
0x48: {  	s25 =	sadd.s32 $0x1350, s25;
	[smem:$0x7E1] =	sst s7  }
0x49: {  	s4 =	sadd.s32 $0x230, s16;
	[smem:$0x7F4] =	sst s25  }
0x4a: {  	s5 =	sadd.s32 $0x280, s16;
	[smem:$0x7DF] =	sst s4  }
0x4b: {  	s8 =	sadd.s32 $0xCF4, s16;
	[smem:$0x7E0] =	sst s5  }
0x4c: {  	s13 =	sadd.s32 $0x4B0, s9;
	[smem:$0x7E2] =	sst s8  }
0x4d: {  	s15 =	sadd.s32 $0x1800, s9;
	[smem:$0x7E3] =	sst s13  }
0x4e: {  	s16 =	sadd.s32 $0x26A0, s11;
	[smem:$0x7E4] =	sst s15  }
0x4f: {  	s20 =	sadd.s32 $0x4B0, s10;
	[smem:$0x7E5] =	sst s16  }
0x50: {  	s21 =	sadd.s32 $0x1800, s10;
	[smem:$0x7E6] =	sst s20  }
0x51: {  	s7 =	sadd.s32 $0x1464, s17;
	[smem:$0x7E7] =	sst s21  }
0x52: {  	s9 =	sadd.s32 $0x458, s12;
	[smem:$0x7EA] =	sst s7  }
0x53: {  	s30 =	simm.s32 $0xA100;
	s10 =	sadd.s32 $0x590, s12;
	[smem:$0x7EC] =	sst s9  }
0x54: {  	s0 =	smul.u32 $0x500, s0;
	s11 =	sadd.s32 $0x6C8, s12;
	[smem:$0x7ED] =	sst s10  }
0x55: {  	p2 =	sne.s32 s3, $0x0;
	s25 =	sadd.s32 $0x8C, s29;
	[smem:$0x7EE] =	sst s11  }
0x56: {  	s0 =	sshrl.u32 s0, $0x2;
	s4 =	sadd.s32 $0x26A0, s14;
	[smem:$0x7FC] =	sst s25  }
0x57: {  	s5 =	sadd.s32 $0x10C4, s17;
	s8 =	sadd.s32 $0x320, s12;
	[smem:$0x7E8] =	sst s4  }
0x58: {  	s13 =	sadd.s32 $0x800, s12;
	s14 =	sadd.s32 $0x938, s12;
	[smem:$0x7E9] =	sst s5  }
0x59: {  	s15 =	sadd.s32 $0xA70, s12;
	s16 =	sadd.s32 $0xBA8, s12;
	[smem:$0x7EB] =	sst s8  }
0x5a: {  	s17 =	sadd.s32 $0xD44, s12;
	s20 =	smul.u32 $0x9C0, s6;
	[smem:$0x7EF] =	sst s13  }
0x5b: {  	s21 =	sshrl.u32 s22, $0x2;
	s6 =	sor.u32 $0x5000, s0;
	[smem:$0x7F0] =	sst s14  }
0x5c: {  	s9 =	sor.u32 $0x4600, s0;
	s0 =	sor.u32 $0x3C00, s0;
	[smem:$0x7F1] =	sst s15  }
0x5d: {  	s10 =	sadd.s32 $0x14, s29;
	s11 =	sadd.s32 $0x28, s29;
	[smem:$0x7F2] =	sst s16  }
0x5e: {  	s7 =	simm.s32 $0x5A00;
	s25 =	simm.s32 $0x3C00;
	[smem:$0x7F3] =	sst s17  }
0x5f: {  	s14 =	smax.u32 s2, $0x1;
	s4 =	sor.u32 $0x5000, s21;
	s5 =	sor.u32 $0x4600, s21  }
0x60: {  	s3 =	sor.u32 $0x3C00, s21;
	s15 =	simm.s32 $0x1;
	[smem:$0x7F6] =	sst s10  }
0x61: {  	s8 =	sadd.s32 $0x1350, s28;
	[smem:$0x7F7] =	sst s11;
	s13 =	sadd.s32 $0x3C, s29  }
0x62: {  	s17 =	sadd.s32 $0x50, s29;
	s21 =	sadd.s32 $0x78, s29;
	[smem:$0x7F5] =	sst s8  }
0x63: {  	s28 =	sadd.s32 $0xCE0, s29;
	s10 =	simm.s32 $0x6200;
	[smem:$0x7F8] =	sst s13  }
0x64: {  	v6 =	vlaneseq.u32;
	v5 =	vmov s6;
	s11 =	simm.s32 $0x1400;
	s6 =	simm.s32 $0x9E80;
	[smem:$0x7F9] =	sst s17  }
0x65: {  	v6 =	vmul.u32 $0xFFFFFFFF, v6;
	v4 =	vmov s9;
	s9 =	simm.s32 $0x5000;
	s2 =	sshrl.u32 s20, $0x2;
	[smem:$0x7FB] =	sst s21  }
.Ltmp0:
0x66: {  	vm0 =	vmmov $0x1;
	vm8 =	vcmask $0xB08;
	vm9 =	vcmask $0x1714;
	s20 =	sadd.s32 $0x64, s29;
	[smem:$0x7FD] =	sst s28;
	(pc) =	sbr.rel .LBB2_1-.Ltmp0, $4  }
0x67: {  	vm10 =	vcmask $0x2320;
	vm11 =	vcmask $0x2F2C;
	v10 =	vadd.s32 $0x1CE, v6;
	s29 =	simm.s32 $0x1E00;
	s8 =	simm.s32 $0xA00;
	s13 =	simm.s32 $0x6A00  }
0x68: {  	v11 =	vadd.s32 $0x9C, v6;
	v1 =	vmov s5;
	v2 =	vmov s4;
	s4 =	simm.s32 $0x9C10;
	s5 =	simm.s32 $0x4600;
	s12 =	sor.u32 $0x5000, s2  }
0x69: {  	v12 =	vadd.s32 $0x738, v6;
	v3 =	vmov s0;
	v0 =	vmov s3;
	s16 =	sadd.s32 $0x4600, s2;
	s2 =	sadd.s32 $0x3C00, s2;
	[smem:$0x7FA] =	sst s20  }
0x6a: {  	s20 =	simm.s32 $0x0;
	v7 =	vmov s2;
	v8 =	vmov s16;
	v9 =	vmov s12;
	s16 =	simm.s32 $0x7200;
	s12 =	simm.s32 $0x2  }
.LBB2_27:
0x6b: {  	s0 =	smov.u32 s24;
	v19 =	vimm.f32 $0.0e+00;
	v18 =	vimm.f32 $0.0e+00  }
.LBB2_34:
0x6c: {  	_ =	sdelay $0x2  }
0x6d: {  	vm1 =	vgt.s32 v28, $0x0;
	v35 =	vld [tilespmem:s21+$0x9C10];
	v46 =	vnsel vm13, $0x0, v25  }
0x6e: {  	v41 =	vld.idx.msk [tilespmem:v20+s9+$0x0], $0xffff;
	v26 =	vnsel vm1, $0x0, v28;
	vm2 =	vgt.s32 v33, $0x0  }
0x6f: {  	v42 =	vld.idx.msk [tilespmem:v23+s9+$0x0], $0xffff;
	v36 =	vnsel vm2, $0x0, v33  }
0x70: {  	v43 =	vld.idx.msk [tilespmem:v27+s9+$0x0], $0xffff  }
0x71: {  	v54 =	vld.idx.msk [tilespmem:v27+s25+$0x0], $0xffff  }
0x72: {  	v62 =	vld.idx.msk [tilespmem:v46+s25+$0x0], $0xffff  }
0x73: {  	v44 =	vld.idx.msk [tilespmem:v26+s9+$0x0], $0xffff  }
0x74: {  	v29 =	vsub.f32 @p3 v29, v39;
	v45 =	vld.idx.msk [tilespmem:v36+s9+$0x0], $0xffff  }
0x75: {  	v39 =	vsub.f32 @p3 v30, v40;
	v61 =	vnsel vm12, $0x0, v21;
	v37 =	vmul.f32 @p3 v38, v37;
	v47 =	vld.idx.msk [tilespmem:v36+s25+$0x0], $0xffff  }
0x76: {  	vm15 =	vgt.s32 v17, $0xFFFFFFFF;
	vm5 =	vgt.s32 v25, $0xFFFFFFFF;
	vm6 =	vgt.s32 v21, $0xFFFFFFFF;
	v36 =	vld.idx.msk [tilespmem:v36+s5+$0x0], $0xffff  }
0x77: {  	v29 =	vmul.f32 @p3 v29, v29;
	v39 =	vmul.f32 @p3 v39, v39;
	vm4 =	vgt.s32 v33, $0xFFFFFFFF;
	v48 =	vld.idx.msk [tilespmem:v26+s25+$0x0], $0xffff  }
0x78: {  	v37 =	vsub.f32 @p3 v32, v37;
	vm2 =	vgt.s32 v22, $0xFFFFFFFF;
	v34 =	vcvt.s32.f32 v34;
	v26 =	vld.idx.msk [tilespmem:v26+s5+$0x0], $0xffff  }
0x79: {  	v29 =	vadd.f32 @p3 v39, v29;
	vm3 =	vgt.s32 v35, $0x0;
	vm1 =	vgt.s32 v35, $0xFFFFFFFF;
	v49 =	vld.idx.msk [tilespmem:v46+s5+$0x0], $0xffff  }
0x7a: {  	(erf) = vrcp.f32 v34;
	v52 =	vld.idx.msk [tilespmem:v61+s25+$0x0], $0xffff;
	v33 =	vnsel vm3, $0x0, v35;
	vm3 =	vgt.s32 v28, $0xFFFFFFFF  }
0x7b: {  	v35 =	vld.idx.msk [tilespmem:v46+s9+$0x0], $0xffff;
	v59 =	vnsel vm5, $0x0, v62;
	v63 =	vadd.f32 $0.0e+00, v47;
	v36 =	vadd.f32 $0.0e+00, v36  }
0x7c: {  	v40 =	vld.idx.msk [tilespmem:v61+s5+$0x0], $0xffff;
	v51 =	vnsel vm3, $0x0, v48;
	v44 =	vnsel vm3, $0x0, v44;
	v50 =	vadd.f32 $0.0e+00, v45  }
0x7d: {  	v22 =	vld.idx.msk [tilespmem:v61+s9+$0x0], $0xffff;
	v26 =	vnsel vm3, $0x0, v26;
	v28 =	vnsel vm4, $0x0, v63;
	v36 =	vnsel vm4, $0x0, v36  }
0x7e: {  	v55 =	vld.idx.msk [tilespmem:v27+s5+$0x0], $0xffff;
	v39 =	vnsel vm4, $0x0, v50;
	v53 =	vadd.f32 v51, v28;
	v56 =	vadd.f32 v26, v36  }
0x7f: {  	v57 =	vld.idx.msk [tilespmem:v23+s25+$0x0], $0xffff;
	v60 =	vnsel vm5, $0x0, v49;
	vm3 =	vgt.s32 v16, $0xFFFFFFFF;
	v58 =	vadd.f32 v44, v39  }
0x80: {  	v61 =	vld.idx.msk [tilespmem:v23+s5+$0x0], $0xffff;
	v62 =	vnsel vm5, $0x0, v35;
	v16 =	vadd.f32 v59, v53;
	v25 =	vadd.f32 v60, v56  }
0x81: {  	v38 =	vnsel vm6, $0x0, v40;
	v63 =	vld.idx.msk [tilespmem:v20+s25+$0x0], $0xffff;
	v36 =	vnsel vm6, $0x0, v52;
	v27 =	vadd.f32 v62, v58  }
0x82: {  	v22 =	vnsel vm6, $0x0, v22;
	v39 =	vld.idx.msk [tilespmem:v20+s5+$0x0], $0xffff;
	v16 =	vadd.f32 v36, v16;
	v25 =	vadd.f32 v38, v25  }
0x83: {  	v17 =	vnsel vm2, $0x0, v54;
	v21 =	vnsel vm2, $0x0, v55;
	v40 =	vld.idx.msk [tilespmem:v33+s25+$0x0], $0xffff;
	v22 =	vadd.f32 v22, v27  }
0x84: {  	v46 =	vnsel vm2, $0x0, v43;
	v44 =	vld.idx.msk [tilespmem:v33+s5+$0x0], $0xffff;
	v16 =	vadd.f32 v17, v16;
	v45 =	vadd.f32 v21, v25  }
0x85: {  	v23 =	vnsel vm15, $0x0, v61;
	v47 =	vnsel vm15, $0x0, v57;
	v21 =	vadd.f32 v46, v22  }
0x86: {  	v49 =	vnsel vm15, $0x0, v42;
	v48 =	vld.idx.msk [tilespmem:v33+s9+$0x0], $0xffff;
	v16 =	vadd.f32 v47, v16;
	v17 =	vadd.f32 v23, v45  }
0x87: {  	v50 =	vnsel vm3, $0x0, v63;
	v20 =	vnsel vm3, $0x0, v39;
	v21 =	vadd.f32 v49, v21  }
0x88: {  	v51 =	vnsel vm3, $0x0, v41;
	v52 =	vld.idx.msk [tilespmem:v8+s21+$0x0 ss:$0x1], $0xffff;
	v16 =	vadd.f32 v50, v16;
	v17 =	vadd.f32 v20, v17  }
0x89: {  	v53 =	vnsel vm1, $0x0, v40;
	v54 =	vnsel vm1, $0x0, v44;
	v20 =	vadd.f32 v51, v21  }
0x8a: {  	v16 =	vadd.f32 v53, v16;
	v17 =	vadd.f32 v54, v17  }
0x8b: {  	v57 =	vmul.f32 v24, v24;
	v55 =	vpop (erf);
	v26 =	vmul.f32 @p3 v37, v37;
	v56 =	vld.idx.msk [tilespmem:v9+s21+$0x0 ss:$0x1], $0xffff;
	v25 =	vnsel vm1, $0x0, v48  }
0x8c: {  	v20 =	vadd.f32 v25, v20;
	v16 =	vmul.f32 v16, v55;
	v17 =	vmul.f32 v17, v55  }
0x8d: {  	s0 =	sadd.s32 @p4 $0x10, s0;
	s2 =	smov.u32 s24;
	v26 =	vadd.f32 @p3 v26, v29;
	v62 =	vadd.s32 $0x9A2, v6;
	v59 =	vmul.f32 v52, v52  }
0x8e: {  	s2 =	smov.u32 @p4 s0;
	v20 =	vmul.f32 v20, v55;
	v16 =	vsub.f32 v24, v16;
	v17 =	vsub.f32 v52, v17  }
0x8f: {  	v23 =	vadd.s32 @p3 $0x9A2, v6;
	v21 =	vmov @p3 s2;
	v25 =	vmul.f32 @p3 v30, v30  }
0x90: {  	v20 =	vsub.f32 v56, v20;
	v16 =	vmul.f32 v16, v16;
	v17 =	vmul.f32 v17, v17  }
0x91: {  	vm1 =	vlt.u32 @p3 v21, v23;
	v21 =	vmul.f32 @p3 v32, v32;
	v23 =	vadd.f32 @p3 v25, v31  }
0x92: {  	s0 =	sadd.s32 @p3 $0x10, s2;
	s2 =	smov.u32 s24;
	v25 =	vnsel @p3 vm1, $0x0, v26;
	v58 =	vmul.f32 v20, v20;
	v16 =	vadd.f32 v17, v16  }
0x93: {  	v60 =	vmul.f32 v56, v56;
	s2 =	smov.u32 @p3 s0;
	v19 =	vadd.f32 @p3 v25, v19;
	v21 =	vadd.f32 @p3 v21, v23  }
0x94: {  	(xrf2) =	vadd.scan.msk.f32 $0xffff, v15;
	v63 =	vadd.f32 v59, v57;
	v61 =	vmov s2;
	v16 =	vadd.f32 v58, v16  }
0x95: {  	(xrf2) =	vadd.scan.msk.f32 $0xffff, v14;
	v19 =	vpsel p3, v19, v13;
	v21 =	vnsel @p3 vm1, $0x0, v21;
	vm1 =	vlt.u32 v61, v62  }
0x96: {  	v18 =	vadd.f32 @p3 v21, v18;
	v17 =	vadd.f32 v60, v63;
	v16 =	vnsel vm1, $0x0, v16  }
0x97: {  	v15 =	vadd.f32 v16, v19  }
0x98: {  	v13 =	vpsel p3, v18, v13;
	v14 =	vnsel vm1, $0x0, v17  }
0x99: {  	v13 =	vadd.f32 v14, v13;
	(xrf2) =	vadd.scan.msk.f32 $0xffff, v15;
	_ =	sdelay $0x1  }
0x9a: {  	(xrf2) =	vadd.scan.msk.f32 $0xffff, v13;
	_ =	sdelay $0x2  }
0x9b: {  	v13, _, _ =	vpop (xrf2)  }
0x9c: {  	v14, _, _ =	vpop (xrf2)  }
0x9d: {  	v14 =	vbroadcast v14, $0xF;
	_ =	sdelay $0x1  }
0x9e: {  	v13 =	vbroadcast v13, $0xF;
	v14 =	vnsel vm9, $0x0, v14  }
0x9f: {  	v15, _, _ =	vpop (xrf2)  }
0xa0: {  	v13 =	vnsel vm8, $0x0, v13;
	v15 =	vbroadcast v15, $0xF  }
0xa1: {  	v13 =	vadd.f32 v14, v13;
	v14, _, _ =	vpop (xrf2)  }
0xa2: {  	v14 =	vbroadcast v14, $0xF;
	v15 =	vnsel vm10, $0x0, v15  }
0xa3: {  	v13 =	vadd.f32 v15, v13  }
0xa4: {  	v14 =	vnsel vm11, $0x0, v14  }
0xa5: {  	v13 =	vadd.f32 v14, v13;
	_ =	sdelay $0x1  }
0xa6: {  	s28 =	rddreg [dreg:$0x15];
	[tilespmem:$0xA100] =	vst v13  }
0xa7: {  	[hbm4b:s28+s31] =	stream.linear.scatter [tilespmem:s30], [sflag:$0x2], $0x10, $0x38;
	[tilespmem:$0xA180] =	vst v63  }
0xa8: {  	_ =	swait.ge [sflag:s12], $0x10  }
0xa9: {  	[sflag:s12] =	ssyncset.done $0x0  }
0xaa: {  	[sflag:s12] =	ssyncadd.s32 $0xFFFFFFF0  }
.LBB2_35:
0xab: {  	s20 =	sadd.s32 $0x1, s20  }
0xac: {  	p3 =	sne.s32 s20, s14  }
.Ltmp1:
0xad: {  	_ = 	snop;
	(pc) =	sbr.rel @!p3 .LBB2_36-.Ltmp1, $1  }
0xae: {  	_ =	sdelay $0x3  }
.LBB2_1:
.Ltmp2:
0xaf: {  	(pc) =	sbr.rel @p0 .LBB2_7-.Ltmp2, $1  }
0xb0: {  	_ =	sdelay $0x3  }
0xb1: {  	s2 =	rddreg [dreg:$0x2]  }
0xb2: {  	s0 =	simm.s32 $0x0;
	s21 =	rddreg [dreg:$0x3]  }
0xb3: {  	[tilespmem:s0], [sflag:$0x1] =	stream.linear.gather [hbm4b:s2+s0], $0xA0, $0x38;
	[tilespmem:$0xA180] =	vst v63  }
0xb4: {  	s3 =	rddreg [dreg:$0x4]  }
0xb5: {  	[tilespmem:s29], [sflag:$0x1] =	stream.linear.gather [hbm4b:s21+s0], $0xA0, $0x38;
	[tilespmem:$0xA180] =	vst v63  }
0xb6: {  	s17 =	rddreg [dreg:$0x5]  }
0xb7: {  	[tilespmem:s7], [sflag:$0x1] =	stream.linear.gather [hbm4b:s3+s0], $0x800, $0x38;
	[tilespmem:$0xA180] =	vst v63  }
0xb8: {  	s21 =	sld [smem:$0x7F4]  }
0xb9: {  	[tilespmem:s8], [sflag:$0x1] =	stream.linear.gather [hbm4b:s17+s0], $0xA0, $0x38;
	[tilespmem:$0xA180] =	vst v63  }
0xba: {  	s3 =	simm.s32 $0x2800;
	s17 =	rddreg [dreg:$0x6]  }
0xbb: {  	[tilespmem:s3], [sflag:$0x1] =	stream.linear.gather [hbm4b:s21+s0], $0xA0, $0x38;
	[tilespmem:$0xA180] =	vst v63  }
0xbc: {  	s21 =	rddreg [dreg:$0x7]  }
0xbd: {  	[tilespmem:s10], [sflag:$0x1] =	stream.linear.gather [hbm4b:s17+s0], $0x800, $0x38;
	[tilespmem:$0xA180] =	vst v63  }
0xbe: {  	s3 =	sld [smem:$0x7F5]  }
0xbf: {  	[tilespmem:s11], [sflag:$0x1] =	stream.linear.gather [hbm4b:s21+s0], $0xA0, $0x38;
	[tilespmem:$0xA180] =	vst v63  }
0xc0: {  	s17 =	simm.s32 $0x3200  }
0xc1: {  	[tilespmem:s17], [sflag:$0x1] =	stream.linear.gather [hbm4b:s3+s0], $0xA0, $0x38;
	[tilespmem:$0xA180] =	vst v63  }
0xc2: {  	s21 =	rddreg [dreg:$0x8]  }
0xc3: {  	[tilespmem:s13], [sflag:$0x1] =	stream.linear.gather [hbm4b:s21+s0], $0x800, $0x38;
	[tilespmem:$0xA180] =	vst v63  }
0xc4: {  	s3 =	rddreg [dreg:$0x11]  }
0xc5: {  	[tilespmem:s16], [sflag:$0x1] =	stream.linear.gather [hbm4b:s3+s0], $0xA0, $0x38;
	[tilespmem:$0xA180] =	vst v63  }
0xc6: {  	s17 =	rddreg [dreg:$0x16];
	s21 =	simm.s32 $0x7C00  }
0xc7: {  	[tilespmem:s21], [sflag:$0x1] =	stream.linear.gather [hbm4b:s17+s0], $0xF0, $0x38;
	[tilespmem:$0xA180] =	vst v63  }
0xc8: {  	s17 =	rddreg [dreg:$0x17];
	s21 =	simm.s32 $0x8380  }
0xc9: {  	[tilespmem:s21], [sflag:$0x1] =	stream.linear.gather [hbm4b:s17+s0], $0xF0, $0x38;
	[tilespmem:$0xA180] =	vst v63  }
0xca: {  	s17 =	rddreg [dreg:$0x14];
	s21 =	simm.s32 $0x8B00  }
0xcb: {  	[tilespmem:s21], [sflag:$0x1] =	stream.linear.gather [hbm4b:s17+s0], $0x50, $0x38;
	[tilespmem:$0xA180] =	vst v63  }
0xcc: {  	s17 =	sld [smem:$0x7F6];
	_ =	sdelay $0x1  }
0xcd: {  	s21 =	simm.s32 $0x8D70  }
0xce: {  	[tilespmem:s21], [sflag:$0x1] =	stream.linear.gather [hbm4b:s17+s0], $0x50, $0x38;
	[tilespmem:$0xA180] =	vst v63  }
0xcf: {  	s17 =	sld [smem:$0x7F7];
	_ =	sdelay $0x1  }
0xd0: {  	s21 =	simm.s32 $0x8FE0  }
0xd1: {  	[tilespmem:s21], [sflag:$0x1] =	stream.linear.gather [hbm4b:s17+s0], $0x50, $0x38;
	[tilespmem:$0xA180] =	vst v63  }
0xd2: {  	s17 =	sld [smem:$0x7F8];
	_ =	sdelay $0x1  }
0xd3: {  	s21 =	simm.s32 $0x9250  }
0xd4: {  	[tilespmem:s21], [sflag:$0x1] =	stream.linear.gather [hbm4b:s17+s0], $0x50, $0x38;
	[tilespmem:$0xA180] =	vst v63  }
0xd5: {  	s17 =	sld [smem:$0x7F9];
	_ =	sdelay $0x1  }
0xd6: {  	s21 =	simm.s32 $0x94C0  }
0xd7: {  	[tilespmem:s21], [sflag:$0x1] =	stream.linear.gather [hbm4b:s17+s0], $0x50, $0x38;
	[tilespmem:$0xA180] =	vst v63  }
0xd8: {  	s17 =	sld [smem:$0x7FA];
	_ =	sdelay $0x1  }
0xd9: {  	s21 =	simm.s32 $0x9730  }
0xda: {  	[tilespmem:s21], [sflag:$0x1] =	stream.linear.gather [hbm4b:s17+s0], $0x50, $0x38;
	[tilespmem:$0xA180] =	vst v63  }
0xdb: {  	s17 =	sld [smem:$0x7FB];
	_ =	sdelay $0x1  }
0xdc: {  	s21 =	simm.s32 $0x99A0  }
0xdd: {  	[tilespmem:s21], [sflag:$0x1] =	stream.linear.gather [hbm4b:s17+s0], $0x50, $0x38;
	[tilespmem:$0xA180] =	vst v63  }
0xde: {  	s17 =	sld [smem:$0x7FC];
	_ =	sdelay $0x1  }
0xdf: {  	s21 =	sld [smem:$0x7FD]  }
0xe0: {  	[tilespmem:s4], [sflag:$0x1] =	stream.linear.gather [hbm4b:s17+s0], $0x50, $0x38;
	[tilespmem:$0xA180] =	vst v63  }
0xe1: {  	_ = 	snop  }
0xe2: {  	[tilespmem:s6], [sflag:$0x1] =	stream.linear.gather [hbm4b:s21+s0], $0x50, $0x38;
	[tilespmem:$0xA180] =	vst v63  }
0xe3: {  	_ =	swait.ge [sflag:s15], $0xA0  }
0xe4: {  	[sflag:s15] =	ssyncset.done $0x0  }
0xe5: {  	[sflag:s15] =	ssyncadd.s32 $0xFFFFFF60  }
0xe6: {  	_ =	swait.ge [sflag:s15], $0xA0  }
0xe7: {  	[sflag:s15] =	ssyncset.done $0x0  }
0xe8: {  	[sflag:s15] =	ssyncadd.s32 $0xFFFFFF60  }
0xe9: {  	_ =	swait.ge [sflag:s15], $0x800  }
0xea: {  	[sflag:s15] =	ssyncset.done $0x0  }
0xeb: {  	[sflag:s15] =	ssyncadd.s32 $0xFFFFF800  }
0xec: {  	_ =	swait.ge [sflag:s15], $0xA0  }
0xed: {  	[sflag:s15] =	ssyncset.done $0x0  }
0xee: {  	[sflag:s15] =	ssyncadd.s32 $0xFFFFFF60  }
0xef: {  	_ =	swait.ge [sflag:s15], $0xA0  }
0xf0: {  	[sflag:s15] =	ssyncset.done $0x0  }
0xf1: {  	[sflag:s15] =	ssyncadd.s32 $0xFFFFFF60  }
0xf2: {  	_ =	swait.ge [sflag:s15], $0x800  }
0xf3: {  	[sflag:s15] =	ssyncset.done $0x0  }
0xf4: {  	[sflag:s15] =	ssyncadd.s32 $0xFFFFF800  }
0xf5: {  	_ =	swait.ge [sflag:s15], $0xA0  }
0xf6: {  	[sflag:s15] =	ssyncset.done $0x0  }
0xf7: {  	[sflag:s15] =	ssyncadd.s32 $0xFFFFFF60  }
0xf8: {  	_ =	swait.ge [sflag:s15], $0xA0  }
0xf9: {  	[sflag:s15] =	ssyncset.done $0x0  }
0xfa: {  	[sflag:s15] =	ssyncadd.s32 $0xFFFFFF60  }
0xfb: {  	_ =	swait.ge [sflag:s15], $0x800  }
0xfc: {  	[sflag:s15] =	ssyncset.done $0x0  }
0xfd: {  	[sflag:s15] =	ssyncadd.s32 $0xFFFFF800  }
0xfe: {  	_ =	swait.ge [sflag:s15], $0xA0  }
0xff: {  	[sflag:s15] =	ssyncset.done $0x0  }
0x100: {  	[sflag:s15] =	ssyncadd.s32 $0xFFFFFF60  }
0x101: {  	_ =	swait.ge [sflag:s15], $0xF0  }
0x102: {  	[sflag:s15] =	ssyncset.done $0x0  }
0x103: {  	[sflag:s15] =	ssyncadd.s32 $0xFFFFFF10  }
0x104: {  	_ =	swait.ge [sflag:s15], $0xF0  }
0x105: {  	[sflag:s15] =	ssyncset.done $0x0  }
0x106: {  	[sflag:s15] =	ssyncadd.s32 $0xFFFFFF10  }
0x107: {  	_ =	swait.ge [sflag:s15], $0x50  }
0x108: {  	[sflag:s15] =	ssyncset.done $0x0  }
0x109: {  	[sflag:s15] =	ssyncadd.s32 $0xFFFFFFB0  }
0x10a: {  	_ =	swait.ge [sflag:s15], $0x50  }
0x10b: {  	[sflag:s15] =	ssyncset.done $0x0  }
0x10c: {  	[sflag:s15] =	ssyncadd.s32 $0xFFFFFFB0  }
0x10d: {  	_ =	swait.ge [sflag:s15], $0x50  }
0x10e: {  	[sflag:s15] =	ssyncset.done $0x0  }
0x10f: {  	[sflag:s15] =	ssyncadd.s32 $0xFFFFFFB0  }
0x110: {  	_ =	swait.ge [sflag:s15], $0x50  }
0x111: {  	[sflag:s15] =	ssyncset.done $0x0  }
0x112: {  	[sflag:s15] =	ssyncadd.s32 $0xFFFFFFB0  }
0x113: {  	_ =	swait.ge [sflag:s15], $0x50  }
0x114: {  	[sflag:s15] =	ssyncset.done $0x0  }
0x115: {  	[sflag:s15] =	ssyncadd.s32 $0xFFFFFFB0  }
0x116: {  	_ =	swait.ge [sflag:s15], $0x50  }
0x117: {  	[sflag:s15] =	ssyncset.done $0x0  }
0x118: {  	[sflag:s15] =	ssyncadd.s32 $0xFFFFFFB0  }
0x119: {  	_ =	swait.ge [sflag:s15], $0x50  }
0x11a: {  	[sflag:s15] =	ssyncset.done $0x0  }
0x11b: {  	[sflag:s15] =	ssyncadd.s32 $0xFFFFFFB0  }
0x11c: {  	_ =	swait.ge [sflag:s15], $0x50  }
0x11d: {  	[sflag:s15] =	ssyncset.done $0x0  }
0x11e: {  	[sflag:s15] =	ssyncadd.s32 $0xFFFFFFB0  }
0x11f: {  	_ =	swait.ge [sflag:s15], $0x50  }
0x120: {  	[sflag:s15] =	ssyncset.done $0x0  }
0x121: {  	[sflag:s15] =	ssyncadd.s32 $0xFFFFFFB0  }
0x122: {  	v13 =	vld [tilespmem:$0x1E00]  }
0x123: {  	v14 =	vld [tilespmem:$0x0]  }
0x124: {  	v15 =	vld [tilespmem:$0x2800]  }
0x125: {  	v16 =	vld [tilespmem:$0xA00]  }
0x126: {  	v17 =	vld [tilespmem:$0x3200]  }
0x127: {  	v18 =	vld [tilespmem:$0x1400]  }
0x128: {  	v19 =	vld [tilespmem:$0x1E10]  }
0x129: {  	v20 =	vld [tilespmem:$0x10]  }
0x12a: {  	v21 =	vld [tilespmem:$0x2810]  }
0x12b: {  	v22 =	vld [tilespmem:$0xA10]  }
0x12c: {  	v23 =	vld [tilespmem:$0x3210]  }
0x12d: {  	v24 =	vld [tilespmem:$0x1410]  }
0x12e: {  	v25 =	vld [tilespmem:$0x1E20]  }
0x12f: {  	v26 =	vld [tilespmem:$0x20]  }
0x130: {  	v27 =	vld [tilespmem:$0x2820]  }
0x131: {  	v28 =	vld [tilespmem:$0xA20]  }
0x132: {  	v29 =	vld [tilespmem:$0x3220]  }
0x133: {  	v30 =	vld [tilespmem:$0x1420]  }
0x134: {  	v31 =	vld [tilespmem:$0x1E30]  }
0x135: {  	v32 =	vld [tilespmem:$0x30]  }
0x136: {  	v33 =	vld [tilespmem:$0x2830]  }
0x137: {  	v34 =	vld [tilespmem:$0xA30]  }
0x138: {  	v35 =	vld [tilespmem:$0x3230]  }
0x139: {  	v36 =	vld [tilespmem:$0x1430]  }
0x13a: {  	v37 =	vld [tilespmem:$0x1E40]  }
0x13b: {  	v38 =	vld [tilespmem:$0x40]  }
0x13c: {  	v39 =	vld [tilespmem:$0x2840]  }
0x13d: {  	v40 =	vld [tilespmem:$0xA40]  }
0x13e: {  	v41 =	vld [tilespmem:$0x3240]  }
0x13f: {  	v42 =	vld [tilespmem:$0x1440]  }
0x140: {  	v43 =	vld [tilespmem:$0x1E50]  }
0x141: {  	v44 =	vld [tilespmem:$0x50]  }
0x142: {  	v45 =	vld [tilespmem:$0x2850]  }
0x143: {  	v46 =	vld [tilespmem:$0xA50]  }
0x144: {  	v47 =	vld [tilespmem:$0x3250]  }
0x145: {  	v13 =	vsub.f32 v13, v14;
	v14 =	vld [tilespmem:$0x1450]  }
0x146: {  	v15 =	vsub.f32 v15, v16;
	v16 =	vld [tilespmem:$0x1E60]  }
0x147: {  	[tilespmem:$0x3C00] =	vst v13;
	v13 =	vsub.f32 v17, v18;
	v17 =	vld [tilespmem:$0x60]  }
0x148: {  	[tilespmem:$0x4600] =	vst v15;
	v15 =	vsub.f32 v19, v20;
	v18 =	vld [tilespmem:$0x2860]  }
0x149: {  	v19 =	vld [tilespmem:$0xA60];
	[tilespmem:$0x5000] =	vst v13;
	v13 =	vsub.f32 v21, v22  }
0x14a: {  	v20 =	vld [tilespmem:$0x3260];
	[tilespmem:$0x3C10] =	vst v15;
	v15 =	vsub.f32 v23, v24  }
0x14b: {  	v21 =	vld [tilespmem:$0x1460];
	v14 =	vsub.f32 v47, v14;
	[tilespmem:$0x4610] =	vst v13  }
0x14c: {  	v22 =	vld [tilespmem:$0x1E70];
	v13 =	vsub.f32 v25, v26;
	[tilespmem:$0x5010] =	vst v15  }
0x14d: {  	v23 =	vld [tilespmem:$0x70];
	v15 =	vsub.f32 v27, v28;
	[tilespmem:$0x5050] =	vst v14  }
0x14e: {  	v24 =	vld [tilespmem:$0x2870];
	[tilespmem:$0x3C20] =	vst v13;
	v13 =	vsub.f32 v29, v30  }
0x14f: {  	v25 =	vld [tilespmem:$0xA70];
	v14 =	vsub.f32 v18, v19;
	[tilespmem:$0x4620] =	vst v15  }
0x150: {  	v26 =	vld [tilespmem:$0x3270];
	[tilespmem:$0x5020] =	vst v13;
	v13 =	vsub.f32 v33, v34  }
0x151: {  	v27 =	vld [tilespmem:$0x1470];
	v15 =	vsub.f32 v31, v32;
	[tilespmem:$0x4660] =	vst v14  }
0x152: {  	v28 =	vld [tilespmem:$0x1E80];
	[tilespmem:$0x4630] =	vst v13;
	v13 =	vsub.f32 v37, v38  }
0x153: {  	v18 =	vld [tilespmem:$0x90];
	[tilespmem:$0x3C30] =	vst v15;
	v15 =	vsub.f32 v35, v36  }
0x154: {  	v19 =	vld [tilespmem:$0x2890];
	[tilespmem:$0x3C40] =	vst v13;
	v13 =	vsub.f32 v41, v42  }
0x155: {  	v29 =	vld [tilespmem:$0x80];
	[tilespmem:$0x5030] =	vst v15;
	v15 =	vsub.f32 v39, v40  }
0x156: {  	v30 =	vld [tilespmem:$0x2880];
	[tilespmem:$0x5040] =	vst v13;
	v13 =	vsub.f32 v45, v46  }
0x157: {  	v31 =	vld [tilespmem:$0xA80];
	[tilespmem:$0x4640] =	vst v15;
	v15 =	vsub.f32 v43, v44  }
0x158: {  	v14 =	vsub.f32 v22, v23;
	v22 =	vld [tilespmem:$0x1490];
	[tilespmem:$0x4650] =	vst v13;
	v13 =	vsub.f32 v16, v17  }
0x159: {  	[tilespmem:$0x3C50] =	vst v15;
	v15 =	vld [tilespmem:$0x3280]  }
0x15a: {  	v17 =	vld [tilespmem:$0x1E90];
	[tilespmem:$0x3C60] =	vst v13;
	v13 =	vsub.f32 v20, v21  }
0x15b: {  	[tilespmem:$0x3C70] =	vst v14;
	v14 =	vsub.f32 v26, v27;
	v16 =	vld [tilespmem:$0x1480]  }
0x15c: {  	v21 =	vld [tilespmem:$0x3290];
	[tilespmem:$0x5060] =	vst v13;
	v13 =	vsub.f32 v24, v25  }
0x15d: {  	[tilespmem:$0x5070] =	vst v14;
	v14 =	vsub.f32 v30, v31;
	v20 =	vld [tilespmem:$0xA90]  }
0x15e: {  	[tilespmem:$0x4670] =	vst v13;
	v13 =	vsub.f32 v28, v29  }
0x15f: {  	[tilespmem:$0x4680] =	vst v14;
	v14 =	vsub.f32 v17, v18  }
0x160: {  	[tilespmem:$0x3C80] =	vst v13;
	v13 =	vsub.f32 v15, v16  }
0x161: {  	[tilespmem:$0x3C90] =	vst v14;
	v14 =	vsub.f32 v21, v22  }
0x162: {  	[tilespmem:$0x5080] =	vst v13;
	v13 =	vsub.f32 v19, v20  }
0x163: {  	[tilespmem:$0x5090] =	vst v14  }
0x164: {  	s29 =	simm.s32 $0x0;
	[tilespmem:$0x4690] =	vst v13  }
0x165: {  	v13 =	vld [tilespmem:s29+$0x7C00];
	_ =	sdelay $0x4  }
0x166: {  	v14 =	vld [tilespmem:s29+$0x8380];
	_ =	sdelay $0x2  }
0x167: {  	v15 =	vld.idx.msk [tilespmem:v13+s16+$0x0], $0xffff  }
0x168: {  	s31 =	simm.s32 $0x10  }
0x169: {  	v18 =	vld [tilespmem:s31+$0x8380]  }
0x16a: {  	v19 =	vld [tilespmem:s31+$0x7C00]  }
0x16b: {  	v16 =	vld.idx.msk [tilespmem:v13+s0+$0x0], $0xffff  }
0x16c: {  	v17 =	vld.idx.msk [tilespmem:v14+s0+$0x0], $0xffff;
	v15 =	vand.u32 $0x7FF, v15  }
0x16d: {  	v20 =	vld.idx.msk [tilespmem:v13+s8+$0x0], $0xffff  }
0x16e: {  	v21 =	vld.idx.msk [tilespmem:v14+s8+$0x0], $0xffff  }
0x16f: {  	v13 =	vld.idx.msk [tilespmem:v13+s11+$0x0], $0xffff  }
0x170: {  	v14 =	vld.idx.msk [tilespmem:v14+s11+$0x0], $0xffff  }
0x171: {  	v30 =	vld.idx.msk [tilespmem:v15+s7+$0x0], $0xffff  }
0x172: {  	v31 =	vld.idx.msk [tilespmem:v15+s10+$0x0], $0xffff;
	_ =	sdelay $0x1  }
0x173: {  	v32 =	vsub.f32 v16, v17;
	v39 =	vsub.f32 v20, v21;
	v40 =	vld.idx.msk [tilespmem:v15+s13+$0x0], $0xffff;
	_ =	sdelay $0x1  }
0x174: {  	v41 =	vsub.f32 v13, v14;
	v13 =	vmul.f32 v32, v32;
	v14 =	vmul.f32 v39, v39;
	v15 =	vld.idx.msk [tilespmem:v19+s16+$0x0], $0xffff  }
0x175: {  	v16 =	vmul.f32 v30, v30;
	v17 =	vmul.f32 v31, v31  }
0x176: {  	s21 =	simm.s32 $0x20;
	v21 =	vmul.f32 v41, v41  }
0x177: {  	v24 =	vld [tilespmem:s21+$0x7C00];
	v13 =	vadd.f32 v14, v13;
	v14 =	vadd.f32 v17, v16;
	v16 =	vmul.f32 v40, v40  }
0x178: {  	v22 =	vld.idx.msk [tilespmem:v18+s0+$0x0], $0xffff  }
0x179: {  	v20 =	vld.idx.msk [tilespmem:v19+s0+$0x0], $0xffff;
	v17 =	vand.u32 $0x7FF, v15;
	v15 =	vadd.f32 v21, v13;
	v13 =	vadd.f32 v16, v14  }
0x17a: {  	v14 =	vld.idx.msk [tilespmem:v19+s8+$0x0], $0xffff  }
0x17b: {  	v16 =	vld.idx.msk [tilespmem:v18+s8+$0x0], $0xffff;
	v13 =	vmul.f32 v13, v15  }
0x17c: {  	v19 =	vld.idx.msk [tilespmem:v19+s11+$0x0], $0xffff  }
0x17d: {  	v18 =	vld.idx.msk [tilespmem:v18+s11+$0x0], $0xffff;
	v13 =	vmax.f32 v13, $1.000000020e-24  }
0x17e: {  	v21 =	vld.idx.msk [tilespmem:v17+s7+$0x0], $0xffff;
	v26 =	vshra.s32 v13, $0x1;
	v63 =	vmul.f32 $5.000000000e-01, v13  }
0x17f: {  	v25 =	vld.idx.msk [tilespmem:v17+s10+$0x0], $0xffff;
	v13 =	vsub.s32 $0x5F3759DF, v26  }
0x180: {  	v23 =	vld [tilespmem:s21+$0x8380];
	v27 =	vmul.f32 v13, v63  }
0x181: {  	v28 =	vsub.f32 v20, v22;
	v17 =	vld.idx.msk [tilespmem:v17+s13+$0x0], $0xffff;
	v26 =	vsub.f32 v14, v16  }
0x182: {  	v14 =	vld.idx.msk [tilespmem:v24+s16+$0x0], $0xffff;
	v16 =	vmul.f32 v13, v27  }
0x183: {  	v18 =	vsub.f32 v19, v18;
	v19 =	vmul.f32 v28, v28;
	v20 =	vmul.f32 v26, v26  }
0x184: {  	s3 =	simm.s32 $0x30;
	v22 =	vmul.f32 v21, v21;
	v27 =	vmul.f32 v25, v25;
	v16 =	vsub.f32 $1.500000000e+00, v16  }
0x185: {  	v52 =	vld [tilespmem:s3+$0x8380];
	v29 =	vmul.f32 v18, v18;
	v19 =	vadd.f32 v20, v19  }
0x186: {  	v53 =	vld [tilespmem:s3+$0x7C00];
	v22 =	vadd.f32 v27, v22;
	v27 =	vmul.f32 v17, v17;
	v13 =	vmul.f32 v13, v16  }
0x187: {  	v51 =	vld.idx.msk [tilespmem:v24+s0+$0x0], $0xffff;
	v14 =	vand.u32 $0x7FF, v14  }
0x188: {  	v54 =	vld.idx.msk [tilespmem:v23+s8+$0x0], $0xffff;
	v16 =	vadd.f32 v29, v19;
	v19 =	vadd.f32 v27, v22;
	v22 =	vmul.f32 v13, v63  }
0x189: {  	v20 =	vld.idx.msk [tilespmem:v23+s0+$0x0], $0xffff  }
0x18a: {  	v27 =	vld.idx.msk [tilespmem:v24+s8+$0x0], $0xffff;
	v19 =	vmul.f32 v19, v16;
	v22 =	vmul.f32 v22, v13  }
0x18b: {  	v55 =	vld.idx.msk [tilespmem:v23+s11+$0x0], $0xffff  }
0x18c: {  	v24 =	vld.idx.msk [tilespmem:v24+s11+$0x0], $0xffff;
	v19 =	vmax.f32 v19, $1.000000020e-24;
	v23 =	vsub.f32 $1.500000000e+00, v22  }
0x18d: {  	v32 =	vmul.f32 v30, v32;
	v56 =	vshra.s32 v19, $0x1;
	v29 =	vmul.f32 $5.000000000e-01, v19;
	v19 =	vld.idx.msk [tilespmem:v14+s10+$0x0], $0xffff  }
0x18e: {  	v31 =	vmul.f32 v31, v39;
	v22 =	vld.idx.msk [tilespmem:v14+s7+$0x0], $0xffff;
	v57 =	vmul.f32 v23, v13  }
0x18f: {  	v27 =	vsub.f32 v27, v54;
	v36 =	vsub.s32 $0x5F3759DF, v56;
	v23 =	vsub.f32 v51, v20  }
0x190: {  	v13 =	vmul.f32 v36, v29;
	v20 =	vld.idx.msk [tilespmem:v14+s13+$0x0], $0xffff;
	v14 =	vmul.f32 v57, v63  }
0x191: {  	v58 =	vld.idx.msk [tilespmem:v53+s16+$0x0], $0xffff;
	v34 =	vmul.f32 v27, v27;
	v33 =	vmul.f32 v23, v23  }
0x192: {  	v24 =	vsub.f32 v24, v55;
	v13 =	vmul.f32 v36, v13;
	v14 =	vmul.f32 v14, v57  }
0x193: {  	s17 =	simm.s32 $0x40;
	v60 =	vmul.f32 v19, v19;
	v59 =	vmul.f32 v22, v22  }
0x194: {  	v37 =	vld [tilespmem:s17+$0x7C00];
	v62 =	vmul.f32 v24, v24;
	v13 =	vsub.f32 $1.500000000e+00, v13;
	v14 =	vsub.f32 $1.500000000e+00, v14  }
0x195: {  	v61 =	vld.idx.msk [tilespmem:v53+s0+$0x0], $0xffff;
	v48 =	vadd.f32 v34, v33;
	v44 =	vadd.f32 v60, v59;
	v49 =	vmul.f32 v20, v20  }
0x196: {  	v50 =	vld.idx.msk [tilespmem:v52+s0+$0x0], $0xffff;
	v35 =	vand.u32 $0x7FF, v58;
	v33 =	vmul.f32 v36, v13;
	v38 =	vmul.f32 v14, v57  }
0x197: {  	v42 =	vld.idx.msk [tilespmem:v52+s8+$0x0], $0xffff;
	v47 =	vmul.f32 v40, v41;
	v44 =	vadd.f32 v49, v44;
	v14 =	vadd.f32 v62, v48  }
0x198: {  	v45 =	vld.idx.msk [tilespmem:v52+s11+$0x0], $0xffff;
	v30 =	vmul.f32 v33, v29;
	v63 =	vmul.f32 v38, v63  }
0x199: {  	v39 =	vld.idx.msk [tilespmem:v53+s11+$0x0], $0xffff;
	v43 =	vadd.f32 v31, v32;
	v32 =	vimm.f32 $0.0e+00;
	v48 =	vmul.f32 v44, v14  }
0x19a: {  	v31 =	vimm.f32 $0.0e+00;
	v36 =	vld.idx.msk [tilespmem:v53+s8+$0x0], $0xffff;
	v49 =	vmul.f32 v30, v33;
	v46 =	vmul.f32 v63, v38  }
0x19b: {  	s28 =	simm.s32 $0xC0;
	s2 =	simm.s32 $0x140;
	v34 =	vld [tilespmem:s17+$0x8380];
	s17 =	smov.u32 s1;
	v13 =	vimm.f32 $0.0e+00;
	v44 =	vmov s1;
	v30 =	vsub.f32 v61, v50  }
.LBB2_3:
0x19c: {  	p3 =	sne.s32 s2, $0x380;
	v40 =	vld.idx.msk [tilespmem:v35+s7+$0x0], $0xffff;
	v41 =	vmax.f32 v48, $1.000000020e-24;
	v48 =	vsub.f32 $1.500000000e+00, v49;
	v46 =	vsub.f32 $1.500000000e+00, v46;
	v49 =	vmovc v29;
	v50 =	vmovc v26  }
0x19d: {  	v26 =	vmovc v27;
	v51 =	vld.idx.msk [tilespmem:v35+s10+$0x0], $0xffff;
	v53 =	vshra.s32 v41, $0x1;
	v29 =	vmul.f32 $5.000000000e-01, v41;
	v41 =	vadd.f32 v47, v43;
	v47 =	vmovc v17  }
0x19e: {  	v52 =	vmovc v18;
	v17 =	vmovc v20;
	v43 =	vsub.s32 $0x5F3759DF, v53;
	v48 =	vmul.f32 v48, v33;
	v33 =	vmul.f32 v46, v38  }
0x19f: {  	v18 =	vmovc v24;
	v27 =	vsub.f32 v36, v42;
	v20 =	vld.idx.msk [tilespmem:v35+s13+$0x0], $0xffff;
	v35 =	vmul.f32 v43, v29;
	v36 =	vand.u32 $0x7FFFFFFF, v41  }
0x1a0: {  	vm1 =	vlt.u32 v44, v10;
	v38 =	vld.idx.msk [tilespmem:v37+s16+$0x0], $0xffff;
	v41 =	vmul.f32 v48, v49;
	v33 =	vmul.f32 v33, v36  }
0x1a1: {  	v24 =	vsub.f32 v39, v45;
	v36 =	vmul.f32 v30, v30;
	v39 =	vmul.f32 v27, v27;
	v45 =	vmovc v34  }
0x1a2: {  	v44 =	vmovc v37;
	v42 =	vmovc v15;
	v35 =	vmul.f32 v43, v35;
	v56 =	vmul.f32 v41, v48;
	v33 =	vnsel vm1, $0x0, v33  }
0x1a3: {  	v15 =	vmovc v16;
	v46 =	vmul.f32 v40, v40;
	v53 =	vmul.f32 v51, v51;
	v32 =	vadd.f32 v33, v32  }
0x1a4: {  	v16 =	vmovc v14;
	v55 =	vmul.f32 v24, v24;
	v33 =	vsub.f32 $1.500000000e+00, v35;
	v54 =	vld.idx.msk [tilespmem:v37+s0+$0x0], $0xffff;
	v37 =	vsub.f32 $1.500000000e+00, v56;
	v41 =	vmovc v28  }
0x1a5: {  	s3 =	sshra.s32 s2, $0x2;
	v14 =	vadd.f32 v39, v36;
	v36 =	vadd.f32 v53, v46;
	v39 =	vmul.f32 v20, v20;
	v56 =	vld.idx.msk [tilespmem:v34+s0+$0x0], $0xffff  }
0x1a6: {  	v28 =	vmovc v23;
	v23 =	vmovc v30;
	v35 =	vand.u32 $0x7FF, v38;
	v33 =	vmul.f32 v43, v33;
	v34 =	vld [tilespmem:s3+$0x8380];
	v38 =	vmul.f32 v37, v48  }
.Ltmp3:
0x1a7: {  	v14 =	vadd.f32 v55, v14;
	v41 =	vmul.f32 v21, v41;
	v21 =	vmovc v22;
	v30 =	vadd.f32 v39, v36;
	v37 =	vld [tilespmem:s3+$0x7C00];
	(pc) =	sbr.rel @p3 .LBB2_3-.Ltmp3, $4  }
0x1a8: {  	v22 =	vmovc v40;
	v39 =	vnsel vm1, $0x0, v42;
	v43 =	vmul.f32 v33, v29;
	v36 =	vld.idx.msk [tilespmem:v44+s8+$0x0], $0xffff;
	v46 =	vmul.f32 v38, v49  }
0x1a9: {  	s17 =	sadd.s32 $0x10, s17;
	v40 =	vmul.f32 v25, v50;
	v31 =	vadd.f32 v39, v31;
	v48 =	vmul.f32 v30, v14;
	v42 =	vld.idx.msk [tilespmem:v45+s8+$0x0], $0xffff  }
0x1aa: {  	v25 =	vmovc v19;
	v19 =	vmovc v51;
	v49 =	vmul.f32 v43, v33;
	v39 =	vld.idx.msk [tilespmem:v44+s11+$0x0], $0xffff;
	v44 =	vmov s17;
	v46 =	vmul.f32 v46, v38  }
0x1ab: {  	s2 =	sadd.s32 $0x40, s2;
	v47 =	vmul.f32 v47, v52;
	v43 =	vadd.f32 v40, v41;
	v30 =	vsub.f32 v54, v56;
	v45 =	vld.idx.msk [tilespmem:v45+s11+$0x0], $0xffff  }
0x1ac: {  	_ =	sdelay $0x3  }
0x1ad: {  	v41 =	vld.idx.msk [tilespmem:v35+s7+$0x0], $0xffff  }
0x1ae: {  	v40 =	vld.idx.msk [tilespmem:v35+s10+$0x0], $0xffff  }
0x1af: {  	v48 =	vmax.f32 v48, $1.000000020e-24;
	v50 =	vld.idx.msk [tilespmem:v37+s16+$0x0], $0xffff;
	v49 =	vsub.f32 $1.500000000e+00, v49;
	v28 =	vmul.f32 v21, v28  }
0x1b0: {  	v35 =	vld.idx.msk [tilespmem:v35+s13+$0x0], $0xffff;
	v46 =	vsub.f32 $1.500000000e+00, v46;
	v25 =	vmul.f32 v25, v26;
	v17 =	vmul.f32 v17, v18  }
0x1b1: {  	v22 =	vmul.f32 v22, v23;
	v51 =	vshra.s32 v48, $0x1;
	v48 =	vmul.f32 $5.000000000e-01, v48  }
0x1b2: {  	v60 =	vmul.f32 v30, v30;
	v43 =	vadd.f32 v47, v43;
	v42 =	vsub.f32 v36, v42  }
0x1b3: {  	v54 =	vld.idx.msk [tilespmem:v37+s0+$0x0], $0xffff;
	v51 =	vsub.s32 $0x5F3759DF, v51;
	v52 =	vmul.f32 v41, v41;
	v53 =	vmul.f32 v40, v40  }
0x1b4: {  	v56 =	vld.idx.msk [tilespmem:v37+s8+$0x0], $0xffff;
	v36 =	vsub.f32 v39, v45;
	v61 =	vmul.f32 v42, v42;
	v50 =	vand.u32 $0x7FF, v50  }
0x1b5: {  	v47 =	vld.idx.msk [tilespmem:v37+s11+$0x0], $0xffff;
	v49 =	vmul.f32 v49, v33;
	v63 =	vmul.f32 v35, v35;
	v52 =	vadd.f32 v53, v52  }
0x1b6: {  	v55 =	vmul.f32 v51, v48;
	v45 =	vld.idx.msk [tilespmem:v34+s0+$0x0], $0xffff;
	v62 =	vmul.f32 v36, v36;
	v39 =	vadd.f32 v61, v60  }
0x1b7: {  	v19 =	vmul.f32 v19, v27;
	v57 =	vmul.f32 v49, v29;
	v60 =	vadd.f32 v63, v52;
	v52 =	vld.idx.msk [tilespmem:v34+s8+$0x0], $0xffff  }
0x1b8: {  	v20 =	vmul.f32 v20, v24;
	v61 =	vmul.f32 v51, v55;
	v33 =	vadd.f32 v62, v39;
	v63 =	vld.idx.msk [tilespmem:v34+s11+$0x0], $0xffff  }
0x1b9: {  	vm1 =	vlt.u32 v44, v10;
	v46 =	vmul.f32 v46, v38;
	v62 =	vmul.f32 v57, v49;
	v38 =	vld.idx.msk [tilespmem:v50+s7+$0x0], $0xffff  }
0x1ba: {  	v25 =	vadd.f32 v25, v28;
	v59 =	vsub.f32 $1.500000000e+00, v61;
	v37 =	vld.idx.msk [tilespmem:v50+s10+$0x0], $0xffff;
	v39 =	vmul.f32 v60, v33  }
0x1bb: {  	v15 =	vnsel vm1, $0x0, v15;
	v45 =	vsub.f32 v54, v45;
	v60 =	vsub.f32 $1.500000000e+00, v62  }
0x1bc: {  	v58 =	vand.u32 $0x7FFFFFFF, v43;
	v51 =	vmul.f32 v51, v59;
	v34 =	vld.idx.msk [tilespmem:v50+s13+$0x0], $0xffff;
	v61 =	vmax.f32 v39, $1.000000020e-24  }
0x1bd: {  	v62 =	vmul.f32 v45, v45;
	v49 =	vmul.f32 v60, v49;
	v39 =	vshra.s32 v61, $0x1  }
0x1be: {  	v57 =	vmul.f32 $5.000000000e-01, v61;
	v43 =	vsub.f32 v56, v52;
	v54 =	vsub.s32 $0x5F3759DF, v39  }
0x1bf: {  	v39 =	vsub.f32 v47, v63;
	v63 =	vmul.f32 v38, v38;
	v60 =	vmul.f32 v37, v37  }
0x1c0: {  	v15 =	vadd.f32 v15, v31;
	v50 =	vmul.f32 v54, v57;
	v52 =	vmul.f32 v43, v43  }
0x1c1: {  	v61 =	vmul.f32 v51, v48;
	v53 =	vadd.f32 v60, v63;
	v63 =	vmul.f32 v34, v34  }
0x1c2: {  	v47 =	vadd.f32 v52, v62;
	v62 =	vmul.f32 v39, v39;
	v50 =	vmul.f32 v54, v50  }
0x1c3: {  	s17 =	sadd.s32 $0x10, s17;
	v19 =	vadd.f32 v19, v22;
	v52 =	vmul.f32 v61, v51;
	v26 =	vadd.f32 v63, v53  }
0x1c4: {  	v31 =	vmov s17;
	v21 =	vadd.f32 v62, v47;
	v50 =	vsub.f32 $1.500000000e+00, v50  }
0x1c5: {  	v46 =	vmul.f32 v46, v58;
	v29 =	vmul.f32 v49, v29;
	v56 =	vsub.f32 $1.500000000e+00, v52  }
0x1c6: {  	v17 =	vadd.f32 v17, v25;
	v58 =	vmul.f32 v54, v50;
	v26 =	vmul.f32 v26, v21  }
0x1c7: {  	v24 =	vld [tilespmem:s29+$0x9730];
	v19 =	vadd.f32 v20, v19;
	v46 =	vnsel vm1, $0x0, v46;
	v44 =	vmul.f32 v56, v51  }
0x1c8: {  	v29 =	vmul.f32 v29, v49;
	v28 =	vmul.f32 v58, v57;
	v26 =	vmax.f32 v26, $1.000000020e-24  }
0x1c9: {  	v59 =	vmul.f32 v44, v48;
	v60 =	vshra.s32 v26, $0x1;
	v26 =	vmul.f32 $5.000000000e-01, v26  }
0x1ca: {  	v20 =	vld [tilespmem:s29+$0x9250];
	v29 =	vsub.f32 $1.500000000e+00, v29;
	v18 =	vmul.f32 v28, v58;
	v28 =	vsub.s32 $0x5F3759DF, v60  }
0x1cb: {  	v32 =	vadd.f32 v46, v32;
	v46 =	vmul.f32 v59, v44;
	v50 =	vmul.f32 v28, v26  }
0x1cc: {  	vm2 =	vgt.s32 v24, $0x0;
	v25 =	vmul.f32 v29, v49;
	v18 =	vsub.f32 $1.500000000e+00, v18  }
0x1cd: {  	v17 =	vand.u32 $0x7FFFFFFF, v17;
	v29 =	vsub.f32 $1.500000000e+00, v46;
	v61 =	vmul.f32 v28, v50  }
0x1ce: {  	v17 =	vmul.f32 v25, v17;
	v46 =	vnsel vm2, $0x0, v24;
	v18 =	vmul.f32 v18, v58  }
0x1cf: {  	vm2 =	vgt.s32 v20, $0x0;
	v25 =	vmul.f32 v29, v44;
	v29 =	vsub.f32 $1.500000000e+00, v61  }
0x1d0: {  	vm14 =	vgt.s32 v24, $0xFFFFFFFF;
	v50 =	vnsel vm2, $0x0, v20;
	v23 =	vmul.f32 v18, v57  }
0x1d1: {  	vm1 =	vlt.u32 v31, v10;
	v31 =	vld [tilespmem:s29+$0x99A0];
	v44 =	vmul.f32 v25, v48;
	v28 =	vmul.f32 v28, v29  }
0x1d2: {  	v19 =	vand.u32 $0x7FFFFFFF, v19;
	v62 =	vmul.f32 v40, v42;
	v23 =	vmul.f32 v23, v18  }
0x1d3: {  	v16 =	vnsel vm1, $0x0, v16;
	v42 =	vld [tilespmem:s29+$0x8B00];
	v27 =	vmul.f32 v44, v25;
	v29 =	vmul.f32 v28, v26  }
0x1d4: {  	v35 =	vmul.f32 v35, v36;
	v16 =	vadd.f32 v16, v15;
	vm3 =	vgt.s32 v20, $0xFFFFFFFF;
	v48 =	vld [tilespmem:s29+$0x9C10]  }
0x1d5: {  	v20 =	vld.idx.msk [tilespmem:v50+s25+$0x0], $0xffff;
	v22 =	vsub.f32 $1.500000000e+00, v23;
	v23 =	vsub.f32 $1.500000000e+00, v27;
	v27 =	vmul.f32 v29, v28  }
0x1d6: {  	vm13 =	vgt.s32 v31, $0xFFFFFFFF;
	v37 =	vmul.f32 v37, v43;
	v34 =	vmul.f32 v34, v39;
	v29 =	vld [tilespmem:s29+$0x94C0]  }
0x1d7: {  	v18 =	vmul.f32 v22, v18;
	v22 =	vmul.f32 v41, v30;
	v30 =	vld [tilespmem:s29+$0x8D70];
	v15 =	vsub.f32 $1.500000000e+00, v27  }
0x1d8: {  	v17 =	vnsel vm1, $0x0, v17;
	vm1 =	vgt.s32 v31, $0x0;
	v25 =	vmul.f32 v23, v25;
	v27 =	vld [tilespmem:s29+$0x8FE0]  }
0x1d9: {  	vm5 =	vgt.s32 v42, $0xFFFFFFFF;
	v56 =	vld.idx.msk [tilespmem:v46+s9+$0x0], $0xffff;
	v23 =	vmul.f32 v18, v57;
	v28 =	vmul.f32 v15, v28  }
0x1da: {  	v17 =	vadd.f32 v17, v32;
	v44 =	vld [tilespmem:s29+$0x9E80];
	vm12 =	vgt.s32 v48, $0xFFFFFFFF;
	v41 =	vnsel vm1, $0x0, v31  }
0x1db: {  	v59 =	vld.idx.msk [tilespmem:v50+s9+$0x0], $0xffff;
	v63 =	vmul.f32 v23, v18;
	vm1 =	vgt.s32 v29, $0x0;
	v23 =	vmul.f32 v28, v26  }
0x1dc: {  	v31 =	vld.idx.msk [tilespmem:v50+s5+$0x0], $0xffff;
	v20 =	vnsel vm3, $0x0, v20;
	v32 =	vadd.f32 v62, v22;
	v47 =	vnsel vm1, $0x0, v29  }
0x1dd: {  	v22 =	vld [tilespmem:s31+$0x99A0];
	vm2 =	vgt.s32 v30, $0x0;
	vm1 =	vgt.s32 v27, $0x0;
	v55 =	vmul.f32 v23, v28  }
0x1de: {  	v15 =	vld.idx.msk [tilespmem:v0+s29+$0x0 ss:$0x1], $0xffff;
	v51 =	vnsel vm2, $0x0, v30;
	v36 =	vnsel vm1, $0x0, v27;
	vm1 =	vgt.s32 v42, $0x0  }
0x1df: {  	s0 =	sadd.s32 $0x10, s17;
	v32 =	vadd.f32 v35, v32;
	v35 =	vld.idx.msk [tilespmem:v1+s29+$0x0 ss:$0x1], $0xffff;
	v40 =	vnsel vm1, $0x0, v42;
	v49 =	vsub.f32 $1.500000000e+00, v55  }
0x1e0: {  	v19 =	vmul.f32 v25, v19;
	v57 =	vmov s0;
	s0 =	sadd.s32 $0x10, s0;
	v52 =	vld.idx.msk [tilespmem:v41+s9+$0x0], $0xffff;
	v25 =	vsub.f32 $1.500000000e+00, v63  }
0x1e1: {  	v61 =	vmov s0;
	vm15 =	vgt.s32 v29, $0xFFFFFFFF;
	v50 =	vld.idx.msk [tilespmem:v41+s25+$0x0], $0xffff;
	v28 =	vmul.f32 v49, v28  }
0x1e2: {  	v29 =	vcvt.s32.f32 v44;
	vm6 =	vgt.s32 v30, $0xFFFFFFFF;
	v23 =	vld [tilespmem:s31+$0x9730];
	v18 =	vmul.f32 v25, v18  }
0x1e3: {  	v32 =	vand.u32 $0x7FFFFFFF, v32;
	vm1 =	vlt.u32 v57, v10;
	v62 =	vld.idx.msk [tilespmem:v51+s9+$0x0], $0xffff;
	v26 =	vmul.f32 v28, v26  }
0x1e4: {  	v19 =	vnsel vm1, $0x0, v19;
	v14 =	vnsel vm1, $0x0, v14;
	v18 =	vmul.f32 v18, v32;
	v63 =	vld.idx.msk [tilespmem:v40+s9+$0x0], $0xffff  }
0x1e5: {  	vm1 =	vlt.u32 v61, v10;
	v17 =	vadd.f32 v19, v17;
	v19 =	vld.idx.msk [tilespmem:v40+s25+$0x0], $0xffff;
	v26 =	vmul.f32 v26, v28  }
0x1e6: {  	v25 =	vmul.f32 v38, v45;
	v16 =	vadd.f32 v14, v16;
	v18 =	vnsel vm1, $0x0, v18;
	v43 =	vld.idx.msk [tilespmem:v40+s5+$0x0], $0xffff  }
0x1e7: {  	v31 =	vnsel vm3, $0x0, v31;
	v14 =	vadd.f32 v18, v17;
	v18 =	vld.idx.msk [tilespmem:v51+s25+$0x0], $0xffff;
	v26 =	vsub.f32 $1.500000000e+00, v26  }
0x1e8: {  	vm4 =	vgt.s32 v27, $0xFFFFFFFF;
	vm2 =	vgt.s32 v48, $0x0;
	v25 =	vadd.f32 v37, v25;
	v24 =	vld.idx.msk [tilespmem:v36+s25+$0x0], $0xffff  }
0x1e9: {  	v30 =	vnsel vm2, $0x0, v48;
	vm2 =	vgt.s32 v22, $0x0;
	v26 =	vmul.f32 v26, v28;
	v28 =	vld.idx.msk [tilespmem:v51+s5+$0x0], $0xffff  }
0x1ea: {  	(erf) = vrcp.f32 v29;
	v60 =	vld.idx.msk [tilespmem:v36+s9+$0x0], $0xffff;
	v25 =	vadd.f32 v34, v25;
	v19 =	vadd.f32 $0.0e+00, v19  }
0x1eb: {  	v27 =	vld.idx.msk [tilespmem:v36+s5+$0x0], $0xffff;
	v17 =	vnsel vm1, $0x0, v33;
	v32 =	vnsel vm6, $0x0, v62;
	v45 =	vadd.f32 $0.0e+00, v63  }
0x1ec: {  	v48 =	vld.idx.msk [tilespmem:v46+s25+$0x0], $0xffff;
	v34 =	vadd.f32 $0.0e+00, v43;
	v18 =	vnsel vm6, $0x0, v18;
	v19 =	vnsel vm5, $0x0, v19  }
0x1ed: {  	v29 =	vld.idx.msk [tilespmem:v47+s25+$0x0], $0xffff;
	v24 =	vnsel vm4, $0x0, v24;
	v36 =	vnsel vm5, $0x0, v45;
	v18 =	vadd.f32 v18, v19  }
0x1ee: {  	v58 =	vld.idx.msk [tilespmem:v47+s9+$0x0], $0xffff;
	v34 =	vnsel vm5, $0x0, v34;
	v32 =	vadd.f32 v32, v36;
	v28 =	vnsel vm6, $0x0, v28  }
0x1ef: {  	s0 =	sadd.s32 $0x10, s0;
	v47 =	vld.idx.msk [tilespmem:v47+s5+$0x0], $0xffff;
	v18 =	vadd.f32 v24, v18;
	v24 =	vnsel vm4, $0x0, v60;
	v28 =	vadd.f32 v28, v34  }
0x1f0: {  	v38 =	vld [tilespmem:s31+$0x9E80];
	v33 =	vmov s0;
	v27 =	vnsel vm4, $0x0, v27;
	v24 =	vadd.f32 v24, v32  }
0x1f1: {  	v19 =	vld.idx.msk [tilespmem:v46+s5+$0x0], $0xffff;
	v18 =	vadd.f32 v20, v18;
	v20 =	vnsel vm3, $0x0, v59;
	v27 =	vadd.f32 v27, v28  }
0x1f2: {  	v54 =	vld.idx.msk [tilespmem:v30+s5+$0x0], $0xffff;
	vm1 =	vgt.s32 v23, $0x0;
	v20 =	vadd.f32 v20, v24;
	v24 =	vnsel vm15, $0x0, v29  }
0x1f3: {  	v51 =	vld.idx.msk [tilespmem:v41+s5+$0x0], $0xffff;
	v18 =	vadd.f32 v24, v18;
	v24 =	vnsel vm15, $0x0, v58;
	v27 =	vadd.f32 v31, v27  }
0x1f4: {  	v28 =	vld.idx.msk [tilespmem:v30+s25+$0x0], $0xffff;
	v20 =	vadd.f32 v24, v20;
	v24 =	vnsel vm14, $0x0, v48;
	v31 =	vnsel vm15, $0x0, v47  }
0x1f5: {  	v18 =	vadd.f32 v24, v18;
	v24 =	vnsel vm14, $0x0, v56;
	v27 =	vadd.f32 v31, v27;
	v31 =	vld [tilespmem:s31+$0x9250]  }
0x1f6: {  	v19 =	vnsel vm14, $0x0, v19;
	v30 =	vld.idx.msk [tilespmem:v30+s9+$0x0], $0xffff;
	v20 =	vadd.f32 v24, v20;
	v24 =	vnsel vm13, $0x0, v50  }
0x1f7: {  	v37 =	vld [tilespmem:s31+$0x8B00];
	v18 =	vadd.f32 v24, v18;
	v24 =	vnsel vm13, $0x0, v52;
	v19 =	vadd.f32 v19, v27  }
0x1f8: {  	v25 =	vand.u32 $0x7FFFFFFF, v25;
	v55 =	vnsel vm13, $0x0, v51;
	v20 =	vadd.f32 v24, v20;
	v24 =	vld [tilespmem:s31+$0x8D70]  }
0x1f9: {  	v39 =	vnsel vm1, $0x0, v23;
	v29 =	vld [tilespmem:s31+$0x94C0];
	v34 =	vadd.f32 v55, v19;
	v19 =	vnsel vm12, $0x0, v28  }
0x1fa: {  	v56 =	vld.idx.msk [tilespmem:v2+s29+$0x0 ss:$0x1], $0xffff;
	v28 =	vnsel vm12, $0x0, v54;
	v18 =	vadd.f32 v19, v18;
	vm15 =	vgt.s32 v31, $0x0  }
0x1fb: {  	v57 =	vpop (erf);
	v30 =	vnsel vm12, $0x0, v30;
	v27 =	vld [tilespmem:s31+$0x8FE0];
	v28 =	vadd.f32 v28, v34;
	v59 =	vnsel vm15, $0x0, v31  }
0x1fc: {  	v40 =	vld [tilespmem:s31+$0x9C10];
	v16 =	vadd.f32 v17, v16;
	v30 =	vadd.f32 v30, v20;
	v18 =	vmul.f32 v18, v57  }
0x1fd: {  	v19 =	vld.idx.msk [tilespmem:v0+s31+$0x0 ss:$0x1], $0xffff;
	v34 =	vnsel vm2, $0x0, v22;
	vm2 =	vgt.s32 v24, $0x0;
	v20 =	vmul.f32 v28, v57  }
0x1fe: {  	v30 =	vmul.f32 v30, v57;
	v62 =	vnsel vm2, $0x0, v24;
	v58 =	vsub.f32 v15, v18;
	v18 =	vld [tilespmem:s21+$0x99A0]  }
0x1ff: {  	v25 =	vmul.f32 v26, v25;
	vm3 =	vgt.s32 v29, $0x0;
	v60 =	vsub.f32 v35, v20;
	v20 =	vld [tilespmem:s21+$0x9730]  }
0x200: {  	vm1 =	vgt.s32 v27, $0x0;
	v30 =	vsub.f32 v56, v30;
	vm4 =	vgt.s32 v27, $0xFFFFFFFF;
	v55 =	vld.idx.msk [tilespmem:v59+s9+$0x0], $0xffff  }
0x201: {  	v28 =	vnsel vm3, $0x0, v29;
	v61 =	vnsel vm1, $0x0, v27;
	vm1 =	vgt.s32 v37, $0x0;
	v27 =	vld.idx.msk [tilespmem:v59+s25+$0x0], $0xffff  }
0x202: {  	vm3 =	vgt.s32 v31, $0xFFFFFFFF;
	v52 =	vnsel vm1, $0x0, v37;
	vm1 =	vlt.u32 v33, v10;
	v31 =	vld.idx.msk [tilespmem:v59+s5+$0x0], $0xffff  }
0x203: {  	v17 =	vnsel vm1, $0x0, v25;
	v41 =	vmul.f32 v58, v58;
	v43 =	vmul.f32 v60, v60;
	v25 =	vld.idx.msk [tilespmem:v62+s9+$0x0], $0xffff  }
0x204: {  	v15 =	vmul.f32 v15, v15;
	v35 =	vmul.f32 v35, v35;
	v58 =	vld.idx.msk [tilespmem:v62+s25+$0x0], $0xffff  }
0x205: {  	vm14 =	vgt.s32 v23, $0xFFFFFFFF;
	v30 =	vmul.f32 v30, v30;
	v32 =	vld.idx.msk [tilespmem:v62+s5+$0x0], $0xffff;
	v26 =	vadd.f32 v43, v41  }
0x206: {  	v36 =	vmul.f32 v56, v56;
	vm6 =	vgt.s32 v24, $0xFFFFFFFF;
	v15 =	vadd.f32 v35, v15;
	v23 =	vld.idx.msk [tilespmem:v61+s25+$0x0], $0xffff  }
0x207: {  	v57 =	vmov s18;
	v21 =	vnsel vm1, $0x0, v21;
	v24 =	vld.idx.msk [tilespmem:v61+s5+$0x0], $0xffff;
	v26 =	vadd.f32 v30, v26  }
0x208: {  	vm1 =	vlt.u32 v57, v11;
	v36 =	vadd.f32 v36, v15;
	v15 =	vadd.f32 v21, v16;
	v21 =	vld.idx.msk [tilespmem:v52+s25+$0x0], $0xffff  }
0x209: {  	vm2 =	vgt.s32 v22, $0xFFFFFFFF;
	v22 =	vcvt.s32.f32 v38;
	v16 =	vnsel vm1, $0x0, v26;
	v26 =	vld.idx.msk [tilespmem:v52+s5+$0x0], $0xffff  }
0x20a: {  	vm7 =	vgt.s32 v40, $0x0;
	vm5 =	vgt.s32 v37, $0xFFFFFFFF;
	vm12 =	vgt.s32 v40, $0xFFFFFFFF;
	v30 =	vld.idx.msk [tilespmem:v52+s9+$0x0], $0xffff  }
0x20b: {  	vm15 =	vgt.s32 v29, $0xFFFFFFFF;
	v29 =	vnsel vm7, $0x0, v40;
	(erf) = vrcp.f32 v22;
	v54 =	vld.idx.msk [tilespmem:v28+s9+$0x0], $0xffff  }
0x20c: {  	v14 =	vadd.f32 v17, v14;
	v17 =	vmul.f32 v19, v19;
	v59 =	vld.idx.msk [tilespmem:v28+s25+$0x0], $0xffff;
	vm13 =	vgt.s32 v20, $0x0  }
0x20d: {  	v28 =	vld.idx.msk [tilespmem:v28+s5+$0x0], $0xffff;
	v35 =	vnsel vm1, $0x0, v36;
	v25 =	vnsel vm6, $0x0, v25;
	v32 =	vnsel vm6, $0x0, v32  }
0x20e: {  	v56 =	vld.idx.msk [tilespmem:v61+s9+$0x0], $0xffff;
	vm1 =	vgt.s32 v18, $0x0;
	v21 =	vadd.f32 $0.0e+00, v21;
	v26 =	vadd.f32 $0.0e+00, v26  }
0x20f: {  	v53 =	vld.idx.msk [tilespmem:v39+s9+$0x0], $0xffff;
	v23 =	vnsel vm4, $0x0, v23;
	v24 =	vnsel vm4, $0x0, v24;
	v22 =	vadd.f32 $0.0e+00, v30  }
0x210: {  	v63 =	vld.idx.msk [tilespmem:v34+s9+$0x0], $0xffff;
	v30 =	vnsel vm6, $0x0, v58;
	v21 =	vnsel vm5, $0x0, v21;
	v26 =	vnsel vm5, $0x0, v26  }
0x211: {  	v60 =	vld.idx.msk [tilespmem:v34+s25+$0x0], $0xffff;
	v21 =	vadd.f32 v30, v21;
	v22 =	vnsel vm5, $0x0, v22;
	v26 =	vadd.f32 v32, v26  }
0x212: {  	v28 =	vnsel vm15, $0x0, v28;
	v16 =	vadd.f32 v16, v13;
	v30 =	vld.idx.msk [tilespmem:v39+s25+$0x0], $0xffff;
	v22 =	vadd.f32 v25, v22  }
0x213: {  	v25 =	vld.idx.msk [tilespmem:v39+s5+$0x0], $0xffff;
	v21 =	vadd.f32 v23, v21;
	v23 =	vadd.f32 v24, v26;
	v24 =	vnsel vm4, $0x0, v56  }
0x214: {  	v61 =	vld.idx.msk [tilespmem:v29+s5+$0x0], $0xffff;
	v26 =	vnsel vm3, $0x0, v31;
	v22 =	vadd.f32 v24, v22;
	v24 =	vnsel vm3, $0x0, v27  }
0x215: {  	v27 =	vld.idx.msk [tilespmem:v34+s5+$0x0], $0xffff;
	v21 =	vadd.f32 v24, v21;
	v23 =	vadd.f32 v26, v23;
	v24 =	vnsel vm3, $0x0, v55  }
0x216: {  	v13 =	vadd.f32 v35, v13;
	v31 =	vld.idx.msk [tilespmem:v29+s25+$0x0], $0xffff;
	v22 =	vadd.f32 v24, v22;
	v24 =	vnsel vm15, $0x0, v59  }
0x217: {  	v29 =	vld.idx.msk [tilespmem:v29+s9+$0x0], $0xffff;
	v21 =	vadd.f32 v24, v21;
	v24 =	vadd.f32 v28, v23;
	v23 =	vnsel vm15, $0x0, v54  }
0x218: {  	v25 =	vnsel vm14, $0x0, v25;
	v26 =	vld [tilespmem:s21+$0x94C0];
	v28 =	vnsel vm14, $0x0, v30;
	v22 =	vadd.f32 v23, v22  }
0x219: {  	v23 =	vld [tilespmem:s21+$0x9250];
	v28 =	vadd.f32 v28, v21;
	v24 =	vadd.f32 v25, v24;
	v25 =	vnsel vm14, $0x0, v53  }
0x21a: {  	v32 =	vld [tilespmem:s21+$0x8B00];
	v30 =	vnsel vm2, $0x0, v60;
	v27 =	vnsel vm2, $0x0, v27;
	v22 =	vadd.f32 v25, v22  }
0x21b: {  	v25 =	vld [tilespmem:s21+$0x8FE0];
	v28 =	vadd.f32 v30, v28;
	v27 =	vadd.f32 v27, v24;
	v30 =	vnsel vm2, $0x0, v63  }
0x21c: {  	v21 =	vld.idx.msk [tilespmem:v1+s31+$0x0 ss:$0x1], $0xffff;
	v62 =	vadd.f32 v30, v22;
	v22 =	vnsel vm12, $0x0, v31;
	v31 =	vnsel vm12, $0x0, v61  }
0x21d: {  	v29 =	vnsel vm12, $0x0, v29;
	v30 =	vld [tilespmem:s21+$0x8D70];
	v63 =	vadd.f32 v22, v28;
	v27 =	vadd.f32 v31, v27  }
0x21e: {  	v34 =	vpop (erf);
	vm3 =	vgt.s32 v26, $0x0;
	v24 =	vld.idx.msk [tilespmem:v2+s31+$0x0 ss:$0x1], $0xffff;
	vm2 =	vgt.s32 v23, $0x0;
	v22 =	vnsel vm1, $0x0, v18  }
0x21f: {  	v28 =	vld.idx.msk [tilespmem:v0+s21+$0x0 ss:$0x1], $0xffff;
	v35 =	vadd.f32 v29, v62;
	v36 =	vmul.f32 v63, v34;
	v31 =	vmul.f32 v27, v34  }
0x220: {  	s0 =	smov.u32 s18;
	v33 =	vld [tilespmem:s21+$0x9E80];
	v29 =	vnsel vm3, $0x0, v26;
	vm1 =	vgt.s32 v25, $0x0;
	v27 =	vnsel vm13, $0x0, v20  }
.LBB2_5:
0x221: {  	s17 =	sshra.s32 s28, $0x2;
	p3 =	sne.s32 s28, $0x100;
	v37 =	vld [tilespmem:s21+$0x9C10];
	v44 =	vsub.f32 v19, v36;
	v31 =	vsub.f32 v21, v31;
	v34 =	vmul.f32 v35, v34  }
0x222: {  	v36 =	vnsel vm1, $0x0, v25;
	v38 =	vnsel vm2, $0x0, v23;
	v35 =	vld [tilespmem:s17+$0x99A0];
	vm3 =	vgt.s32 v30, $0x0  }
0x223: {  	v39 =	vld [tilespmem:s17+$0x9730];
	v34 =	vsub.f32 v24, v34;
	v40 =	vmul.f32 v44, v44;
	v41 =	vmul.f32 v31, v31  }
0x224: {  	v42 =	vnsel vm3, $0x0, v30;
	v43 =	vmul.f32 v28, v28;
	v19 =	vmovc v28;
	vm1 =	vgt.s32 v32, $0x0;
	v31 =	vld.idx.msk [tilespmem:v22+s9+$0x0], $0xffff  }
0x225: {  	v28 =	vnsel vm1, $0x0, v32;
	v44 =	vld.idx.msk [tilespmem:v27+s9+$0x0], $0xffff;
	v40 =	vadd.f32 v41, v40;
	v34 =	vmul.f32 v34, v34  }
0x226: {  	v21 =	vmul.f32 v21, v21;
	s0 =	sadd.s32 $0x10, s0;
	v24 =	vmul.f32 v24, v24;
	v41 =	vld.idx.msk [tilespmem:v29+s9+$0x0], $0xffff  }
0x227: {  	v46 =	vmov s0;
	v45 =	vld.idx.msk [tilespmem:v38+s9+$0x0], $0xffff;
	v34 =	vadd.f32 v34, v40  }
0x228: {  	v21 =	vadd.f32 v21, v17;
	vm1 =	vlt.u32 v46, v11;
	v17 =	vmov v43;
	v40 =	vld.idx.msk [tilespmem:v36+s9+$0x0], $0xffff  }
0x229: {  	v43 =	vld.idx.msk [tilespmem:v42+s9+$0x0], $0xffff;
	v34 =	vnsel vm1, $0x0, v34  }
0x22a: {  	v21 =	vadd.f32 v24, v21;
	v46 =	vld.idx.msk [tilespmem:v28+s9+$0x0], $0xffff;
	v16 =	vadd.f32 v34, v16  }
0x22b: {  	v24 =	vld.idx.msk [tilespmem:v28+s25+$0x0], $0xffff  }
0x22c: {  	v21 =	vnsel vm1, $0x0, v21;
	v28 =	vld.idx.msk [tilespmem:v28+s5+$0x0], $0xffff  }
0x22d: {  	vm12 =	vgt.s32 v37, $0xFFFFFFFF;
	v13 =	vadd.f32 v21, v13;
	v34 =	vld.idx.msk [tilespmem:v42+s25+$0x0], $0xffff  }
0x22e: {  	vm2 =	vgt.s32 v26, $0xFFFFFFFF;
	vm14 =	vgt.s32 v18, $0xFFFFFFFF;
	v18 =	vmovc v35;
	vm1 =	vgt.s32 v20, $0xFFFFFFFF;
	v20 =	vmovc v39;
	v21 =	vld.idx.msk [tilespmem:v42+s5+$0x0], $0xffff  }
0x22f: {  	vm4 =	vgt.s32 v25, $0xFFFFFFFF;
	vm3 =	vgt.s32 v23, $0xFFFFFFFF;
	v26 =	vcvt.s32.f32 v33;
	v25 =	vld.idx.msk [tilespmem:v36+s25+$0x0], $0xffff  }
0x230: {  	vm6 =	vgt.s32 v30, $0xFFFFFFFF;
	vm5 =	vgt.s32 v32, $0xFFFFFFFF;
	vm7 =	vgt.s32 v37, $0x0;
	v23 =	vld.idx.msk [tilespmem:v36+s5+$0x0], $0xffff  }
0x231: {  	v32 =	vnsel vm7, $0x0, v37;
	vm15 =	vgt.s32 v18, $0x0;
	vm13 =	vgt.s32 v20, $0x0;
	v30 =	vld.idx.msk [tilespmem:v38+s25+$0x0], $0xffff  }
0x232: {  	v24 =	vadd.f32 $0.0e+00, v24;
	v28 =	vadd.f32 $0.0e+00, v28;
	v33 =	vld.idx.msk [tilespmem:v38+s5+$0x0], $0xffff;
	(erf) = vrcp.f32 v26  }
0x233: {  	v35 =	vnsel vm6, $0x0, v43;
	v26 =	vadd.f32 $0.0e+00, v46;
	v34 =	vnsel vm6, $0x0, v34;
	v36 =	vld.idx.msk [tilespmem:v29+s25+$0x0], $0xffff  }
0x234: {  	v24 =	vnsel vm5, $0x0, v24;
	v28 =	vnsel vm5, $0x0, v28;
	v21 =	vnsel vm6, $0x0, v21;
	v29 =	vld.idx.msk [tilespmem:v29+s5+$0x0], $0xffff  }
0x235: {  	v24 =	vadd.f32 v34, v24;
	v26 =	vnsel vm5, $0x0, v26;
	v21 =	vadd.f32 v21, v28;
	v28 =	vld.idx.msk [tilespmem:v27+s25+$0x0], $0xffff  }
0x236: {  	v25 =	vnsel vm4, $0x0, v25;
	v26 =	vadd.f32 v35, v26;
	v23 =	vnsel vm4, $0x0, v23;
	v27 =	vld.idx.msk [tilespmem:v27+s5+$0x0], $0xffff  }
0x237: {  	v24 =	vadd.f32 v25, v24;
	v21 =	vadd.f32 v23, v21;
	v23 =	vnsel vm4, $0x0, v40;
	v25 =	vld.idx.msk [tilespmem:v22+s25+$0x0], $0xffff  }
0x238: {  	v23 =	vadd.f32 v23, v26;
	v26 =	vnsel vm3, $0x0, v30;
	v30 =	vnsel vm3, $0x0, v33;
	v22 =	vld.idx.msk [tilespmem:v22+s5+$0x0], $0xffff  }
0x239: {  	v24 =	vadd.f32 v26, v24;
	v21 =	vadd.f32 v30, v21;
	v26 =	vnsel vm3, $0x0, v45;
	v30 =	vld.idx.msk [tilespmem:v32+s25+$0x0], $0xffff  }
0x23a: {  	v33 =	vnsel vm2, $0x0, v36;
	v23 =	vadd.f32 v26, v23;
	v29 =	vnsel vm2, $0x0, v29;
	v35 =	vld.idx.msk [tilespmem:v32+s5+$0x0], $0xffff  }
0x23b: {  	v24 =	vadd.f32 v33, v24;
	v21 =	vadd.f32 v29, v21;
	v29 =	vnsel vm2, $0x0, v41;
	v26 =	vld [tilespmem:s17+$0x94C0];
	v34 =	vpop (erf)  }
0x23c: {  	v28 =	vnsel vm1, $0x0, v28;
	v29 =	vadd.f32 v29, v23;
	v27 =	vnsel vm1, $0x0, v27;
	v32 =	vld.idx.msk [tilespmem:v32+s9+$0x0], $0xffff  }
0x23d: {  	v24 =	vadd.f32 v28, v24;
	v27 =	vadd.f32 v27, v21;
	v28 =	vnsel vm1, $0x0, v44;
	v23 =	vld [tilespmem:s17+$0x9250]  }
0x23e: {  	v28 =	vadd.f32 v28, v29;
	v29 =	vnsel vm14, $0x0, v25;
	v22 =	vnsel vm14, $0x0, v22;
	v21 =	vld.idx.msk [tilespmem:v1+s21+$0x0 ss:$0x1], $0xffff  }
0x23f: {  	v29 =	vadd.f32 v29, v24;
	v22 =	vadd.f32 v22, v27;
	v27 =	vnsel vm14, $0x0, v31;
	v25 =	vld [tilespmem:s17+$0x8FE0]  }
.Ltmp4:
0x240: {  	v27 =	vadd.f32 v27, v28;
	v28 =	vnsel vm12, $0x0, v30;
	v31 =	vnsel vm12, $0x0, v35;
	v24 =	vld.idx.msk [tilespmem:v2+s21+$0x0 ss:$0x1], $0xffff;
	s21 =	smov.u32 s17;
	(pc) =	sbr.rel @p3 .LBB2_5-.Ltmp4, $4  }
0x241: {  	vm3 =	vgt.s32 v26, $0x0;
	v29 =	vadd.f32 v28, v29;
	v31 =	vadd.f32 v31, v22;
	v30 =	vld [tilespmem:s21+$0x8D70]  }
0x242: {  	v22 =	vnsel vm15, $0x0, v18;
	v33 =	vnsel vm12, $0x0, v32;
	v28 =	vld.idx.msk [tilespmem:v0+s21+$0x0 ss:$0x1], $0xffff;
	vm2 =	vgt.s32 v23, $0x0  }
0x243: {  	v35 =	vadd.f32 v33, v27;
	v36 =	vmul.f32 v29, v34;
	v31 =	vmul.f32 v31, v34;
	v32 =	vld [tilespmem:s21+$0x8B00]  }
0x244: {  	s28 =	sadd.s32 $0x40, s28;
	v29 =	vnsel vm3, $0x0, v26;
	v27 =	vnsel vm13, $0x0, v20;
	v33 =	vld [tilespmem:s21+$0x9E80];
	vm1 =	vgt.s32 v25, $0x0  }
0x245: {  	_ =	sdelay $0x1  }
0x246: {  	v37 =	vnsel vm2, $0x0, v23  }
0x247: {  	v38 =	vld [tilespmem:s21+$0x9C10];
	v46 =	vnsel vm1, $0x0, v25;
	vm3 =	vgt.s32 v30, $0x0  }
0x248: {  	v40 =	vld.idx.msk [tilespmem:v22+s9+$0x0], $0xffff;
	v39 =	vnsel vm3, $0x0, v30  }
0x249: {  	v42 =	vld.idx.msk [tilespmem:v27+s9+$0x0], $0xffff;
	vm2 =	vgt.s32 v32, $0x0  }
0x24a: {  	v43 =	vld.idx.msk [tilespmem:v29+s9+$0x0], $0xffff;
	v41 =	vnsel vm2, $0x0, v32  }
0x24b: {  	v44 =	vld.idx.msk [tilespmem:v37+s9+$0x0], $0xffff  }
0x24c: {  	v63 =	vld.idx.msk [tilespmem:v46+s25+$0x0], $0xffff  }
0x24d: {  	v45 =	vld.idx.msk [tilespmem:v39+s9+$0x0], $0xffff  }
0x24e: {  	v49 =	vld.idx.msk [tilespmem:v39+s25+$0x0], $0xffff  }
0x24f: {  	v47 =	vld.idx.msk [tilespmem:v41+s25+$0x0], $0xffff  }
0x250: {  	v19 =	vsub.f32 v19, v36;
	v34 =	vmul.f32 v35, v34;
	vm12 =	vgt.s32 v26, $0xFFFFFFFF;
	v48 =	vld.idx.msk [tilespmem:v41+s5+$0x0], $0xffff  }
0x251: {  	v31 =	vsub.f32 v21, v31;
	vm14 =	vgt.s32 v25, $0xFFFFFFFF;
	vm15 =	vgt.s32 v23, $0xFFFFFFFF;
	v58 =	vld.idx.msk [tilespmem:v41+s9+$0x0], $0xffff  }
0x252: {  	vm4 =	vgt.s32 v30, $0xFFFFFFFF;
	v34 =	vsub.f32 v24, v34;
	v60 =	vcvt.s32.f32 v33;
	v59 =	vld.idx.msk [tilespmem:v39+s5+$0x0], $0xffff  }
0x253: {  	vm3 =	vgt.s32 v32, $0xFFFFFFFF;
	vm2 =	vgt.s32 v20, $0xFFFFFFFF;
	v61 =	vld.idx.msk [tilespmem:v46+s9+$0x0], $0xffff;
	vm5 =	vgt.s32 v38, $0x0  }
0x254: {  	vm1 =	vgt.s32 v38, $0xFFFFFFFF;
	v46 =	vld.idx.msk [tilespmem:v46+s5+$0x0], $0xffff;
	v35 =	vnsel vm5, $0x0, v38;
	(erf) = vrcp.f32 v60  }
0x255: {  	v62 =	vadd.f32 $0.0e+00, v47;
	v47 =	vadd.f32 $0.0e+00, v48;
	v48 =	vnsel vm4, $0x0, v49;
	v49 =	vld.idx.msk [tilespmem:v37+s25+$0x0], $0xffff  }
0x256: {  	v55 =	vnsel vm14, $0x0, v63;
	v50 =	vnsel vm4, $0x0, v45;
	v26 =	vadd.f32 $0.0e+00, v58;
	v37 =	vld.idx.msk [tilespmem:v37+s5+$0x0], $0xffff  }
0x257: {  	v51 =	vld.idx.msk [tilespmem:v29+s25+$0x0], $0xffff;
	v20 =	vnsel vm4, $0x0, v59;
	v33 =	vnsel vm3, $0x0, v62;
	v38 =	vnsel vm3, $0x0, v47  }
0x258: {  	v52 =	vld.idx.msk [tilespmem:v29+s5+$0x0], $0xffff;
	v26 =	vnsel vm3, $0x0, v26;
	v33 =	vadd.f32 v48, v33;
	v20 =	vadd.f32 v20, v38  }
0x259: {  	v54 =	vld.idx.msk [tilespmem:v27+s25+$0x0], $0xffff;
	v56 =	vnsel vm14, $0x0, v46;
	v63 =	vnsel vm15, $0x0, v44;
	v53 =	vadd.f32 v50, v26  }
0x25a: {  	v57 =	vld.idx.msk [tilespmem:v27+s5+$0x0], $0xffff;
	v58 =	vnsel vm14, $0x0, v61;
	v26 =	vadd.f32 v55, v33;
	v20 =	vadd.f32 v56, v20  }
0x25b: {  	v59 =	vld.idx.msk [tilespmem:v22+s25+$0x0], $0xffff;
	v23 =	vadd.f32 v58, v53;
	v60 =	vnsel vm15, $0x0, v49;
	v61 =	vnsel vm15, $0x0, v37  }
0x25c: {  	vm3 =	vgt.s32 v18, $0xFFFFFFFF;
	v62 =	vld.idx.msk [tilespmem:v22+s5+$0x0], $0xffff;
	v26 =	vadd.f32 v60, v26;
	v20 =	vadd.f32 v61, v20  }
0x25d: {  	v36 =	vld.idx.msk [tilespmem:v35+s25+$0x0], $0xffff;
	v18 =	vnsel vm12, $0x0, v52;
	v37 =	vnsel vm12, $0x0, v51;
	v23 =	vadd.f32 v63, v23  }
0x25e: {  	v39 =	vnsel vm12, $0x0, v43;
	v38 =	vld.idx.msk [tilespmem:v35+s5+$0x0], $0xffff;
	v26 =	vadd.f32 v37, v26;
	v18 =	vadd.f32 v18, v20  }
0x25f: {  	v43 =	vnsel vm2, $0x0, v57;
	v41 =	vnsel vm2, $0x0, v54;
	v20 =	vadd.f32 v39, v23  }
0x260: {  	v44 =	vld.idx.msk [tilespmem:v35+s9+$0x0], $0xffff;
	v45 =	vnsel vm2, $0x0, v42;
	v23 =	vadd.f32 v41, v26;
	v18 =	vadd.f32 v43, v18  }
0x261: {  	v46 =	vnsel vm3, $0x0, v59;
	v22 =	vnsel vm3, $0x0, v62;
	v20 =	vadd.f32 v45, v20  }
0x262: {  	v47 =	vnsel vm3, $0x0, v40;
	v23 =	vadd.f32 v46, v23;
	v18 =	vadd.f32 v22, v18  }
0x263: {  	v48 =	vld.idx.msk [tilespmem:v1+s21+$0x0 ss:$0x1], $0xffff;
	v49 =	vnsel vm1, $0x0, v36;
	v50 =	vnsel vm1, $0x0, v38;
	v20 =	vadd.f32 v47, v20  }
0x264: {  	v19 =	vmul.f32 v19, v19;
	v22 =	vadd.f32 v49, v23;
	v18 =	vadd.f32 v50, v18  }
0x265: {  	v57 =	vmul.f32 v24, v24;
	v54 =	vmul.f32 v28, v28;
	v52 =	vpop (erf);
	v27 =	vnsel vm1, $0x0, v44;
	v53 =	vld.idx.msk [tilespmem:v2+s21+$0x0 ss:$0x1], $0xffff  }
0x266: {  	v20 =	vadd.f32 v27, v20;
	v22 =	vmul.f32 v22, v52;
	v18 =	vmul.f32 v18, v52  }
0x267: {  	v51 =	vmul.f32 v31, v31;
	v55 =	vmul.f32 v34, v34  }
0x268: {  	s0 =	sadd.s32 $0x10, s0;
	v20 =	vmul.f32 v20, v52;
	v22 =	vsub.f32 v28, v22;
	v18 =	vsub.f32 v48, v18  }
0x269: {  	v56 =	vmul.f32 v21, v21;
	v58 =	vmov s0;
	v19 =	vadd.f32 v51, v19  }
0x26a: {  	s0 =	sadd.s32 $0x10, s0;
	v20 =	vsub.f32 v53, v20;
	v22 =	vmul.f32 v22, v22;
	v18 =	vmul.f32 v18, v18  }
0x26b: {  	v17 =	vadd.f32 v56, v17;
	v61 =	vmov s0;
	v59 =	vmul.f32 v48, v48  }
0x26c: {  	v19 =	vadd.f32 v55, v19;
	v20 =	vmul.f32 v20, v20;
	v18 =	vadd.f32 v18, v22  }
0x26d: {  	vm1 =	vlt.u32 v58, v11;
	v17 =	vadd.f32 v57, v17;
	v60 =	vmul.f32 v53, v53  }
0x26e: {  	(xrf2) =	vadd.scan.msk.f32 $0xffff, v15;
	v62 =	vadd.f32 v59, v54;
	v19 =	vnsel vm1, $0x0, v19;
	v18 =	vadd.f32 v20, v18  }
0x26f: {  	(xrf2) =	vadd.scan.msk.f32 $0xffff, v14;
	vm2 =	vlt.u32 v61, v11;
	v16 =	vadd.f32 v19, v16  }
0x270: {  	v17 =	vnsel vm1, $0x0, v17;
	v63 =	vadd.f32 v60, v62;
	v18 =	vnsel vm2, $0x0, v18  }
0x271: {  	v13 =	vadd.f32 v17, v13;
	v15 =	vadd.f32 v18, v16  }
0x272: {  	v14 =	vnsel vm2, $0x0, v63  }
0x273: {  	v13 =	vadd.f32 v14, v13;
	(xrf2) =	vadd.scan.msk.f32 $0xffff, v15;
	_ =	sdelay $0x1  }
0x274: {  	(xrf2) =	vadd.scan.msk.f32 $0xffff, v13;
	_ =	sdelay $0x2  }
0x275: {  	v13, _, _ =	vpop (xrf2)  }
0x276: {  	v14, _, _ =	vpop (xrf2)  }
0x277: {  	v14 =	vbroadcast v14, $0xF  }
0x278: {  	vm1 =	vcmask $0xF0C  }
0x279: {  	v13 =	vbroadcast v13, $0xF;
	v14 =	vnsel vm1, $0x0, v14  }
0x27a: {  	v15, _, _ =	vpop (xrf2)  }
0x27b: {  	v13 =	vnsel vm0, $0x0, v13;
	v15 =	vbroadcast v15, $0xF  }
0x27c: {  	vm1 =	vcmask $0x1B18;
	v13 =	vadd.f32 v14, v13;
	v14, _, _ =	vpop (xrf2)  }
0x27d: {  	v14 =	vbroadcast v14, $0xF;
	v15 =	vnsel vm1, $0x0, v15  }
0x27e: {  	vm1 =	vcmask $0x2724;
	v13 =	vadd.f32 v15, v13  }
0x27f: {  	v14 =	vnsel vm1, $0x0, v14  }
0x280: {  	v13 =	vadd.f32 v14, v13;
	_ =	sdelay $0x1  }
0x281: {  	s31 =	simm.s32 $0x0;
	[tilespmem:$0xA100] =	vst v13  }
0x282: {  	[hbm4b:s26+s31] =	stream.linear.scatter [tilespmem:s30], [sflag:$0x2], $0x10, $0x38;
	[tilespmem:$0xA180] =	vst v63  }
0x283: {  	_ =	swait.ge [sflag:s12], $0x10  }
0x284: {  	[sflag:s12] =	ssyncset.done $0x0  }
0x285: {  	s29 =	simm.s32 $0x1E00;
	[sflag:s12] =	ssyncadd.s32 $0xFFFFFFF0  }
.LBB2_7:
.Ltmp5:
0x286: {  	(pc) =	sbr.rel @p1 .LBB2_21-.Ltmp5, $1  }
0x287: {  	_ =	sdelay $0x3  }
0x288: {  	s0 =	simm.s32 $0x0;
	s2 =	rddreg [dreg:$0x9]  }
0x289: {  	[tilespmem:s0], [sflag:$0x1] =	stream.linear.gather [hbm4b:s2+s0], $0x280, $0x38;
	[tilespmem:$0xA180] =	vst v63  }
0x28a: {  	s21 =	rddreg [dreg:$0xa]  }
0x28b: {  	[tilespmem:s29], [sflag:$0x1] =	stream.linear.gather [hbm4b:s21+s0], $0x280, $0x38;
	[tilespmem:$0xA180] =	vst v63  }
0x28c: {  	s3 =	rddreg [dreg:$0xb]  }
0x28d: {  	[tilespmem:s7], [sflag:$0x1] =	stream.linear.gather [hbm4b:s3+s0], $0x800, $0x38;
	[tilespmem:$0xA180] =	vst v63  }
0x28e: {  	s17 =	rddreg [dreg:$0x18]  }
0x28f: {  	[tilespmem:s8], [sflag:$0x1] =	stream.linear.gather [hbm4b:s17+s0], $0x280, $0x38;
	[tilespmem:$0xA180] =	vst v63  }
0x290: {  	s21 =	rddreg [dreg:$0x19];
	s3 =	simm.s32 $0x2800  }
0x291: {  	[tilespmem:s3], [sflag:$0x1] =	stream.linear.gather [hbm4b:s21+s0], $0x280, $0x38;
	[tilespmem:$0xA180] =	vst v63  }
0x292: {  	s17 =	rddreg [dreg:$0xc]  }
0x293: {  	[tilespmem:s10], [sflag:$0x1] =	stream.linear.gather [hbm4b:s17+s0], $0x800, $0x38;
	[tilespmem:$0xA180] =	vst v63  }
0x294: {  	s21 =	rddreg [dreg:$0x1a]  }
0x295: {  	[tilespmem:s11], [sflag:$0x1] =	stream.linear.gather [hbm4b:s21+s0], $0x280, $0x38;
	[tilespmem:$0xA180] =	vst v63  }
0x296: {  	s3 =	rddreg [dreg:$0x1b];
	s17 =	simm.s32 $0x3200  }
0x297: {  	[tilespmem:s17], [sflag:$0x1] =	stream.linear.gather [hbm4b:s3+s0], $0x280, $0x38;
	[tilespmem:$0xA180] =	vst v63  }
0x298: {  	s21 =	rddreg [dreg:$0xd]  }
0x299: {  	[tilespmem:s13], [sflag:$0x1] =	stream.linear.gather [hbm4b:s21+s0], $0x800, $0x38;
	[tilespmem:$0xA180] =	vst v63  }
0x29a: {  	s3 =	rddreg [dreg:$0x12]  }
0x29b: {  	[tilespmem:s16], [sflag:$0x1] =	stream.linear.gather [hbm4b:s3+s0], $0x280, $0x38;
	[tilespmem:$0xA180] =	vst v63  }
0x29c: {  	s17 =	rddreg [dreg:$0x1c];
	s21 =	simm.s32 $0x7C00  }
0x29d: {  	[tilespmem:s21], [sflag:$0x1] =	stream.linear.gather [hbm4b:s17+s0], $0x3A0, $0x38;
	[tilespmem:$0xA180] =	vst v63  }
0x29e: {  	s17 =	rddreg [dreg:$0x1d];
	s21 =	simm.s32 $0x8380  }
0x29f: {  	[tilespmem:s21], [sflag:$0x1] =	stream.linear.gather [hbm4b:s17+s0], $0x3A0, $0x38;
	[tilespmem:$0xA180] =	vst v63  }
0x2a0: {  	s17 =	rddreg [dreg:$0x1e];
	s21 =	simm.s32 $0x8B00  }
0x2a1: {  	[tilespmem:s21], [sflag:$0x1] =	stream.linear.gather [hbm4b:s17+s0], $0x140, $0x38;
	[tilespmem:$0xA180] =	vst v63  }
0x2a2: {  	s17 =	rddreg [dreg:$0x1f];
	s21 =	simm.s32 $0x8D70  }
0x2a3: {  	[tilespmem:s21], [sflag:$0x1] =	stream.linear.gather [hbm4b:s17+s0], $0x140, $0x38;
	[tilespmem:$0xA180] =	vst v63  }
0x2a4: {  	s17 =	sld [smem:$0x7DC];
	_ =	sdelay $0x1  }
0x2a5: {  	s21 =	simm.s32 $0x8FE0  }
0x2a6: {  	[tilespmem:s21], [sflag:$0x1] =	stream.linear.gather [hbm4b:s17+s0], $0x140, $0x38;
	[tilespmem:$0xA180] =	vst v63  }
0x2a7: {  	s17 =	sld [smem:$0x7DD];
	_ =	sdelay $0x1  }
0x2a8: {  	s21 =	simm.s32 $0x9250  }
0x2a9: {  	[tilespmem:s21], [sflag:$0x1] =	stream.linear.gather [hbm4b:s17+s0], $0x140, $0x38;
	[tilespmem:$0xA180] =	vst v63  }
0x2aa: {  	s17 =	sld [smem:$0x7DE];
	_ =	sdelay $0x1  }
0x2ab: {  	s21 =	simm.s32 $0x94C0  }
0x2ac: {  	[tilespmem:s21], [sflag:$0x1] =	stream.linear.gather [hbm4b:s17+s0], $0x140, $0x38;
	[tilespmem:$0xA180] =	vst v63  }
0x2ad: {  	s17 =	sld [smem:$0x7DF];
	_ =	sdelay $0x1  }
0x2ae: {  	s21 =	simm.s32 $0x9730  }
0x2af: {  	[tilespmem:s21], [sflag:$0x1] =	stream.linear.gather [hbm4b:s17+s0], $0x140, $0x38;
	[tilespmem:$0xA180] =	vst v63  }
0x2b0: {  	s17 =	sld [smem:$0x7E0];
	_ =	sdelay $0x1  }
0x2b1: {  	s21 =	simm.s32 $0x99A0  }
0x2b2: {  	[tilespmem:s21], [sflag:$0x1] =	stream.linear.gather [hbm4b:s17+s0], $0x140, $0x38;
	[tilespmem:$0xA180] =	vst v63  }
0x2b3: {  	s17 =	sld [smem:$0x7E1];
	_ =	sdelay $0x1  }
0x2b4: {  	s21 =	sld [smem:$0x7E2]  }
0x2b5: {  	[tilespmem:s4], [sflag:$0x1] =	stream.linear.gather [hbm4b:s17+s0], $0x140, $0x38;
	[tilespmem:$0xA180] =	vst v63  }
0x2b6: {  	_ = 	snop  }
0x2b7: {  	[tilespmem:s6], [sflag:$0x1] =	stream.linear.gather [hbm4b:s21+s0], $0x140, $0x38;
	[tilespmem:$0xA180] =	vst v63  }
0x2b8: {  	_ =	swait.ge [sflag:s15], $0x280  }
0x2b9: {  	[sflag:s15] =	ssyncset.done $0x0  }
0x2ba: {  	[sflag:s15] =	ssyncadd.s32 $0xFFFFFD80  }
0x2bb: {  	_ =	swait.ge [sflag:s15], $0x280  }
0x2bc: {  	[sflag:s15] =	ssyncset.done $0x0  }
0x2bd: {  	[sflag:s15] =	ssyncadd.s32 $0xFFFFFD80  }
0x2be: {  	_ =	swait.ge [sflag:s15], $0x800  }
0x2bf: {  	[sflag:s15] =	ssyncset.done $0x0  }
0x2c0: {  	[sflag:s15] =	ssyncadd.s32 $0xFFFFF800  }
0x2c1: {  	_ =	swait.ge [sflag:s15], $0x280  }
0x2c2: {  	[sflag:s15] =	ssyncset.done $0x0  }
0x2c3: {  	[sflag:s15] =	ssyncadd.s32 $0xFFFFFD80  }
0x2c4: {  	_ =	swait.ge [sflag:s15], $0x280  }
0x2c5: {  	[sflag:s15] =	ssyncset.done $0x0  }
0x2c6: {  	[sflag:s15] =	ssyncadd.s32 $0xFFFFFD80  }
0x2c7: {  	_ =	swait.ge [sflag:s15], $0x800  }
0x2c8: {  	[sflag:s15] =	ssyncset.done $0x0  }
0x2c9: {  	[sflag:s15] =	ssyncadd.s32 $0xFFFFF800  }
0x2ca: {  	_ =	swait.ge [sflag:s15], $0x280  }
0x2cb: {  	[sflag:s15] =	ssyncset.done $0x0  }
0x2cc: {  	[sflag:s15] =	ssyncadd.s32 $0xFFFFFD80  }
0x2cd: {  	_ =	swait.ge [sflag:s15], $0x280  }
0x2ce: {  	[sflag:s15] =	ssyncset.done $0x0  }
0x2cf: {  	[sflag:s15] =	ssyncadd.s32 $0xFFFFFD80  }
0x2d0: {  	_ =	swait.ge [sflag:s15], $0x800  }
0x2d1: {  	[sflag:s15] =	ssyncset.done $0x0  }
0x2d2: {  	[sflag:s15] =	ssyncadd.s32 $0xFFFFF800  }
0x2d3: {  	_ =	swait.ge [sflag:s15], $0x280  }
0x2d4: {  	[sflag:s15] =	ssyncset.done $0x0  }
0x2d5: {  	[sflag:s15] =	ssyncadd.s32 $0xFFFFFD80  }
0x2d6: {  	_ =	swait.ge [sflag:s15], $0x3A0  }
0x2d7: {  	[sflag:s15] =	ssyncset.done $0x0  }
0x2d8: {  	[sflag:s15] =	ssyncadd.s32 $0xFFFFFC60  }
0x2d9: {  	_ =	swait.ge [sflag:s15], $0x3A0  }
0x2da: {  	[sflag:s15] =	ssyncset.done $0x0  }
0x2db: {  	[sflag:s15] =	ssyncadd.s32 $0xFFFFFC60  }
0x2dc: {  	_ =	swait.ge [sflag:s15], $0x140  }
0x2dd: {  	[sflag:s15] =	ssyncset.done $0x0  }
0x2de: {  	[sflag:s15] =	ssyncadd.s32 $0xFFFFFEC0  }
0x2df: {  	_ =	swait.ge [sflag:s15], $0x140  }
0x2e0: {  	[sflag:s15] =	ssyncset.done $0x0  }
0x2e1: {  	[sflag:s15] =	ssyncadd.s32 $0xFFFFFEC0  }
0x2e2: {  	_ =	swait.ge [sflag:s15], $0x140  }
0x2e3: {  	[sflag:s15] =	ssyncset.done $0x0  }
0x2e4: {  	[sflag:s15] =	ssyncadd.s32 $0xFFFFFEC0  }
0x2e5: {  	_ =	swait.ge [sflag:s15], $0x140  }
0x2e6: {  	[sflag:s15] =	ssyncset.done $0x0  }
0x2e7: {  	[sflag:s15] =	ssyncadd.s32 $0xFFFFFEC0  }
0x2e8: {  	_ =	swait.ge [sflag:s15], $0x140  }
0x2e9: {  	[sflag:s15] =	ssyncset.done $0x0  }
0x2ea: {  	[sflag:s15] =	ssyncadd.s32 $0xFFFFFEC0  }
0x2eb: {  	_ =	swait.ge [sflag:s15], $0x140  }
0x2ec: {  	[sflag:s15] =	ssyncset.done $0x0  }
0x2ed: {  	[sflag:s15] =	ssyncadd.s32 $0xFFFFFEC0  }
0x2ee: {  	_ =	swait.ge [sflag:s15], $0x140  }
0x2ef: {  	[sflag:s15] =	ssyncset.done $0x0  }
0x2f0: {  	[sflag:s15] =	ssyncadd.s32 $0xFFFFFEC0  }
0x2f1: {  	_ =	swait.ge [sflag:s15], $0x140  }
0x2f2: {  	[sflag:s15] =	ssyncset.done $0x0  }
0x2f3: {  	[sflag:s15] =	ssyncadd.s32 $0xFFFFFEC0  }
0x2f4: {  	_ =	swait.ge [sflag:s15], $0x140  }
0x2f5: {  	[sflag:s15] =	ssyncset.done $0x0  }
0x2f6: {  	s0 =	simm.s32 $0x0;
	[sflag:s15] =	ssyncadd.s32 $0xFFFFFEC0  }
0x2f7: {  	v14 =	vld [tilespmem:s0+$0x3200]  }
0x2f8: {  	v15 =	vld [tilespmem:s0+$0x1400]  }
0x2f9: {  	v17 =	vld [tilespmem:s0+$0x1E00]  }
0x2fa: {  	v18 =	vld [tilespmem:s0+$0x0]  }
0x2fb: {  	v19 =	vld [tilespmem:s0+$0x2800]  }
0x2fc: {  	s2 =	simm.s32 $0x10;
	v20 =	vld [tilespmem:s0+$0xA00]  }
0x2fd: {  	v13 =	vld [tilespmem:s2+$0x3200];
	v15 =	vsub.f32 v14, v15  }
0x2fe: {  	v16 =	vld [tilespmem:s2+$0x1400]  }
0x2ff: {  	v14 =	vld [tilespmem:s2+$0x1E00];
	v18 =	vsub.f32 v17, v18;
	[tilespmem:s0+$0x5000] =	vst v15  }
0x300: {  	v17 =	vld [tilespmem:s2+$0x0]  }
0x301: {  	s28 =	simm.s32 $0x0;
	s17 =	simm.s32 $0x10;
	s21 =	simm.s32 $0x80;
	v15 =	vld [tilespmem:s2+$0x2800];
	[tilespmem:s0+$0x3C00] =	vst v18;
	v18 =	vsub.f32 v19, v20  }
.LBB2_9:
0x302: {  	s3 =	sshra.s32 s21, $0x2;
	v19 =	vld [tilespmem:s17+$0xA00];
	p3 =	sne.s32 s21, $0x9C0  }
.Ltmp6:
0x303: {  	s21 =	sadd.s32 $0x40, s21;
	v20 =	vsub.f32 v13, v16;
	v13 =	vld [tilespmem:s3+$0x3200];
	[tilespmem:s28+$0x4600] =	vst v18;
	(pc) =	sbr.rel @p3 .LBB2_9-.Ltmp6, $4  }
0x304: {  	s28 =	smov.u32 s17;
	s17 =	smov.u32 s3;
	v16 =	vld [tilespmem:s3+$0x1400]  }
0x305: {  	v18 =	vsub.f32 v14, v17;
	v14 =	vld [tilespmem:s17+$0x1E00];
	[tilespmem:s28+$0x5000] =	vst v20  }
0x306: {  	v17 =	vld [tilespmem:s17+$0x0]  }
0x307: {  	[tilespmem:s28+$0x3C00] =	vst v18;
	v18 =	vsub.f32 v15, v19;
	v15 =	vld [tilespmem:s17+$0x2800]  }
0x308: {  	v19 =	vld [tilespmem:s17+$0xA00];
	_ =	sdelay $0x2  }
0x309: {  	v13 =	vsub.f32 v13, v16  }
0x30a: {  	[tilespmem:s28+$0x4600] =	vst v18;
	v14 =	vsub.f32 v14, v17  }
0x30b: {  	[tilespmem:s17+$0x5000] =	vst v13;
	v13 =	vsub.f32 v15, v19  }
0x30c: {  	[tilespmem:s17+$0x3C00] =	vst v14  }
0x30d: {  	[tilespmem:s17+$0x4600] =	vst v13  }
0x30e: {  	v13 =	vld [tilespmem:s0+$0x7C00];
	_ =	sdelay $0x4  }
0x30f: {  	v14 =	vld [tilespmem:s0+$0x8380];
	_ =	sdelay $0x2  }
0x310: {  	v15 =	vld.idx.msk [tilespmem:v13+s16+$0x0], $0xffff;
	_ =	sdelay $0x1  }
0x311: {  	v18 =	vld [tilespmem:s2+$0x8380]  }
0x312: {  	s0 =	simm.s32 $0x0;
	v19 =	vld [tilespmem:s2+$0x7C00]  }
0x313: {  	v16 =	vld.idx.msk [tilespmem:v13+s0+$0x0], $0xffff  }
0x314: {  	v17 =	vld.idx.msk [tilespmem:v14+s0+$0x0], $0xffff;
	v15 =	vand.u32 $0x7FF, v15  }
0x315: {  	v20 =	vld.idx.msk [tilespmem:v13+s8+$0x0], $0xffff  }
0x316: {  	v21 =	vld.idx.msk [tilespmem:v14+s8+$0x0], $0xffff  }
0x317: {  	v13 =	vld.idx.msk [tilespmem:v13+s11+$0x0], $0xffff  }
0x318: {  	v14 =	vld.idx.msk [tilespmem:v14+s11+$0x0], $0xffff  }
0x319: {  	v30 =	vld.idx.msk [tilespmem:v15+s7+$0x0], $0xffff  }
0x31a: {  	v31 =	vld.idx.msk [tilespmem:v15+s10+$0x0], $0xffff;
	_ =	sdelay $0x1  }
0x31b: {  	v32 =	vsub.f32 v16, v17;
	v36 =	vsub.f32 v20, v21;
	v38 =	vld.idx.msk [tilespmem:v15+s13+$0x0], $0xffff;
	_ =	sdelay $0x1  }
0x31c: {  	v45 =	vsub.f32 v13, v14;
	v13 =	vmul.f32 v32, v32;
	v14 =	vmul.f32 v36, v36;
	v15 =	vld.idx.msk [tilespmem:v19+s16+$0x0], $0xffff  }
0x31d: {  	v16 =	vmul.f32 v30, v30;
	v17 =	vmul.f32 v31, v31  }
0x31e: {  	s17 =	simm.s32 $0x20;
	v20 =	vmul.f32 v45, v45  }
0x31f: {  	v26 =	vld [tilespmem:s17+$0x7C00];
	v13 =	vadd.f32 v14, v13;
	v14 =	vadd.f32 v17, v16;
	v16 =	vmul.f32 v38, v38  }
0x320: {  	v22 =	vld.idx.msk [tilespmem:v18+s0+$0x0], $0xffff  }
0x321: {  	v27 =	vld.idx.msk [tilespmem:v18+s11+$0x0], $0xffff;
	v25 =	vand.u32 $0x7FF, v15;
	v15 =	vadd.f32 v20, v13;
	v13 =	vadd.f32 v16, v14  }
0x322: {  	v21 =	vld.idx.msk [tilespmem:v19+s0+$0x0], $0xffff  }
0x323: {  	v14 =	vld.idx.msk [tilespmem:v19+s8+$0x0], $0xffff;
	v13 =	vmul.f32 v13, v15  }
0x324: {  	v16 =	vld.idx.msk [tilespmem:v18+s8+$0x0], $0xffff  }
0x325: {  	v19 =	vld.idx.msk [tilespmem:v19+s11+$0x0], $0xffff;
	v13 =	vmax.f32 v13, $1.000000020e-24  }
0x326: {  	v20 =	vld.idx.msk [tilespmem:v25+s7+$0x0], $0xffff;
	v18 =	vshra.s32 v13, $0x1;
	v40 =	vmul.f32 $5.000000000e-01, v13  }
0x327: {  	v17 =	vld.idx.msk [tilespmem:v25+s10+$0x0], $0xffff;
	v13 =	vsub.s32 $0x5F3759DF, v18  }
0x328: {  	v23 =	vld [tilespmem:s17+$0x8380];
	v28 =	vmul.f32 v13, v40  }
0x329: {  	v24 =	vsub.f32 v21, v22;
	v18 =	vsub.f32 v14, v16;
	v16 =	vld.idx.msk [tilespmem:v25+s13+$0x0], $0xffff  }
0x32a: {  	v14 =	vld.idx.msk [tilespmem:v26+s16+$0x0], $0xffff;
	v21 =	vmul.f32 v13, v28  }
0x32b: {  	v22 =	vmul.f32 v24, v24;
	v19 =	vsub.f32 v19, v27;
	v25 =	vmul.f32 v18, v18  }
0x32c: {  	s21 =	simm.s32 $0x30;
	v27 =	vmul.f32 v20, v20;
	v28 =	vmul.f32 v17, v17;
	v21 =	vsub.f32 $1.500000000e+00, v21  }
0x32d: {  	v48 =	vld [tilespmem:s21+$0x8380];
	v29 =	vmul.f32 v19, v19;
	v22 =	vadd.f32 v25, v22  }
0x32e: {  	v42 =	vld [tilespmem:s21+$0x7C00];
	v25 =	vadd.f32 v28, v27;
	v27 =	vmul.f32 v16, v16;
	v13 =	vmul.f32 v13, v21  }
0x32f: {  	v33 =	vld.idx.msk [tilespmem:v26+s0+$0x0], $0xffff;
	v21 =	vand.u32 $0x7FF, v14  }
0x330: {  	v34 =	vld.idx.msk [tilespmem:v23+s0+$0x0], $0xffff;
	v14 =	vadd.f32 v29, v22;
	v22 =	vadd.f32 v27, v25;
	v25 =	vmul.f32 v13, v40  }
0x331: {  	v28 =	vld.idx.msk [tilespmem:v23+s8+$0x0], $0xffff  }
0x332: {  	v27 =	vld.idx.msk [tilespmem:v26+s8+$0x0], $0xffff;
	v22 =	vmul.f32 v22, v14;
	v25 =	vmul.f32 v25, v13  }
0x333: {  	v35 =	vld.idx.msk [tilespmem:v26+s11+$0x0], $0xffff  }
0x334: {  	v37 =	vld.idx.msk [tilespmem:v23+s11+$0x0], $0xffff;
	v32 =	vmul.f32 v30, v32;
	v22 =	vmax.f32 v22, $1.000000020e-24;
	v23 =	vsub.f32 $1.500000000e+00, v25  }
0x335: {  	v31 =	vmul.f32 v31, v36;
	v26 =	vshra.s32 v22, $0x1;
	v29 =	vmul.f32 $5.000000000e-01, v22;
	v22 =	vld.idx.msk [tilespmem:v21+s10+$0x0], $0xffff  }
0x336: {  	v45 =	vmul.f32 v38, v45;
	v25 =	vld.idx.msk [tilespmem:v21+s7+$0x0], $0xffff;
	v41 =	vmul.f32 v23, v13  }
0x337: {  	v28 =	vsub.f32 v27, v28;
	v39 =	vsub.s32 $0x5F3759DF, v26;
	v26 =	vsub.f32 v33, v34  }
0x338: {  	v13 =	vmul.f32 v39, v29;
	v23 =	vld.idx.msk [tilespmem:v21+s13+$0x0], $0xffff;
	v21 =	vmul.f32 v41, v40  }
0x339: {  	v59 =	vmul.f32 v28, v28;
	v33 =	vmul.f32 v26, v26  }
0x33a: {  	v43 =	vld.idx.msk [tilespmem:v42+s16+$0x0], $0xffff;
	v27 =	vsub.f32 v35, v37;
	v13 =	vmul.f32 v39, v13;
	v21 =	vmul.f32 v21, v41  }
0x33b: {  	v61 =	vmul.f32 v22, v22;
	v60 =	vmul.f32 v25, v25  }
0x33c: {  	v50 =	vld.idx.msk [tilespmem:v42+s0+$0x0], $0xffff;
	v44 =	vmul.f32 v27, v27;
	v13 =	vsub.f32 $1.500000000e+00, v13;
	v21 =	vsub.f32 $1.500000000e+00, v21  }
0x33d: {  	s28 =	simm.s32 $0x40;
	v51 =	vld.idx.msk [tilespmem:v48+s0+$0x0], $0xffff;
	v34 =	vadd.f32 v59, v33;
	v46 =	vadd.f32 v61, v60;
	v47 =	vmul.f32 v23, v23  }
0x33e: {  	v33 =	vld [tilespmem:s28+$0x8380];
	v35 =	vmul.f32 v39, v13;
	v37 =	vmul.f32 v21, v41  }
0x33f: {  	v39 =	vld [tilespmem:s28+$0x7C00];
	v62 =	vadd.f32 v47, v46;
	v21 =	vadd.f32 v44, v34;
	v34 =	vand.u32 $0x7FF, v43  }
0x340: {  	v47 =	vld.idx.msk [tilespmem:v48+s8+$0x0], $0xffff;
	v30 =	vmul.f32 v35, v29;
	v63 =	vmul.f32 v37, v40  }
0x341: {  	v13 =	vimm.f32 $0.0e+00;
	v48 =	vld.idx.msk [tilespmem:v48+s11+$0x0], $0xffff;
	v43 =	vadd.f32 v31, v32;
	v49 =	vmul.f32 v62, v21  }
0x342: {  	v41 =	vld.idx.msk [tilespmem:v42+s8+$0x0], $0xffff;
	v32 =	vimm.f32 $0.0e+00;
	v46 =	vmul.f32 v30, v35;
	v44 =	vmul.f32 v63, v37  }
0x343: {  	s2 =	simm.s32 $0x140;
	s21 =	smov.u32 s19;
	v42 =	vld.idx.msk [tilespmem:v42+s11+$0x0], $0xffff;
	v31 =	vimm.f32 $0.0e+00;
	v40 =	vmov s19;
	v30 =	vsub.f32 v50, v51  }
.LBB2_11:
0x344: {  	p3 =	sne.s32 s2, $0xE40;
	v36 =	vld.idx.msk [tilespmem:v34+s7+$0x0], $0xffff;
	v38 =	vmax.f32 v49, $1.000000020e-24;
	v46 =	vsub.f32 $1.500000000e+00, v46;
	v44 =	vsub.f32 $1.500000000e+00, v44;
	v49 =	vmovc v29;
	v50 =	vmovc v18  }
0x345: {  	v18 =	vmovc v28;
	v51 =	vld.idx.msk [tilespmem:v34+s10+$0x0], $0xffff;
	v53 =	vshra.s32 v38, $0x1;
	v29 =	vmul.f32 $5.000000000e-01, v38;
	v38 =	vadd.f32 v45, v43;
	v45 =	vmovc v16  }
0x346: {  	v52 =	vmovc v19;
	v16 =	vmovc v23;
	v43 =	vsub.s32 $0x5F3759DF, v53;
	v46 =	vmul.f32 v46, v35;
	v35 =	vmul.f32 v44, v37  }
0x347: {  	v19 =	vmovc v27;
	v28 =	vsub.f32 v41, v47;
	v23 =	vld.idx.msk [tilespmem:v34+s13+$0x0], $0xffff;
	v34 =	vmul.f32 v43, v29;
	v37 =	vand.u32 $0x7FFFFFFF, v38  }
0x348: {  	vm1 =	vlt.u32 v40, v12;
	v38 =	vld.idx.msk [tilespmem:v39+s16+$0x0], $0xffff;
	v41 =	vmul.f32 v46, v49;
	v35 =	vmul.f32 v35, v37  }
0x349: {  	v27 =	vsub.f32 v42, v48;
	v37 =	vmul.f32 v30, v30;
	v40 =	vmul.f32 v28, v28;
	v48 =	vmovc v33  }
0x34a: {  	v42 =	vmovc v39;
	v44 =	vmovc v15;
	v34 =	vmul.f32 v43, v34;
	v56 =	vmul.f32 v41, v46;
	v35 =	vnsel vm1, $0x0, v35  }
0x34b: {  	v15 =	vmovc v14;
	v47 =	vmul.f32 v36, v36;
	v53 =	vmul.f32 v51, v51;
	v32 =	vadd.f32 v35, v32  }
0x34c: {  	v14 =	vmovc v21;
	v55 =	vmul.f32 v27, v27;
	v35 =	vsub.f32 $1.500000000e+00, v34;
	v54 =	vld.idx.msk [tilespmem:v39+s0+$0x0], $0xffff;
	v39 =	vsub.f32 $1.500000000e+00, v56;
	v41 =	vmovc v24  }
0x34d: {  	s3 =	sshra.s32 s2, $0x2;
	v21 =	vadd.f32 v40, v37;
	v40 =	vadd.f32 v53, v47;
	v47 =	vmul.f32 v23, v23;
	v56 =	vld.idx.msk [tilespmem:v33+s0+$0x0], $0xffff  }
0x34e: {  	v24 =	vmovc v26;
	v26 =	vmovc v30;
	v34 =	vand.u32 $0x7FF, v38;
	v35 =	vmul.f32 v43, v35;
	v33 =	vld [tilespmem:s3+$0x8380];
	v37 =	vmul.f32 v39, v46  }
.Ltmp7:
0x34f: {  	v21 =	vadd.f32 v55, v21;
	v38 =	vmul.f32 v20, v41;
	v20 =	vmovc v25;
	v30 =	vadd.f32 v47, v40;
	v39 =	vld [tilespmem:s3+$0x7C00];
	(pc) =	sbr.rel @p3 .LBB2_11-.Ltmp7, $4  }
0x350: {  	v44 =	vnsel vm1, $0x0, v44;
	v25 =	vmovc v36;
	v40 =	vmul.f32 v35, v29;
	v41 =	vld.idx.msk [tilespmem:v42+s8+$0x0], $0xffff;
	v43 =	vmul.f32 v37, v49  }
0x351: {  	s21 =	sadd.s32 $0x10, s21;
	v31 =	vadd.f32 v44, v31;
	v36 =	vmul.f32 v17, v50;
	v49 =	vmul.f32 v30, v21;
	v47 =	vld.idx.msk [tilespmem:v48+s8+$0x0], $0xffff  }
0x352: {  	v17 =	vmovc v22;
	v22 =	vmovc v51;
	v46 =	vmul.f32 v40, v35;
	v40 =	vmov s21;
	v42 =	vld.idx.msk [tilespmem:v42+s11+$0x0], $0xffff;
	v44 =	vmul.f32 v43, v37  }
0x353: {  	s2 =	sadd.s32 $0x40, s2;
	v45 =	vmul.f32 v45, v52;
	v30 =	vsub.f32 v54, v56;
	v43 =	vadd.f32 v36, v38;
	v48 =	vld.idx.msk [tilespmem:v48+s11+$0x0], $0xffff  }
0x354: {  	_ =	sdelay $0x3  }
0x355: {  	v50 =	vld.idx.msk [tilespmem:v39+s16+$0x0], $0xffff  }
0x356: {  	v38 =	vld.idx.msk [tilespmem:v34+s7+$0x0], $0xffff  }
0x357: {  	v36 =	vld.idx.msk [tilespmem:v34+s10+$0x0], $0xffff  }
0x358: {  	v34 =	vld.idx.msk [tilespmem:v34+s13+$0x0], $0xffff  }
0x359: {  	v53 =	vld.idx.msk [tilespmem:v39+s8+$0x0], $0xffff  }
0x35a: {  	s0 =	simm.s32 $0x0;
	v57 =	vld.idx.msk [tilespmem:v33+s11+$0x0], $0xffff;
	v50 =	vand.u32 $0x7FF, v50  }
0x35b: {  	v51 =	vld.idx.msk [tilespmem:v39+s0+$0x0], $0xffff  }
0x35c: {  	v49 =	vmax.f32 v49, $1.000000020e-24;
	v46 =	vsub.f32 $1.500000000e+00, v46;
	v44 =	vsub.f32 $1.500000000e+00, v44;
	v52 =	vld.idx.msk [tilespmem:v33+s0+$0x0], $0xffff  }
0x35d: {  	v20 =	vmul.f32 v20, v24;
	v17 =	vmul.f32 v17, v18;
	v41 =	vsub.f32 v41, v47;
	v47 =	vld.idx.msk [tilespmem:v33+s8+$0x0], $0xffff  }
0x35e: {  	v16 =	vmul.f32 v16, v19;
	v39 =	vld.idx.msk [tilespmem:v39+s11+$0x0], $0xffff;
	v54 =	vshra.s32 v49, $0x1;
	v55 =	vmul.f32 v30, v30  }
0x35f: {  	v49 =	vmul.f32 $5.000000000e-01, v49;
	v56 =	vmul.f32 v41, v41;
	v42 =	vsub.f32 v42, v48;
	v58 =	vld.idx.msk [tilespmem:v50+s7+$0x0], $0xffff  }
0x360: {  	v54 =	vsub.s32 $0x5F3759DF, v54;
	v63 =	vmul.f32 v38, v38;
	v60 =	vmul.f32 v36, v36;
	v59 =	vld.idx.msk [tilespmem:v50+s10+$0x0], $0xffff  }
0x361: {  	v55 =	vadd.f32 v56, v55;
	v56 =	vmul.f32 v42, v42;
	v51 =	vsub.f32 v51, v52  }
0x362: {  	v52 =	vmul.f32 v54, v49;
	v48 =	vadd.f32 v60, v63;
	v47 =	vsub.f32 v53, v47;
	v50 =	vld.idx.msk [tilespmem:v50+s13+$0x0], $0xffff  }
0x363: {  	v60 =	vmul.f32 v34, v34;
	v33 =	vadd.f32 v56, v55;
	v61 =	vmul.f32 v51, v51  }
0x364: {  	v56 =	vsub.f32 v39, v57;
	v52 =	vmul.f32 v54, v52;
	v62 =	vmul.f32 v47, v47  }
0x365: {  	v48 =	vadd.f32 v60, v48;
	v63 =	vmul.f32 v58, v58;
	v60 =	vmul.f32 v59, v59  }
0x366: {  	v55 =	vmul.f32 v56, v56;
	v52 =	vsub.f32 $1.500000000e+00, v52;
	v53 =	vadd.f32 v62, v61  }
0x367: {  	v48 =	vmul.f32 v48, v33;
	v57 =	vadd.f32 v60, v63;
	v60 =	vmul.f32 v50, v50  }
0x368: {  	v43 =	vadd.f32 v45, v43;
	v35 =	vmul.f32 v46, v35;
	v45 =	vmul.f32 v54, v52  }
0x369: {  	v39 =	vadd.f32 v55, v53;
	v48 =	vmax.f32 v48, $1.000000020e-24;
	v61 =	vadd.f32 v60, v57  }
0x36a: {  	v37 =	vmul.f32 v44, v37;
	v62 =	vshra.s32 v48, $0x1;
	v48 =	vmul.f32 $5.000000000e-01, v48  }
0x36b: {  	v44 =	vsub.s32 $0x5F3759DF, v62;
	v63 =	vmul.f32 v45, v49;
	v53 =	vmul.f32 v61, v39  }
0x36c: {  	vm1 =	vlt.u32 v40, v12;
	v25 =	vmul.f32 v25, v26;
	v52 =	vmul.f32 v44, v48  }
0x36d: {  	v57 =	vmul.f32 v35, v29;
	v46 =	vmul.f32 v63, v45;
	v53 =	vmax.f32 v53, $1.000000020e-24  }
0x36e: {  	v52 =	vmul.f32 v44, v52;
	v60 =	vshra.s32 v53, $0x1;
	v53 =	vmul.f32 $5.000000000e-01, v53  }
0x36f: {  	v54 =	vmul.f32 v57, v35;
	v46 =	vsub.f32 $1.500000000e+00, v46;
	v55 =	vsub.s32 $0x5F3759DF, v60  }
0x370: {  	v22 =	vmul.f32 v22, v28;
	v52 =	vsub.f32 $1.500000000e+00, v52;
	v61 =	vmul.f32 v55, v53  }
0x371: {  	v23 =	vmul.f32 v23, v27;
	v62 =	vsub.f32 $1.500000000e+00, v54;
	v40 =	vmul.f32 v46, v45  }
0x372: {  	v44 =	vmul.f32 v44, v52;
	v63 =	vmul.f32 v55, v61  }
0x373: {  	v35 =	vmul.f32 v62, v35;
	v57 =	vmul.f32 v40, v49  }
0x374: {  	v15 =	vnsel vm1, $0x0, v15;
	v60 =	vmul.f32 v44, v48;
	v24 =	vsub.f32 $1.500000000e+00, v63  }
0x375: {  	v15 =	vadd.f32 v15, v31;
	v29 =	vmul.f32 v35, v29;
	v61 =	vmul.f32 v57, v40  }
0x376: {  	v17 =	vadd.f32 v17, v20;
	v62 =	vmul.f32 v60, v44;
	v24 =	vmul.f32 v55, v24  }
0x377: {  	v22 =	vadd.f32 v22, v25;
	v43 =	vand.u32 $0x7FFFFFFF, v43;
	v18 =	vsub.f32 $1.500000000e+00, v61  }
0x378: {  	v29 =	vmul.f32 v29, v35;
	v63 =	vsub.f32 $1.500000000e+00, v62;
	v31 =	vmul.f32 v24, v53  }
0x379: {  	v37 =	vmul.f32 v37, v43;
	v16 =	vadd.f32 v16, v17;
	v18 =	vmul.f32 v18, v40  }
0x37a: {  	v19 =	vsub.f32 $1.500000000e+00, v29;
	v20 =	vmul.f32 v63, v44;
	v29 =	vmul.f32 v31, v24  }
0x37b: {  	v22 =	vadd.f32 v23, v22;
	v37 =	vnsel vm1, $0x0, v37;
	v17 =	vmul.f32 v18, v49  }
0x37c: {  	v16 =	vand.u32 $0x7FFFFFFF, v16;
	v26 =	vsub.f32 $1.500000000e+00, v29;
	v29 =	vmul.f32 v20, v48  }
0x37d: {  	s28 =	sadd.s32 $0x10, s21;
	v32 =	vadd.f32 v37, v32;
	v19 =	vmul.f32 v19, v35;
	v17 =	vmul.f32 v17, v18  }
0x37e: {  	v31 =	vmov s28;
	v24 =	vmul.f32 v26, v24;
	v26 =	vmul.f32 v29, v20  }
0x37f: {  	v16 =	vmul.f32 v19, v16;
	vm1 =	vlt.u32 v31, v12;
	v17 =	vsub.f32 $1.500000000e+00, v17  }
0x380: {  	v14 =	vnsel vm1, $0x0, v14;
	v25 =	vmul.f32 v24, v53;
	v19 =	vsub.f32 $1.500000000e+00, v26  }
0x381: {  	v16 =	vnsel vm1, $0x0, v16;
	v14 =	vadd.f32 v14, v15;
	v17 =	vmul.f32 v17, v18  }
0x382: {  	s0 =	sadd.s32 $0x10, s28;
	v23 =	vmul.f32 v25, v24;
	v18 =	vmul.f32 v19, v20;
	v19 =	vand.u32 $0x7FFFFFFF, v22  }
0x383: {  	v15 =	vmul.f32 v38, v30;
	v22 =	vmov s0;
	v17 =	vmul.f32 v17, v19  }
0x384: {  	v20 =	vsub.f32 $1.500000000e+00, v23;
	v19 =	vmul.f32 v18, v48;
	v23 =	vmul.f32 v36, v41  }
0x385: {  	v16 =	vadd.f32 v16, v32;
	vm1 =	vlt.u32 v22, v12;
	v22 =	vmul.f32 v34, v42  }
0x386: {  	v20 =	vmul.f32 v20, v24;
	v19 =	vmul.f32 v19, v18;
	v15 =	vadd.f32 v23, v15  }
0x387: {  	v25 =	vmul.f32 v59, v47;
	v17 =	vnsel vm1, $0x0, v17;
	v23 =	vmul.f32 v58, v51  }
0x388: {  	v24 =	vmul.f32 v20, v53;
	v19 =	vsub.f32 $1.500000000e+00, v19;
	v15 =	vadd.f32 v22, v15  }
0x389: {  	s21 =	simm.s32 $0x0;
	v22 =	vadd.f32 v25, v23;
	v23 =	vmul.f32 v50, v56;
	v25 =	vadd.f32 v17, v16  }
0x38a: {  	s0 =	sadd.s32 $0x10, s0;
	v16 =	vld [tilespmem:s21+$0x99A0];
	v24 =	vmul.f32 v24, v20;
	v17 =	vmul.f32 v19, v18;
	v19 =	vnsel vm1, $0x0, v21  }
0x38b: {  	v15 =	vand.u32 $0x7FFFFFFF, v15;
	v21 =	vadd.f32 v23, v22;
	v22 =	vmov s0  }
0x38c: {  	vm1 =	vlt.u32 v22, v12;
	v22 =	vld [tilespmem:s21+$0x94C0];
	v18 =	vsub.f32 $1.500000000e+00, v24;
	v15 =	vmul.f32 v17, v15  }
0x38d: {  	v14 =	vadd.f32 v19, v14;
	v19 =	vand.u32 $0x7FFFFFFF, v21;
	v21 =	vld [tilespmem:s21+$0x9250]  }
0x38e: {  	s0 =	sadd.s32 $0x10, s0;
	v17 =	vld [tilespmem:s21+$0x9730];
	v18 =	vmul.f32 v18, v20;
	v15 =	vnsel vm1, $0x0, v15  }
0x38f: {  	p5 =	por $0x1, $0x1;
	vm2 =	vgt.s32 v16, $0x0;
	v20 =	vmov s0;
	v15 =	vadd.f32 v15, v25;
	v25 =	vld [tilespmem:s21+$0x8FE0]  }
.Ltmp8:
0x390: {  	v18 =	vmul.f32 v18, v19;
	v19 =	vnsel vm1, $0x0, v33;
	vm1 =	vlt.u32 v20, v12;
	(pc) =	sbr.rel @!p5 .LBB2_13-.Ltmp8, $4  }
0x391: {  	v28 =	vld [tilespmem:s21+$0x8D70];
	vm3 =	vgt.s32 v22, $0x0;
	v20 =	vnsel vm2, $0x0, v16;
	v19 =	vadd.f32 v19, v14  }
0x392: {  	v34 =	vld [tilespmem:s21+$0x9E80];
	vm12 =	vgt.s32 v21, $0x0;
	v27 =	vnsel vm3, $0x0, v22;
	v14 =	vnsel vm1, $0x0, v18  }
0x393: {  	v24 =	vld.idx.msk [tilespmem:v3+s21+$0x0 ss:$0x1], $0xffff;
	v14 =	vadd.f32 v14, v15;
	v15 =	vnsel vm1, $0x0, v39;
	vm1 =	vgt.s32 v17, $0x0  }
0x394: {  	p3 =	por $0x0, $0x0;
	p4 =	por $0x0, $0x0;
	v33 =	vld [tilespmem:s21+$0x8B00];
	v15 =	vadd.f32 v15, v19;
	vm13 =	vgt.s32 v25, $0x0;
	v23 =	vnsel vm1, $0x0, v17  }
0x395: {  	_ =	sdelay $0x2  }
0x396: {  	v18 =	vld [tilespmem:s21+$0x9C10]  }
0x397: {  	v32 =	vld.idx.msk [tilespmem:v20+s9+$0x0], $0xffff  }
0x398: {  	v37 =	vld.idx.msk [tilespmem:v23+s9+$0x0], $0xffff  }
0x399: {  	v19 =	vnsel vm12, $0x0, v21;
	v38 =	vld.idx.msk [tilespmem:v27+s9+$0x0], $0xffff  }
0x39a: {  	v26 =	vnsel vm13, $0x0, v25;
	v63 =	vld.idx.msk [tilespmem:v27+s25+$0x0], $0xffff;
	vm1 =	vgt.s32 v28, $0x0  }
0x39b: {  	s0 =	simm.s32 $0x10;
	v27 =	vld.idx.msk [tilespmem:v27+s5+$0x0], $0xffff;
	v29 =	vnsel vm1, $0x0, v28;
	vm2 =	vgt.s32 v33, $0x0  }
0x39c: {  	v35 =	vld [tilespmem:s0+$0x99A0];
	v30 =	vnsel vm2, $0x0, v33  }
0x39d: {  	v36 =	vld [tilespmem:s0+$0x9730]  }
0x39e: {  	v39 =	vld.idx.msk [tilespmem:v19+s9+$0x0], $0xffff  }
0x39f: {  	vm12 =	vgt.s32 v17, $0xFFFFFFFF;
	v17 =	vld.idx.msk [tilespmem:v26+s25+$0x0], $0xffff  }
0x3a0: {  	v41 =	vld.idx.msk [tilespmem:v29+s9+$0x0], $0xffff  }
0x3a1: {  	v42 =	vld.idx.msk [tilespmem:v30+s9+$0x0], $0xffff  }
0x3a2: {  	v43 =	vld.idx.msk [tilespmem:v30+s25+$0x0], $0xffff  }
0x3a3: {  	vm15 =	vgt.s32 v22, $0xFFFFFFFF;
	v30 =	vld.idx.msk [tilespmem:v30+s5+$0x0], $0xffff  }
0x3a4: {  	vm4 =	vgt.s32 v25, $0xFFFFFFFF;
	vm3 =	vgt.s32 v21, $0xFFFFFFFF;
	vm6 =	vgt.s32 v28, $0xFFFFFFFF;
	v44 =	vld.idx.msk [tilespmem:v29+s25+$0x0], $0xffff  }
0x3a5: {  	v31 =	vmul.f32 v24, v24;
	vm5 =	vgt.s32 v33, $0xFFFFFFFF;
	vm13 =	vgt.s32 v18, $0xFFFFFFFF;
	v29 =	vld.idx.msk [tilespmem:v29+s5+$0x0], $0xffff  }
0x3a6: {  	vm2 =	vgt.s32 v16, $0xFFFFFFFF;
	v16 =	vcvt.s32.f32 v34;
	v21 =	vld.idx.msk [tilespmem:v26+s5+$0x0], $0xffff;
	vm7 =	vgt.s32 v18, $0x0  }
0x3a7: {  	v22 =	vld.idx.msk [tilespmem:v19+s25+$0x0], $0xffff;
	vm14 =	vgt.s32 v36, $0x0;
	v18 =	vnsel vm7, $0x0, v18;
	v25 =	vadd.f32 $0.0e+00, v43  }
0x3a8: {  	v40 =	vld.idx.msk [tilespmem:v26+s9+$0x0], $0xffff;
	(erf) = vrcp.f32 v16;
	v17 =	vnsel vm4, $0x0, v17;
	v26 =	vadd.f32 $0.0e+00, v30  }
0x3a9: {  	v19 =	vld.idx.msk [tilespmem:v19+s5+$0x0], $0xffff;
	v28 =	vnsel vm6, $0x0, v44;
	v16 =	vadd.f32 $0.0e+00, v42;
	v25 =	vnsel vm5, $0x0, v25  }
0x3aa: {  	v29 =	vnsel vm6, $0x0, v29;
	v26 =	vnsel vm5, $0x0, v26;
	v25 =	vadd.f32 v28, v25;
	v28 =	vld.idx.msk [tilespmem:v23+s25+$0x0], $0xffff  }
0x3ab: {  	v30 =	vnsel vm6, $0x0, v41;
	v16 =	vnsel vm5, $0x0, v16;
	v26 =	vadd.f32 v29, v26;
	v23 =	vld.idx.msk [tilespmem:v23+s5+$0x0], $0xffff  }
0x3ac: {  	v21 =	vnsel vm4, $0x0, v21;
	v22 =	vnsel vm3, $0x0, v22;
	v16 =	vadd.f32 v30, v16;
	v29 =	vld.idx.msk [tilespmem:v18+s25+$0x0], $0xffff  }
0x3ad: {  	v17 =	vadd.f32 v17, v25;
	v21 =	vadd.f32 v21, v26;
	v25 =	vnsel vm4, $0x0, v40;
	v26 =	vld.idx.msk [tilespmem:v20+s25+$0x0], $0xffff  }
0x3ae: {  	v19 =	vnsel vm3, $0x0, v19;
	v20 =	vld.idx.msk [tilespmem:v20+s5+$0x0], $0xffff;
	v16 =	vadd.f32 v25, v16;
	v25 =	vnsel vm15, $0x0, v27  }
0x3af: {  	v27 =	vld.idx.msk [tilespmem:v18+s5+$0x0], $0xffff;
	v17 =	vadd.f32 v22, v17;
	v19 =	vadd.f32 v19, v21;
	v21 =	vnsel vm3, $0x0, v39  }
0x3b0: {  	vm1 =	vgt.s32 v35, $0x0;
	v18 =	vld.idx.msk [tilespmem:v18+s9+$0x0], $0xffff;
	v16 =	vadd.f32 v21, v16;
	v21 =	vnsel vm15, $0x0, v63  }
0x3b1: {  	v22 =	vld [tilespmem:s0+$0x94C0];
	v17 =	vadd.f32 v21, v17;
	v19 =	vadd.f32 v25, v19;
	v21 =	vnsel vm15, $0x0, v38  }
0x3b2: {  	v23 =	vnsel vm12, $0x0, v23;
	v25 =	vnsel vm12, $0x0, v28;
	v16 =	vadd.f32 v21, v16  }
0x3b3: {  	v21 =	vld [tilespmem:s0+$0x9250];
	v17 =	vadd.f32 v25, v17;
	v19 =	vadd.f32 v23, v19;
	v23 =	vnsel vm12, $0x0, v37  }
0x3b4: {  	v33 =	vld [tilespmem:s0+$0x8B00];
	v20 =	vnsel vm2, $0x0, v20;
	v16 =	vadd.f32 v23, v16;
	v23 =	vnsel vm2, $0x0, v26  }
0x3b5: {  	p5 =	por $0x1, $0x1;
	v25 =	vld [tilespmem:s0+$0x8FE0];
	v18 =	vnsel vm13, $0x0, v18;
	v17 =	vadd.f32 v23, v17;
	v19 =	vadd.f32 v20, v19  }
.Ltmp9:
0x3b6: {  	v26 =	vld.idx.msk [tilespmem:v3+s0+$0x0 ss:$0x1], $0xffff;
	v20 =	vnsel vm2, $0x0, v32;
	v23 =	vnsel vm13, $0x0, v27;
	vm2 =	vgt.s32 v22, $0x0;
	(pc) =	sbr.rel @!p5 .LBB2_15-.Ltmp9, $4  }
0x3b7: {  	v34 =	vld [tilespmem:s0+$0x9E80];
	v16 =	vadd.f32 v20, v16;
	v20 =	vnsel vm13, $0x0, v29;
	v27 =	vnsel vm2, $0x0, v22  }
0x3b8: {  	v30 =	vld.idx.msk [tilespmem:v4+s21+$0x0 ss:$0x1], $0xffff;
	v17 =	vadd.f32 v20, v17;
	v19 =	vadd.f32 v23, v19;
	vm12 =	vgt.s32 v21, $0x0  }
0x3b9: {  	v28 =	vld [tilespmem:s0+$0x8D70];
	v37 =	vpop (erf);
	v20 =	vnsel vm1, $0x0, v35;
	v23 =	vnsel vm14, $0x0, v36;
	v38 =	vadd.f32 v18, v16  }
0x3ba: {  	p3 =	por $0x1, $0x1;
	v32 =	vld.idx.msk [tilespmem:v5+s21+$0x0 ss:$0x1], $0xffff;
	vm13 =	vgt.s32 v25, $0x0;
	v39 =	vmul.f32 v17, v37;
	v40 =	vmul.f32 v19, v37  }
0x3bb: {  	_ =	sdelay $0x2  }
0x3bc: {  	v41 =	vld [tilespmem:s0+$0x9C10]  }
0x3bd: {  	v63 =	vld.idx.msk [tilespmem:v20+s9+$0x0], $0xffff  }
0x3be: {  	v42 =	vld.idx.msk [tilespmem:v23+s9+$0x0], $0xffff  }
0x3bf: {  	v43 =	vld.idx.msk [tilespmem:v27+s9+$0x0], $0xffff  }
0x3c0: {  	v58 =	vld.idx.msk [tilespmem:v27+s25+$0x0], $0xffff  }
0x3c1: {  	v27 =	vld.idx.msk [tilespmem:v27+s5+$0x0], $0xffff  }
0x3c2: {  	v61 =	vnsel vm13, $0x0, v25;
	v59 =	vld.idx.msk [tilespmem:v23+s25+$0x0], $0xffff  }
0x3c3: {  	v23 =	vld.idx.msk [tilespmem:v23+s5+$0x0], $0xffff  }
0x3c4: {  	v29 =	vmul.f32 v38, v37;
	vm2 =	vgt.s32 v33, $0x0;
	vm15 =	vgt.s32 v22, $0xFFFFFFFF;
	v60 =	vld.idx.msk [tilespmem:v20+s25+$0x0], $0xffff  }
0x3c5: {  	s21 =	simm.s32 $0x20;
	vm4 =	vgt.s32 v25, $0xFFFFFFFF;
	v20 =	vld.idx.msk [tilespmem:v20+s5+$0x0], $0xffff;
	v18 =	vsub.f32 v24, v39;
	v51 =	vnsel vm2, $0x0, v33  }
0x3c6: {  	vm3 =	vgt.s32 v21, $0xFFFFFFFF;
	vm5 =	vgt.s32 v33, $0xFFFFFFFF;
	v17 =	vld [tilespmem:s21+$0x9730];
	v19 =	vsub.f32 v30, v40  }
0x3c7: {  	v30 =	vmul.f32 v30, v30;
	vm1 =	vgt.s32 v28, $0x0;
	v18 =	vmul.f32 v18, v18;
	v45 =	vld.idx.msk [tilespmem:v61+s9+$0x0], $0xffff  }
0x3c8: {  	v62 =	vnsel vm1, $0x0, v28;
	v19 =	vmul.f32 v19, v19;
	v29 =	vsub.f32 v32, v29;
	v25 =	vld.idx.msk [tilespmem:v61+s25+$0x0], $0xffff  }
0x3c9: {  	v24 =	vnsel vm12, $0x0, v21;
	v22 =	vcvt.s32.f32 v34;
	v52 =	vmul.f32 v32, v32;
	v21 =	vld.idx.msk [tilespmem:v61+s5+$0x0], $0xffff  }
0x3ca: {  	v30 =	vadd.f32 v30, v31;
	v18 =	vadd.f32 v19, v18;
	v19 =	vmul.f32 v29, v29;
	v47 =	vld.idx.msk [tilespmem:v51+s9+$0x0], $0xffff  }
0x3cb: {  	vm12 =	vgt.s32 v36, $0xFFFFFFFF;
	vm2 =	vgt.s32 v35, $0xFFFFFFFF;
	vm6 =	vgt.s32 v28, $0xFFFFFFFF;
	v53 =	vld.idx.msk [tilespmem:v51+s5+$0x0], $0xffff  }
0x3cc: {  	(erf) = vrcp.f32 v22;
	v18 =	vadd.f32 v19, v18;
	v19 =	vadd.f32 v52, v30;
	v30 =	vld.idx.msk [tilespmem:v51+s25+$0x0], $0xffff  }
0x3cd: {  	v31 =	vmov s22;
	vm13 =	vgt.s32 v41, $0xFFFFFFFF;
	vm7 =	vgt.s32 v41, $0x0;
	v48 =	vld.idx.msk [tilespmem:v62+s25+$0x0], $0xffff  }
0x3ce: {  	v27 =	vnsel vm15, $0x0, v27;
	v23 =	vnsel vm12, $0x0, v23;
	v20 =	vnsel vm2, $0x0, v20;
	v37 =	vld.idx.msk [tilespmem:v62+s5+$0x0], $0xffff  }
0x3cf: {  	v29 =	vadd.s32 $0x26A, v6;
	vm14 =	vgt.s32 v17, $0x0;
	v55 =	vnsel vm7, $0x0, v41;
	v46 =	vld.idx.msk [tilespmem:v62+s9+$0x0], $0xffff  }
0x3d0: {  	v44 =	vld.idx.msk [tilespmem:v24+s9+$0x0], $0xffff;
	vm1 =	vlt.u32 v31, v29;
	v32 =	vadd.f32 $0.0e+00, v53;
	v22 =	vadd.f32 $0.0e+00, v47  }
0x3d1: {  	v28 =	vld.idx.msk [tilespmem:v24+s25+$0x0], $0xffff;
	v31 =	vmul.f32 v26, v26;
	v18 =	vnsel vm1, $0x0, v18;
	v30 =	vadd.f32 $0.0e+00, v30  }
0x3d2: {  	v24 =	vld.idx.msk [tilespmem:v24+s5+$0x0], $0xffff;
	v54 =	vnsel vm1, $0x0, v19;
	v32 =	vnsel vm5, $0x0, v32;
	v22 =	vnsel vm5, $0x0, v22  }
0x3d3: {  	v56 =	vnsel vm6, $0x0, v48;
	v37 =	vnsel vm6, $0x0, v37;
	v30 =	vnsel vm5, $0x0, v30  }
0x3d4: {  	v16 =	vld [tilespmem:s21+$0x99A0];
	v57 =	vnsel vm6, $0x0, v46;
	v32 =	vadd.f32 v37, v32;
	v30 =	vadd.f32 v56, v30  }
0x3d5: {  	v25 =	vnsel vm4, $0x0, v25;
	v21 =	vnsel vm4, $0x0, v21;
	v22 =	vadd.f32 v57, v22  }
0x3d6: {  	v21 =	vadd.f32 v21, v32;
	v25 =	vadd.f32 v25, v30;
	v30 =	vnsel vm4, $0x0, v45  }
0x3d7: {  	v28 =	vnsel vm3, $0x0, v28;
	v24 =	vnsel vm3, $0x0, v24;
	v22 =	vadd.f32 v30, v22  }
0x3d8: {  	v61 =	vld.idx.msk [tilespmem:v55+s5+$0x0], $0xffff;
	v21 =	vadd.f32 v24, v21;
	v24 =	vnsel vm3, $0x0, v44;
	v25 =	vadd.f32 v28, v25  }
0x3d9: {  	vm1 =	vgt.s32 v16, $0x0;
	v33 =	vld.idx.msk [tilespmem:v55+s9+$0x0], $0xffff;
	v30 =	vnsel vm15, $0x0, v58;
	v24 =	vadd.f32 v24, v22  }
0x3da: {  	v28 =	vld.idx.msk [tilespmem:v55+s25+$0x0], $0xffff;
	v27 =	vadd.f32 v27, v21;
	v21 =	vnsel vm15, $0x0, v43;
	v25 =	vadd.f32 v30, v25  }
0x3db: {  	v19 =	vadd.f32 v18, v13;
	v22 =	vld [tilespmem:s21+$0x94C0];
	v30 =	vnsel vm12, $0x0, v59;
	v24 =	vadd.f32 v21, v24  }
0x3dc: {  	v21 =	vld [tilespmem:s21+$0x9250];
	v23 =	vadd.f32 v23, v27;
	v34 =	vadd.f32 v30, v25;
	v25 =	vnsel vm12, $0x0, v42  }
0x3dd: {  	v18 =	vadd.f32 v54, v13;
	v32 =	vld.idx.msk [tilespmem:v5+s0+$0x0 ss:$0x1], $0xffff;
	v27 =	vnsel vm2, $0x0, v60;
	v24 =	vadd.f32 v25, v24  }
0x3de: {  	p5 =	por $0x1, $0x1;
	v25 =	vld [tilespmem:s21+$0x8FE0];
	v20 =	vadd.f32 v20, v23;
	v23 =	vnsel vm2, $0x0, v63;
	v27 =	vadd.f32 v27, v34  }
.Ltmp10:
0x3df: {  	v62 =	vnsel vm13, $0x0, v61;
	v30 =	vld.idx.msk [tilespmem:v4+s0+$0x0 ss:$0x1], $0xffff;
	v23 =	vadd.f32 v23, v24;
	v24 =	vnsel vm13, $0x0, v28;
	(pc) =	sbr.rel @!p5 .LBB2_17-.Ltmp10, $4  }
0x3e0: {  	v63 =	vnsel vm13, $0x0, v33;
	v28 =	vld [tilespmem:s21+$0x8D70];
	v34 =	vadd.f32 v62, v20;
	v27 =	vadd.f32 v24, v27  }
0x3e1: {  	v37 =	vpop (erf);
	v33 =	vld [tilespmem:s21+$0x8B00];
	vm2 =	vgt.s32 v22, $0x0;
	v20 =	vnsel vm1, $0x0, v16;
	vm12 =	vgt.s32 v21, $0x0  }
0x3e2: {  	v24 =	vld.idx.msk [tilespmem:v3+s21+$0x0 ss:$0x1], $0xffff;
	v38 =	vadd.f32 v63, v23;
	v40 =	vmul.f32 v34, v37;
	v39 =	vmul.f32 v27, v37  }
0x3e3: {  	s17 =	simm.s32 $0xC0;
	p4 =	por $0x1, $0x1;
	s0 =	smov.u32 s22;
	v34 =	vld [tilespmem:s21+$0x9E80];
	v23 =	vnsel vm14, $0x0, v17;
	vm13 =	vgt.s32 v25, $0x0;
	v27 =	vnsel vm2, $0x0, v22  }
.LBB2_18:
0x3e4: {  	s28 =	sshra.s32 s17, $0x2;
	p5 =	sne.s32 s17, $0x4C0;
	v36 =	vld [tilespmem:s21+$0x9C10];
	v46 =	vsub.f32 v26, v39;
	v35 =	vsub.f32 v30, v40;
	v37 =	vmul.f32 v38, v37  }
0x3e5: {  	v39 =	vnsel vm13, $0x0, v25;
	v40 =	vnsel vm12, $0x0, v21;
	v38 =	vld [tilespmem:s28+$0x99A0];
	vm1 =	vgt.s32 v28, $0x0  }
0x3e6: {  	v41 =	vld [tilespmem:s28+$0x9730];
	v37 =	vsub.f32 v32, v37;
	v42 =	vmul.f32 v46, v46;
	v43 =	vmul.f32 v35, v35  }
0x3e7: {  	v44 =	vnsel vm1, $0x0, v28;
	v45 =	vmul.f32 v24, v24;
	v26 =	vmovc v24;
	vm2 =	vgt.s32 v33, $0x0;
	v35 =	vld.idx.msk [tilespmem:v20+s9+$0x0], $0xffff  }
0x3e8: {  	v24 =	vnsel vm2, $0x0, v33;
	v46 =	vld.idx.msk [tilespmem:v23+s9+$0x0], $0xffff;
	v42 =	vadd.f32 v43, v42;
	v37 =	vmul.f32 v37, v37  }
0x3e9: {  	v30 =	vmul.f32 v30, v30;
	s0 =	sadd.s32 $0x10, s0;
	v32 =	vmul.f32 v32, v32;
	v43 =	vld.idx.msk [tilespmem:v27+s9+$0x0], $0xffff  }
0x3ea: {  	v48 =	vmov s0;
	v47 =	vld.idx.msk [tilespmem:v40+s9+$0x0], $0xffff;
	v37 =	vadd.f32 v37, v42  }
0x3eb: {  	vm1 =	vlt.u32 v48, v29;
	v30 =	vadd.f32 v30, v31;
	v31 =	vmov v45;
	v42 =	vld.idx.msk [tilespmem:v39+s9+$0x0], $0xffff  }
0x3ec: {  	v45 =	vld.idx.msk [tilespmem:v44+s9+$0x0], $0xffff;
	v37 =	vnsel vm1, $0x0, v37  }
0x3ed: {  	v30 =	vadd.f32 v32, v30;
	v48 =	vld.idx.msk [tilespmem:v24+s9+$0x0], $0xffff;
	v19 =	vadd.f32 v37, v19  }
0x3ee: {  	v32 =	vld.idx.msk [tilespmem:v24+s25+$0x0], $0xffff  }
0x3ef: {  	v30 =	vnsel vm1, $0x0, v30;
	v24 =	vld.idx.msk [tilespmem:v24+s5+$0x0], $0xffff  }
0x3f0: {  	vm13 =	vgt.s32 v36, $0xFFFFFFFF;
	v18 =	vadd.f32 v30, v18;
	v37 =	vld.idx.msk [tilespmem:v44+s25+$0x0], $0xffff  }
0x3f1: {  	vm12 =	vgt.s32 v16, $0xFFFFFFFF;
	vm2 =	vgt.s32 v22, $0xFFFFFFFF;
	v16 =	vmovc v38;
	vm1 =	vgt.s32 v17, $0xFFFFFFFF;
	v17 =	vmovc v41;
	v30 =	vld.idx.msk [tilespmem:v44+s5+$0x0], $0xffff  }
0x3f2: {  	vm4 =	vgt.s32 v25, $0xFFFFFFFF;
	vm3 =	vgt.s32 v21, $0xFFFFFFFF;
	v22 =	vcvt.s32.f32 v34;
	v25 =	vld.idx.msk [tilespmem:v39+s25+$0x0], $0xffff  }
0x3f3: {  	vm6 =	vgt.s32 v28, $0xFFFFFFFF;
	vm5 =	vgt.s32 v33, $0xFFFFFFFF;
	vm7 =	vgt.s32 v36, $0x0;
	v21 =	vld.idx.msk [tilespmem:v39+s5+$0x0], $0xffff  }
0x3f4: {  	v33 =	vnsel vm7, $0x0, v36;
	vm15 =	vgt.s32 v16, $0x0;
	vm14 =	vgt.s32 v17, $0x0;
	v28 =	vld.idx.msk [tilespmem:v40+s25+$0x0], $0xffff  }
0x3f5: {  	v32 =	vadd.f32 $0.0e+00, v32;
	v24 =	vadd.f32 $0.0e+00, v24;
	v34 =	vld.idx.msk [tilespmem:v40+s5+$0x0], $0xffff;
	(erf) = vrcp.f32 v22  }
0x3f6: {  	v22 =	vadd.f32 $0.0e+00, v48;
	v36 =	vnsel vm6, $0x0, v37;
	v37 =	vnsel vm6, $0x0, v45;
	v38 =	vld.idx.msk [tilespmem:v27+s25+$0x0], $0xffff  }
0x3f7: {  	v32 =	vnsel vm5, $0x0, v32;
	v24 =	vnsel vm5, $0x0, v24;
	v30 =	vnsel vm6, $0x0, v30;
	v27 =	vld.idx.msk [tilespmem:v27+s5+$0x0], $0xffff  }
0x3f8: {  	v32 =	vadd.f32 v36, v32;
	v22 =	vnsel vm5, $0x0, v22;
	v24 =	vadd.f32 v30, v24;
	v30 =	vld.idx.msk [tilespmem:v23+s25+$0x0], $0xffff  }
0x3f9: {  	v25 =	vnsel vm4, $0x0, v25;
	v22 =	vadd.f32 v37, v22;
	v21 =	vnsel vm4, $0x0, v21;
	v23 =	vld.idx.msk [tilespmem:v23+s5+$0x0], $0xffff  }
0x3fa: {  	v25 =	vadd.f32 v25, v32;
	v21 =	vadd.f32 v21, v24;
	v24 =	vnsel vm4, $0x0, v42;
	v32 =	vld.idx.msk [tilespmem:v20+s25+$0x0], $0xffff  }
0x3fb: {  	v22 =	vadd.f32 v24, v22;
	v24 =	vnsel vm3, $0x0, v28;
	v28 =	vnsel vm3, $0x0, v34;
	v20 =	vld.idx.msk [tilespmem:v20+s5+$0x0], $0xffff  }
0x3fc: {  	v24 =	vadd.f32 v24, v25;
	v21 =	vadd.f32 v28, v21;
	v25 =	vnsel vm3, $0x0, v47;
	v28 =	vld.idx.msk [tilespmem:v33+s25+$0x0], $0xffff  }
0x3fd: {  	v34 =	vnsel vm2, $0x0, v38;
	v25 =	vadd.f32 v25, v22;
	v27 =	vnsel vm2, $0x0, v27;
	v36 =	vld.idx.msk [tilespmem:v33+s5+$0x0], $0xffff  }
0x3fe: {  	v24 =	vadd.f32 v34, v24;
	v27 =	vadd.f32 v27, v21;
	v21 =	vnsel vm2, $0x0, v43;
	v22 =	vld [tilespmem:s28+$0x94C0];
	v37 =	vpop (erf)  }
0x3ff: {  	v30 =	vnsel vm1, $0x0, v30;
	v25 =	vadd.f32 v21, v25;
	v23 =	vnsel vm1, $0x0, v23;
	v33 =	vld.idx.msk [tilespmem:v33+s9+$0x0], $0xffff  }
0x400: {  	v24 =	vadd.f32 v30, v24;
	v23 =	vadd.f32 v23, v27;
	v27 =	vnsel vm1, $0x0, v46;
	v21 =	vld [tilespmem:s28+$0x9250]  }
0x401: {  	v32 =	vnsel vm12, $0x0, v32;
	v27 =	vadd.f32 v27, v25;
	v20 =	vnsel vm12, $0x0, v20;
	v30 =	vld.idx.msk [tilespmem:v4+s21+$0x0 ss:$0x1], $0xffff  }
0x402: {  	v24 =	vadd.f32 v32, v24;
	v20 =	vadd.f32 v20, v23;
	v23 =	vnsel vm12, $0x0, v35;
	v25 =	vld [tilespmem:s28+$0x8FE0]  }
.Ltmp11:
0x403: {  	v23 =	vadd.f32 v23, v27;
	v27 =	vnsel vm13, $0x0, v28;
	v34 =	vnsel vm13, $0x0, v36;
	v32 =	vld.idx.msk [tilespmem:v5+s21+$0x0 ss:$0x1], $0xffff;
	s21 =	smov.u32 s28;
	(pc) =	sbr.rel @p5 .LBB2_18-.Ltmp11, $4  }
0x404: {  	vm1 =	vgt.s32 v22, $0x0;
	v27 =	vadd.f32 v27, v24;
	v34 =	vadd.f32 v34, v20;
	v28 =	vld [tilespmem:s21+$0x8D70]  }
0x405: {  	v20 =	vnsel vm15, $0x0, v16;
	v35 =	vnsel vm13, $0x0, v33;
	v24 =	vld.idx.msk [tilespmem:v3+s21+$0x0 ss:$0x1], $0xffff;
	vm12 =	vgt.s32 v21, $0x0  }
0x406: {  	v38 =	vadd.f32 v35, v23;
	v39 =	vmul.f32 v27, v37;
	v40 =	vmul.f32 v34, v37;
	v33 =	vld [tilespmem:s21+$0x8B00]  }
0x407: {  	s17 =	sadd.s32 $0x40, s17;
	v27 =	vnsel vm1, $0x0, v22;
	v23 =	vnsel vm14, $0x0, v17;
	v34 =	vld [tilespmem:s21+$0x9E80];
	vm13 =	vgt.s32 v25, $0x0  }
0x408: {  	v29 =	vmov v26  }
.LBB2_20:
0x409: {  	_ =	sdelay $0x2  }
0x40a: {  	vm1 =	vgt.s32 v28, $0x0;
	v35 =	vld [tilespmem:s21+$0x9C10];
	v46 =	vnsel vm13, $0x0, v25  }
0x40b: {  	v41 =	vld.idx.msk [tilespmem:v20+s9+$0x0], $0xffff;
	v26 =	vnsel vm1, $0x0, v28;
	vm2 =	vgt.s32 v33, $0x0  }
0x40c: {  	v42 =	vld.idx.msk [tilespmem:v23+s9+$0x0], $0xffff;
	v36 =	vnsel vm2, $0x0, v33  }
0x40d: {  	v43 =	vld.idx.msk [tilespmem:v27+s9+$0x0], $0xffff  }
0x40e: {  	v54 =	vld.idx.msk [tilespmem:v27+s25+$0x0], $0xffff  }
0x40f: {  	v62 =	vld.idx.msk [tilespmem:v46+s25+$0x0], $0xffff  }
0x410: {  	v44 =	vld.idx.msk [tilespmem:v26+s9+$0x0], $0xffff  }
0x411: {  	v29 =	vsub.f32 @p3 v29, v39;
	v45 =	vld.idx.msk [tilespmem:v36+s9+$0x0], $0xffff  }
0x412: {  	v39 =	vsub.f32 @p3 v30, v40;
	v61 =	vnsel vm12, $0x0, v21;
	v37 =	vmul.f32 @p3 v38, v37;
	v47 =	vld.idx.msk [tilespmem:v36+s25+$0x0], $0xffff  }
0x413: {  	vm15 =	vgt.s32 v17, $0xFFFFFFFF;
	vm5 =	vgt.s32 v25, $0xFFFFFFFF;
	vm6 =	vgt.s32 v21, $0xFFFFFFFF;
	v36 =	vld.idx.msk [tilespmem:v36+s5+$0x0], $0xffff  }
0x414: {  	v29 =	vmul.f32 @p3 v29, v29;
	v39 =	vmul.f32 @p3 v39, v39;
	vm4 =	vgt.s32 v33, $0xFFFFFFFF;
	v48 =	vld.idx.msk [tilespmem:v26+s25+$0x0], $0xffff  }
0x415: {  	v37 =	vsub.f32 @p3 v32, v37;
	vm2 =	vgt.s32 v22, $0xFFFFFFFF;
	v34 =	vcvt.s32.f32 v34;
	v26 =	vld.idx.msk [tilespmem:v26+s5+$0x0], $0xffff  }
0x416: {  	v29 =	vadd.f32 @p3 v39, v29;
	vm3 =	vgt.s32 v35, $0x0;
	vm1 =	vgt.s32 v35, $0xFFFFFFFF;
	v49 =	vld.idx.msk [tilespmem:v46+s5+$0x0], $0xffff  }
0x417: {  	(erf) = vrcp.f32 v34;
	v52 =	vld.idx.msk [tilespmem:v61+s25+$0x0], $0xffff;
	v33 =	vnsel vm3, $0x0, v35;
	vm3 =	vgt.s32 v28, $0xFFFFFFFF  }
0x418: {  	v35 =	vld.idx.msk [tilespmem:v46+s9+$0x0], $0xffff;
	v59 =	vnsel vm5, $0x0, v62;
	v63 =	vadd.f32 $0.0e+00, v47;
	v36 =	vadd.f32 $0.0e+00, v36  }
0x419: {  	v40 =	vld.idx.msk [tilespmem:v61+s5+$0x0], $0xffff;
	v51 =	vnsel vm3, $0x0, v48;
	v44 =	vnsel vm3, $0x0, v44;
	v50 =	vadd.f32 $0.0e+00, v45  }
0x41a: {  	v22 =	vld.idx.msk [tilespmem:v61+s9+$0x0], $0xffff;
	v26 =	vnsel vm3, $0x0, v26;
	v28 =	vnsel vm4, $0x0, v63;
	v36 =	vnsel vm4, $0x0, v36  }
0x41b: {  	v55 =	vld.idx.msk [tilespmem:v27+s5+$0x0], $0xffff;
	v39 =	vnsel vm4, $0x0, v50;
	v53 =	vadd.f32 v51, v28;
	v56 =	vadd.f32 v26, v36  }
0x41c: {  	v57 =	vld.idx.msk [tilespmem:v23+s25+$0x0], $0xffff;
	v60 =	vnsel vm5, $0x0, v49;
	vm3 =	vgt.s32 v16, $0xFFFFFFFF;
	v58 =	vadd.f32 v44, v39  }
0x41d: {  	v61 =	vld.idx.msk [tilespmem:v23+s5+$0x0], $0xffff;
	v62 =	vnsel vm5, $0x0, v35;
	v16 =	vadd.f32 v59, v53;
	v25 =	vadd.f32 v60, v56  }
0x41e: {  	v38 =	vnsel vm6, $0x0, v40;
	v63 =	vld.idx.msk [tilespmem:v20+s25+$0x0], $0xffff;
	v36 =	vnsel vm6, $0x0, v52;
	v27 =	vadd.f32 v62, v58  }
0x41f: {  	v22 =	vnsel vm6, $0x0, v22;
	v39 =	vld.idx.msk [tilespmem:v20+s5+$0x0], $0xffff;
	v16 =	vadd.f32 v36, v16;
	v25 =	vadd.f32 v38, v25  }
0x420: {  	v17 =	vnsel vm2, $0x0, v54;
	v21 =	vnsel vm2, $0x0, v55;
	v40 =	vld.idx.msk [tilespmem:v33+s25+$0x0], $0xffff;
	v22 =	vadd.f32 v22, v27  }
0x421: {  	v46 =	vnsel vm2, $0x0, v43;
	v44 =	vld.idx.msk [tilespmem:v33+s5+$0x0], $0xffff;
	v16 =	vadd.f32 v17, v16;
	v45 =	vadd.f32 v21, v25  }
0x422: {  	v23 =	vnsel vm15, $0x0, v61;
	v47 =	vnsel vm15, $0x0, v57;
	v21 =	vadd.f32 v46, v22  }
0x423: {  	v49 =	vnsel vm15, $0x0, v42;
	v48 =	vld.idx.msk [tilespmem:v33+s9+$0x0], $0xffff;
	v16 =	vadd.f32 v47, v16;
	v17 =	vadd.f32 v23, v45  }
0x424: {  	v50 =	vnsel vm3, $0x0, v63;
	v20 =	vnsel vm3, $0x0, v39;
	v21 =	vadd.f32 v49, v21  }
0x425: {  	v51 =	vnsel vm3, $0x0, v41;
	v52 =	vld.idx.msk [tilespmem:v4+s21+$0x0 ss:$0x1], $0xffff;
	v16 =	vadd.f32 v50, v16;
	v17 =	vadd.f32 v20, v17  }
0x426: {  	v53 =	vnsel vm1, $0x0, v40;
	v54 =	vnsel vm1, $0x0, v44;
	v20 =	vadd.f32 v51, v21  }
0x427: {  	v16 =	vadd.f32 v53, v16;
	v17 =	vadd.f32 v54, v17  }
0x428: {  	v57 =	vmul.f32 v24, v24;
	v55 =	vpop (erf);
	v26 =	vmul.f32 @p3 v37, v37;
	v56 =	vld.idx.msk [tilespmem:v5+s21+$0x0 ss:$0x1], $0xffff;
	v25 =	vnsel vm1, $0x0, v48  }
0x429: {  	v20 =	vadd.f32 v25, v20;
	v16 =	vmul.f32 v16, v55;
	v17 =	vmul.f32 v17, v55  }
0x42a: {  	s0 =	sadd.s32 @p4 $0x10, s0;
	s2 =	smov.u32 s22;
	v26 =	vadd.f32 @p3 v26, v29;
	v62 =	vadd.s32 $0x26A, v6;
	v59 =	vmul.f32 v52, v52  }
0x42b: {  	s2 =	smov.u32 @p4 s0;
	v20 =	vmul.f32 v20, v55;
	v16 =	vsub.f32 v24, v16;
	v17 =	vsub.f32 v52, v17  }
0x42c: {  	v23 =	vadd.s32 @p3 $0x26A, v6;
	v21 =	vmov @p3 s2;
	v25 =	vmul.f32 @p3 v30, v30  }
0x42d: {  	v20 =	vsub.f32 v56, v20;
	v16 =	vmul.f32 v16, v16;
	v17 =	vmul.f32 v17, v17  }
0x42e: {  	vm1 =	vlt.u32 @p3 v21, v23;
	v21 =	vmul.f32 @p3 v32, v32;
	v23 =	vadd.f32 @p3 v25, v31  }
0x42f: {  	s0 =	sadd.s32 @p3 $0x10, s2;
	s2 =	smov.u32 s22;
	v25 =	vnsel @p3 vm1, $0x0, v26;
	v58 =	vmul.f32 v20, v20;
	v16 =	vadd.f32 v17, v16  }
0x430: {  	v60 =	vmul.f32 v56, v56;
	s2 =	smov.u32 @p3 s0;
	v19 =	vadd.f32 @p3 v25, v19;
	v21 =	vadd.f32 @p3 v21, v23  }
0x431: {  	(xrf2) =	vadd.scan.msk.f32 $0xffff, v15;
	v63 =	vadd.f32 v59, v57;
	v61 =	vmov s2;
	v16 =	vadd.f32 v58, v16  }
0x432: {  	(xrf2) =	vadd.scan.msk.f32 $0xffff, v14;
	v19 =	vpsel p3, v19, v13;
	v21 =	vnsel @p3 vm1, $0x0, v21;
	vm1 =	vlt.u32 v61, v62  }
0x433: {  	v18 =	vadd.f32 @p3 v21, v18;
	v17 =	vadd.f32 v60, v63;
	v16 =	vnsel vm1, $0x0, v16  }
0x434: {  	v15 =	vadd.f32 v16, v19  }
0x435: {  	v13 =	vpsel p3, v18, v13;
	v14 =	vnsel vm1, $0x0, v17  }
0x436: {  	v13 =	vadd.f32 v14, v13;
	(xrf2) =	vadd.scan.msk.f32 $0xffff, v15;
	_ =	sdelay $0x1  }
0x437: {  	(xrf2) =	vadd.scan.msk.f32 $0xffff, v13;
	_ =	sdelay $0x2  }
0x438: {  	v13, _, _ =	vpop (xrf2)  }
0x439: {  	v14, _, _ =	vpop (xrf2);
	v13 =	vbroadcast v13, $0xF  }
0x43a: {  	vm1 =	vcmask $0x704;
	v14 =	vbroadcast v14, $0xF  }
0x43b: {  	v13 =	vnsel vm1, $0x0, v13;
	vm1 =	vcmask $0x1310  }
0x43c: {  	v14 =	vnsel vm1, $0x0, v14  }
0x43d: {  	v15, _, _ =	vpop (xrf2)  }
0x43e: {  	v15 =	vbroadcast v15, $0xF  }
0x43f: {  	vm1 =	vcmask $0x1F1C;
	v13 =	vadd.f32 v14, v13;
	v14, _, _ =	vpop (xrf2)  }
0x440: {  	v14 =	vbroadcast v14, $0xF;
	v15 =	vnsel vm1, $0x0, v15  }
0x441: {  	vm1 =	vcmask $0x2B28;
	v13 =	vadd.f32 v15, v13  }
0x442: {  	v14 =	vnsel vm1, $0x0, v14  }
0x443: {  	v13 =	vadd.f32 v14, v13;
	_ =	sdelay $0x1  }
0x444: {  	[tilespmem:$0xA100] =	vst v13  }
0x445: {  	[hbm4b:s26+s31] =	stream.linear.scatter [tilespmem:s30], [sflag:$0x2], $0x10, $0x38;
	[tilespmem:$0xA180] =	vst v63  }
0x446: {  	_ =	swait.ge [sflag:s12], $0x10  }
0x447: {  	[sflag:s12] =	ssyncset.done $0x0  }
0x448: {  	[sflag:s12] =	ssyncadd.s32 $0xFFFFFFF0  }
.LBB2_21:
.Ltmp12:
0x449: {  	(pc) =	sbr.rel @p2 .LBB2_35-.Ltmp12, $1  }
0x44a: {  	_ =	sdelay $0x3  }
0x44b: {  	s2 =	rddreg [dreg:$0xe]  }
0x44c: {  	s0 =	simm.s32 $0x0;
	s21 =	rddreg [dreg:$0xf]  }
0x44d: {  	[tilespmem:s0], [sflag:$0x1] =	stream.linear.gather [hbm4b:s2+s0], $0x9C0, $0x38;
	[tilespmem:$0xA180] =	vst v63  }
0x44e: {  	s3 =	rddreg [dreg:$0x10]  }
0x44f: {  	[tilespmem:s29], [sflag:$0x1] =	stream.linear.gather [hbm4b:s21+s0], $0x9C0, $0x38;
	[tilespmem:$0xA180] =	vst v63  }
0x450: {  	s17 =	sld [smem:$0x7E3]  }
0x451: {  	[tilespmem:s7], [sflag:$0x1] =	stream.linear.gather [hbm4b:s3+s0], $0x800, $0x38;
	[tilespmem:$0xA180] =	vst v63  }
0x452: {  	s21 =	sld [smem:$0x7E4]  }
0x453: {  	[tilespmem:s8], [sflag:$0x1] =	stream.linear.gather [hbm4b:s17+s0], $0x9C0, $0x38;
	[tilespmem:$0xA180] =	vst v63  }
0x454: {  	s3 =	simm.s32 $0x2800;
	s17 =	sld [smem:$0x7E5]  }
0x455: {  	[tilespmem:s3], [sflag:$0x1] =	stream.linear.gather [hbm4b:s21+s0], $0x9C0, $0x38;
	[tilespmem:$0xA180] =	vst v63  }
0x456: {  	s21 =	sld [smem:$0x7E6]  }
0x457: {  	[tilespmem:s10], [sflag:$0x1] =	stream.linear.gather [hbm4b:s17+s0], $0x800, $0x38;
	[tilespmem:$0xA180] =	vst v63  }
0x458: {  	s3 =	sld [smem:$0x7E7]  }
0x459: {  	[tilespmem:s11], [sflag:$0x1] =	stream.linear.gather [hbm4b:s21+s0], $0x9C0, $0x38;
	[tilespmem:$0xA180] =	vst v63  }
0x45a: {  	s17 =	simm.s32 $0x3200;
	s21 =	sld [smem:$0x7E8]  }
0x45b: {  	[tilespmem:s17], [sflag:$0x1] =	stream.linear.gather [hbm4b:s3+s0], $0x9C0, $0x38;
	[tilespmem:$0xA180] =	vst v63  }
0x45c: {  	s3 =	rddreg [dreg:$0x13]  }
0x45d: {  	[tilespmem:s13], [sflag:$0x1] =	stream.linear.gather [hbm4b:s21+s0], $0x800, $0x38;
	[tilespmem:$0xA180] =	vst v63  }
0x45e: {  	s17 =	sld [smem:$0x7E9]  }
0x45f: {  	[tilespmem:s16], [sflag:$0x1] =	stream.linear.gather [hbm4b:s3+s0], $0x9C0, $0x38;
	[tilespmem:$0xA180] =	vst v63  }
0x460: {  	s21 =	simm.s32 $0x7C00  }
0x461: {  	[tilespmem:s21], [sflag:$0x1] =	stream.linear.gather [hbm4b:s17+s0], $0x740, $0x38;
	[tilespmem:$0xA180] =	vst v63  }
0x462: {  	s17 =	sld [smem:$0x7EA];
	_ =	sdelay $0x1  }
0x463: {  	s21 =	simm.s32 $0x8380  }
0x464: {  	[tilespmem:s21], [sflag:$0x1] =	stream.linear.gather [hbm4b:s17+s0], $0x740, $0x38;
	[tilespmem:$0xA180] =	vst v63  }
0x465: {  	s17 =	sld [smem:$0x7EB];
	_ =	sdelay $0x1  }
0x466: {  	s21 =	simm.s32 $0x8B00  }
0x467: {  	[tilespmem:s21], [sflag:$0x1] =	stream.linear.gather [hbm4b:s17+s0], $0x270, $0x38;
	[tilespmem:$0xA180] =	vst v63  }
0x468: {  	s17 =	sld [smem:$0x7EC];
	_ =	sdelay $0x1  }
0x469: {  	s21 =	simm.s32 $0x8D70  }
0x46a: {  	[tilespmem:s21], [sflag:$0x1] =	stream.linear.gather [hbm4b:s17+s0], $0x270, $0x38;
	[tilespmem:$0xA180] =	vst v63  }
0x46b: {  	s17 =	sld [smem:$0x7ED];
	_ =	sdelay $0x1  }
0x46c: {  	s21 =	simm.s32 $0x8FE0  }
0x46d: {  	[tilespmem:s21], [sflag:$0x1] =	stream.linear.gather [hbm4b:s17+s0], $0x270, $0x38;
	[tilespmem:$0xA180] =	vst v63  }
0x46e: {  	s17 =	sld [smem:$0x7EE];
	_ =	sdelay $0x1  }
0x46f: {  	s21 =	simm.s32 $0x9250  }
0x470: {  	[tilespmem:s21], [sflag:$0x1] =	stream.linear.gather [hbm4b:s17+s0], $0x270, $0x38;
	[tilespmem:$0xA180] =	vst v63  }
0x471: {  	s17 =	sld [smem:$0x7EF];
	_ =	sdelay $0x1  }
0x472: {  	s21 =	simm.s32 $0x94C0  }
0x473: {  	[tilespmem:s21], [sflag:$0x1] =	stream.linear.gather [hbm4b:s17+s0], $0x270, $0x38;
	[tilespmem:$0xA180] =	vst v63  }
0x474: {  	s17 =	sld [smem:$0x7F0];
	_ =	sdelay $0x1  }
0x475: {  	s21 =	simm.s32 $0x9730  }
0x476: {  	[tilespmem:s21], [sflag:$0x1] =	stream.linear.gather [hbm4b:s17+s0], $0x270, $0x38;
	[tilespmem:$0xA180] =	vst v63  }
0x477: {  	s17 =	sld [smem:$0x7F1];
	_ =	sdelay $0x1  }
0x478: {  	s21 =	simm.s32 $0x99A0  }
0x479: {  	[tilespmem:s21], [sflag:$0x1] =	stream.linear.gather [hbm4b:s17+s0], $0x270, $0x38;
	[tilespmem:$0xA180] =	vst v63  }
0x47a: {  	s17 =	sld [smem:$0x7F2];
	_ =	sdelay $0x1  }
0x47b: {  	s21 =	sld [smem:$0x7F3]  }
0x47c: {  	[tilespmem:s4], [sflag:$0x1] =	stream.linear.gather [hbm4b:s17+s0], $0x270, $0x38;
	[tilespmem:$0xA180] =	vst v63  }
0x47d: {  	_ = 	snop  }
0x47e: {  	[tilespmem:s6], [sflag:$0x1] =	stream.linear.gather [hbm4b:s21+s0], $0x270, $0x38;
	[tilespmem:$0xA180] =	vst v63  }
0x47f: {  	_ =	swait.ge [sflag:s15], $0x9C0  }
0x480: {  	[sflag:s15] =	ssyncset.done $0x0  }
0x481: {  	[sflag:s15] =	ssyncadd.s32 $0xFFFFF640  }
0x482: {  	_ =	swait.ge [sflag:s15], $0x9C0  }
0x483: {  	[sflag:s15] =	ssyncset.done $0x0  }
0x484: {  	[sflag:s15] =	ssyncadd.s32 $0xFFFFF640  }
0x485: {  	_ =	swait.ge [sflag:s15], $0x800  }
0x486: {  	[sflag:s15] =	ssyncset.done $0x0  }
0x487: {  	[sflag:s15] =	ssyncadd.s32 $0xFFFFF800  }
0x488: {  	_ =	swait.ge [sflag:s15], $0x9C0  }
0x489: {  	[sflag:s15] =	ssyncset.done $0x0  }
0x48a: {  	[sflag:s15] =	ssyncadd.s32 $0xFFFFF640  }
0x48b: {  	_ =	swait.ge [sflag:s15], $0x9C0  }
0x48c: {  	[sflag:s15] =	ssyncset.done $0x0  }
0x48d: {  	[sflag:s15] =	ssyncadd.s32 $0xFFFFF640  }
0x48e: {  	_ =	swait.ge [sflag:s15], $0x800  }
0x48f: {  	[sflag:s15] =	ssyncset.done $0x0  }
0x490: {  	[sflag:s15] =	ssyncadd.s32 $0xFFFFF800  }
0x491: {  	_ =	swait.ge [sflag:s15], $0x9C0  }
0x492: {  	[sflag:s15] =	ssyncset.done $0x0  }
0x493: {  	[sflag:s15] =	ssyncadd.s32 $0xFFFFF640  }
0x494: {  	_ =	swait.ge [sflag:s15], $0x9C0  }
0x495: {  	[sflag:s15] =	ssyncset.done $0x0  }
0x496: {  	[sflag:s15] =	ssyncadd.s32 $0xFFFFF640  }
0x497: {  	_ =	swait.ge [sflag:s15], $0x800  }
0x498: {  	[sflag:s15] =	ssyncset.done $0x0  }
0x499: {  	[sflag:s15] =	ssyncadd.s32 $0xFFFFF800  }
0x49a: {  	_ =	swait.ge [sflag:s15], $0x9C0  }
0x49b: {  	[sflag:s15] =	ssyncset.done $0x0  }
0x49c: {  	[sflag:s15] =	ssyncadd.s32 $0xFFFFF640  }
0x49d: {  	_ =	swait.ge [sflag:s15], $0x740  }
0x49e: {  	[sflag:s15] =	ssyncset.done $0x0  }
0x49f: {  	[sflag:s15] =	ssyncadd.s32 $0xFFFFF8C0  }
0x4a0: {  	_ =	swait.ge [sflag:s15], $0x740  }
0x4a1: {  	[sflag:s15] =	ssyncset.done $0x0  }
0x4a2: {  	[sflag:s15] =	ssyncadd.s32 $0xFFFFF8C0  }
0x4a3: {  	_ =	swait.ge [sflag:s15], $0x270  }
0x4a4: {  	[sflag:s15] =	ssyncset.done $0x0  }
0x4a5: {  	[sflag:s15] =	ssyncadd.s32 $0xFFFFFD90  }
0x4a6: {  	_ =	swait.ge [sflag:s15], $0x270  }
0x4a7: {  	[sflag:s15] =	ssyncset.done $0x0  }
0x4a8: {  	[sflag:s15] =	ssyncadd.s32 $0xFFFFFD90  }
0x4a9: {  	_ =	swait.ge [sflag:s15], $0x270  }
0x4aa: {  	[sflag:s15] =	ssyncset.done $0x0  }
0x4ab: {  	[sflag:s15] =	ssyncadd.s32 $0xFFFFFD90  }
0x4ac: {  	_ =	swait.ge [sflag:s15], $0x270  }
0x4ad: {  	[sflag:s15] =	ssyncset.done $0x0  }
0x4ae: {  	[sflag:s15] =	ssyncadd.s32 $0xFFFFFD90  }
0x4af: {  	_ =	swait.ge [sflag:s15], $0x270  }
0x4b0: {  	[sflag:s15] =	ssyncset.done $0x0  }
0x4b1: {  	[sflag:s15] =	ssyncadd.s32 $0xFFFFFD90  }
0x4b2: {  	_ =	swait.ge [sflag:s15], $0x270  }
0x4b3: {  	[sflag:s15] =	ssyncset.done $0x0  }
0x4b4: {  	[sflag:s15] =	ssyncadd.s32 $0xFFFFFD90  }
0x4b5: {  	_ =	swait.ge [sflag:s15], $0x270  }
0x4b6: {  	[sflag:s15] =	ssyncset.done $0x0  }
0x4b7: {  	[sflag:s15] =	ssyncadd.s32 $0xFFFFFD90  }
0x4b8: {  	_ =	swait.ge [sflag:s15], $0x270  }
0x4b9: {  	[sflag:s15] =	ssyncset.done $0x0  }
0x4ba: {  	[sflag:s15] =	ssyncadd.s32 $0xFFFFFD90  }
0x4bb: {  	_ =	swait.ge [sflag:s15], $0x270  }
0x4bc: {  	[sflag:s15] =	ssyncset.done $0x0  }
0x4bd: {  	s0 =	simm.s32 $0x0;
	[sflag:s15] =	ssyncadd.s32 $0xFFFFFD90  }
0x4be: {  	v14 =	vld [tilespmem:s0+$0x3200]  }
0x4bf: {  	v15 =	vld [tilespmem:s0+$0x1400]  }
0x4c0: {  	v17 =	vld [tilespmem:s0+$0x1E00]  }
0x4c1: {  	v18 =	vld [tilespmem:s0+$0x0]  }
0x4c2: {  	v19 =	vld [tilespmem:s0+$0x2800]  }
0x4c3: {  	s2 =	simm.s32 $0x10;
	v20 =	vld [tilespmem:s0+$0xA00]  }
0x4c4: {  	v13 =	vld [tilespmem:s2+$0x3200];
	v15 =	vsub.f32 v14, v15  }
0x4c5: {  	v16 =	vld [tilespmem:s2+$0x1400]  }
0x4c6: {  	v14 =	vld [tilespmem:s2+$0x1E00];
	v18 =	vsub.f32 v17, v18;
	[tilespmem:s0+$0x5000] =	vst v15  }
0x4c7: {  	v17 =	vld [tilespmem:s2+$0x0]  }
0x4c8: {  	s28 =	simm.s32 $0x0;
	s17 =	simm.s32 $0x10;
	s21 =	simm.s32 $0x80;
	v15 =	vld [tilespmem:s2+$0x2800];
	[tilespmem:s0+$0x3C00] =	vst v18;
	v18 =	vsub.f32 v19, v20  }
.LBB2_23:
0x4c9: {  	s3 =	sshra.s32 s21, $0x2;
	v19 =	vld [tilespmem:s17+$0xA00];
	p3 =	sne.s32 s21, $0x26C0  }
.Ltmp13:
0x4ca: {  	s21 =	sadd.s32 $0x40, s21;
	v20 =	vsub.f32 v13, v16;
	v13 =	vld [tilespmem:s3+$0x3200];
	[tilespmem:s28+$0x4600] =	vst v18;
	(pc) =	sbr.rel @p3 .LBB2_23-.Ltmp13, $4  }
0x4cb: {  	s28 =	smov.u32 s17;
	s17 =	smov.u32 s3;
	v16 =	vld [tilespmem:s3+$0x1400]  }
0x4cc: {  	v18 =	vsub.f32 v14, v17;
	v14 =	vld [tilespmem:s17+$0x1E00];
	[tilespmem:s28+$0x5000] =	vst v20  }
0x4cd: {  	v17 =	vld [tilespmem:s17+$0x0]  }
0x4ce: {  	[tilespmem:s28+$0x3C00] =	vst v18;
	v18 =	vsub.f32 v15, v19;
	v15 =	vld [tilespmem:s17+$0x2800]  }
0x4cf: {  	v19 =	vld [tilespmem:s17+$0xA00];
	_ =	sdelay $0x2  }
0x4d0: {  	v13 =	vsub.f32 v13, v16  }
0x4d1: {  	[tilespmem:s28+$0x4600] =	vst v18;
	v14 =	vsub.f32 v14, v17  }
0x4d2: {  	[tilespmem:s17+$0x5000] =	vst v13;
	v13 =	vsub.f32 v15, v19  }
0x4d3: {  	[tilespmem:s17+$0x3C00] =	vst v14  }
0x4d4: {  	[tilespmem:s17+$0x4600] =	vst v13  }
0x4d5: {  	v13 =	vld [tilespmem:s0+$0x7C00];
	_ =	sdelay $0x4  }
0x4d6: {  	v14 =	vld [tilespmem:s0+$0x8380];
	_ =	sdelay $0x2  }
0x4d7: {  	v15 =	vld.idx.msk [tilespmem:v13+s16+$0x0], $0xffff;
	_ =	sdelay $0x2  }
0x4d8: {  	s0 =	simm.s32 $0x0;
	v19 =	vld [tilespmem:s2+$0x7C00]  }
0x4d9: {  	v16 =	vld.idx.msk [tilespmem:v13+s0+$0x0], $0xffff  }
0x4da: {  	v17 =	vld.idx.msk [tilespmem:v14+s0+$0x0], $0xffff;
	v15 =	vand.u32 $0x7FF, v15  }
0x4db: {  	v20 =	vld.idx.msk [tilespmem:v13+s8+$0x0], $0xffff  }
0x4dc: {  	v21 =	vld.idx.msk [tilespmem:v14+s8+$0x0], $0xffff  }
0x4dd: {  	v13 =	vld.idx.msk [tilespmem:v13+s11+$0x0], $0xffff  }
0x4de: {  	v14 =	vld.idx.msk [tilespmem:v14+s11+$0x0], $0xffff  }
0x4df: {  	v22 =	vld.idx.msk [tilespmem:v15+s7+$0x0], $0xffff  }
0x4e0: {  	v24 =	vld.idx.msk [tilespmem:v15+s10+$0x0], $0xffff  }
0x4e1: {  	v18 =	vld [tilespmem:s2+$0x8380]  }
0x4e2: {  	v25 =	vsub.f32 v16, v17;
	v26 =	vsub.f32 v20, v21;
	v27 =	vld.idx.msk [tilespmem:v15+s13+$0x0], $0xffff;
	_ =	sdelay $0x1  }
0x4e3: {  	v13 =	vsub.f32 v13, v14;
	v14 =	vmul.f32 v25, v25;
	v15 =	vmul.f32 v26, v26  }
0x4e4: {  	v16 =	vld.idx.msk [tilespmem:v19+s16+$0x0], $0xffff;
	v17 =	vmul.f32 v22, v22;
	v20 =	vmul.f32 v24, v24  }
0x4e5: {  	s3 =	simm.s32 $0x20;
	v21 =	vmul.f32 v13, v13  }
0x4e6: {  	v28 =	vld [tilespmem:s3+$0x8380];
	v14 =	vadd.f32 v15, v14;
	v15 =	vadd.f32 v20, v17;
	v17 =	vmul.f32 v27, v27  }
0x4e7: {  	v23 =	vld.idx.msk [tilespmem:v19+s0+$0x0], $0xffff  }
0x4e8: {  	v31 =	vadd.f32 v21, v14;
	v21 =	vld.idx.msk [tilespmem:v18+s8+$0x0], $0xffff;
	v14 =	vadd.f32 v17, v15  }
0x4e9: {  	v20 =	vld.idx.msk [tilespmem:v18+s0+$0x0], $0xffff;
	v15 =	vand.u32 $0x7FF, v16  }
0x4ea: {  	v16 =	vld [tilespmem:s3+$0x7C00];
	v14 =	vmul.f32 v14, v31  }
0x4eb: {  	v18 =	vld.idx.msk [tilespmem:v18+s11+$0x0], $0xffff  }
0x4ec: {  	v17 =	vld.idx.msk [tilespmem:v19+s8+$0x0], $0xffff;
	v14 =	vmax.f32 v14, $1.000000020e-24  }
0x4ed: {  	v19 =	vld.idx.msk [tilespmem:v19+s11+$0x0], $0xffff;
	v29 =	vshra.s32 v14, $0x1;
	v30 =	vmul.f32 $5.000000000e-01, v14  }
0x4ee: {  	v37 =	vld.idx.msk [tilespmem:v15+s7+$0x0], $0xffff;
	v14 =	vsub.s32 $0x5F3759DF, v29  }
0x4ef: {  	v32 =	vld.idx.msk [tilespmem:v15+s10+$0x0], $0xffff;
	v29 =	vmul.f32 v14, v30;
	_ =	sdelay $0x1  }
0x4f0: {  	v38 =	vsub.f32 v23, v20;
	v36 =	vsub.f32 v17, v21;
	v34 =	vld.idx.msk [tilespmem:v15+s13+$0x0], $0xffff;
	v15 =	vmul.f32 v14, v29  }
0x4f1: {  	v35 =	vsub.f32 v19, v18;
	v17 =	vld.idx.msk [tilespmem:v16+s16+$0x0], $0xffff  }
0x4f2: {  	v18 =	vmul.f32 v38, v38;
	v19 =	vmul.f32 v36, v36;
	v15 =	vsub.f32 $1.500000000e+00, v15  }
0x4f3: {  	s17 =	simm.s32 $0x30;
	v20 =	vmul.f32 v37, v37;
	v21 =	vmul.f32 v32, v32  }
0x4f4: {  	v39 =	vld [tilespmem:s17+$0x8380];
	v29 =	vmul.f32 v35, v35;
	v15 =	vmul.f32 v14, v15  }
0x4f5: {  	v40 =	vld [tilespmem:s17+$0x7C00];
	v14 =	vadd.f32 v19, v18;
	v18 =	vadd.f32 v21, v20;
	v19 =	vmul.f32 v34, v34  }
0x4f6: {  	v33 =	vld.idx.msk [tilespmem:v28+s0+$0x0], $0xffff;
	v21 =	vand.u32 $0x7FF, v17  }
0x4f7: {  	v23 =	vld.idx.msk [tilespmem:v16+s0+$0x0], $0xffff;
	v17 =	vmul.f32 v15, v30;
	v14 =	vadd.f32 v29, v14;
	v18 =	vadd.f32 v19, v18  }
0x4f8: {  	v20 =	vld.idx.msk [tilespmem:v28+s8+$0x0], $0xffff  }
0x4f9: {  	v28 =	vld.idx.msk [tilespmem:v28+s11+$0x0], $0xffff;
	v17 =	vmul.f32 v17, v15;
	v18 =	vmul.f32 v18, v14  }
0x4fa: {  	v19 =	vld.idx.msk [tilespmem:v16+s8+$0x0], $0xffff  }
0x4fb: {  	v29 =	vld.idx.msk [tilespmem:v16+s11+$0x0], $0xffff;
	v41 =	vsub.f32 $1.500000000e+00, v17;
	v18 =	vmax.f32 v18, $1.000000020e-24  }
0x4fc: {  	v16 =	vld.idx.msk [tilespmem:v21+s10+$0x0], $0xffff;
	v42 =	vshra.s32 v18, $0x1;
	v43 =	vmul.f32 $5.000000000e-01, v18  }
0x4fd: {  	v22 =	vmul.f32 v22, v25;
	v17 =	vld.idx.msk [tilespmem:v21+s7+$0x0], $0xffff;
	v15 =	vmul.f32 v41, v15;
	v18 =	vsub.s32 $0x5F3759DF, v42  }
0x4fe: {  	v63 =	vld.idx.msk [tilespmem:v40+s16+$0x0], $0xffff;
	v24 =	vmul.f32 v24, v26;
	v23 =	vsub.f32 v23, v33;
	v61 =	vmul.f32 v18, v43  }
0x4ff: {  	v13 =	vmul.f32 v27, v13;
	v20 =	vsub.f32 v19, v20;
	v19 =	vld.idx.msk [tilespmem:v21+s13+$0x0], $0xffff;
	v41 =	vmul.f32 v15, v30  }
0x500: {  	v47 =	vld.idx.msk [tilespmem:v40+s0+$0x0], $0xffff;
	v62 =	vmul.f32 v23, v23;
	v21 =	vsub.f32 v29, v28;
	v28 =	vmul.f32 v18, v61  }
0x501: {  	v56 =	vld.idx.msk [tilespmem:v40+s8+$0x0], $0xffff;
	v44 =	vmul.f32 v20, v20;
	v29 =	vmul.f32 v41, v15  }
0x502: {  	v40 =	vld.idx.msk [tilespmem:v40+s11+$0x0], $0xffff;
	v45 =	vmul.f32 v16, v16;
	v52 =	vmul.f32 v17, v17;
	v28 =	vsub.f32 $1.500000000e+00, v28  }
0x503: {  	v26 =	vld.idx.msk [tilespmem:v39+s8+$0x0], $0xffff;
	v46 =	vmul.f32 v21, v21;
	v42 =	vadd.f32 v44, v62;
	v29 =	vsub.f32 $1.500000000e+00, v29  }
0x504: {  	v27 =	vld.idx.msk [tilespmem:v39+s11+$0x0], $0xffff;
	v53 =	vmul.f32 v19, v19;
	v41 =	vadd.f32 v45, v52;
	v28 =	vmul.f32 v18, v28  }
0x505: {  	v25 =	vand.u32 $0x7FF, v63;
	v22 =	vadd.f32 v24, v22;
	v29 =	vmul.f32 v29, v15  }
0x506: {  	v18 =	vadd.f32 v53, v41;
	v15 =	vadd.f32 v46, v42;
	v55 =	vmul.f32 v28, v43  }
0x507: {  	s21 =	simm.s32 $0x40;
	v54 =	vld.idx.msk [tilespmem:v39+s0+$0x0], $0xffff;
	v30 =	vmul.f32 v29, v30  }
0x508: {  	v13 =	vadd.f32 v13, v22;
	v42 =	vld [tilespmem:s21+$0x7C00];
	v44 =	vmul.f32 v18, v15;
	v33 =	vmul.f32 v55, v28  }
0x509: {  	v50 =	vld [tilespmem:s21+$0x8380];
	v26 =	vsub.f32 v56, v26;
	v27 =	vsub.f32 v40, v27  }
0x50a: {  	v22 =	vld.idx.msk [tilespmem:v25+s10+$0x0], $0xffff;
	v30 =	vmul.f32 v30, v29;
	v57 =	vmax.f32 v44, $1.000000020e-24;
	v33 =	vsub.f32 $1.500000000e+00, v33  }
0x50b: {  	v63 =	vmul.f32 v26, v26;
	v48 =	vmul.f32 v27, v27;
	v59 =	vshra.s32 v57, $0x1  }
0x50c: {  	v24 =	vld.idx.msk [tilespmem:v25+s7+$0x0], $0xffff;
	v58 =	vsub.f32 $1.500000000e+00, v30;
	v30 =	vmul.f32 $5.000000000e-01, v57;
	v28 =	vmul.f32 v33, v28  }
0x50d: {  	v37 =	vmul.f32 v37, v38;
	v18 =	vsub.f32 v47, v54;
	v39 =	vsub.s32 $0x5F3759DF, v59  }
0x50e: {  	v25 =	vld.idx.msk [tilespmem:v25+s13+$0x0], $0xffff;
	v60 =	vmul.f32 v39, v30;
	v61 =	vmul.f32 v28, v43  }
0x50f: {  	v62 =	vmul.f32 v18, v18;
	v59 =	vmul.f32 v22, v22  }
0x510: {  	v13 =	vand.u32 $0x7FFFFFFF, v13;
	v57 =	vld.idx.msk [tilespmem:v42+s16+$0x0], $0xffff;
	v33 =	vmul.f32 v39, v60;
	v56 =	vmul.f32 v61, v28  }
0x511: {  	v44 =	vadd.f32 v63, v62;
	v29 =	vmul.f32 v58, v29;
	v58 =	vmul.f32 v24, v24  }
0x512: {  	v49 =	vld.idx.msk [tilespmem:v50+s8+$0x0], $0xffff;
	v36 =	vmul.f32 v32, v36;
	v33 =	vsub.f32 $1.500000000e+00, v33;
	v40 =	vsub.f32 $1.500000000e+00, v56  }
0x513: {  	p3 =	slt.u32 s23, $0x1CE0;
	v53 =	vld.idx.msk [tilespmem:v50+s0+$0x0], $0xffff;
	v29 =	vmul.f32 v29, v13;
	v60 =	vadd.f32 v59, v58;
	v61 =	vmul.f32 v25, v25  }
0x514: {  	v31 =	vpsel !p3, $0x0, v31;
	v52 =	vld.idx.msk [tilespmem:v42+s0+$0x0], $0xffff;
	v39 =	vmul.f32 v39, v33;
	v33 =	vmul.f32 v40, v28  }
0x515: {  	s28 =	simm.s32 $0x50;
	v46 =	vld.idx.msk [tilespmem:v42+s8+$0x0], $0xffff;
	v62 =	vadd.f32 v61, v60;
	v45 =	vand.u32 $0x7FF, v57;
	v28 =	vadd.f32 v48, v44  }
0x516: {  	v13 =	vimm.f32 $0.0e+00;
	v40 =	vld [tilespmem:s28+$0x7C00];
	v63 =	vmul.f32 v39, v30;
	v43 =	vmul.f32 v33, v43  }
0x517: {  	v47 =	vld.idx.msk [tilespmem:v42+s11+$0x0], $0xffff;
	v42 =	vadd.f32 v36, v37;
	v31 =	vadd.f32 v31, v13;
	v51 =	vmul.f32 v62, v28  }
0x518: {  	v41 =	vld [tilespmem:s28+$0x8380];
	v29 =	vpsel !p3, $0x0, v29;
	v48 =	vmul.f32 v63, v39;
	v44 =	vmul.f32 v43, v33  }
0x519: {  	s2 =	simm.s32 $0x180;
	s17 =	smov.u32 s23;
	v50 =	vld.idx.msk [tilespmem:v50+s11+$0x0], $0xffff;
	v29 =	vadd.f32 v29, v13;
	v32 =	vsub.f32 v52, v53;
	v43 =	vmul.f32 v34, v35  }
.LBB2_25:
0x51a: {  	p3 =	sne.s32 s2, $0x1CC0;
	v34 =	vld.idx.msk [tilespmem:v45+s7+$0x0], $0xffff;
	v35 =	vmax.f32 v51, $1.000000020e-24;
	v36 =	vsub.f32 $1.500000000e+00, v48;
	v51 =	vsub.f32 $1.500000000e+00, v44;
	v38 =	vmovc v30;
	v44 =	vmovc v20  }
0x51b: {  	v20 =	vmovc v26;
	v52 =	vld.idx.msk [tilespmem:v45+s10+$0x0], $0xffff;
	v48 =	vshra.s32 v35, $0x1;
	v30 =	vmul.f32 $5.000000000e-01, v35;
	v53 =	vadd.f32 v43, v42;
	v43 =	vmovc v19  }
0x51c: {  	v37 =	vmovc v21;
	v19 =	vmovc v25;
	v42 =	vsub.s32 $0x5F3759DF, v48;
	v36 =	vmul.f32 v36, v39;
	v33 =	vmul.f32 v51, v33  }
0x51d: {  	v21 =	vmovc v27;
	v26 =	vsub.f32 v46, v49;
	v25 =	vld.idx.msk [tilespmem:v45+s13+$0x0], $0xffff;
	v39 =	vmul.f32 v42, v30;
	v51 =	vand.u32 $0x7FFFFFFF, v53  }
0x51e: {  	s17 =	sadd.s32 $0x10, s17;
	v35 =	vmovc v41;
	v45 =	vld.idx.msk [tilespmem:v40+s16+$0x0], $0xffff;
	v46 =	vmul.f32 v36, v38;
	v33 =	vmul.f32 v33, v51;
	v48 =	vmov v40  }
0x51f: {  	p4 =	slt.u32 s17, $0x1CE0;
	v49 =	vmovc v14;
	v41 =	vmul.f32 v32, v32;
	v27 =	vsub.f32 v47, v50;
	v47 =	vmul.f32 v26, v26  }
0x520: {  	v14 =	vmovc v15;
	v15 =	vmovc v28;
	v39 =	vmul.f32 v42, v39;
	v46 =	vmul.f32 v46, v36;
	v33 =	vpsel !p4, $0x0, v33  }
0x521: {  	v28 =	vmul.f32 v34, v34;
	v50 =	vmul.f32 v52, v52;
	v51 =	vmovc v23;
	v29 =	vadd.f32 v33, v29  }
0x522: {  	v54 =	vmul.f32 v27, v27;
	v23 =	vmovc v18;
	v18 =	vmovc v32;
	v33 =	vsub.f32 $1.500000000e+00, v39;
	v53 =	vld.idx.msk [tilespmem:v40+s0+$0x0], $0xffff;
	v40 =	vsub.f32 $1.500000000e+00, v46  }
0x523: {  	s3 =	sshra.s32 s2, $0x2;
	v46 =	vadd.f32 v47, v41;
	v47 =	vadd.f32 v50, v28;
	v50 =	vmul.f32 v25, v25;
	v32 =	vld.idx.msk [tilespmem:v35+s0+$0x0], $0xffff  }
0x524: {  	v45 =	vand.u32 $0x7FF, v45;
	v39 =	vmul.f32 v42, v33;
	v41 =	vld [tilespmem:s3+$0x8380];
	v33 =	vmul.f32 v40, v36  }
.Ltmp14:
0x525: {  	v42 =	vmul.f32 v17, v51;
	v17 =	vmovc v24;
	v28 =	vadd.f32 v54, v46;
	v36 =	vadd.f32 v50, v47;
	v40 =	vld [tilespmem:s3+$0x7C00];
	(pc) =	sbr.rel @p3 .LBB2_25-.Ltmp14, $4  }
0x526: {  	v24 =	vmovc v34;
	v47 =	vpsel !p4, $0x0, v49;
	v50 =	vmul.f32 v39, v30;
	v46 =	vld.idx.msk [tilespmem:v48+s8+$0x0], $0xffff;
	v38 =	vmul.f32 v33, v38  }
0x527: {  	v34 =	vmul.f32 v16, v44;
	v31 =	vadd.f32 v47, v31;
	v51 =	vmul.f32 v36, v28;
	v49 =	vld.idx.msk [tilespmem:v35+s8+$0x0], $0xffff  }
0x528: {  	v16 =	vmovc v22;
	v22 =	vmov v52;
	v47 =	vld.idx.msk [tilespmem:v48+s11+$0x0], $0xffff;
	v48 =	vmul.f32 v50, v39;
	v44 =	vmul.f32 v38, v33  }
0x529: {  	s2 =	sadd.s32 $0x40, s2;
	v43 =	vmul.f32 v43, v37;
	v42 =	vadd.f32 v34, v42;
	v32 =	vsub.f32 v53, v32;
	v50 =	vld.idx.msk [tilespmem:v35+s11+$0x0], $0xffff  }
0x52a: {  	_ =	sdelay $0x3  }
0x52b: {  	v34 =	vld.idx.msk [tilespmem:v40+s16+$0x0], $0xffff  }
0x52c: {  	v38 =	vld.idx.msk [tilespmem:v45+s7+$0x0], $0xffff  }
0x52d: {  	v37 =	vld.idx.msk [tilespmem:v45+s10+$0x0], $0xffff  }
0x52e: {  	v36 =	vld.idx.msk [tilespmem:v45+s13+$0x0], $0xffff  }
0x52f: {  	v52 =	vld.idx.msk [tilespmem:v40+s8+$0x0], $0xffff  }
0x530: {  	s0 =	simm.s32 $0x0;
	v53 =	vld.idx.msk [tilespmem:v41+s8+$0x0], $0xffff;
	v34 =	vand.u32 $0x7FF, v34  }
0x531: {  	v35 =	vld.idx.msk [tilespmem:v40+s0+$0x0], $0xffff  }
0x532: {  	v51 =	vmax.f32 v51, $1.000000020e-24;
	v45 =	vld.idx.msk [tilespmem:v41+s0+$0x0], $0xffff  }
0x533: {  	v54 =	vshra.s32 v51, $0x1;
	v51 =	vmul.f32 $5.000000000e-01, v51;
	v40 =	vld.idx.msk [tilespmem:v40+s11+$0x0], $0xffff  }
0x534: {  	v41 =	vld.idx.msk [tilespmem:v41+s11+$0x0], $0xffff;
	v54 =	vsub.s32 $0x5F3759DF, v54;
	v46 =	vsub.f32 v46, v49  }
0x535: {  	v49 =	vmul.f32 v54, v51;
	v55 =	vld.idx.msk [tilespmem:v34+s7+$0x0], $0xffff  }
0x536: {  	v47 =	vsub.f32 v47, v50;
	v50 =	vmul.f32 v32, v32;
	v56 =	vmul.f32 v46, v46;
	v57 =	vld.idx.msk [tilespmem:v34+s10+$0x0], $0xffff  }
0x537: {  	v58 =	vmul.f32 v38, v38;
	v59 =	vmul.f32 v37, v37  }
0x538: {  	v52 =	vsub.f32 v52, v53;
	v62 =	vmul.f32 v36, v36;
	v45 =	vsub.f32 v35, v45;
	v53 =	vld.idx.msk [tilespmem:v34+s13+$0x0], $0xffff  }
0x539: {  	v60 =	vmul.f32 v47, v47;
	v40 =	vsub.f32 v40, v41;
	v35 =	vadd.f32 v59, v58  }
0x53a: {  	v41 =	vmul.f32 v45, v45;
	v34 =	vadd.f32 v56, v50;
	v56 =	vmul.f32 v52, v52  }
0x53b: {  	v63 =	vmul.f32 v55, v55;
	v61 =	vmul.f32 v57, v57  }
0x53c: {  	v35 =	vadd.f32 v62, v35;
	v62 =	vmul.f32 v40, v40;
	v34 =	vadd.f32 v60, v34  }
0x53d: {  	v41 =	vadd.f32 v56, v41;
	v60 =	vmul.f32 v53, v53;
	v63 =	vadd.f32 v61, v63  }
0x53e: {  	v48 =	vsub.f32 $1.500000000e+00, v48;
	v49 =	vmul.f32 v54, v49;
	v61 =	vmul.f32 v35, v34  }
0x53f: {  	v17 =	vmul.f32 v17, v23;
	v35 =	vadd.f32 v62, v41;
	v62 =	vadd.f32 v60, v63  }
0x540: {  	v16 =	vmul.f32 v16, v20;
	v49 =	vsub.f32 $1.500000000e+00, v49;
	v63 =	vmax.f32 v61, $1.000000020e-24  }
0x541: {  	v60 =	vshra.s32 v63, $0x1;
	v50 =	vmul.f32 $5.000000000e-01, v63;
	v41 =	vmul.f32 v62, v35  }
0x542: {  	v19 =	vmul.f32 v19, v21;
	v39 =	vmul.f32 v48, v39;
	v48 =	vsub.s32 $0x5F3759DF, v60  }
0x543: {  	v49 =	vmul.f32 v54, v49;
	v61 =	vmul.f32 v48, v50;
	v41 =	vmax.f32 v41, $1.000000020e-24  }
0x544: {  	v18 =	vmul.f32 v24, v18;
	v63 =	vshra.s32 v41, $0x1;
	v41 =	vmul.f32 $5.000000000e-01, v41  }
0x545: {  	v59 =	vmul.f32 v49, v51;
	v54 =	vmul.f32 v48, v61;
	v58 =	vsub.s32 $0x5F3759DF, v63  }
0x546: {  	v44 =	vsub.f32 $1.500000000e+00, v44;
	v62 =	vmul.f32 v39, v30;
	v60 =	vmul.f32 v58, v41  }
0x547: {  	v22 =	vmul.f32 v22, v26;
	v59 =	vmul.f32 v59, v49;
	v54 =	vsub.f32 $1.500000000e+00, v54  }
0x548: {  	v56 =	vmul.f32 v62, v39;
	v60 =	vmul.f32 v58, v60  }
0x549: {  	v33 =	vmul.f32 v44, v33;
	v59 =	vsub.f32 $1.500000000e+00, v59;
	v44 =	vmul.f32 v48, v54  }
0x54a: {  	v24 =	vmul.f32 v25, v27;
	v56 =	vsub.f32 $1.500000000e+00, v56;
	v23 =	vsub.f32 $1.500000000e+00, v60  }
0x54b: {  	v48 =	vmul.f32 v59, v49;
	v61 =	vmul.f32 v44, v50  }
0x54c: {  	v39 =	vmul.f32 v56, v39;
	v23 =	vmul.f32 v58, v23  }
0x54d: {  	v62 =	vmul.f32 v48, v51;
	v49 =	vmul.f32 v61, v44  }
0x54e: {  	s28 =	sadd.s32 $0x10, s17;
	v42 =	vadd.f32 v43, v42;
	v30 =	vmul.f32 v39, v30;
	v20 =	vmul.f32 v23, v41  }
0x54f: {  	p3 =	slt.u32 s28, $0x1CE0;
	v16 =	vadd.f32 v16, v17;
	v21 =	vmul.f32 v62, v48;
	v63 =	vsub.f32 $1.500000000e+00, v49  }
0x550: {  	v14 =	vpsel !p3, $0x0, v14;
	v17 =	vmul.f32 v30, v39;
	v20 =	vmul.f32 v20, v23  }
0x551: {  	v42 =	vand.u32 $0x7FFFFFFF, v42;
	v21 =	vsub.f32 $1.500000000e+00, v21;
	v30 =	vmul.f32 v63, v44  }
0x552: {  	v33 =	vmul.f32 v33, v42;
	v17 =	vsub.f32 $1.500000000e+00, v17;
	v20 =	vsub.f32 $1.500000000e+00, v20  }
0x553: {  	v16 =	vadd.f32 v19, v16;
	v19 =	vmul.f32 v21, v48;
	v21 =	vmul.f32 v30, v50  }
0x554: {  	v18 =	vadd.f32 v22, v18;
	v17 =	vmul.f32 v17, v39;
	v20 =	vmul.f32 v20, v23  }
0x555: {  	s0 =	sadd.s32 $0x10, s28;
	v16 =	vand.u32 $0x7FFFFFFF, v16;
	v23 =	vmul.f32 v19, v51;
	v21 =	vmul.f32 v21, v30  }
0x556: {  	p6 =	slt.u32 s0, $0x1CE0;
	v14 =	vadd.f32 v14, v31;
	v16 =	vmul.f32 v17, v16;
	v17 =	vmul.f32 v20, v41  }
0x557: {  	v15 =	vpsel !p6, $0x0, v15;
	v23 =	vmul.f32 v23, v19;
	v21 =	vsub.f32 $1.500000000e+00, v21  }
0x558: {  	v18 =	vadd.f32 v24, v18;
	v33 =	vpsel !p3, $0x0, v33;
	v17 =	vmul.f32 v17, v20  }
0x559: {  	v29 =	vadd.f32 v33, v29;
	v23 =	vsub.f32 $1.500000000e+00, v23;
	v21 =	vmul.f32 v21, v30  }
0x55a: {  	v22 =	vmul.f32 v38, v32;
	v16 =	vpsel !p6, $0x0, v16;
	v17 =	vsub.f32 $1.500000000e+00, v17  }
0x55b: {  	v25 =	vadd.f32 v16, v29;
	v16 =	vmul.f32 v23, v19;
	v19 =	vmul.f32 v21, v50  }
0x55c: {  	v14 =	vadd.f32 v15, v14;
	v17 =	vmul.f32 v17, v20;
	v20 =	vmul.f32 v37, v46  }
0x55d: {  	v18 =	vand.u32 $0x7FFFFFFF, v18;
	v23 =	vmul.f32 v36, v47;
	v19 =	vmul.f32 v19, v21  }
0x55e: {  	s0 =	sadd.s32 $0x10, s0;
	v18 =	vmul.f32 v16, v18;
	v24 =	vmul.f32 v17, v41;
	v20 =	vadd.f32 v20, v22  }
0x55f: {  	p4 =	slt.u32 s0, $0x1CE0;
	v26 =	vmul.f32 v57, v52;
	v22 =	vmul.f32 v55, v45;
	v19 =	vsub.f32 $1.500000000e+00, v19  }
0x560: {  	s21 =	simm.s32 $0x0;
	v18 =	vpsel !p4, $0x0, v18;
	v24 =	vmul.f32 v24, v17;
	v20 =	vadd.f32 v23, v20  }
0x561: {  	v16 =	vld [tilespmem:s21+$0x99A0];
	v22 =	vadd.f32 v26, v22;
	v23 =	vmul.f32 v53, v40;
	v19 =	vmul.f32 v19, v21  }
0x562: {  	v18 =	vadd.f32 v18, v25;
	v25 =	vld [tilespmem:s21+$0x8FE0];
	v21 =	vsub.f32 $1.500000000e+00, v24;
	v15 =	vand.u32 $0x7FFFFFFF, v20  }
0x563: {  	s0 =	sadd.s32 $0x10, s0;
	v20 =	vadd.f32 v23, v22;
	v22 =	vld [tilespmem:s21+$0x94C0];
	v15 =	vmul.f32 v19, v15  }
0x564: {  	p5 =	slt.u32 s0, $0x1CE0;
	v19 =	vmul.f32 v21, v17  }
0x565: {  	v17 =	vld [tilespmem:s21+$0x9730];
	v21 =	vpsel !p4, $0x0, v28;
	v20 =	vand.u32 $0x7FFFFFFF, v20;
	v15 =	vpsel !p5, $0x0, v15  }
0x566: {  	v14 =	vadd.f32 v21, v14;
	v21 =	vld [tilespmem:s21+$0x9250];
	v15 =	vadd.f32 v15, v18;
	v18 =	vpsel !p5, $0x0, v34;
	p5 =	por $0x1, $0x1  }
.Ltmp15:
0x567: {  	s0 =	sadd.s32 $0x10, s0;
	vm2 =	vgt.s32 v16, $0x0;
	v19 =	vmul.f32 v19, v20;
	(pc) =	sbr.rel @!p5 .LBB2_27-.Ltmp15, $4  }
0x568: {  	v33 =	vld [tilespmem:s21+$0x8B00];
	p6 =	slt.u32 s0, $0x1CE0;
	vm13 =	vgt.s32 v25, $0x0;
	v20 =	vnsel vm2, $0x0, v16;
	vm3 =	vgt.s32 v22, $0x0  }
0x569: {  	v24 =	vld.idx.msk [tilespmem:v7+s21+$0x0 ss:$0x1], $0xffff;
	v18 =	vadd.f32 v18, v14;
	v14 =	vpsel !p6, $0x0, v19;
	v27 =	vnsel vm3, $0x0, v22  }
0x56a: {  	v28 =	vld [tilespmem:s21+$0x8D70];
	v14 =	vadd.f32 v14, v15;
	v15 =	vpsel !p6, $0x0, v35;
	vm1 =	vgt.s32 v17, $0x0  }
0x56b: {  	p3 =	por $0x0, $0x0;
	p4 =	por $0x0, $0x0;
	v34 =	vld [tilespmem:s21+$0x9E80];
	v15 =	vadd.f32 v15, v18;
	vm12 =	vgt.s32 v21, $0x0;
	v23 =	vnsel vm1, $0x0, v17  }
0x56c: {  	_ =	sdelay $0x2  }
0x56d: {  	v18 =	vld [tilespmem:s21+$0x9C10]  }
0x56e: {  	v32 =	vld.idx.msk [tilespmem:v20+s9+$0x0], $0xffff  }
0x56f: {  	v37 =	vld.idx.msk [tilespmem:v23+s9+$0x0], $0xffff  }
0x570: {  	v19 =	vnsel vm12, $0x0, v21;
	v38 =	vld.idx.msk [tilespmem:v27+s9+$0x0], $0xffff  }
0x571: {  	v26 =	vnsel vm13, $0x0, v25;
	v63 =	vld.idx.msk [tilespmem:v27+s25+$0x0], $0xffff;
	vm2 =	vgt.s32 v33, $0x0  }
0x572: {  	s0 =	simm.s32 $0x10;
	v27 =	vld.idx.msk [tilespmem:v27+s5+$0x0], $0xffff;
	v30 =	vnsel vm2, $0x0, v33  }
0x573: {  	v35 =	vld [tilespmem:s0+$0x99A0]  }
0x574: {  	v36 =	vld [tilespmem:s0+$0x9730];
	vm1 =	vgt.s32 v28, $0x0  }
0x575: {  	v29 =	vnsel vm1, $0x0, v28;
	v39 =	vld.idx.msk [tilespmem:v19+s9+$0x0], $0xffff  }
0x576: {  	vm12 =	vgt.s32 v17, $0xFFFFFFFF;
	v17 =	vld.idx.msk [tilespmem:v26+s25+$0x0], $0xffff  }
0x577: {  	v42 =	vld.idx.msk [tilespmem:v30+s9+$0x0], $0xffff  }
0x578: {  	v43 =	vld.idx.msk [tilespmem:v30+s25+$0x0], $0xffff  }
0x579: {  	v30 =	vld.idx.msk [tilespmem:v30+s5+$0x0], $0xffff  }
0x57a: {  	vm15 =	vgt.s32 v22, $0xFFFFFFFF;
	v41 =	vld.idx.msk [tilespmem:v29+s9+$0x0], $0xffff  }
0x57b: {  	vm4 =	vgt.s32 v25, $0xFFFFFFFF;
	vm3 =	vgt.s32 v21, $0xFFFFFFFF;
	vm5 =	vgt.s32 v33, $0xFFFFFFFF;
	v44 =	vld.idx.msk [tilespmem:v29+s25+$0x0], $0xffff  }
0x57c: {  	v31 =	vmul.f32 v24, v24;
	vm2 =	vgt.s32 v16, $0xFFFFFFFF;
	vm6 =	vgt.s32 v28, $0xFFFFFFFF;
	v29 =	vld.idx.msk [tilespmem:v29+s5+$0x0], $0xffff  }
0x57d: {  	v16 =	vcvt.s32.f32 v34;
	vm13 =	vgt.s32 v18, $0xFFFFFFFF;
	v21 =	vld.idx.msk [tilespmem:v26+s5+$0x0], $0xffff;
	vm7 =	vgt.s32 v18, $0x0  }
0x57e: {  	v22 =	vld.idx.msk [tilespmem:v19+s25+$0x0], $0xffff;
	vm14 =	vgt.s32 v36, $0x0;
	v18 =	vnsel vm7, $0x0, v18;
	v25 =	vadd.f32 $0.0e+00, v43  }
0x57f: {  	v40 =	vld.idx.msk [tilespmem:v26+s9+$0x0], $0xffff;
	(erf) = vrcp.f32 v16;
	v17 =	vnsel vm4, $0x0, v17;
	v26 =	vadd.f32 $0.0e+00, v30  }
0x580: {  	v19 =	vld.idx.msk [tilespmem:v19+s5+$0x0], $0xffff;
	v16 =	vadd.f32 $0.0e+00, v42;
	v28 =	vnsel vm6, $0x0, v44;
	v25 =	vnsel vm5, $0x0, v25  }
0x581: {  	v26 =	vnsel vm5, $0x0, v26;
	v29 =	vnsel vm6, $0x0, v29;
	v25 =	vadd.f32 v28, v25;
	v28 =	vld.idx.msk [tilespmem:v23+s25+$0x0], $0xffff  }
0x582: {  	v30 =	vnsel vm6, $0x0, v41;
	v16 =	vnsel vm5, $0x0, v16;
	v26 =	vadd.f32 v29, v26;
	v23 =	vld.idx.msk [tilespmem:v23+s5+$0x0], $0xffff  }
0x583: {  	v21 =	vnsel vm4, $0x0, v21;
	v22 =	vnsel vm3, $0x0, v22;
	v16 =	vadd.f32 v30, v16;
	v29 =	vld.idx.msk [tilespmem:v18+s25+$0x0], $0xffff  }
0x584: {  	v17 =	vadd.f32 v17, v25;
	v21 =	vadd.f32 v21, v26;
	v25 =	vnsel vm4, $0x0, v40;
	v26 =	vld.idx.msk [tilespmem:v20+s25+$0x0], $0xffff  }
0x585: {  	v19 =	vnsel vm3, $0x0, v19;
	v20 =	vld.idx.msk [tilespmem:v20+s5+$0x0], $0xffff;
	v16 =	vadd.f32 v25, v16;
	v25 =	vnsel vm15, $0x0, v27  }
0x586: {  	v27 =	vld.idx.msk [tilespmem:v18+s5+$0x0], $0xffff;
	v17 =	vadd.f32 v22, v17;
	v19 =	vadd.f32 v19, v21;
	v21 =	vnsel vm3, $0x0, v39  }
0x587: {  	vm1 =	vgt.s32 v35, $0x0;
	v18 =	vld.idx.msk [tilespmem:v18+s9+$0x0], $0xffff;
	v16 =	vadd.f32 v21, v16;
	v21 =	vnsel vm15, $0x0, v63  }
0x588: {  	v22 =	vld [tilespmem:s0+$0x94C0];
	v17 =	vadd.f32 v21, v17;
	v19 =	vadd.f32 v25, v19;
	v21 =	vnsel vm15, $0x0, v38  }
0x589: {  	v23 =	vnsel vm12, $0x0, v23;
	v25 =	vnsel vm12, $0x0, v28;
	v16 =	vadd.f32 v21, v16  }
0x58a: {  	v21 =	vld [tilespmem:s0+$0x9250];
	v17 =	vadd.f32 v25, v17;
	v19 =	vadd.f32 v23, v19;
	v23 =	vnsel vm12, $0x0, v37  }
0x58b: {  	v33 =	vld [tilespmem:s0+$0x8B00];
	v20 =	vnsel vm2, $0x0, v20;
	v16 =	vadd.f32 v23, v16;
	v23 =	vnsel vm2, $0x0, v26  }
0x58c: {  	p5 =	por $0x1, $0x1;
	v25 =	vld [tilespmem:s0+$0x8FE0];
	v18 =	vnsel vm13, $0x0, v18;
	v17 =	vadd.f32 v23, v17;
	v19 =	vadd.f32 v20, v19  }
.Ltmp16:
0x58d: {  	v26 =	vld.idx.msk [tilespmem:v7+s0+$0x0 ss:$0x1], $0xffff;
	v20 =	vnsel vm2, $0x0, v32;
	v23 =	vnsel vm13, $0x0, v27;
	vm2 =	vgt.s32 v22, $0x0;
	(pc) =	sbr.rel @!p5 .LBB2_29-.Ltmp16, $4  }
0x58e: {  	v34 =	vld [tilespmem:s0+$0x9E80];
	v16 =	vadd.f32 v20, v16;
	v20 =	vnsel vm13, $0x0, v29;
	v27 =	vnsel vm2, $0x0, v22  }
0x58f: {  	v30 =	vld.idx.msk [tilespmem:v8+s21+$0x0 ss:$0x1], $0xffff;
	v17 =	vadd.f32 v20, v17;
	v19 =	vadd.f32 v23, v19;
	vm12 =	vgt.s32 v21, $0x0  }
0x590: {  	v28 =	vld [tilespmem:s0+$0x8D70];
	v37 =	vpop (erf);
	v20 =	vnsel vm1, $0x0, v35;
	v23 =	vnsel vm14, $0x0, v36;
	v38 =	vadd.f32 v18, v16  }
0x591: {  	p3 =	por $0x1, $0x1;
	v32 =	vld.idx.msk [tilespmem:v9+s21+$0x0 ss:$0x1], $0xffff;
	vm13 =	vgt.s32 v25, $0x0;
	v39 =	vmul.f32 v17, v37;
	v40 =	vmul.f32 v19, v37  }
0x592: {  	_ =	sdelay $0x2  }
0x593: {  	v41 =	vld [tilespmem:s0+$0x9C10]  }
0x594: {  	v63 =	vld.idx.msk [tilespmem:v20+s9+$0x0], $0xffff  }
0x595: {  	v42 =	vld.idx.msk [tilespmem:v23+s9+$0x0], $0xffff  }
0x596: {  	v43 =	vld.idx.msk [tilespmem:v27+s9+$0x0], $0xffff  }
0x597: {  	v58 =	vld.idx.msk [tilespmem:v27+s25+$0x0], $0xffff  }
0x598: {  	v27 =	vld.idx.msk [tilespmem:v27+s5+$0x0], $0xffff  }
0x599: {  	v61 =	vnsel vm13, $0x0, v25;
	v59 =	vld.idx.msk [tilespmem:v23+s25+$0x0], $0xffff  }
0x59a: {  	v23 =	vld.idx.msk [tilespmem:v23+s5+$0x0], $0xffff  }
0x59b: {  	v29 =	vmul.f32 v38, v37;
	vm2 =	vgt.s32 v33, $0x0;
	vm15 =	vgt.s32 v22, $0xFFFFFFFF;
	v60 =	vld.idx.msk [tilespmem:v20+s25+$0x0], $0xffff  }
0x59c: {  	s21 =	simm.s32 $0x20;
	vm4 =	vgt.s32 v25, $0xFFFFFFFF;
	v20 =	vld.idx.msk [tilespmem:v20+s5+$0x0], $0xffff;
	v18 =	vsub.f32 v24, v39;
	v51 =	vnsel vm2, $0x0, v33  }
0x59d: {  	vm3 =	vgt.s32 v21, $0xFFFFFFFF;
	vm5 =	vgt.s32 v33, $0xFFFFFFFF;
	v17 =	vld [tilespmem:s21+$0x9730];
	v19 =	vsub.f32 v30, v40  }
0x59e: {  	v30 =	vmul.f32 v30, v30;
	vm1 =	vgt.s32 v28, $0x0;
	v18 =	vmul.f32 v18, v18;
	v45 =	vld.idx.msk [tilespmem:v61+s9+$0x0], $0xffff  }
0x59f: {  	v62 =	vnsel vm1, $0x0, v28;
	v19 =	vmul.f32 v19, v19;
	v29 =	vsub.f32 v32, v29;
	v25 =	vld.idx.msk [tilespmem:v61+s25+$0x0], $0xffff  }
0x5a0: {  	v24 =	vnsel vm12, $0x0, v21;
	v22 =	vcvt.s32.f32 v34;
	v52 =	vmul.f32 v32, v32;
	v21 =	vld.idx.msk [tilespmem:v61+s5+$0x0], $0xffff  }
0x5a1: {  	v30 =	vadd.f32 v30, v31;
	v18 =	vadd.f32 v19, v18;
	v19 =	vmul.f32 v29, v29;
	v47 =	vld.idx.msk [tilespmem:v51+s9+$0x0], $0xffff  }
0x5a2: {  	vm12 =	vgt.s32 v36, $0xFFFFFFFF;
	vm2 =	vgt.s32 v35, $0xFFFFFFFF;
	vm6 =	vgt.s32 v28, $0xFFFFFFFF;
	v53 =	vld.idx.msk [tilespmem:v51+s5+$0x0], $0xffff  }
0x5a3: {  	(erf) = vrcp.f32 v22;
	v18 =	vadd.f32 v19, v18;
	v19 =	vadd.f32 v52, v30;
	v30 =	vld.idx.msk [tilespmem:v51+s25+$0x0], $0xffff  }
0x5a4: {  	v31 =	vmov s24;
	vm13 =	vgt.s32 v41, $0xFFFFFFFF;
	vm7 =	vgt.s32 v41, $0x0;
	v48 =	vld.idx.msk [tilespmem:v62+s25+$0x0], $0xffff  }
0x5a5: {  	v27 =	vnsel vm15, $0x0, v27;
	v23 =	vnsel vm12, $0x0, v23;
	v20 =	vnsel vm2, $0x0, v20;
	v37 =	vld.idx.msk [tilespmem:v62+s5+$0x0], $0xffff  }
0x5a6: {  	v29 =	vadd.s32 $0x9A2, v6;
	vm14 =	vgt.s32 v17, $0x0;
	v55 =	vnsel vm7, $0x0, v41;
	v46 =	vld.idx.msk [tilespmem:v62+s9+$0x0], $0xffff  }
0x5a7: {  	v44 =	vld.idx.msk [tilespmem:v24+s9+$0x0], $0xffff;
	vm1 =	vlt.u32 v31, v29;
	v32 =	vadd.f32 $0.0e+00, v53;
	v22 =	vadd.f32 $0.0e+00, v47  }
0x5a8: {  	v28 =	vld.idx.msk [tilespmem:v24+s25+$0x0], $0xffff;
	v31 =	vmul.f32 v26, v26;
	v18 =	vnsel vm1, $0x0, v18;
	v30 =	vadd.f32 $0.0e+00, v30  }
0x5a9: {  	v24 =	vld.idx.msk [tilespmem:v24+s5+$0x0], $0xffff;
	v54 =	vnsel vm1, $0x0, v19;
	v32 =	vnsel vm5, $0x0, v32;
	v22 =	vnsel vm5, $0x0, v22  }
0x5aa: {  	v56 =	vnsel vm6, $0x0, v48;
	v37 =	vnsel vm6, $0x0, v37;
	v30 =	vnsel vm5, $0x0, v30  }
0x5ab: {  	v16 =	vld [tilespmem:s21+$0x99A0];
	v57 =	vnsel vm6, $0x0, v46;
	v32 =	vadd.f32 v37, v32;
	v30 =	vadd.f32 v56, v30  }
0x5ac: {  	v25 =	vnsel vm4, $0x0, v25;
	v21 =	vnsel vm4, $0x0, v21;
	v22 =	vadd.f32 v57, v22  }
0x5ad: {  	v21 =	vadd.f32 v21, v32;
	v25 =	vadd.f32 v25, v30;
	v30 =	vnsel vm4, $0x0, v45  }
0x5ae: {  	v28 =	vnsel vm3, $0x0, v28;
	v24 =	vnsel vm3, $0x0, v24;
	v22 =	vadd.f32 v30, v22  }
0x5af: {  	v61 =	vld.idx.msk [tilespmem:v55+s5+$0x0], $0xffff;
	v21 =	vadd.f32 v24, v21;
	v24 =	vnsel vm3, $0x0, v44;
	v25 =	vadd.f32 v28, v25  }
0x5b0: {  	vm1 =	vgt.s32 v16, $0x0;
	v33 =	vld.idx.msk [tilespmem:v55+s9+$0x0], $0xffff;
	v30 =	vnsel vm15, $0x0, v58;
	v24 =	vadd.f32 v24, v22  }
0x5b1: {  	v28 =	vld.idx.msk [tilespmem:v55+s25+$0x0], $0xffff;
	v27 =	vadd.f32 v27, v21;
	v21 =	vnsel vm15, $0x0, v43;
	v25 =	vadd.f32 v30, v25  }
0x5b2: {  	v19 =	vadd.f32 v18, v13;
	v22 =	vld [tilespmem:s21+$0x94C0];
	v30 =	vnsel vm12, $0x0, v59;
	v24 =	vadd.f32 v21, v24  }
0x5b3: {  	v21 =	vld [tilespmem:s21+$0x9250];
	v23 =	vadd.f32 v23, v27;
	v34 =	vadd.f32 v30, v25;
	v25 =	vnsel vm12, $0x0, v42  }
0x5b4: {  	v18 =	vadd.f32 v54, v13;
	v32 =	vld.idx.msk [tilespmem:v9+s0+$0x0 ss:$0x1], $0xffff;
	v27 =	vnsel vm2, $0x0, v60;
	v24 =	vadd.f32 v25, v24  }
0x5b5: {  	p5 =	por $0x1, $0x1;
	v25 =	vld [tilespmem:s21+$0x8FE0];
	v20 =	vadd.f32 v20, v23;
	v23 =	vnsel vm2, $0x0, v63;
	v27 =	vadd.f32 v27, v34  }
.Ltmp17:
0x5b6: {  	v62 =	vnsel vm13, $0x0, v61;
	v30 =	vld.idx.msk [tilespmem:v8+s0+$0x0 ss:$0x1], $0xffff;
	v23 =	vadd.f32 v23, v24;
	v24 =	vnsel vm13, $0x0, v28;
	(pc) =	sbr.rel @!p5 .LBB2_31-.Ltmp17, $4  }
0x5b7: {  	v63 =	vnsel vm13, $0x0, v33;
	v28 =	vld [tilespmem:s21+$0x8D70];
	v34 =	vadd.f32 v62, v20;
	v27 =	vadd.f32 v24, v27  }
0x5b8: {  	v37 =	vpop (erf);
	v33 =	vld [tilespmem:s21+$0x8B00];
	vm2 =	vgt.s32 v22, $0x0;
	v20 =	vnsel vm1, $0x0, v16;
	vm12 =	vgt.s32 v21, $0x0  }
0x5b9: {  	v24 =	vld.idx.msk [tilespmem:v7+s21+$0x0 ss:$0x1], $0xffff;
	v38 =	vadd.f32 v63, v23;
	v40 =	vmul.f32 v34, v37;
	v39 =	vmul.f32 v27, v37  }
0x5ba: {  	s17 =	simm.s32 $0xC0;
	p4 =	por $0x1, $0x1;
	s0 =	smov.u32 s24;
	v34 =	vld [tilespmem:s21+$0x9E80];
	v23 =	vnsel vm14, $0x0, v17;
	vm13 =	vgt.s32 v25, $0x0;
	v27 =	vnsel vm2, $0x0, v22  }
.LBB2_32:
0x5bb: {  	s28 =	sshra.s32 s17, $0x2;
	p5 =	sne.s32 s17, $0x980;
	v36 =	vld [tilespmem:s21+$0x9C10];
	v46 =	vsub.f32 v26, v39;
	v35 =	vsub.f32 v30, v40;
	v37 =	vmul.f32 v38, v37  }
0x5bc: {  	v39 =	vnsel vm13, $0x0, v25;
	v40 =	vnsel vm12, $0x0, v21;
	v38 =	vld [tilespmem:s28+$0x99A0];
	vm1 =	vgt.s32 v28, $0x0  }
0x5bd: {  	v41 =	vld [tilespmem:s28+$0x9730];
	v37 =	vsub.f32 v32, v37;
	v42 =	vmul.f32 v46, v46;
	v43 =	vmul.f32 v35, v35  }
0x5be: {  	v44 =	vnsel vm1, $0x0, v28;
	v45 =	vmul.f32 v24, v24;
	v26 =	vmovc v24;
	vm2 =	vgt.s32 v33, $0x0;
	v35 =	vld.idx.msk [tilespmem:v20+s9+$0x0], $0xffff  }
0x5bf: {  	v24 =	vnsel vm2, $0x0, v33;
	v46 =	vld.idx.msk [tilespmem:v23+s9+$0x0], $0xffff;
	v42 =	vadd.f32 v43, v42;
	v37 =	vmul.f32 v37, v37  }
0x5c0: {  	v30 =	vmul.f32 v30, v30;
	s0 =	sadd.s32 $0x10, s0;
	v32 =	vmul.f32 v32, v32;
	v43 =	vld.idx.msk [tilespmem:v27+s9+$0x0], $0xffff  }
0x5c1: {  	v48 =	vmov s0;
	v47 =	vld.idx.msk [tilespmem:v40+s9+$0x0], $0xffff;
	v37 =	vadd.f32 v37, v42  }
0x5c2: {  	vm1 =	vlt.u32 v48, v29;
	v30 =	vadd.f32 v30, v31;
	v31 =	vmov v45;
	v42 =	vld.idx.msk [tilespmem:v39+s9+$0x0], $0xffff  }
0x5c3: {  	v45 =	vld.idx.msk [tilespmem:v44+s9+$0x0], $0xffff;
	v37 =	vnsel vm1, $0x0, v37  }
0x5c4: {  	v30 =	vadd.f32 v32, v30;
	v48 =	vld.idx.msk [tilespmem:v24+s9+$0x0], $0xffff;
	v19 =	vadd.f32 v37, v19  }
0x5c5: {  	v32 =	vld.idx.msk [tilespmem:v24+s25+$0x0], $0xffff  }
0x5c6: {  	v30 =	vnsel vm1, $0x0, v30;
	v24 =	vld.idx.msk [tilespmem:v24+s5+$0x0], $0xffff  }
0x5c7: {  	vm13 =	vgt.s32 v36, $0xFFFFFFFF;
	v18 =	vadd.f32 v30, v18;
	v37 =	vld.idx.msk [tilespmem:v44+s25+$0x0], $0xffff  }
0x5c8: {  	vm12 =	vgt.s32 v16, $0xFFFFFFFF;
	vm2 =	vgt.s32 v22, $0xFFFFFFFF;
	v16 =	vmovc v38;
	vm1 =	vgt.s32 v17, $0xFFFFFFFF;
	v17 =	vmovc v41;
	v30 =	vld.idx.msk [tilespmem:v44+s5+$0x0], $0xffff  }
0x5c9: {  	vm4 =	vgt.s32 v25, $0xFFFFFFFF;
	vm3 =	vgt.s32 v21, $0xFFFFFFFF;
	v22 =	vcvt.s32.f32 v34;
	v25 =	vld.idx.msk [tilespmem:v39+s25+$0x0], $0xffff  }
0x5ca: {  	vm6 =	vgt.s32 v28, $0xFFFFFFFF;
	vm5 =	vgt.s32 v33, $0xFFFFFFFF;
	vm7 =	vgt.s32 v36, $0x0;
	v21 =	vld.idx.msk [tilespmem:v39+s5+$0x0], $0xffff  }
0x5cb: {  	v33 =	vnsel vm7, $0x0, v36;
	vm15 =	vgt.s32 v16, $0x0;
	vm14 =	vgt.s32 v17, $0x0;
	v28 =	vld.idx.msk [tilespmem:v40+s25+$0x0], $0xffff  }
0x5cc: {  	v32 =	vadd.f32 $0.0e+00, v32;
	v24 =	vadd.f32 $0.0e+00, v24;
	v34 =	vld.idx.msk [tilespmem:v40+s5+$0x0], $0xffff;
	(erf) = vrcp.f32 v22  }
0x5cd: {  	v22 =	vadd.f32 $0.0e+00, v48;
	v36 =	vnsel vm6, $0x0, v37;
	v37 =	vnsel vm6, $0x0, v45;
	v38 =	vld.idx.msk [tilespmem:v27+s25+$0x0], $0xffff  }
0x5ce: {  	v32 =	vnsel vm5, $0x0, v32;
	v24 =	vnsel vm5, $0x0, v24;
	v30 =	vnsel vm6, $0x0, v30;
	v27 =	vld.idx.msk [tilespmem:v27+s5+$0x0], $0xffff  }
0x5cf: {  	v32 =	vadd.f32 v36, v32;
	v22 =	vnsel vm5, $0x0, v22;
	v24 =	vadd.f32 v30, v24;
	v30 =	vld.idx.msk [tilespmem:v23+s25+$0x0], $0xffff  }
0x5d0: {  	v25 =	vnsel vm4, $0x0, v25;
	v22 =	vadd.f32 v37, v22;
	v21 =	vnsel vm4, $0x0, v21;
	v23 =	vld.idx.msk [tilespmem:v23+s5+$0x0], $0xffff  }
0x5d1: {  	v25 =	vadd.f32 v25, v32;
	v21 =	vadd.f32 v21, v24;
	v24 =	vnsel vm4, $0x0, v42;
	v32 =	vld.idx.msk [tilespmem:v20+s25+$0x0], $0xffff  }
0x5d2: {  	v22 =	vadd.f32 v24, v22;
	v24 =	vnsel vm3, $0x0, v28;
	v28 =	vnsel vm3, $0x0, v34;
	v20 =	vld.idx.msk [tilespmem:v20+s5+$0x0], $0xffff  }
0x5d3: {  	v24 =	vadd.f32 v24, v25;
	v21 =	vadd.f32 v28, v21;
	v25 =	vnsel vm3, $0x0, v47;
	v28 =	vld.idx.msk [tilespmem:v33+s25+$0x0], $0xffff  }
0x5d4: {  	v34 =	vnsel vm2, $0x0, v38;
	v25 =	vadd.f32 v25, v22;
	v27 =	vnsel vm2, $0x0, v27;
	v36 =	vld.idx.msk [tilespmem:v33+s5+$0x0], $0xffff  }
0x5d5: {  	v24 =	vadd.f32 v34, v24;
	v27 =	vadd.f32 v27, v21;
	v21 =	vnsel vm2, $0x0, v43;
	v22 =	vld [tilespmem:s28+$0x94C0];
	v37 =	vpop (erf)  }
0x5d6: {  	v30 =	vnsel vm1, $0x0, v30;
	v25 =	vadd.f32 v21, v25;
	v23 =	vnsel vm1, $0x0, v23;
	v33 =	vld.idx.msk [tilespmem:v33+s9+$0x0], $0xffff  }
0x5d7: {  	v24 =	vadd.f32 v30, v24;
	v23 =	vadd.f32 v23, v27;
	v27 =	vnsel vm1, $0x0, v46;
	v21 =	vld [tilespmem:s28+$0x9250]  }
0x5d8: {  	v32 =	vnsel vm12, $0x0, v32;
	v27 =	vadd.f32 v27, v25;
	v20 =	vnsel vm12, $0x0, v20;
	v30 =	vld.idx.msk [tilespmem:v8+s21+$0x0 ss:$0x1], $0xffff  }
0x5d9: {  	v24 =	vadd.f32 v32, v24;
	v20 =	vadd.f32 v20, v23;
	v23 =	vnsel vm12, $0x0, v35;
	v25 =	vld [tilespmem:s28+$0x8FE0]  }
.Ltmp18:
0x5da: {  	v23 =	vadd.f32 v23, v27;
	v27 =	vnsel vm13, $0x0, v28;
	v34 =	vnsel vm13, $0x0, v36;
	v32 =	vld.idx.msk [tilespmem:v9+s21+$0x0 ss:$0x1], $0xffff;
	s21 =	smov.u32 s28;
	(pc) =	sbr.rel @p5 .LBB2_32-.Ltmp18, $4  }
0x5db: {  	vm1 =	vgt.s32 v22, $0x0;
	v27 =	vadd.f32 v27, v24;
	v34 =	vadd.f32 v34, v20;
	v28 =	vld [tilespmem:s21+$0x8D70]  }
0x5dc: {  	v20 =	vnsel vm15, $0x0, v16;
	v35 =	vnsel vm13, $0x0, v33;
	v24 =	vld.idx.msk [tilespmem:v7+s21+$0x0 ss:$0x1], $0xffff;
	vm12 =	vgt.s32 v21, $0x0  }
0x5dd: {  	v38 =	vadd.f32 v35, v23;
	v39 =	vmul.f32 v27, v37;
	v40 =	vmul.f32 v34, v37;
	v33 =	vld [tilespmem:s21+$0x8B00]  }
0x5de: {  	s17 =	sadd.s32 $0x40, s17;
	v27 =	vnsel vm1, $0x0, v22;
	v23 =	vnsel vm14, $0x0, v17;
	v34 =	vld [tilespmem:s21+$0x9E80];
	vm13 =	vgt.s32 v25, $0x0  }
.Ltmp19:
0x5df: {  	(pc) =	sbr.rel .LBB2_34-.Ltmp19, $2  }
0x5e0: {  	_ =	sdelay $0x2  }
0x5e1: {  	v29 =	vmov v26  }
.LBB2_13:
.Ltmp20:
0x5e2: {  	(pc) =	sbr.rel .LBB2_20-.Ltmp20, $2  }
0x5e3: {  	_ =	sdelay $0x2  }
0x5e4: {  	s0 =	smov.u32 s22;
	v19 =	vimm.f32 $0.0e+00;
	v18 =	vimm.f32 $0.0e+00  }
.LBB2_15:
.Ltmp21:
0x5e5: {  	(pc) =	sbr.rel .LBB2_20-.Ltmp21, $3  }
0x5e6: {  	_ =	sdelay $0x1  }
0x5e7: {  	v29 =	vmov v24  }
0x5e8: {  	s21 =	simm.s32 $0x10;
	v24 =	vmovc v26;
	s0 =	smov.u32 s22;
	v19 =	vimm.f32 $0.0e+00;
	v18 =	vimm.f32 $0.0e+00;
	v17 =	vmovc v36;
	v16 =	vmov v35  }
.LBB2_29:
.Ltmp22:
0x5e9: {  	(pc) =	sbr.rel .LBB2_34-.Ltmp22, $3  }
0x5ea: {  	_ =	sdelay $0x1  }
0x5eb: {  	v29 =	vmov v24  }
0x5ec: {  	s21 =	simm.s32 $0x10;
	v24 =	vmovc v26;
	s0 =	smov.u32 s24;
	v19 =	vimm.f32 $0.0e+00;
	v18 =	vimm.f32 $0.0e+00;
	v17 =	vmovc v36;
	v16 =	vmov v35  }
.LBB2_17:
.Ltmp23:
0x5ed: {  	(pc) =	sbr.rel .LBB2_20-.Ltmp23, $2  }
0x5ee: {  	_ =	sdelay $0x2  }
0x5ef: {  	v29 =	vmov v26;
	s0 =	smov.u32 s22  }
.LBB2_31:
.Ltmp24:
0x5f0: {  	(pc) =	sbr.rel .LBB2_34-.Ltmp24, $2  }
0x5f1: {  	_ =	sdelay $0x2  }
0x5f2: {  	v29 =	vmov v26;
	s0 =	smov.u32 s24  }
.LBB2_36:
0x5f3: {  	_ =	sfence.sel $0x180000  }
0x5f4: {  	[bflag:$0x0] =	sbarrier.arrive $0xFFFF  }
0x5f5: {  	_ =	strace $0x90000047  }
0x5f6: {  	s0 =	stileid.u32;
	[bflag:$0x2] =	sbarrier.arrive $0xFFFF  }
0x5f7: {  	p0 =	sne.s32 s0, $0x0;
	s0 =	rddreg [dreg:$0x1]  }
0x5f8: {  	s0 =	sadd.s32 @!p0 $0x100000, s0  }
0x5f9: {  	[sflag:s0] =	ssyncadd.tile.s32 @!p0 $0x1;
	_ =	shalt  }
.Lfunc_end2:
_tile_overlayer_lowered:
.L_overlay_start_2:
0x5fa: {  	(tag) =	ssettag $0x2  }
0x5fb: {  	s0 =	rddreg [dreg:$0x0];
	s2 =	stileid.u32  }
0x5fc: {  	s1 =	rddreg [dreg:$0x1];
	p0 =	sne.s32 s2, $0x0  }
0x5fd: {  	s3 =	rddreg [dreg:$0x2];
	[bflag:$0x3] =	sbarrier.arrive $0xFFFF;
	s2 =	simm.s32 @!p0 $0x1C02  }
0x5fe: {  	[timem:s3], [sflag:s2] =	dma.local @!p0 [hbm:s0], s1  }
0x5ff: {  	s0 =	simm.s32 @!p0 $0x2  }
0x600: {  	_ =	swait.ge @!p0 [sflag:s0], s1  }
0x601: {  	s1 =	ssub.s32 @!p0 $0x0, s1;
	[sflag:s0] =	ssyncset.done @!p0 $0x0  }
0x602: {  	[sflag:s0] =	ssyncadd.s32 @!p0 s1  }
0x603: {  	[bflag:$0x3] =	sbarrier.arrive $0xFFFF  }
0x604: {  	_ =	shalt  }

</sc_bundles>
